<compile_context>
chip_gen: v7x
topology: tpu7x:2x2x1
jax: 0.10.2.dev20260603
libtpu: 0.0.44.dev20260713+nightly
codegen_flags: <defaults>
</compile_context>

<pallas_src>
import dataclasses
import functools

import jax
import jax.numpy as jnp
from jax import lax
from jax.experimental import pallas as pl
from jax.experimental.pallas import tpu as pltpu
from jax.experimental.pallas import tpu_sc as plsc

N = 10000
NP = 10240
E = 320000
EP = E + 1024
D = 128
L = 16
NC = 2
NS = 16
NW = NC * NS
CHUNK = 32
NCHUNK = 312
NPAIR = NCHUNK // 2
GROUPS = CHUNK // L
RPT = NP // NS


def _matmul_body(x_ref, w_ref, o_ref):
    o_ref[...] = jnp.dot(x_ref[...], w_ref[...],
                         preferred_element_type=jnp.float32)


def _transform(x, W):
    return pl.pallas_call(
        _matmul_body,
        out_shape=jax.ShapeDtypeStruct((N, D), jnp.float32),
        grid=(10,),
        in_specs=[
            pl.BlockSpec((N // 10, D), lambda i: (i, 0)),
            pl.BlockSpec((D, D), lambda i: (0, 0)),
        ],
        out_specs=pl.BlockSpec((N // 10, D), lambda i: (i, 0)),
    )(x, W)


_SC_PARAMS = pltpu.CompilerParams()
if "needs_layout_passes" in pltpu.CompilerParams.__dataclass_fields__:
    _SC_PARAMS = dataclasses.replace(_SC_PARAMS, needs_layout_passes=False)


@functools.partial(
    pl.kernel,
    compiler_params=_SC_PARAMS,
    out_type=(
        jax.ShapeDtypeStruct((NC, NP, D), jnp.float32),
        jax.ShapeDtypeStruct((NC, NP, L), jnp.float32),
    ),
    mesh=plsc.VectorSubcoreMesh(core_axis_name="c", subcore_axis_name="s",
                                num_cores=NC, num_subcores=NS),
    scratch_types=[
        pltpu.VMEM_SHARED((NP, D), jnp.float32),
        pltpu.VMEM_SHARED((NP, L), jnp.float32),
        pltpu.VMEM((CHUNK,), jnp.int32),
        pltpu.VMEM((CHUNK,), jnp.int32),
        pltpu.VMEM((CHUNK,), jnp.int32),
        pltpu.VMEM((CHUNK,), jnp.int32),
        pltpu.VMEM((CHUNK,), jnp.int32),
        pltpu.VMEM((CHUNK,), jnp.int32),
        pltpu.VMEM((CHUNK,), jnp.int32),
        pltpu.VMEM((CHUNK, D), jnp.float32),
        pltpu.VMEM((CHUNK, D), jnp.float32),
        pltpu.VMEM((CHUNK, D), jnp.float32),
        pltpu.VMEM((CHUNK, D), jnp.float32),
        pltpu.VMEM((CHUNK, L), jnp.float32),
        pltpu.VMEM((CHUNK, L), jnp.float32),
        pltpu.SemaphoreType.DMA,
        pltpu.SemaphoreType.DMA,
        pltpu.SemaphoreType.DMA,
        pltpu.SemaphoreType.DMA,
        pltpu.SemaphoreType.DMA,
        pltpu.SemaphoreType.DMA,
    ],
)
def _edge_kernel(y_hbm, x_hbm, src_hbm, dst_hbm, agg_out, sum_out,
                 agg_sh, sum_sh, srcA, dstA, srcB, dstB, dsA, dsB, win_v,
                 yA, yB, xA, xB, eA, eB,
                 isemA, isemB, gsemA, gsemB, ssemA, ssemB):
    cid = lax.axis_index("c")
    sid = lax.axis_index("s")
    wid = sid * NC + cid
    tbase = (wid * NCHUNK + jnp.minimum(wid, 16)) * CHUNK

    zero16 = jnp.zeros((L,), jnp.float32)
    iota16 = lax.iota(jnp.int32, L)
    zero16i = jnp.zeros((L,), jnp.int32)
    row0 = sid * RPT

    @pl.loop(0, CHUNK)
    def _(i):
        for t in range(D // L):
            yA[i, pl.ds(L * t, L)] = zero16
        eA[i, :] = zero16
        eB[i, :] = zero16

    @pl.loop(0, RPT // CHUNK)
    def _(r):
        w0 = row0 + CHUNK * r
        for t in range(CHUNK // L):
            win_v[pl.ds(L * t, L)] = iota16 + (w0 + L * t)
        pltpu.sync_copy(yA, agg_sh.at[win_v])
        pltpu.sync_copy(eA, sum_sh.at[win_v])
    plsc.subcore_barrier()

    def compute(yr, xr, er):
        @pl.loop(0, CHUNK, unroll=8)
        def _(j):
            ys = [yr[j, pl.ds(L * t, L)] for t in range(D // L)]
            xs = [xr[j, pl.ds(L * t, L)] for t in range(D // L)]
            acc = ys[0] * xs[0]
            for t in range(1, D // L):
                acc = acc + ys[t] * xs[t]
            s = lax.reduce_sum(acc, axes=(0,))
            eb = jnp.exp(jnp.full((L,), s, jnp.float32))
            er[j, :] = eb
            for t in range(D // L):
                yr[j, pl.ds(L * t, L)] = ys[t] * eb

    def idx_fetch(c, sv, dv, sem):
        d1 = pltpu.make_async_copy(src_hbm.at[pl.ds(tbase + c * CHUNK, CHUNK)],
                                   sv, sem)
        d2 = pltpu.make_async_copy(dst_hbm.at[pl.ds(tbase + c * CHUNK, CHUNK)],
                                   dv, sem)
        d1.start()
        d2.start()
        return d1, d2

    def idx_wait(sv, dv, sem):
        pltpu.make_async_copy(src_hbm.at[pl.ds(0, CHUNK)], sv, sem).wait()
        pltpu.make_async_copy(src_hbm.at[pl.ds(0, CHUNK)], dv, sem).wait()

    def rows_start(sv, dv, yr, xr, sem):
        d1 = pltpu.make_async_copy(y_hbm.at[sv], yr, sem)
        d2 = pltpu.make_async_copy(x_hbm.at[dv], xr, sem)
        d1.start()
        d2.start()

    def rows_wait(sv, dv, yr, xr, sem):
        pltpu.make_async_copy(y_hbm.at[sv], yr, sem).wait()
        pltpu.make_async_copy(x_hbm.at[dv], xr, sem).wait()

    def scat_start(yr, er, dsv, sem):
        d1 = pltpu.make_async_copy(yr, agg_sh.at[dsv], sem)
        d2 = pltpu.make_async_copy(er, sum_sh.at[dsv], sem)
        d1.start(add=True)
        d2.start(add=True)

    def scat_wait(yr, er, dsv, sem):
        pltpu.make_async_copy(yr, agg_sh.at[dsv], sem).wait()
        pltpu.make_async_copy(er, sum_sh.at[dsv], sem).wait()

    def keep_dst(dv, dsv):
        for t in range(CHUNK // L):
            sl = pl.ds(L * t, L)
            dsv[sl] = dv[sl]

    pltpu.sync_copy(src_hbm.at[pl.ds(tbase, CHUNK)], srcA)
    pltpu.sync_copy(dst_hbm.at[pl.ds(tbase, CHUNK)], dstA)
    pltpu.sync_copy(src_hbm.at[pl.ds(tbase + CHUNK, CHUNK)], srcB)
    pltpu.sync_copy(dst_hbm.at[pl.ds(tbase + CHUNK, CHUNK)], dstB)
    rows_start(srcA, dstA, yA, xA, gsemA)

    @pl.loop(0, NPAIR)
    def _(i):
        a = 2 * i
        rows_wait(srcA, dstA, yA, xA, gsemA)
        keep_dst(dstA, dsA)
        idx_fetch(a + 2, srcA, dstA, isemA)

        @pl.when(i > 0)
        def _():
            scat_wait(yB, eB, dsB, ssemB)
            idx_wait(srcB, dstB, isemB)

        rows_start(srcB, dstB, yB, xB, gsemB)
        compute(yA, xA, eA)
        scat_start(yA, eA, dsA, ssemA)
        scat_wait(yA, eA, dsA, ssemA)
        idx_wait(srcA, dstA, isemA)
        rows_start(srcA, dstA, yA, xA, gsemA)

        rows_wait(srcB, dstB, yB, xB, gsemB)
        keep_dst(dstB, dsB)
        idx_fetch(a + 3, srcB, dstB, isemB)
        compute(yB, xB, eB)
        scat_start(yB, eB, dsB, ssemB)

    rows_wait(srcA, dstA, yA, xA, gsemA)
    idx_wait(srcB, dstB, isemB)
    scat_wait(yB, eB, dsB, ssemB)

    @pl.when(wid < 16)
    def _():
        compute(yA, xA, eA)
        keep_dst(dstA, dsA)
        scat_start(yA, eA, dsA, ssemA)
        scat_wait(yA, eA, dsA, ssemA)

    plsc.subcore_barrier()

    @pl.loop(0, RPT // CHUNK)
    def _(r):
        w0 = row0 + CHUNK * r
        for t in range(CHUNK // L):
            win_v[pl.ds(L * t, L)] = iota16 + (w0 + L * t)
        pltpu.sync_copy(agg_sh.at[win_v], yA)
        pltpu.sync_copy(sum_sh.at[win_v], eA)
        pltpu.sync_copy(yA, agg_out.at[cid, pl.ds(w0, CHUNK)])
        pltpu.sync_copy(eA, sum_out.at[cid, pl.ds(w0, CHUNK)])


def _combine_body(pa_ref, ps_ref, o_ref):
    agg = pa_ref[0] + pa_ref[1]
    s = ps_ref[0, :, 0:1] + ps_ref[1, :, 0:1]
    agg = agg / (s + 1e-16)
    n2 = jnp.sum(agg * agg, axis=-1, keepdims=True)
    o_ref[...] = agg * (n2 / (1.0 + n2) / jnp.sqrt(n2 + 1e-9))


def _combine(pa, ps):
    return pl.pallas_call(
        _combine_body,
        out_shape=jax.ShapeDtypeStruct((NP, D), jnp.float32),
        grid=(5,),
        in_specs=[
            pl.BlockSpec((NC, NP // 5, D), lambda i: (0, i, 0)),
            pl.BlockSpec((NC, NP // 5, L), lambda i: (0, i, 0)),
        ],
        out_specs=pl.BlockSpec((NP // 5, D), lambda i: (i, 0)),
    )(pa, ps)


def kernel(x, edge_index, W):
    ei = edge_index.astype(jnp.int32)
    src = jnp.pad(ei[0], (0, EP - E))
    dst = jnp.pad(ei[1], (0, EP - E))
    y = _transform(x, W)
    pa, ps = _edge_kernel(y, x, src, dst)
    return _combine(pa, ps)[:N]

# --- scband reference (transcript-rebuilt; emitter-appended) ---
"""Pipeline reference for scband-capsule-base-9174050144872 (READ-ONLY COPY).

The authoritative reference and input builder live on the scoring server;
editing this copy changes nothing except your own understanding.
"""

import jax, jax.numpy as jnp
import numpy as np

N_NODES = 10000
N_EDGES = 320000
D_FEAT = 128


def _edge_softmax(logits, dst, num_nodes):
    # numerically-stable softmax grouped by destination node (sparse softmax)
    seg_max = jax.ops.segment_max(jax.lax.stop_gradient(logits), dst, num_segments=num_nodes)
    seg_max = jnp.where(jnp.isfinite(seg_max), seg_max, 0.0)
    e = jnp.exp(logits - seg_max[dst])
    seg_sum = jax.ops.segment_sum(e, dst, num_segments=num_nodes) + 1e-16
    return e / seg_sum[dst]


def _squash(v, eps=1e-9):
    # capsule squash nonlinearity: v * ||v||^2 / (1 + ||v||^2) / ||v||
    n2 = jnp.sum(v * v, axis=-1, keepdims=True)
    scale = n2 / (1.0 + n2) / jnp.sqrt(n2 + eps)
    return v * scale


def setup_inputs(seed: int = 0) -> dict:
    key = jax.random.key(seed)
    k1, k2, k3 = jax.random.split(key, 3)
    x = jax.random.normal(k1, (N_NODES, D_FEAT), dtype=jnp.float32)
    edge_index = jax.random.randint(k2, (2, N_EDGES), 0, N_NODES, dtype=jnp.int64)
    # learned linear transform (Xavier-normal style scale)
    std = float(np.sqrt(2.0 / (D_FEAT + D_FEAT)))
    W = jax.random.normal(k3, (D_FEAT, D_FEAT), dtype=jnp.float32) * std
    return {"x": x, "edge_index": edge_index, "W": W}


def reference(x, edge_index, W):
    src = edge_index[0]
    dst = edge_index[1]
    # message: transformed source-node features gathered per edge
    msg = x[src] @ W                                   # [E, d]
    # routing logit: agreement between message and destination feature
    logits = jnp.sum(msg * x[dst], axis=-1)            # [E]
    # sparse softmax over edges grouped by destination node
    alpha = _edge_softmax(logits, dst, N_NODES)        # [E]
    # weighted scatter-sum aggregation to destination nodes
    agg = jax.ops.segment_sum(alpha[:, None] * msg, dst, num_segments=N_NODES)  # [N, d]
    # capsule squash nonlinearity
    out = _squash(agg)
    return out

if __name__ == "__main__":
    import jax
    _d = setup_inputs()
    print(jax.jit(kernel)(*tuple(_d.values())))

</pallas_src>

<mosaic_0001>
#map = affine_map<(d0, d1) -> (0, 0)>
#map1 = affine_map<(d0, d1) -> (0)>
#map2 = affine_map<(d0, d1) -> (0, 0, 0)>
module attributes {stable_mosaic.version = 14 : i64} {
  func.func @_edge_kernel(%arg0: i32, %arg1: i32, %arg2: memref<10000x128xf32, #tpu.memory_space<hbm>>, %arg3: memref<10000x128xf32, #tpu.memory_space<hbm>>, %arg4: memref<321024xi32, #tpu.memory_space<hbm>>, %arg5: memref<321024xi32, #tpu.memory_space<hbm>>, %arg6: memref<2x10240x128xf32, #tpu.memory_space<hbm>>, %arg7: memref<2x10240x16xf32, #tpu.memory_space<hbm>>, %arg8: memref<10240x128xf32, #tpu.memory_space<vmem_shared>>, %arg9: memref<10240x16xf32, #tpu.memory_space<vmem_shared>>, %arg10: memref<32xi32, #tpu.memory_space<vmem>>, %arg11: memref<32xi32, #tpu.memory_space<vmem>>, %arg12: memref<32xi32, #tpu.memory_space<vmem>>, %arg13: memref<32xi32, #tpu.memory_space<vmem>>, %arg14: memref<32xi32, #tpu.memory_space<vmem>>, %arg15: memref<32xi32, #tpu.memory_space<vmem>>, %arg16: memref<32xi32, #tpu.memory_space<vmem>>, %arg17: memref<32x128xf32, #tpu.memory_space<vmem>>, %arg18: memref<32x128xf32, #tpu.memory_space<vmem>>, %arg19: memref<32x128xf32, #tpu.memory_space<vmem>>, %arg20: memref<32x128xf32, #tpu.memory_space<vmem>>, %arg21: memref<32x16xf32, #tpu.memory_space<vmem>>, %arg22: memref<32x16xf32, #tpu.memory_space<vmem>>, %arg23: memref<!tpu.dma_semaphore, #tpu.memory_space<semaphore_mem>>, %arg24: memref<!tpu.dma_semaphore, #tpu.memory_space<semaphore_mem>>, %arg25: memref<!tpu.dma_semaphore, #tpu.memory_space<semaphore_mem>>, %arg26: memref<!tpu.dma_semaphore, #tpu.memory_space<semaphore_mem>>, %arg27: memref<!tpu.dma_semaphore, #tpu.memory_space<semaphore_mem>>, %arg28: memref<!tpu.dma_semaphore, #tpu.memory_space<semaphore_mem>>) attributes {dimension_semantics = [#tpu.dimension_semantics<core_parallel>, #tpu.dimension_semantics<subcore_parallel>], iteration_bounds = array<i64: 2, 16>, scalar_prefetch = 0 : i64, scratch_operands = 21 : i64, tpu.core_type = #tpu.core_type<sc_vector_subcore>, window_params = [{transform_indices = #map}, {transform_indices = #map}, {transform_indices = #map1}, {transform_indices = #map1}, {transform_indices = #map2}, {transform_indices = #map2}]} {
    %mul3A = arith.constant 2 : i32
    %mul3A_0 = arith.muli %arg1, %mul3A : i32
    %add3A = arith.addi %mul3A_0, %arg0 : i32
    %mul3A_1 = arith.constant 312 : i32
    %mul3A_2 = arith.muli %add3A, %mul3A_1 : i32
    %min3A = arith.constant 16 : i32
    %min3A_3 = arith.minsi %add3A, %min3A : i32
    %add3A_4 = arith.addi %mul3A_2, %min3A_3 : i32
    %mul3A_5 = arith.constant 32 : i32
    %mul3A_6 = arith.muli %add3A_4, %mul3A_5 : i32
    %broadcast_in_dim3A = arith.constant 0.000000e+00 : f32
    %broadcast_in_dim3A_7 = vector.broadcast %broadcast_in_dim3A : f32 to vector<16xf32>
    %iota3A = tpu.iota {dimensions = array<i32: 0>} : vector<16xi32>
    %broadcast_in_dim3A_8 = arith.constant 0 : i32
    %broadcast_in_dim3A_9 = vector.broadcast %broadcast_in_dim3A_8 : i32 to vector<16xi32>
    %mul3A_10 = arith.constant 640 : i32
    %mul3A_11 = arith.muli %arg1, %mul3A_10 : i32
    %scan3A = arith.constant 0 : i32
    %scan3A_12 = arith.constant 32 : i32
    %scan3A_13 = arith.addi %scan3A, %scan3A_12 : i32
    %scan3A_14 = arith.constant 1 : i32
    scf.for %scan3A_62 = %scan3A to %scan3A_13 step %scan3A_14  : i32 {
      %mul3A_63 = arith.constant 1 : i32
      %mul3A_64 = arith.muli %scan3A_62, %mul3A_63 : i32
      %add3A_65 = arith.constant 0 : i32
      %add3A_66 = arith.addi %add3A_65, %mul3A_64 : i32
      %swap3A = arith.index_cast %add3A_66 : i32 to index
      %swap3A_67 = arith.constant 0 : index
      %swap3A_68 = tpu.vector_load %arg17[%swap3A, %swap3A_67] {strides = array<i32>} : memref<32x128xf32, #tpu.memory_space<vmem>>, vector<16xf32>,
      tpu.vector_store %arg17[%swap3A, %swap3A_67], %broadcast_in_dim3A_7 {strides = array<i32>} : memref<32x128xf32, #tpu.memory_space<vmem>>, vector<16xf32>,
      %swap3A_69 = arith.index_cast %add3A_66 : i32 to index
      %swap3A_70 = arith.constant 16 : index
      %swap3A_71 = tpu.vector_load %arg17[%swap3A_69, %swap3A_70] {strides = array<i32>} : memref<32x128xf32, #tpu.memory_space<vmem>>, vector<16xf32>,
      tpu.vector_store %arg17[%swap3A_69, %swap3A_70], %broadcast_in_dim3A_7 {strides = array<i32>} : memref<32x128xf32, #tpu.memory_space<vmem>>, vector<16xf32>,
      %swap3A_72 = arith.index_cast %add3A_66 : i32 to index
      %swap3A_73 = arith.constant 32 : index
      %swap3A_74 = tpu.vector_load %arg17[%swap3A_72, %swap3A_73] {strides = array<i32>} : memref<32x128xf32, #tpu.memory_space<vmem>>, vector<16xf32>,
      tpu.vector_store %arg17[%swap3A_72, %swap3A_73], %broadcast_in_dim3A_7 {strides = array<i32>} : memref<32x128xf32, #tpu.memory_space<vmem>>, vector<16xf32>,
      %swap3A_75 = arith.index_cast %add3A_66 : i32 to index
      %swap3A_76 = arith.constant 48 : index
      %swap3A_77 = tpu.vector_load %arg17[%swap3A_75, %swap3A_76] {strides = array<i32>} : memref<32x128xf32, #tpu.memory_space<vmem>>, vector<16xf32>,
      tpu.vector_store %arg17[%swap3A_75, %swap3A_76], %broadcast_in_dim3A_7 {strides = array<i32>} : memref<32x128xf32, #tpu.memory_space<vmem>>, vector<16xf32>,
      %swap3A_78 = arith.index_cast %add3A_66 : i32 to index
      %swap3A_79 = arith.constant 64 : index
      %swap3A_80 = tpu.vector_load %arg17[%swap3A_78, %swap3A_79] {strides = array<i32>} : memref<32x128xf32, #tpu.memory_space<vmem>>, vector<16xf32>,
      tpu.vector_store %arg17[%swap3A_78, %swap3A_79], %broadcast_in_dim3A_7 {strides = array<i32>} : memref<32x128xf32, #tpu.memory_space<vmem>>, vector<16xf32>,
      %swap3A_81 = arith.index_cast %add3A_66 : i32 to index
      %swap3A_82 = arith.constant 80 : index
      %swap3A_83 = tpu.vector_load %arg17[%swap3A_81, %swap3A_82] {strides = array<i32>} : memref<32x128xf32, #tpu.memory_space<vmem>>, vector<16xf32>,
      tpu.vector_store %arg17[%swap3A_81, %swap3A_82], %broadcast_in_dim3A_7 {strides = array<i32>} : memref<32x128xf32, #tpu.memory_space<vmem>>, vector<16xf32>,
      %swap3A_84 = arith.index_cast %add3A_66 : i32 to index
      %swap3A_85 = arith.constant 96 : index
      %swap3A_86 = tpu.vector_load %arg17[%swap3A_84, %swap3A_85] {strides = array<i32>} : memref<32x128xf32, #tpu.memory_space<vmem>>, vector<16xf32>,
      tpu.vector_store %arg17[%swap3A_84, %swap3A_85], %broadcast_in_dim3A_7 {strides = array<i32>} : memref<32x128xf32, #tpu.memory_space<vmem>>, vector<16xf32>,
      %swap3A_87 = arith.index_cast %add3A_66 : i32 to index
      %swap3A_88 = arith.constant 112 : index
      %swap3A_89 = tpu.vector_load %arg17[%swap3A_87, %swap3A_88] {strides = array<i32>} : memref<32x128xf32, #tpu.memory_space<vmem>>, vector<16xf32>,
      tpu.vector_store %arg17[%swap3A_87, %swap3A_88], %broadcast_in_dim3A_7 {strides = array<i32>} : memref<32x128xf32, #tpu.memory_space<vmem>>, vector<16xf32>,
      %swap3A_90 = arith.index_cast %add3A_66 : i32 to index
      %swap3A_91 = arith.constant 0 : index
      %swap3A_92 = tpu.vector_load %arg21[%swap3A_90, %swap3A_91] {strides = array<i32>} : memref<32x16xf32, #tpu.memory_space<vmem>>, vector<16xf32>,
      tpu.vector_store %arg21[%swap3A_90, %swap3A_91], %broadcast_in_dim3A_7 {strides = array<i32>} : memref<32x16xf32, #tpu.memory_space<vmem>>, vector<16xf32>,
      %swap3A_93 = arith.index_cast %add3A_66 : i32 to index
      %swap3A_94 = arith.constant 0 : index
      %swap3A_95 = tpu.vector_load %arg22[%swap3A_93, %swap3A_94] {strides = array<i32>} : memref<32x16xf32, #tpu.memory_space<vmem>>, vector<16xf32>,
      tpu.vector_store %arg22[%swap3A_93, %swap3A_94], %broadcast_in_dim3A_7 {strides = array<i32>} : memref<32x16xf32, #tpu.memory_space<vmem>>, vector<16xf32>,
    }
    %scan3A_15 = arith.constant 32 : i32
    %scan3A_16 = arith.constant 0 : i32
    %scan3A_17 = arith.constant 20 : i32
    %scan3A_18 = arith.addi %scan3A_16, %scan3A_17 : i32
    %scan3A_19 = arith.constant 1 : i32
    scf.for %scan3A_62 = %scan3A_16 to %scan3A_18 step %scan3A_19  : i32 {
      %mul3A_63 = arith.constant 1 : i32
      %mul3A_64 = arith.muli %scan3A_62, %mul3A_63 : i32
      %add3A_65 = arith.constant 0 : i32
      %add3A_66 = arith.addi %add3A_65, %mul3A_64 : i32
      %mul3A_67 = arith.constant 32 : i32
      %mul3A_68 = arith.muli %mul3A_67, %add3A_66 : i32
      %add3A_69 = arith.addi %mul3A_11, %mul3A_68 : i32
      %add3A_70 = arith.constant 0 : i32
      %add3A_71 = arith.addi %add3A_69, %add3A_70 : i32
      %add3A_72 = vector.broadcast %add3A_71 : i32 to vector<16xi32>
      %add3A_73 = arith.addi %iota3A, %add3A_72 : vector<16xi32>
      %swap3A = arith.constant 0 : index
      %swap3A_74 = tpu.vector_load %arg16[%swap3A] {strides = array<i32>} : memref<32xi32, #tpu.memory_space<vmem>>, vector<16xi32>,
      tpu.vector_store %arg16[%swap3A], %add3A_73 {strides = array<i32>} : memref<32xi32, #tpu.memory_space<vmem>>, vector<16xi32>,
      %add3A_75 = arith.constant 16 : i32
      %add3A_76 = arith.addi %add3A_69, %add3A_75 : i32
      %add3A_77 = vector.broadcast %add3A_76 : i32 to vector<16xi32>
      %add3A_78 = arith.addi %iota3A, %add3A_77 : vector<16xi32>
      %swap3A_79 = arith.constant 16 : index
      %swap3A_80 = tpu.vector_load %arg16[%swap3A_79] {strides = array<i32>} : memref<32xi32, #tpu.memory_space<vmem>>, vector<16xi32>,
      tpu.vector_store %arg16[%swap3A_79], %add3A_78 {strides = array<i32>} : memref<32xi32, #tpu.memory_space<vmem>>, vector<16xi32>,
      "tpu.region"() ({
        %run_scoped3A = tpu.sem_alloc : memref<!tpu.dma_semaphore, #tpu.memory_space<semaphore_mem>>
        %dma_start3A_81 = arith.constant 0 : i32
        %dma_start3A_82 = arith.constant 0 : i32
        %dma_start3A_83 = tpu.memref_slice %arg8[%dma_start3A_81, %dma_start3A_82] : memref<10240x128xf32, #tpu.memory_space<vmem_shared>> -> memref<10240x128xf32, #tpu.memory_space<vmem_shared>>
        tpu.enqueue_indirect_dma source(%arg17 : memref<32x128xf32, #tpu.memory_space<vmem>>) target(%dma_start3A_83 : memref<10240x128xf32, #tpu.memory_space<vmem_shared>>) offsets(%arg16 : memref<32xi32, #tpu.memory_space<vmem>>) semaphore(%run_scoped3A : memref<!tpu.dma_semaphore, #tpu.memory_space<semaphore_mem>>)
        %dma_wait3A_84 = arith.constant 0 : i32
        %dma_wait3A_85 = arith.constant 0 : i32
        %dma_wait3A_86 = tpu.memref_slice %arg8[%dma_wait3A_84, %dma_wait3A_85] : memref<10240x128xf32, #tpu.memory_space<vmem_shared>> -> memref<10240x128xf32, #tpu.memory_space<vmem_shared>>
        tpu.wait_indirect_dma semaphore(%run_scoped3A : memref<!tpu.dma_semaphore, #tpu.memory_space<semaphore_mem>>) src(%arg17 : memref<32x128xf32, #tpu.memory_space<vmem>>) dst(%dma_wait3A_86 : memref<10240x128xf32, #tpu.memory_space<vmem_shared>>)
        tpu.yield
      }) : () -> ()
      "tpu.region"() ({
        %run_scoped3A = tpu.sem_alloc : memref<!tpu.dma_semaphore, #tpu.memory_space<semaphore_mem>>
        %dma_start3A_81 = arith.constant 0 : i32
        %dma_start3A_82 = arith.constant 0 : i32
        %dma_start3A_83 = tpu.memref_slice %arg9[%dma_start3A_81, %dma_start3A_82] : memref<10240x16xf32, #tpu.memory_space<vmem_shared>> -> memref<10240x16xf32, #tpu.memory_space<vmem_shared>>
        tpu.enqueue_indirect_dma source(%arg21 : memref<32x16xf32, #tpu.memory_space<vmem>>) target(%dma_start3A_83 : memref<10240x16xf32, #tpu.memory_space<vmem_shared>>) offsets(%arg16 : memref<32xi32, #tpu.memory_space<vmem>>) semaphore(%run_scoped3A : memref<!tpu.dma_semaphore, #tpu.memory_space<semaphore_mem>>)
        %dma_wait3A_84 = arith.constant 0 : i32
        %dma_wait3A_85 = arith.constant 0 : i32
        %dma_wait3A_86 = tpu.memref_slice %arg9[%dma_wait3A_84, %dma_wait3A_85] : memref<10240x16xf32, #tpu.memory_space<vmem_shared>> -> memref<10240x16xf32, #tpu.memory_space<vmem_shared>>
        tpu.wait_indirect_dma semaphore(%run_scoped3A : memref<!tpu.dma_semaphore, #tpu.memory_space<semaphore_mem>>) src(%arg21 : memref<32x16xf32, #tpu.memory_space<vmem>>) dst(%dma_wait3A_86 : memref<10240x16xf32, #tpu.memory_space<vmem_shared>>)
        tpu.yield
      }) : () -> ()
    }
    %scan3A_20 = arith.constant 20 : i32
    %barrier3A = arith.constant 0 : index
    tpu.barrier barrier_id(%barrier3A)
    "tpu.region"() ({
      %run_scoped3A = tpu.sem_alloc : memref<!tpu.dma_semaphore, #tpu.memory_space<semaphore_mem>>
      %dma_start3A_62 = tpu.memref_slice %arg4[%mul3A_6] : memref<321024xi32, #tpu.memory_space<hbm>> -> memref<32xi32, #tpu.memory_space<hbm>>
      %dma_start3A_63 = tpu.memref_slice %arg4[%mul3A_6] : memref<321024xi32, #tpu.memory_space<hbm>> -> memref<32xi32, #tpu.memory_space<hbm>>
      tpu.enqueue_dma source(%dma_start3A_63 : memref<32xi32, #tpu.memory_space<hbm>>) target(%arg10 : memref<32xi32, #tpu.memory_space<vmem>>) target_semaphore(%run_scoped3A : memref<!tpu.dma_semaphore, #tpu.memory_space<semaphore_mem>>)
      %dma_wait3A_64 = tpu.memref_slice %arg4[%mul3A_6] : memref<321024xi32, #tpu.memory_space<hbm>> -> memref<32xi32, #tpu.memory_space<hbm>>
      %dma_wait3A_65 = tpu.memref_slice %arg4[%mul3A_6] : memref<321024xi32, #tpu.memory_space<hbm>> -> memref<32xi32, #tpu.memory_space<hbm>>
      tpu.wait_dma2 semaphore(%run_scoped3A : memref<!tpu.dma_semaphore, #tpu.memory_space<semaphore_mem>>) src(%dma_wait3A_65 : memref<32xi32, #tpu.memory_space<hbm>>) dst(%arg10 : memref<32xi32, #tpu.memory_space<vmem>>)
      tpu.yield
    }) : () -> ()
    "tpu.region"() ({
      %run_scoped3A = tpu.sem_alloc : memref<!tpu.dma_semaphore, #tpu.memory_space<semaphore_mem>>
      %dma_start3A_62 = tpu.memref_slice %arg5[%mul3A_6] : memref<321024xi32, #tpu.memory_space<hbm>> -> memref<32xi32, #tpu.memory_space<hbm>>
      %dma_start3A_63 = tpu.memref_slice %arg5[%mul3A_6] : memref<321024xi32, #tpu.memory_space<hbm>> -> memref<32xi32, #tpu.memory_space<hbm>>
      tpu.enqueue_dma source(%dma_start3A_63 : memref<32xi32, #tpu.memory_space<hbm>>) target(%arg11 : memref<32xi32, #tpu.memory_space<vmem>>) target_semaphore(%run_scoped3A : memref<!tpu.dma_semaphore, #tpu.memory_space<semaphore_mem>>)
      %dma_wait3A_64 = tpu.memref_slice %arg5[%mul3A_6] : memref<321024xi32, #tpu.memory_space<hbm>> -> memref<32xi32, #tpu.memory_space<hbm>>
      %dma_wait3A_65 = tpu.memref_slice %arg5[%mul3A_6] : memref<321024xi32, #tpu.memory_space<hbm>> -> memref<32xi32, #tpu.memory_space<hbm>>
      tpu.wait_dma2 semaphore(%run_scoped3A : memref<!tpu.dma_semaphore, #tpu.memory_space<semaphore_mem>>) src(%dma_wait3A_65 : memref<32xi32, #tpu.memory_space<hbm>>) dst(%arg11 : memref<32xi32, #tpu.memory_space<vmem>>)
      tpu.yield
    }) : () -> ()
    %add3A_21 = arith.constant 32 : i32
    %add3A_22 = arith.addi %mul3A_6, %add3A_21 : i32
    "tpu.region"() ({
      %run_scoped3A = tpu.sem_alloc : memref<!tpu.dma_semaphore, #tpu.memory_space<semaphore_mem>>
      %dma_start3A_62 = tpu.memref_slice %arg4[%add3A_22] : memref<321024xi32, #tpu.memory_space<hbm>> -> memref<32xi32, #tpu.memory_space<hbm>>
      %dma_start3A_63 = tpu.memref_slice %arg4[%add3A_22] : memref<321024xi32, #tpu.memory_space<hbm>> -> memref<32xi32, #tpu.memory_space<hbm>>
      tpu.enqueue_dma source(%dma_start3A_63 : memref<32xi32, #tpu.memory_space<hbm>>) target(%arg12 : memref<32xi32, #tpu.memory_space<vmem>>) target_semaphore(%run_scoped3A : memref<!tpu.dma_semaphore, #tpu.memory_space<semaphore_mem>>)
      %dma_wait3A_64 = tpu.memref_slice %arg4[%add3A_22] : memref<321024xi32, #tpu.memory_space<hbm>> -> memref<32xi32, #tpu.memory_space<hbm>>
      %dma_wait3A_65 = tpu.memref_slice %arg4[%add3A_22] : memref<321024xi32, #tpu.memory_space<hbm>> -> memref<32xi32, #tpu.memory_space<hbm>>
      tpu.wait_dma2 semaphore(%run_scoped3A : memref<!tpu.dma_semaphore, #tpu.memory_space<semaphore_mem>>) src(%dma_wait3A_65 : memref<32xi32, #tpu.memory_space<hbm>>) dst(%arg12 : memref<32xi32, #tpu.memory_space<vmem>>)
      tpu.yield
    }) : () -> ()
    %add3A_23 = arith.constant 32 : i32
    %add3A_24 = arith.addi %mul3A_6, %add3A_23 : i32
    "tpu.region"() ({
      %run_scoped3A = tpu.sem_alloc : memref<!tpu.dma_semaphore, #tpu.memory_space<semaphore_mem>>
      %dma_start3A_62 = tpu.memref_slice %arg5[%add3A_24] : memref<321024xi32, #tpu.memory_space<hbm>> -> memref<32xi32, #tpu.memory_space<hbm>>
      %dma_start3A_63 = tpu.memref_slice %arg5[%add3A_24] : memref<321024xi32, #tpu.memory_space<hbm>> -> memref<32xi32, #tpu.memory_space<hbm>>
      tpu.enqueue_dma source(%dma_start3A_63 : memref<32xi32, #tpu.memory_space<hbm>>) target(%arg13 : memref<32xi32, #tpu.memory_space<vmem>>) target_semaphore(%run_scoped3A : memref<!tpu.dma_semaphore, #tpu.memory_space<semaphore_mem>>)
      %dma_wait3A_64 = tpu.memref_slice %arg5[%add3A_24] : memref<321024xi32, #tpu.memory_space<hbm>> -> memref<32xi32, #tpu.memory_space<hbm>>
      %dma_wait3A_65 = tpu.memref_slice %arg5[%add3A_24] : memref<321024xi32, #tpu.memory_space<hbm>> -> memref<32xi32, #tpu.memory_space<hbm>>
      tpu.wait_dma2 semaphore(%run_scoped3A : memref<!tpu.dma_semaphore, #tpu.memory_space<semaphore_mem>>) src(%dma_wait3A_65 : memref<32xi32, #tpu.memory_space<hbm>>) dst(%arg13 : memref<32xi32, #tpu.memory_space<vmem>>)
      tpu.yield
    }) : () -> ()
    %dma_start3A = arith.constant 0 : i32
    %dma_start3A_25 = arith.constant 0 : i32
    %dma_start3A_26 = tpu.memref_slice %arg2[%dma_start3A, %dma_start3A_25] : memref<10000x128xf32, #tpu.memory_space<hbm>> -> memref<10000x128xf32, #tpu.memory_space<hbm>>
    tpu.enqueue_indirect_dma source(%dma_start3A_26 : memref<10000x128xf32, #tpu.memory_space<hbm>>) target(%arg17 : memref<32x128xf32, #tpu.memory_space<vmem>>) offsets(%arg10 : memref<32xi32, #tpu.memory_space<vmem>>) semaphore(%arg25 : memref<!tpu.dma_semaphore, #tpu.memory_space<semaphore_mem>>)
    %dma_start3A_27 = arith.constant 0 : i32
    %dma_start3A_28 = arith.constant 0 : i32
    %dma_start3A_29 = tpu.memref_slice %arg3[%dma_start3A_27, %dma_start3A_28] : memref<10000x128xf32, #tpu.memory_space<hbm>> -> memref<10000x128xf32, #tpu.memory_space<hbm>>
    tpu.enqueue_indirect_dma source(%dma_start3A_29 : memref<10000x128xf32, #tpu.memory_space<hbm>>) target(%arg19 : memref<32x128xf32, #tpu.memory_space<vmem>>) offsets(%arg11 : memref<32xi32, #tpu.memory_space<vmem>>) semaphore(%arg25 : memref<!tpu.dma_semaphore, #tpu.memory_space<semaphore_mem>>)
    %scan3A_30 = arith.constant 0 : i32
    %scan3A_31 = arith.constant 156 : i32
    %scan3A_32 = arith.addi %scan3A_30, %scan3A_31 : i32
    %scan3A_33 = arith.constant 1 : i32
    scf.for %scan3A_62 = %scan3A_30 to %scan3A_32 step %scan3A_33  : i32 {
      %mul3A_63 = arith.constant 1 : i32
      %mul3A_64 = arith.muli %scan3A_62, %mul3A_63 : i32
      %add3A_65 = arith.constant 0 : i32
      %add3A_66 = arith.addi %add3A_65, %mul3A_64 : i32
      %mul3A_67 = arith.constant 2 : i32
      %mul3A_68 = arith.muli %mul3A_67, %add3A_66 : i32
      %dma_wait3A_69 = arith.constant 0 : i32
      %dma_wait3A_70 = arith.constant 0 : i32
      %dma_wait3A_71 = tpu.memref_slice %arg2[%dma_wait3A_69, %dma_wait3A_70] : memref<10000x128xf32, #tpu.memory_space<hbm>> -> memref<10000x128xf32, #tpu.memory_space<hbm>>
      tpu.wait_indirect_dma semaphore(%arg25 : memref<!tpu.dma_semaphore, #tpu.memory_space<semaphore_mem>>) src(%dma_wait3A_71 : memref<10000x128xf32, #tpu.memory_space<hbm>>) dst(%arg17 : memref<32x128xf32, #tpu.memory_space<vmem>>)
      %dma_wait3A_72 = arith.constant 0 : i32
      %dma_wait3A_73 = arith.constant 0 : i32
      %dma_wait3A_74 = tpu.memref_slice %arg3[%dma_wait3A_72, %dma_wait3A_73] : memref<10000x128xf32, #tpu.memory_space<hbm>> -> memref<10000x128xf32, #tpu.memory_space<hbm>>
      tpu.wait_indirect_dma semaphore(%arg25 : memref<!tpu.dma_semaphore, #tpu.memory_space<semaphore_mem>>) src(%dma_wait3A_74 : memref<10000x128xf32, #tpu.memory_space<hbm>>) dst(%arg19 : memref<32x128xf32, #tpu.memory_space<vmem>>)
      %get3A = arith.constant 0 : index
      %get3A_75 = tpu.vector_load %arg11[%get3A] {strides = array<i32>} : memref<32xi32, #tpu.memory_space<vmem>>, vector<16xi32>,
      %swap3A = arith.constant 0 : index
      %swap3A_76 = tpu.vector_load %arg14[%swap3A] {strides = array<i32>} : memref<32xi32, #tpu.memory_space<vmem>>, vector<16xi32>,
      tpu.vector_store %arg14[%swap3A], %get3A_75 {strides = array<i32>} : memref<32xi32, #tpu.memory_space<vmem>>, vector<16xi32>,
      %get3A_77 = arith.constant 16 : index
      %get3A_78 = tpu.vector_load %arg11[%get3A_77] {strides = array<i32>} : memref<32xi32, #tpu.memory_space<vmem>>, vector<16xi32>,
      %swap3A_79 = arith.constant 16 : index
      %swap3A_80 = tpu.vector_load %arg14[%swap3A_79] {strides = array<i32>} : memref<32xi32, #tpu.memory_space<vmem>>, vector<16xi32>,
      tpu.vector_store %arg14[%swap3A_79], %get3A_78 {strides = array<i32>} : memref<32xi32, #tpu.memory_space<vmem>>, vector<16xi32>,
      %add3A_81 = arith.constant 2 : i32
      %add3A_82 = arith.addi %mul3A_68, %add3A_81 : i32
      %mul3A_83 = arith.constant 32 : i32
      %mul3A_84 = arith.muli %add3A_82, %mul3A_83 : i32
      %add3A_85 = arith.addi %mul3A_6, %mul3A_84 : i32
      %mul3A_86 = arith.constant 32 : i32
      %mul3A_87 = arith.muli %add3A_82, %mul3A_86 : i32
      %add3A_88 = arith.addi %mul3A_6, %mul3A_87 : i32
      %dma_start3A_89 = tpu.memref_slice %arg4[%add3A_85] : memref<321024xi32, #tpu.memory_space<hbm>> -> memref<32xi32, #tpu.memory_space<hbm>>
      %dma_start3A_90 = tpu.memref_slice %arg4[%add3A_85] : memref<321024xi32, #tpu.memory_space<hbm>> -> memref<32xi32, #tpu.memory_space<hbm>>
      tpu.enqueue_dma source(%dma_start3A_90 : memref<32xi32, #tpu.memory_space<hbm>>) target(%arg10 : memref<32xi32, #tpu.memory_space<vmem>>) target_semaphore(%arg23 : memref<!tpu.dma_semaphore, #tpu.memory_space<semaphore_mem>>)
      %dma_start3A_91 = tpu.memref_slice %arg5[%add3A_88] : memref<321024xi32, #tpu.memory_space<hbm>> -> memref<32xi32, #tpu.memory_space<hbm>>
      %dma_start3A_92 = tpu.memref_slice %arg5[%add3A_88] : memref<321024xi32, #tpu.memory_space<hbm>> -> memref<32xi32, #tpu.memory_space<hbm>>
      tpu.enqueue_dma source(%dma_start3A_92 : memref<32xi32, #tpu.memory_space<hbm>>) target(%arg11 : memref<32xi32, #tpu.memory_space<vmem>>) target_semaphore(%arg23 : memref<!tpu.dma_semaphore, #tpu.memory_space<semaphore_mem>>)
      %gt3A = arith.constant 0 : i32
      %gt3A_93 = arith.cmpi sgt, %add3A_66, %gt3A : i32
      %convert_element_type3A_94 = arith.extui %gt3A_93 : i1 to i32
      %cond3A_95 = arith.constant 0 : i32
      %cond3A_96 = arith.cmpi ne, %convert_element_type3A_94, %cond3A_95 : i32
      scf.if %cond3A_96 {
        %dma_wait3A_171 = arith.constant 0 : i32
        %dma_wait3A_172 = arith.constant 0 : i32
        %dma_wait3A_173 = tpu.memref_slice %arg8[%dma_wait3A_171, %dma_wait3A_172] : memref<10240x128xf32, #tpu.memory_space<vmem_shared>> -> memref<10240x128xf32, #tpu.memory_space<vmem_shared>>
        tpu.wait_indirect_dma semaphore(%arg28 : memref<!tpu.dma_semaphore, #tpu.memory_space<semaphore_mem>>) src(%arg18 : memref<32x128xf32, #tpu.memory_space<vmem>>) dst(%dma_wait3A_173 : memref<10240x128xf32, #tpu.memory_space<vmem_shared>>)
        %dma_wait3A_174 = arith.constant 0 : i32
        %dma_wait3A_175 = arith.constant 0 : i32
        %dma_wait3A_176 = tpu.memref_slice %arg9[%dma_wait3A_174, %dma_wait3A_175] : memref<10240x16xf32, #tpu.memory_space<vmem_shared>> -> memref<10240x16xf32, #tpu.memory_space<vmem_shared>>
        tpu.wait_indirect_dma semaphore(%arg28 : memref<!tpu.dma_semaphore, #tpu.memory_space<semaphore_mem>>) src(%arg22 : memref<32x16xf32, #tpu.memory_space<vmem>>) dst(%dma_wait3A_176 : memref<10240x16xf32, #tpu.memory_space<vmem_shared>>)
        %dma_wait3A_177 = arith.constant 0 : i32
        %dma_wait3A_178 = tpu.memref_slice %arg4[%dma_wait3A_177] : memref<321024xi32, #tpu.memory_space<hbm>> -> memref<32xi32, #tpu.memory_space<hbm>>
        %dma_wait3A_179 = arith.constant 0 : i32
        %dma_wait3A_180 = tpu.memref_slice %arg4[%dma_wait3A_179] : memref<321024xi32, #tpu.memory_space<hbm>> -> memref<32xi32, #tpu.memory_space<hbm>>
        tpu.wait_dma2 semaphore(%arg24 : memref<!tpu.dma_semaphore, #tpu.memory_space<semaphore_mem>>) src(%dma_wait3A_180 : memref<32xi32, #tpu.memory_space<hbm>>) dst(%arg12 : memref<32xi32, #tpu.memory_space<vmem>>)
        %dma_wait3A_181 = arith.constant 0 : i32
        %dma_wait3A_182 = tpu.memref_slice %arg4[%dma_wait3A_181] : memref<321024xi32, #tpu.memory_space<hbm>> -> memref<32xi32, #tpu.memory_space<hbm>>
        %dma_wait3A_183 = arith.constant 0 : i32
        %dma_wait3A_184 = tpu.memref_slice %arg4[%dma_wait3A_183] : memref<321024xi32, #tpu.memory_space<hbm>> -> memref<32xi32, #tpu.memory_space<hbm>>
        tpu.wait_dma2 semaphore(%arg24 : memref<!tpu.dma_semaphore, #tpu.memory_space<semaphore_mem>>) src(%dma_wait3A_184 : memref<32xi32, #tpu.memory_space<hbm>>) dst(%arg13 : memref<32xi32, #tpu.memory_space<vmem>>)
      } else {
      }
      %dma_start3A_97 = arith.constant 0 : i32
      %dma_start3A_98 = arith.constant 0 : i32
      %dma_start3A_99 = tpu.memref_slice %arg2[%dma_start3A_97, %dma_start3A_98] : memref<10000x128xf32, #tpu.memory_space<hbm>> -> memref<10000x128xf32, #tpu.memory_space<hbm>>
      tpu.enqueue_indirect_dma source(%dma_start3A_99 : memref<10000x128xf32, #tpu.memory_space<hbm>>) target(%arg18 : memref<32x128xf32, #tpu.memory_space<vmem>>) offsets(%arg12 : memref<32xi32, #tpu.memory_space<vmem>>) semaphore(%arg26 : memref<!tpu.dma_semaphore, #tpu.memory_space<semaphore_mem>>)
      %dma_start3A_100 = arith.constant 0 : i32
      %dma_start3A_101 = arith.constant 0 : i32
      %dma_start3A_102 = tpu.memref_slice %arg3[%dma_start3A_100, %dma_start3A_101] : memref<10000x128xf32, #tpu.memory_space<hbm>> -> memref<10000x128xf32, #tpu.memory_space<hbm>>
      tpu.enqueue_indirect_dma source(%dma_start3A_102 : memref<10000x128xf32, #tpu.memory_space<hbm>>) target(%arg20 : memref<32x128xf32, #tpu.memory_space<vmem>>) offsets(%arg13 : memref<32xi32, #tpu.memory_space<vmem>>) semaphore(%arg26 : memref<!tpu.dma_semaphore, #tpu.memory_space<semaphore_mem>>)
      %scan3A_103 = arith.constant 0 : i32
      %scan3A_104 = arith.constant 32 : i32
      %scan3A_105 = arith.addi %scan3A_103, %scan3A_104 : i32
      %scan3A_106 = arith.constant 8 : i32
      scf.for %scan3A_171 = %scan3A_103 to %scan3A_105 step %scan3A_106  : i32 {
        %mul3A_172 = arith.constant 1 : i32
        %mul3A_173 = arith.muli %scan3A_171, %mul3A_172 : i32
        %add3A_174 = arith.constant 0 : i32
        %add3A_175 = arith.addi %add3A_174, %mul3A_173 : i32
        %get3A_176 = arith.index_cast %add3A_175 : i32 to index
        %get3A_177 = arith.constant 0 : index
        %get3A_178 = tpu.vector_load %arg17[%get3A_176, %get3A_177] {strides = array<i32>} : memref<32x128xf32, #tpu.memory_space<vmem>>, vector<16xf32>,
        %get3A_179 = arith.index_cast %add3A_175 : i32 to index
        %get3A_180 = arith.constant 16 : index
        %get3A_181 = tpu.vector_load %arg17[%get3A_179, %get3A_180] {strides = array<i32>} : memref<32x128xf32, #tpu.memory_space<vmem>>, vector<16xf32>,
        %get3A_182 = arith.index_cast %add3A_175 : i32 to index
        %get3A_183 = arith.constant 32 : index
        %get3A_184 = tpu.vector_load %arg17[%get3A_182, %get3A_183] {strides = array<i32>} : memref<32x128xf32, #tpu.memory_space<vmem>>, vector<16xf32>,
        %get3A_185 = arith.index_cast %add3A_175 : i32 to index
        %get3A_186 = arith.constant 48 : index
        %get3A_187 = tpu.vector_load %arg17[%get3A_185, %get3A_186] {strides = array<i32>} : memref<32x128xf32, #tpu.memory_space<vmem>>, vector<16xf32>,
        %get3A_188 = arith.index_cast %add3A_175 : i32 to index
        %get3A_189 = arith.constant 64 : index
        %get3A_190 = tpu.vector_load %arg17[%get3A_188, %get3A_189] {strides = array<i32>} : memref<32x128xf32, #tpu.memory_space<vmem>>, vector<16xf32>,
        %get3A_191 = arith.index_cast %add3A_175 : i32 to index
        %get3A_192 = arith.constant 80 : index
        %get3A_193 = tpu.vector_load %arg17[%get3A_191, %get3A_192] {strides = array<i32>} : memref<32x128xf32, #tpu.memory_space<vmem>>, vector<16xf32>,
        %get3A_194 = arith.index_cast %add3A_175 : i32 to index
        %get3A_195 = arith.constant 96 : index
        %get3A_196 = tpu.vector_load %arg17[%get3A_194, %get3A_195] {strides = array<i32>} : memref<32x128xf32, #tpu.memory_space<vmem>>, vector<16xf32>,
        %get3A_197 = arith.index_cast %add3A_175 : i32 to index
        %get3A_198 = arith.constant 112 : index
        %get3A_199 = tpu.vector_load %arg17[%get3A_197, %get3A_198] {strides = array<i32>} : memref<32x128xf32, #tpu.memory_space<vmem>>, vector<16xf32>,
        %get3A_200 = arith.index_cast %add3A_175 : i32 to index
        %get3A_201 = arith.constant 0 : index
        %get3A_202 = tpu.vector_load %arg19[%get3A_200, %get3A_201] {strides = array<i32>} : memref<32x128xf32, #tpu.memory_space<vmem>>, vector<16xf32>,
        %get3A_203 = arith.index_cast %add3A_175 : i32 to index
        %get3A_204 = arith.constant 16 : index
        %get3A_205 = tpu.vector_load %arg19[%get3A_203, %get3A_204] {strides = array<i32>} : memref<32x128xf32, #tpu.memory_space<vmem>>, vector<16xf32>,
        %get3A_206 = arith.index_cast %add3A_175 : i32 to index
        %get3A_207 = arith.constant 32 : index
        %get3A_208 = tpu.vector_load %arg19[%get3A_206, %get3A_207] {strides = array<i32>} : memref<32x128xf32, #tpu.memory_space<vmem>>, vector<16xf32>,
        %get3A_209 = arith.index_cast %add3A_175 : i32 to index
        %get3A_210 = arith.constant 48 : index
        %get3A_211 = tpu.vector_load %arg19[%get3A_209, %get3A_210] {strides = array<i32>} : memref<32x128xf32, #tpu.memory_space<vmem>>, vector<16xf32>,
        %get3A_212 = arith.index_cast %add3A_175 : i32 to index
        %get3A_213 = arith.constant 64 : index
        %get3A_214 = tpu.vector_load %arg19[%get3A_212, %get3A_213] {strides = array<i32>} : memref<32x128xf32, #tpu.memory_space<vmem>>, vector<16xf32>,
        %get3A_215 = arith.index_cast %add3A_175 : i32 to index
        %get3A_216 = arith.constant 80 : index
        %get3A_217 = tpu.vector_load %arg19[%get3A_215, %get3A_216] {strides = array<i32>} : memref<32x128xf32, #tpu.memory_space<vmem>>, vector<16xf32>,
        %get3A_218 = arith.index_cast %add3A_175 : i32 to index
        %get3A_219 = arith.constant 96 : index
        %get3A_220 = tpu.vector_load %arg19[%get3A_218, %get3A_219] {strides = array<i32>} : memref<32x128xf32, #tpu.memory_space<vmem>>, vector<16xf32>,
        %get3A_221 = arith.index_cast %add3A_175 : i32 to index
        %get3A_222 = arith.constant 112 : index
        %get3A_223 = tpu.vector_load %arg19[%get3A_221, %get3A_222] {strides = array<i32>} : memref<32x128xf32, #tpu.memory_space<vmem>>, vector<16xf32>,
        %mul3A_224 = arith.mulf %get3A_178, %get3A_202 : vector<16xf32>
        %mul3A_225 = arith.mulf %get3A_181, %get3A_205 : vector<16xf32>
        %add3A_226 = arith.addf %mul3A_224, %mul3A_225 : vector<16xf32>
        %mul3A_227 = arith.mulf %get3A_184, %get3A_208 : vector<16xf32>
        %add3A_228 = arith.addf %add3A_226, %mul3A_227 : vector<16xf32>
        %mul3A_229 = arith.mulf %get3A_187, %get3A_211 : vector<16xf32>
        %add3A_230 = arith.addf %add3A_228, %mul3A_229 : vector<16xf32>
        %mul3A_231 = arith.mulf %get3A_190, %get3A_214 : vector<16xf32>
        %add3A_232 = arith.addf %add3A_230, %mul3A_231 : vector<16xf32>
        %mul3A_233 = arith.mulf %get3A_193, %get3A_217 : vector<16xf32>
        %add3A_234 = arith.addf %add3A_232, %mul3A_233 : vector<16xf32>
        %mul3A_235 = arith.mulf %get3A_196, %get3A_220 : vector<16xf32>
        %add3A_236 = arith.addf %add3A_234, %mul3A_235 : vector<16xf32>
        %mul3A_237 = arith.mulf %get3A_199, %get3A_223 : vector<16xf32>
        %add3A_238 = arith.addf %add3A_236, %mul3A_237 : vector<16xf32>
        %reduce_sum3A = arith.constant true
        %reduce_sum3A_239 = vector.broadcast %reduce_sum3A : i1 to vector<16xi1>
        %reduce_sum3A_240 = tpu.scan <sum>, %add3A_238 masked %reduce_sum3A_239 : vector<16xf32>, vector<16xi1> -> vector<16xf32>
        %reduce_sum3A_241 = vector.extract %reduce_sum3A_240[15] : f32 from vector<16xf32>
        %broadcast_in_dim3A_242 = vector.broadcast %reduce_sum3A_241 : f32 to vector<16xf32>
        %exp3A = math.exp %broadcast_in_dim3A_242 : vector<16xf32>
        %swap3A_243 = arith.index_cast %add3A_175 : i32 to index
        %swap3A_244 = arith.constant 0 : index
        %swap3A_245 = tpu.vector_load %arg21[%swap3A_243, %swap3A_244] {strides = array<i32>} : memref<32x16xf32, #tpu.memory_space<vmem>>, vector<16xf32>,
        tpu.vector_store %arg21[%swap3A_243, %swap3A_244], %exp3A {strides = array<i32>} : memref<32x16xf32, #tpu.memory_space<vmem>>, vector<16xf32>,
        %mul3A_246 = arith.mulf %get3A_178, %exp3A : vector<16xf32>
        %swap3A_247 = arith.index_cast %add3A_175 : i32 to index
        %swap3A_248 = arith.constant 0 : index
        %swap3A_249 = tpu.vector_load %arg17[%swap3A_247, %swap3A_248] {strides = array<i32>} : memref<32x128xf32, #tpu.memory_space<vmem>>, vector<16xf32>,
        tpu.vector_store %arg17[%swap3A_247, %swap3A_248], %mul3A_246 {strides = array<i32>} : memref<32x128xf32, #tpu.memory_space<vmem>>, vector<16xf32>,
        %mul3A_250 = arith.mulf %get3A_181, %exp3A : vector<16xf32>
        %swap3A_251 = arith.index_cast %add3A_175 : i32 to index
        %swap3A_252 = arith.constant 16 : index
        %swap3A_253 = tpu.vector_load %arg17[%swap3A_251, %swap3A_252] {strides = array<i32>} : memref<32x128xf32, #tpu.memory_space<vmem>>, vector<16xf32>,
        tpu.vector_store %arg17[%swap3A_251, %swap3A_252], %mul3A_250 {strides = array<i32>} : memref<32x128xf32, #tpu.memory_space<vmem>>, vector<16xf32>,
        %mul3A_254 = arith.mulf %get3A_184, %exp3A : vector<16xf32>
        %swap3A_255 = arith.index_cast %add3A_175 : i32 to index
        %swap3A_256 = arith.constant 32 : index
        %swap3A_257 = tpu.vector_load %arg17[%swap3A_255, %swap3A_256] {strides = array<i32>} : memref<32x128xf32, #tpu.memory_space<vmem>>, vector<16xf32>,
        tpu.vector_store %arg17[%swap3A_255, %swap3A_256], %mul3A_254 {strides = array<i32>} : memref<32x128xf32, #tpu.memory_space<vmem>>, vector<16xf32>,
        %mul3A_258 = arith.mulf %get3A_187, %exp3A : vector<16xf32>
        %swap3A_259 = arith.index_cast %add3A_175 : i32 to index
        %swap3A_260 = arith.constant 48 : index
        %swap3A_261 = tpu.vector_load %arg17[%swap3A_259, %swap3A_260] {strides = array<i32>} : memref<32x128xf32, #tpu.memory_space<vmem>>, vector<16xf32>,
        tpu.vector_store %arg17[%swap3A_259, %swap3A_260], %mul3A_258 {strides = array<i32>} : memref<32x128xf32, #tpu.memory_space<vmem>>, vector<16xf32>,
        %mul3A_262 = arith.mulf %get3A_190, %exp3A : vector<16xf32>
        %swap3A_263 = arith.index_cast %add3A_175 : i32 to index
        %swap3A_264 = arith.constant 64 : index
        %swap3A_265 = tpu.vector_load %arg17[%swap3A_263, %swap3A_264] {strides = array<i32>} : memref<32x128xf32, #tpu.memory_space<vmem>>, vector<16xf32>,
        tpu.vector_store %arg17[%swap3A_263, %swap3A_264], %mul3A_262 {strides = array<i32>} : memref<32x128xf32, #tpu.memory_space<vmem>>, vector<16xf32>,
        %mul3A_266 = arith.mulf %get3A_193, %exp3A : vector<16xf32>
        %swap3A_267 = arith.index_cast %add3A_175 : i32 to index
        %swap3A_268 = arith.constant 80 : index
        %swap3A_269 = tpu.vector_load %arg17[%swap3A_267, %swap3A_268] {strides = array<i32>} : memref<32x128xf32, #tpu.memory_space<vmem>>, vector<16xf32>,
        tpu.vector_store %arg17[%swap3A_267, %swap3A_268], %mul3A_266 {strides = array<i32>} : memref<32x128xf32, #tpu.memory_space<vmem>>, vector<16xf32>,
        %mul3A_270 = arith.mulf %get3A_196, %exp3A : vector<16xf32>
        %swap3A_271 = arith.index_cast %add3A_175 : i32 to index
        %swap3A_272 = arith.constant 96 : index
        %swap3A_273 = tpu.vector_load %arg17[%swap3A_271, %swap3A_272] {strides = array<i32>} : memref<32x128xf32, #tpu.memory_space<vmem>>, vector<16xf32>,
        tpu.vector_store %arg17[%swap3A_271, %swap3A_272], %mul3A_270 {strides = array<i32>} : memref<32x128xf32, #tpu.memory_space<vmem>>, vector<16xf32>,
        %mul3A_274 = arith.mulf %get3A_199, %exp3A : vector<16xf32>
        %swap3A_275 = arith.index_cast %add3A_175 : i32 to index
        %swap3A_276 = arith.constant 112 : index
        %swap3A_277 = tpu.vector_load %arg17[%swap3A_275, %swap3A_276] {strides = array<i32>} : memref<32x128xf32, #tpu.memory_space<vmem>>, vector<16xf32>,
        tpu.vector_store %arg17[%swap3A_275, %swap3A_276], %mul3A_274 {strides = array<i32>} : memref<32x128xf32, #tpu.memory_space<vmem>>, vector<16xf32>,
        %scan3A_278 = arith.constant 1 : i32
        %scan3A_279 = arith.addi %scan3A_171, %scan3A_278 : i32
        %mul3A_280 = arith.constant 1 : i32
        %mul3A_281 = arith.muli %scan3A_279, %mul3A_280 : i32
        %add3A_282 = arith.constant 0 : i32
        %add3A_283 = arith.addi %add3A_282, %mul3A_281 : i32
        %get3A_284 = arith.index_cast %add3A_283 : i32 to index
        %get3A_285 = arith.constant 0 : index
        %get3A_286 = tpu.vector_load %arg17[%get3A_284, %get3A_285] {strides = array<i32>} : memref<32x128xf32, #tpu.memory_space<vmem>>, vector<16xf32>,
        %get3A_287 = arith.index_cast %add3A_283 : i32 to index
        %get3A_288 = arith.constant 16 : index
        %get3A_289 = tpu.vector_load %arg17[%get3A_287, %get3A_288] {strides = array<i32>} : memref<32x128xf32, #tpu.memory_space<vmem>>, vector<16xf32>,
        %get3A_290 = arith.index_cast %add3A_283 : i32 to index
        %get3A_291 = arith.constant 32 : index
        %get3A_292 = tpu.vector_load %arg17[%get3A_290, %get3A_291] {strides = array<i32>} : memref<32x128xf32, #tpu.memory_space<vmem>>, vector<16xf32>,
        %get3A_293 = arith.index_cast %add3A_283 : i32 to index
        %get3A_294 = arith.constant 48 : index
        %get3A_295 = tpu.vector_load %arg17[%get3A_293, %get3A_294] {strides = array<i32>} : memref<32x128xf32, #tpu.memory_space<vmem>>, vector<16xf32>,
        %get3A_296 = arith.index_cast %add3A_283 : i32 to index
        %get3A_297 = arith.constant 64 : index
        %get3A_298 = tpu.vector_load %arg17[%get3A_296, %get3A_297] {strides = array<i32>} : memref<32x128xf32, #tpu.memory_space<vmem>>, vector<16xf32>,
        %get3A_299 = arith.index_cast %add3A_283 : i32 to index
        %get3A_300 = arith.constant 80 : index
        %get3A_301 = tpu.vector_load %arg17[%get3A_299, %get3A_300] {strides = array<i32>} : memref<32x128xf32, #tpu.memory_space<vmem>>, vector<16xf32>,
        %get3A_302 = arith.index_cast %add3A_283 : i32 to index
        %get3A_303 = arith.constant 96 : index
        %get3A_304 = tpu.vector_load %arg17[%get3A_302, %get3A_303] {strides = array<i32>} : memref<32x128xf32, #tpu.memory_space<vmem>>, vector<16xf32>,
        %get3A_305 = arith.index_cast %add3A_283 : i32 to index
        %get3A_306 = arith.constant 112 : index
        %get3A_307 = tpu.vector_load %arg17[%get3A_305, %get3A_306] {strides = array<i32>} : memref<32x128xf32, #tpu.memory_space<vmem>>, vector<16xf32>,
        %get3A_308 = arith.index_cast %add3A_283 : i32 to index
        %get3A_309 = arith.constant 0 : index
        %get3A_310 = tpu.vector_load %arg19[%get3A_308, %get3A_309] {strides = array<i32>} : memref<32x128xf32, #tpu.memory_space<vmem>>, vector<16xf32>,
        %get3A_311 = arith.index_cast %add3A_283 : i32 to index
        %get3A_312 = arith.constant 16 : index
        %get3A_313 = tpu.vector_load %arg19[%get3A_311, %get3A_312] {strides = array<i32>} : memref<32x128xf32, #tpu.memory_space<vmem>>, vector<16xf32>,
        %get3A_314 = arith.index_cast %add3A_283 : i32 to index
        %get3A_315 = arith.constant 32 : index
        %get3A_316 = tpu.vector_load %arg19[%get3A_314, %get3A_315] {strides = array<i32>} : memref<32x128xf32, #tpu.memory_space<vmem>>, vector<16xf32>,
        %get3A_317 = arith.index_cast %add3A_283 : i32 to index
        %get3A_318 = arith.constant 48 : index
        %get3A_319 = tpu.vector_load %arg19[%get3A_317, %get3A_318] {strides = array<i32>} : memref<32x128xf32, #tpu.memory_space<vmem>>, vector<16xf32>,
        %get3A_320 = arith.index_cast %add3A_283 : i32 to index
        %get3A_321 = arith.constant 64 : index
        %get3A_322 = tpu.vector_load %arg19[%get3A_320, %get3A_321] {strides = array<i32>} : memref<32x128xf32, #tpu.memory_space<vmem>>, vector<16xf32>,
        %get3A_323 = arith.index_cast %add3A_283 : i32 to index
        %get3A_324 = arith.constant 80 : index
        %get3A_325 = tpu.vector_load %arg19[%get3A_323, %get3A_324] {strides = array<i32>} : memref<32x128xf32, #tpu.memory_space<vmem>>, vector<16xf32>,
        %get3A_326 = arith.index_cast %add3A_283 : i32 to index
        %get3A_327 = arith.constant 96 : index
        %get3A_328 = tpu.vector_load %arg19[%get3A_326, %get3A_327] {strides = array<i32>} : memref<32x128xf32, #tpu.memory_space<vmem>>, vector<16xf32>,
        %get3A_329 = arith.index_cast %add3A_283 : i32 to index
        %get3A_330 = arith.constant 112 : index
        %get3A_331 = tpu.vector_load %arg19[%get3A_329, %get3A_330] {strides = array<i32>} : memref<32x128xf32, #tpu.memory_space<vmem>>, vector<16xf32>,
        %mul3A_332 = arith.mulf %get3A_286, %get3A_310 : vector<16xf32>
        %mul3A_333 = arith.mulf %get3A_289, %get3A_313 : vector<16xf32>
        %add3A_334 = arith.addf %mul3A_332, %mul3A_333 : vector<16xf32>
        %mul3A_335 = arith.mulf %get3A_292, %get3A_316 : vector<16xf32>
        %add3A_336 = arith.addf %add3A_334, %mul3A_335 : vector<16xf32>
        %mul3A_337 = arith.mulf %get3A_295, %get3A_319 : vector<16xf32>
        %add3A_338 = arith.addf %add3A_336, %mul3A_337 : vector<16xf32>
        %mul3A_339 = arith.mulf %get3A_298, %get3A_322 : vector<16xf32>
        %add3A_340 = arith.addf %add3A_338, %mul3A_339 : vector<16xf32>
        %mul3A_341 = arith.mulf %get3A_301, %get3A_325 : vector<16xf32>
        %add3A_342 = arith.addf %add3A_340, %mul3A_341 : vector<16xf32>
        %mul3A_343 = arith.mulf %get3A_304, %get3A_328 : vector<16xf32>
        %add3A_344 = arith.addf %add3A_342, %mul3A_343 : vector<16xf32>
        %mul3A_345 = arith.mulf %get3A_307, %get3A_331 : vector<16xf32>
        %add3A_346 = arith.addf %add3A_344, %mul3A_345 : vector<16xf32>
        %reduce_sum3A_347 = arith.constant true
        %reduce_sum3A_348 = vector.broadcast %reduce_sum3A_347 : i1 to vector<16xi1>
        %reduce_sum3A_349 = tpu.scan <sum>, %add3A_346 masked %reduce_sum3A_348 : vector<16xf32>, vector<16xi1> -> vector<16xf32>
        %reduce_sum3A_350 = vector.extract %reduce_sum3A_349[15] : f32 from vector<16xf32>
        %broadcast_in_dim3A_351 = vector.broadcast %reduce_sum3A_350 : f32 to vector<16xf32>
        %exp3A_352 = math.exp %broadcast_in_dim3A_351 : vector<16xf32>
        %swap3A_353 = arith.index_cast %add3A_283 : i32 to index
        %swap3A_354 = arith.constant 0 : index
        %swap3A_355 = tpu.vector_load %arg21[%swap3A_353, %swap3A_354] {strides = array<i32>} : memref<32x16xf32, #tpu.memory_space<vmem>>, vector<16xf32>,
        tpu.vector_store %arg21[%swap3A_353, %swap3A_354], %exp3A_352 {strides = array<i32>} : memref<32x16xf32, #tpu.memory_space<vmem>>, vector<16xf32>,
        %mul3A_356 = arith.mulf %get3A_286, %exp3A_352 : vector<16xf32>
        %swap3A_357 = arith.index_cast %add3A_283 : i32 to index
        %swap3A_358 = arith.constant 0 : index
        %swap3A_359 = tpu.vector_load %arg17[%swap3A_357, %swap3A_358] {strides = array<i32>} : memref<32x128xf32, #tpu.memory_space<vmem>>, vector<16xf32>,
        tpu.vector_store %arg17[%swap3A_357, %swap3A_358], %mul3A_356 {strides = array<i32>} : memref<32x128xf32, #tpu.memory_space<vmem>>, vector<16xf32>,
        %mul3A_360 = arith.mulf %get3A_289, %exp3A_352 : vector<16xf32>
        %swap3A_361 = arith.index_cast %add3A_283 : i32 to index
        %swap3A_362 = arith.constant 16 : index
        %swap3A_363 = tpu.vector_load %arg17[%swap3A_361, %swap3A_362] {strides = array<i32>} : memref<32x128xf32, #tpu.memory_space<vmem>>, vector<16xf32>,
        tpu.vector_store %arg17[%swap3A_361, %swap3A_362], %mul3A_360 {strides = array<i32>} : memref<32x128xf32, #tpu.memory_space<vmem>>, vector<16xf32>,
        %mul3A_364 = arith.mulf %get3A_292, %exp3A_352 : vector<16xf32>
        %swap3A_365 = arith.index_cast %add3A_283 : i32 to index
        %swap3A_366 = arith.constant 32 : index
        %swap3A_367 = tpu.vector_load %arg17[%swap3A_365, %swap3A_366] {strides = array<i32>} : memref<32x128xf32, #tpu.memory_space<vmem>>, vector<16xf32>,
        tpu.vector_store %arg17[%swap3A_365, %swap3A_366], %mul3A_364 {strides = array<i32>} : memref<32x128xf32, #tpu.memory_space<vmem>>, vector<16xf32>,
        %mul3A_368 = arith.mulf %get3A_295, %exp3A_352 : vector<16xf32>
        %swap3A_369 = arith.index_cast %add3A_283 : i32 to index
        %swap3A_370 = arith.constant 48 : index
        %swap3A_371 = tpu.vector_load %arg17[%swap3A_369, %swap3A_370] {strides = array<i32>} : memref<32x128xf32, #tpu.memory_space<vmem>>, vector<16xf32>,
        tpu.vector_store %arg17[%swap3A_369, %swap3A_370], %mul3A_368 {strides = array<i32>} : memref<32x128xf32, #tpu.memory_space<vmem>>, vector<16xf32>,
        %mul3A_372 = arith.mulf %get3A_298, %exp3A_352 : vector<16xf32>
        %swap3A_373 = arith.index_cast %add3A_283 : i32 to index
        %swap3A_374 = arith.constant 64 : index
        %swap3A_375 = tpu.vector_load %arg17[%swap3A_373, %swap3A_374] {strides = array<i32>} : memref<32x128xf32, #tpu.memory_space<vmem>>, vector<16xf32>,
        tpu.vector_store %arg17[%swap3A_373, %swap3A_374], %mul3A_372 {strides = array<i32>} : memref<32x128xf32, #tpu.memory_space<vmem>>, vector<16xf32>,
        %mul3A_376 = arith.mulf %get3A_301, %exp3A_352 : vector<16xf32>
        %swap3A_377 = arith.index_cast %add3A_283 : i32 to index
        %swap3A_378 = arith.constant 80 : index
        %swap3A_379 = tpu.vector_load %arg17[%swap3A_377, %swap3A_378] {strides = array<i32>} : memref<32x128xf32, #tpu.memory_space<vmem>>, vector<16xf32>,
        tpu.vector_store %arg17[%swap3A_377, %swap3A_378], %mul3A_376 {strides = array<i32>} : memref<32x128xf32, #tpu.memory_space<vmem>>, vector<16xf32>,
        %mul3A_380 = arith.mulf %get3A_304, %exp3A_352 : vector<16xf32>
        %swap3A_381 = arith.index_cast %add3A_283 : i32 to index
        %swap3A_382 = arith.constant 96 : index
        %swap3A_383 = tpu.vector_load %arg17[%swap3A_381, %swap3A_382] {strides = array<i32>} : memref<32x128xf32, #tpu.memory_space<vmem>>, vector<16xf32>,
        tpu.vector_store %arg17[%swap3A_381, %swap3A_382], %mul3A_380 {strides = array<i32>} : memref<32x128xf32, #tpu.memory_space<vmem>>, vector<16xf32>,
        %mul3A_384 = arith.mulf %get3A_307, %exp3A_352 : vector<16xf32>
        %swap3A_385 = arith.index_cast %add3A_283 : i32 to index
        %swap3A_386 = arith.constant 112 : index
        %swap3A_387 = tpu.vector_load %arg17[%swap3A_385, %swap3A_386] {strides = array<i32>} : memref<32x128xf32, #tpu.memory_space<vmem>>, vector<16xf32>,
        tpu.vector_store %arg17[%swap3A_385, %swap3A_386], %mul3A_384 {strides = array<i32>} : memref<32x128xf32, #tpu.memory_space<vmem>>, vector<16xf32>,
        %scan3A_388 = arith.constant 2 : i32
        %scan3A_389 = arith.addi %scan3A_171, %scan3A_388 : i32
        %mul3A_390 = arith.constant 1 : i32
        %mul3A_391 = arith.muli %scan3A_389, %mul3A_390 : i32
        %add3A_392 = arith.constant 0 : i32
        %add3A_393 = arith.addi %add3A_392, %mul3A_391 : i32
        %get3A_394 = arith.index_cast %add3A_393 : i32 to index
        %get3A_395 = arith.constant 0 : index
        %get3A_396 = tpu.vector_load %arg17[%get3A_394, %get3A_395] {strides = array<i32>} : memref<32x128xf32, #tpu.memory_space<vmem>>, vector<16xf32>,
        %get3A_397 = arith.index_cast %add3A_393 : i32 to index
        %get3A_398 = arith.constant 16 : index
        %get3A_399 = tpu.vector_load %arg17[%get3A_397, %get3A_398] {strides = array<i32>} : memref<32x128xf32, #tpu.memory_space<vmem>>, vector<16xf32>,
        %get3A_400 = arith.index_cast %add3A_393 : i32 to index
        %get3A_401 = arith.constant 32 : index
        %get3A_402 = tpu.vector_load %arg17[%get3A_400, %get3A_401] {strides = array<i32>} : memref<32x128xf32, #tpu.memory_space<vmem>>, vector<16xf32>,
        %get3A_403 = arith.index_cast %add3A_393 : i32 to index
        %get3A_404 = arith.constant 48 : index
        %get3A_405 = tpu.vector_load %arg17[%get3A_403, %get3A_404] {strides = array<i32>} : memref<32x128xf32, #tpu.memory_space<vmem>>, vector<16xf32>,
        %get3A_406 = arith.index_cast %add3A_393 : i32 to index
        %get3A_407 = arith.constant 64 : index
        %get3A_408 = tpu.vector_load %arg17[%get3A_406, %get3A_407] {strides = array<i32>} : memref<32x128xf32, #tpu.memory_space<vmem>>, vector<16xf32>,
        %get3A_409 = arith.index_cast %add3A_393 : i32 to index
        %get3A_410 = arith.constant 80 : index
        %get3A_411 = tpu.vector_load %arg17[%get3A_409, %get3A_410] {strides = array<i32>} : memref<32x128xf32, #tpu.memory_space<vmem>>, vector<16xf32>,
        %get3A_412 = arith.index_cast %add3A_393 : i32 to index
        %get3A_413 = arith.constant 96 : index
        %get3A_414 = tpu.vector_load %arg17[%get3A_412, %get3A_413] {strides = array<i32>} : memref<32x128xf32, #tpu.memory_space<vmem>>, vector<16xf32>,
        %get3A_415 = arith.index_cast %add3A_393 : i32 to index
        %get3A_416 = arith.constant 112 : index
        %get3A_417 = tpu.vector_load %arg17[%get3A_415, %get3A_416] {strides = array<i32>} : memref<32x128xf32, #tpu.memory_space<vmem>>, vector<16xf32>,
        %get3A_418 = arith.index_cast %add3A_393 : i32 to index
        %get3A_419 = arith.constant 0 : index
        %get3A_420 = tpu.vector_load %arg19[%get3A_418, %get3A_419] {strides = array<i32>} : memref<32x128xf32, #tpu.memory_space<vmem>>, vector<16xf32>,
        %get3A_421 = arith.index_cast %add3A_393 : i32 to index
        %get3A_422 = arith.constant 16 : index
        %get3A_423 = tpu.vector_load %arg19[%get3A_421, %get3A_422] {strides = array<i32>} : memref<32x128xf32, #tpu.memory_space<vmem>>, vector<16xf32>,
        %get3A_424 = arith.index_cast %add3A_393 : i32 to index
        %get3A_425 = arith.constant 32 : index
        %get3A_426 = tpu.vector_load %arg19[%get3A_424, %get3A_425] {strides = array<i32>} : memref<32x128xf32, #tpu.memory_space<vmem>>, vector<16xf32>,
        %get3A_427 = arith.index_cast %add3A_393 : i32 to index
        %get3A_428 = arith.constant 48 : index
        %get3A_429 = tpu.vector_load %arg19[%get3A_427, %get3A_428] {strides = array<i32>} : memref<32x128xf32, #tpu.memory_space<vmem>>, vector<16xf32>,
        %get3A_430 = arith.index_cast %add3A_393 : i32 to index
        %get3A_431 = arith.constant 64 : index
        %get3A_432 = tpu.vector_load %arg19[%get3A_430, %get3A_431] {strides = array<i32>} : memref<32x128xf32, #tpu.memory_space<vmem>>, vector<16xf32>,
        %get3A_433 = arith.index_cast %add3A_393 : i32 to index
        %get3A_434 = arith.constant 80 : index
        %get3A_435 = tpu.vector_load %arg19[%get3A_433, %get3A_434] {strides = array<i32>} : memref<32x128xf32, #tpu.memory_space<vmem>>, vector<16xf32>,
        %get3A_436 = arith.index_cast %add3A_393 : i32 to index
        %get3A_437 = arith.constant 96 : index
        %get3A_438 = tpu.vector_load %arg19[%get3A_436, %get3A_437] {strides = array<i32>} : memref<32x128xf32, #tpu.memory_space<vmem>>, vector<16xf32>,
        %get3A_439 = arith.index_cast %add3A_393 : i32 to index
        %get3A_440 = arith.constant 112 : index
        %get3A_441 = tpu.vector_load %arg19[%get3A_439, %get3A_440] {strides = array<i32>} : memref<32x128xf32, #tpu.memory_space<vmem>>, vector<16xf32>,
        %mul3A_442 = arith.mulf %get3A_396, %get3A_420 : vector<16xf32>
        %mul3A_443 = arith.mulf %get3A_399, %get3A_423 : vector<16xf32>
        %add3A_444 = arith.addf %mul3A_442, %mul3A_443 : vector<16xf32>
        %mul3A_445 = arith.mulf %get3A_402, %get3A_426 : vector<16xf32>
        %add3A_446 = arith.addf %add3A_444, %mul3A_445 : vector<16xf32>
        %mul3A_447 = arith.mulf %get3A_405, %get3A_429 : vector<16xf32>
        %add3A_448 = arith.addf %add3A_446, %mul3A_447 : vector<16xf32>
        %mul3A_449 = arith.mulf %get3A_408, %get3A_432 : vector<16xf32>
        %add3A_450 = arith.addf %add3A_448, %mul3A_449 : vector<16xf32>
        %mul3A_451 = arith.mulf %get3A_411, %get3A_435 : vector<16xf32>
        %add3A_452 = arith.addf %add3A_450, %mul3A_451 : vector<16xf32>
        %mul3A_453 = arith.mulf %get3A_414, %get3A_438 : vector<16xf32>
        %add3A_454 = arith.addf %add3A_452, %mul3A_453 : vector<16xf32>
        %mul3A_455 = arith.mulf %get3A_417, %get3A_441 : vector<16xf32>
        %add3A_456 = arith.addf %add3A_454, %mul3A_455 : vector<16xf32>
        %reduce_sum3A_457 = arith.constant true
        %reduce_sum3A_458 = vector.broadcast %reduce_sum3A_457 : i1 to vector<16xi1>
        %reduce_sum3A_459 = tpu.scan <sum>, %add3A_456 masked %reduce_sum3A_458 : vector<16xf32>, vector<16xi1> -> vector<16xf32>
        %reduce_sum3A_460 = vector.extract %reduce_sum3A_459[15] : f32 from vector<16xf32>
        %broadcast_in_dim3A_461 = vector.broadcast %reduce_sum3A_460 : f32 to vector<16xf32>
        %exp3A_462 = math.exp %broadcast_in_dim3A_461 : vector<16xf32>
        %swap3A_463 = arith.index_cast %add3A_393 : i32 to index
        %swap3A_464 = arith.constant 0 : index
        %swap3A_465 = tpu.vector_load %arg21[%swap3A_463, %swap3A_464] {strides = array<i32>} : memref<32x16xf32, #tpu.memory_space<vmem>>, vector<16xf32>,
        tpu.vector_store %arg21[%swap3A_463, %swap3A_464], %exp3A_462 {strides = array<i32>} : memref<32x16xf32, #tpu.memory_space<vmem>>, vector<16xf32>,
        %mul3A_466 = arith.mulf %get3A_396, %exp3A_462 : vector<16xf32>
        %swap3A_467 = arith.index_cast %add3A_393 : i32 to index
        %swap3A_468 = arith.constant 0 : index
        %swap3A_469 = tpu.vector_load %arg17[%swap3A_467, %swap3A_468] {strides = array<i32>} : memref<32x128xf32, #tpu.memory_space<vmem>>, vector<16xf32>,
        tpu.vector_store %arg17[%swap3A_467, %swap3A_468], %mul3A_466 {strides = array<i32>} : memref<32x128xf32, #tpu.memory_space<vmem>>, vector<16xf32>,
        %mul3A_470 = arith.mulf %get3A_399, %exp3A_462 : vector<16xf32>
        %swap3A_471 = arith.index_cast %add3A_393 : i32 to index
        %swap3A_472 = arith.constant 16 : index
        %swap3A_473 = tpu.vector_load %arg17[%swap3A_471, %swap3A_472] {strides = array<i32>} : memref<32x128xf32, #tpu.memory_space<vmem>>, vector<16xf32>,
        tpu.vector_store %arg17[%swap3A_471, %swap3A_472], %mul3A_470 {strides = array<i32>} : memref<32x128xf32, #tpu.memory_space<vmem>>, vector<16xf32>,
        %mul3A_474 = arith.mulf %get3A_402, %exp3A_462 : vector<16xf32>
        %swap3A_475 = arith.index_cast %add3A_393 : i32 to index
        %swap3A_476 = arith.constant 32 : index
        %swap3A_477 = tpu.vector_load %arg17[%swap3A_475, %swap3A_476] {strides = array<i32>} : memref<32x128xf32, #tpu.memory_space<vmem>>, vector<16xf32>,
        tpu.vector_store %arg17[%swap3A_475, %swap3A_476], %mul3A_474 {strides = array<i32>} : memref<32x128xf32, #tpu.memory_space<vmem>>, vector<16xf32>,
        %mul3A_478 = arith.mulf %get3A_405, %exp3A_462 : vector<16xf32>
        %swap3A_479 = arith.index_cast %add3A_393 : i32 to index
        %swap3A_480 = arith.constant 48 : index
        %swap3A_481 = tpu.vector_load %arg17[%swap3A_479, %swap3A_480] {strides = array<i32>} : memref<32x128xf32, #tpu.memory_space<vmem>>, vector<16xf32>,
        tpu.vector_store %arg17[%swap3A_479, %swap3A_480], %mul3A_478 {strides = array<i32>} : memref<32x128xf32, #tpu.memory_space<vmem>>, vector<16xf32>,
        %mul3A_482 = arith.mulf %get3A_408, %exp3A_462 : vector<16xf32>
        %swap3A_483 = arith.index_cast %add3A_393 : i32 to index
        %swap3A_484 = arith.constant 64 : index
        %swap3A_485 = tpu.vector_load %arg17[%swap3A_483, %swap3A_484] {strides = array<i32>} : memref<32x128xf32, #tpu.memory_space<vmem>>, vector<16xf32>,
        tpu.vector_store %arg17[%swap3A_483, %swap3A_484], %mul3A_482 {strides = array<i32>} : memref<32x128xf32, #tpu.memory_space<vmem>>, vector<16xf32>,
        %mul3A_486 = arith.mulf %get3A_411, %exp3A_462 : vector<16xf32>
        %swap3A_487 = arith.index_cast %add3A_393 : i32 to index
        %swap3A_488 = arith.constant 80 : index
        %swap3A_489 = tpu.vector_load %arg17[%swap3A_487, %swap3A_488] {strides = array<i32>} : memref<32x128xf32, #tpu.memory_space<vmem>>, vector<16xf32>,
        tpu.vector_store %arg17[%swap3A_487, %swap3A_488], %mul3A_486 {strides = array<i32>} : memref<32x128xf32, #tpu.memory_space<vmem>>, vector<16xf32>,
        %mul3A_490 = arith.mulf %get3A_414, %exp3A_462 : vector<16xf32>
        %swap3A_491 = arith.index_cast %add3A_393 : i32 to index
        %swap3A_492 = arith.constant 96 : index
        %swap3A_493 = tpu.vector_load %arg17[%swap3A_491, %swap3A_492] {strides = array<i32>} : memref<32x128xf32, #tpu.memory_space<vmem>>, vector<16xf32>,
        tpu.vector_store %arg17[%swap3A_491, %swap3A_492], %mul3A_490 {strides = array<i32>} : memref<32x128xf32, #tpu.memory_space<vmem>>, vector<16xf32>,
        %mul3A_494 = arith.mulf %get3A_417, %exp3A_462 : vector<16xf32>
        %swap3A_495 = arith.index_cast %add3A_393 : i32 to index
        %swap3A_496 = arith.constant 112 : index
        %swap3A_497 = tpu.vector_load %arg17[%swap3A_495, %swap3A_496] {strides = array<i32>} : memref<32x128xf32, #tpu.memory_space<vmem>>, vector<16xf32>,
        tpu.vector_store %arg17[%swap3A_495, %swap3A_496], %mul3A_494 {strides = array<i32>} : memref<32x128xf32, #tpu.memory_space<vmem>>, vector<16xf32>,
        %scan3A_498 = arith.constant 3 : i32
        %scan3A_499 = arith.addi %scan3A_171, %scan3A_498 : i32
        %mul3A_500 = arith.constant 1 : i32
        %mul3A_501 = arith.muli %scan3A_499, %mul3A_500 : i32
        %add3A_502 = arith.constant 0 : i32
        %add3A_503 = arith.addi %add3A_502, %mul3A_501 : i32
        %get3A_504 = arith.index_cast %add3A_503 : i32 to index
        %get3A_505 = arith.constant 0 : index
        %get3A_506 = tpu.vector_load %arg17[%get3A_504, %get3A_505] {strides = array<i32>} : memref<32x128xf32, #tpu.memory_space<vmem>>, vector<16xf32>,
        %get3A_507 = arith.index_cast %add3A_503 : i32 to index
        %get3A_508 = arith.constant 16 : index
        %get3A_509 = tpu.vector_load %arg17[%get3A_507, %get3A_508] {strides = array<i32>} : memref<32x128xf32, #tpu.memory_space<vmem>>, vector<16xf32>,
        %get3A_510 = arith.index_cast %add3A_503 : i32 to index
        %get3A_511 = arith.constant 32 : index
        %get3A_512 = tpu.vector_load %arg17[%get3A_510, %get3A_511] {strides = array<i32>} : memref<32x128xf32, #tpu.memory_space<vmem>>, vector<16xf32>,
        %get3A_513 = arith.index_cast %add3A_503 : i32 to index
        %get3A_514 = arith.constant 48 : index
        %get3A_515 = tpu.vector_load %arg17[%get3A_513, %get3A_514] {strides = array<i32>} : memref<32x128xf32, #tpu.memory_space<vmem>>, vector<16xf32>,
        %get3A_516 = arith.index_cast %add3A_503 : i32 to index
        %get3A_517 = arith.constant 64 : index
        %get3A_518 = tpu.vector_load %arg17[%get3A_516, %get3A_517] {strides = array<i32>} : memref<32x128xf32, #tpu.memory_space<vmem>>, vector<16xf32>,
        %get3A_519 = arith.index_cast %add3A_503 : i32 to index
        %get3A_520 = arith.constant 80 : index
        %get3A_521 = tpu.vector_load %arg17[%get3A_519, %get3A_520] {strides = array<i32>} : memref<32x128xf32, #tpu.memory_space<vmem>>, vector<16xf32>,
        %get3A_522 = arith.index_cast %add3A_503 : i32 to index
        %get3A_523 = arith.constant 96 : index
        %get3A_524 = tpu.vector_load %arg17[%get3A_522, %get3A_523] {strides = array<i32>} : memref<32x128xf32, #tpu.memory_space<vmem>>, vector<16xf32>,
        %get3A_525 = arith.index_cast %add3A_503 : i32 to index
        %get3A_526 = arith.constant 112 : index
        %get3A_527 = tpu.vector_load %arg17[%get3A_525, %get3A_526] {strides = array<i32>} : memref<32x128xf32, #tpu.memory_space<vmem>>, vector<16xf32>,
        %get3A_528 = arith.index_cast %add3A_503 : i32 to index
        %get3A_529 = arith.constant 0 : index
        %get3A_530 = tpu.vector_load %arg19[%get3A_528, %get3A_529] {strides = array<i32>} : memref<32x128xf32, #tpu.memory_space<vmem>>, vector<16xf32>,
        %get3A_531 = arith.index_cast %add3A_503 : i32 to index
        %get3A_532 = arith.constant 16 : index
        %get3A_533 = tpu.vector_load %arg19[%get3A_531, %get3A_532] {strides = array<i32>} : memref<32x128xf32, #tpu.memory_space<vmem>>, vector<16xf32>,
        %get3A_534 = arith.index_cast %add3A_503 : i32 to index
        %get3A_535 = arith.constant 32 : index
        %get3A_536 = tpu.vector_load %arg19[%get3A_534, %get3A_535] {strides = array<i32>} : memref<32x128xf32, #tpu.memory_space<vmem>>, vector<16xf32>,
        %get3A_537 = arith.index_cast %add3A_503 : i32 to index
        %get3A_538 = arith.constant 48 : index
        %get3A_539 = tpu.vector_load %arg19[%get3A_537, %get3A_538] {strides = array<i32>} : memref<32x128xf32, #tpu.memory_space<vmem>>, vector<16xf32>,
        %get3A_540 = arith.index_cast %add3A_503 : i32 to index
        %get3A_541 = arith.constant 64 : index
        %get3A_542 = tpu.vector_load %arg19[%get3A_540, %get3A_541] {strides = array<i32>} : memref<32x128xf32, #tpu.memory_space<vmem>>, vector<16xf32>,
        %get3A_543 = arith.index_cast %add3A_503 : i32 to index
        %get3A_544 = arith.constant 80 : index
        %get3A_545 = tpu.vector_load %arg19[%get3A_543, %get3A_544] {strides = array<i32>} : memref<32x128xf32, #tpu.memory_space<vmem>>, vector<16xf32>,
        %get3A_546 = arith.index_cast %add3A_503 : i32 to index
        %get3A_547 = arith.constant 96 : index
        %get3A_548 = tpu.vector_load %arg19[%get3A_546, %get3A_547] {strides = array<i32>} : memref<32x128xf32, #tpu.memory_space<vmem>>, vector<16xf32>,
        %get3A_549 = arith.index_cast %add3A_503 : i32 to index
        %get3A_550 = arith.constant 112 : index
        %get3A_551 = tpu.vector_load %arg19[%get3A_549, %get3A_550] {strides = array<i32>} : memref<32x128xf32, #tpu.memory_space<vmem>>, vector<16xf32>,
        %mul3A_552 = arith.mulf %get3A_506, %get3A_530 : vector<16xf32>
        %mul3A_553 = arith.mulf %get3A_509, %get3A_533 : vector<16xf32>
        %add3A_554 = arith.addf %mul3A_552, %mul3A_553 : vector<16xf32>
        %mul3A_555 = arith.mulf %get3A_512, %get3A_536 : vector<16xf32>
        %add3A_556 = arith.addf %add3A_554, %mul3A_555 : vector<16xf32>
        %mul3A_557 = arith.mulf %get3A_515, %get3A_539 : vector<16xf32>
        %add3A_558 = arith.addf %add3A_556, %mul3A_557 : vector<16xf32>
        %mul3A_559 = arith.mulf %get3A_518, %get3A_542 : vector<16xf32>
        %add3A_560 = arith.addf %add3A_558, %mul3A_559 : vector<16xf32>
        %mul3A_561 = arith.mulf %get3A_521, %get3A_545 : vector<16xf32>
        %add3A_562 = arith.addf %add3A_560, %mul3A_561 : vector<16xf32>
        %mul3A_563 = arith.mulf %get3A_524, %get3A_548 : vector<16xf32>
        %add3A_564 = arith.addf %add3A_562, %mul3A_563 : vector<16xf32>
        %mul3A_565 = arith.mulf %get3A_527, %get3A_551 : vector<16xf32>
        %add3A_566 = arith.addf %add3A_564, %mul3A_565 : vector<16xf32>
        %reduce_sum3A_567 = arith.constant true
        %reduce_sum3A_568 = vector.broadcast %reduce_sum3A_567 : i1 to vector<16xi1>
        %reduce_sum3A_569 = tpu.scan <sum>, %add3A_566 masked %reduce_sum3A_568 : vector<16xf32>, vector<16xi1> -> vector<16xf32>
        %reduce_sum3A_570 = vector.extract %reduce_sum3A_569[15] : f32 from vector<16xf32>
        %broadcast_in_dim3A_571 = vector.broadcast %reduce_sum3A_570 : f32 to vector<16xf32>
        %exp3A_572 = math.exp %broadcast_in_dim3A_571 : vector<16xf32>
        %swap3A_573 = arith.index_cast %add3A_503 : i32 to index
        %swap3A_574 = arith.constant 0 : index
        %swap3A_575 = tpu.vector_load %arg21[%swap3A_573, %swap3A_574] {strides = array<i32>} : memref<32x16xf32, #tpu.memory_space<vmem>>, vector<16xf32>,
        tpu.vector_store %arg21[%swap3A_573, %swap3A_574], %exp3A_572 {strides = array<i32>} : memref<32x16xf32, #tpu.memory_space<vmem>>, vector<16xf32>,
        %mul3A_576 = arith.mulf %get3A_506, %exp3A_572 : vector<16xf32>
        %swap3A_577 = arith.index_cast %add3A_503 : i32 to index
        %swap3A_578 = arith.constant 0 : index
        %swap3A_579 = tpu.vector_load %arg17[%swap3A_577, %swap3A_578] {strides = array<i32>} : memref<32x128xf32, #tpu.memory_space<vmem>>, vector<16xf32>,
        tpu.vector_store %arg17[%swap3A_577, %swap3A_578], %mul3A_576 {strides = array<i32>} : memref<32x128xf32, #tpu.memory_space<vmem>>, vector<16xf32>,
        %mul3A_580 = arith.mulf %get3A_509, %exp3A_572 : vector<16xf32>
        %swap3A_581 = arith.index_cast %add3A_503 : i32 to index
        %swap3A_582 = arith.constant 16 : index
        %swap3A_583 = tpu.vector_load %arg17[%swap3A_581, %swap3A_582] {strides = array<i32>} : memref<32x128xf32, #tpu.memory_space<vmem>>, vector<16xf32>,
        tpu.vector_store %arg17[%swap3A_581, %swap3A_582], %mul3A_580 {strides = array<i32>} : memref<32x128xf32, #tpu.memory_space<vmem>>, vector<16xf32>,
        %mul3A_584 = arith.mulf %get3A_512, %exp3A_572 : vector<16xf32>
        %swap3A_585 = arith.index_cast %add3A_503 : i32 to index
        %swap3A_586 = arith.constant 32 : index
        %swap3A_587 = tpu.vector_load %arg17[%swap3A_585, %swap3A_586] {strides = array<i32>} : memref<32x128xf32, #tpu.memory_space<vmem>>, vector<16xf32>,
        tpu.vector_store %arg17[%swap3A_585, %swap3A_586], %mul3A_584 {strides = array<i32>} : memref<32x128xf32, #tpu.memory_space<vmem>>, vector<16xf32>,
        %mul3A_588 = arith.mulf %get3A_515, %exp3A_572 : vector<16xf32>
        %swap3A_589 = arith.index_cast %add3A_503 : i32 to index
        %swap3A_590 = arith.constant 48 : index
        %swap3A_591 = tpu.vector_load %arg17[%swap3A_589, %swap3A_590] {strides = array<i32>} : memref<32x128xf32, #tpu.memory_space<vmem>>, vector<16xf32>,
        tpu.vector_store %arg17[%swap3A_589, %swap3A_590], %mul3A_588 {strides = array<i32>} : memref<32x128xf32, #tpu.memory_space<vmem>>, vector<16xf32>,
        %mul3A_592 = arith.mulf %get3A_518, %exp3A_572 : vector<16xf32>
        %swap3A_593 = arith.index_cast %add3A_503 : i32 to index
        %swap3A_594 = arith.constant 64 : index
        %swap3A_595 = tpu.vector_load %arg17[%swap3A_593, %swap3A_594] {strides = array<i32>} : memref<32x128xf32, #tpu.memory_space<vmem>>, vector<16xf32>,
        tpu.vector_store %arg17[%swap3A_593, %swap3A_594], %mul3A_592 {strides = array<i32>} : memref<32x128xf32, #tpu.memory_space<vmem>>, vector<16xf32>,
        %mul3A_596 = arith.mulf %get3A_521, %exp3A_572 : vector<16xf32>
        %swap3A_597 = arith.index_cast %add3A_503 : i32 to index
        %swap3A_598 = arith.constant 80 : index
        %swap3A_599 = tpu.vector_load %arg17[%swap3A_597, %swap3A_598] {strides = array<i32>} : memref<32x128xf32, #tpu.memory_space<vmem>>, vector<16xf32>,
        tpu.vector_store %arg17[%swap3A_597, %swap3A_598], %mul3A_596 {strides = array<i32>} : memref<32x128xf32, #tpu.memory_space<vmem>>, vector<16xf32>,
        %mul3A_600 = arith.mulf %get3A_524, %exp3A_572 : vector<16xf32>
        %swap3A_601 = arith.index_cast %add3A_503 : i32 to index
        %swap3A_602 = arith.constant 96 : index
        %swap3A_603 = tpu.vector_load %arg17[%swap3A_601, %swap3A_602] {strides = array<i32>} : memref<32x128xf32, #tpu.memory_space<vmem>>, vector<16xf32>,
        tpu.vector_store %arg17[%swap3A_601, %swap3A_602], %mul3A_600 {strides = array<i32>} : memref<32x128xf32, #tpu.memory_space<vmem>>, vector<16xf32>,
        %mul3A_604 = arith.mulf %get3A_527, %exp3A_572 : vector<16xf32>
        %swap3A_605 = arith.index_cast %add3A_503 : i32 to index
        %swap3A_606 = arith.constant 112 : index
        %swap3A_607 = tpu.vector_load %arg17[%swap3A_605, %swap3A_606] {strides = array<i32>} : memref<32x128xf32, #tpu.memory_space<vmem>>, vector<16xf32>,
        tpu.vector_store %arg17[%swap3A_605, %swap3A_606], %mul3A_604 {strides = array<i32>} : memref<32x128xf32, #tpu.memory_space<vmem>>, vector<16xf32>,
        %scan3A_608 = arith.constant 4 : i32
        %scan3A_609 = arith.addi %scan3A_171, %scan3A_608 : i32
        %mul3A_610 = arith.constant 1 : i32
        %mul3A_611 = arith.muli %scan3A_609, %mul3A_610 : i32
        %add3A_612 = arith.constant 0 : i32
        %add3A_613 = arith.addi %add3A_612, %mul3A_611 : i32
        %get3A_614 = arith.index_cast %add3A_613 : i32 to index
        %get3A_615 = arith.constant 0 : index
        %get3A_616 = tpu.vector_load %arg17[%get3A_614, %get3A_615] {strides = array<i32>} : memref<32x128xf32, #tpu.memory_space<vmem>>, vector<16xf32>,
        %get3A_617 = arith.index_cast %add3A_613 : i32 to index
        %get3A_618 = arith.constant 16 : index
        %get3A_619 = tpu.vector_load %arg17[%get3A_617, %get3A_618] {strides = array<i32>} : memref<32x128xf32, #tpu.memory_space<vmem>>, vector<16xf32>,
        %get3A_620 = arith.index_cast %add3A_613 : i32 to index
        %get3A_621 = arith.constant 32 : index
        %get3A_622 = tpu.vector_load %arg17[%get3A_620, %get3A_621] {strides = array<i32>} : memref<32x128xf32, #tpu.memory_space<vmem>>, vector<16xf32>,
        %get3A_623 = arith.index_cast %add3A_613 : i32 to index
        %get3A_624 = arith.constant 48 : index
        %get3A_625 = tpu.vector_load %arg17[%get3A_623, %get3A_624] {strides = array<i32>} : memref<32x128xf32, #tpu.memory_space<vmem>>, vector<16xf32>,
        %get3A_626 = arith.index_cast %add3A_613 : i32 to index
        %get3A_627 = arith.constant 64 : index
        %get3A_628 = tpu.vector_load %arg17[%get3A_626, %get3A_627] {strides = array<i32>} : memref<32x128xf32, #tpu.memory_space<vmem>>, vector<16xf32>,
        %get3A_629 = arith.index_cast %add3A_613 : i32 to index
        %get3A_630 = arith.constant 80 : index
        %get3A_631 = tpu.vector_load %arg17[%get3A_629, %get3A_630] {strides = array<i32>} : memref<32x128xf32, #tpu.memory_space<vmem>>, vector<16xf32>,
        %get3A_632 = arith.index_cast %add3A_613 : i32 to index
        %get3A_633 = arith.constant 96 : index
        %get3A_634 = tpu.vector_load %arg17[%get3A_632, %get3A_633] {strides = array<i32>} : memref<32x128xf32, #tpu.memory_space<vmem>>, vector<16xf32>,
        %get3A_635 = arith.index_cast %add3A_613 : i32 to index
        %get3A_636 = arith.constant 112 : index
        %get3A_637 = tpu.vector_load %arg17[%get3A_635, %get3A_636] {strides = array<i32>} : memref<32x128xf32, #tpu.memory_space<vmem>>, vector<16xf32>,
        %get3A_638 = arith.index_cast %add3A_613 : i32 to index
        %get3A_639 = arith.constant 0 : index
        %get3A_640 = tpu.vector_load %arg19[%get3A_638, %get3A_639] {strides = array<i32>} : memref<32x128xf32, #tpu.memory_space<vmem>>, vector<16xf32>,
        %get3A_641 = arith.index_cast %add3A_613 : i32 to index
        %get3A_642 = arith.constant 16 : index
        %get3A_643 = tpu.vector_load %arg19[%get3A_641, %get3A_642] {strides = array<i32>} : memref<32x128xf32, #tpu.memory_space<vmem>>, vector<16xf32>,
        %get3A_644 = arith.index_cast %add3A_613 : i32 to index
        %get3A_645 = arith.constant 32 : index
        %get3A_646 = tpu.vector_load %arg19[%get3A_644, %get3A_645] {strides = array<i32>} : memref<32x128xf32, #tpu.memory_space<vmem>>, vector<16xf32>,
        %get3A_647 = arith.index_cast %add3A_613 : i32 to index
        %get3A_648 = arith.constant 48 : index
        %get3A_649 = tpu.vector_load %arg19[%get3A_647, %get3A_648] {strides = array<i32>} : memref<32x128xf32, #tpu.memory_space<vmem>>, vector<16xf32>,
        %get3A_650 = arith.index_cast %add3A_613 : i32 to index
        %get3A_651 = arith.constant 64 : index
        %get3A_652 = tpu.vector_load %arg19[%get3A_650, %get3A_651] {strides = array<i32>} : memref<32x128xf32, #tpu.memory_space<vmem>>, vector<16xf32>,
        %get3A_653 = arith.index_cast %add3A_613 : i32 to index
        %get3A_654 = arith.constant 80 : index
        %get3A_655 = tpu.vector_load %arg19[%get3A_653, %get3A_654] {strides = array<i32>} : memref<32x128xf32, #tpu.memory_space<vmem>>, vector<16xf32>,
        %get3A_656 = arith.index_cast %add3A_613 : i32 to index
        %get3A_657 = arith.constant 96 : index
        %get3A_658 = tpu.vector_load %arg19[%get3A_656, %get3A_657] {strides = array<i32>} : memref<32x128xf32, #tpu.memory_space<vmem>>, vector<16xf32>,
        %get3A_659 = arith.index_cast %add3A_613 : i32 to index
        %get3A_660 = arith.constant 112 : index
        %get3A_661 = tpu.vector_load %arg19[%get3A_659, %get3A_660] {strides = array<i32>} : memref<32x128xf32, #tpu.memory_space<vmem>>, vector<16xf32>,
        %mul3A_662 = arith.mulf %get3A_616, %get3A_640 : vector<16xf32>
        %mul3A_663 = arith.mulf %get3A_619, %get3A_643 : vector<16xf32>
        %add3A_664 = arith.addf %mul3A_662, %mul3A_663 : vector<16xf32>
        %mul3A_665 = arith.mulf %get3A_622, %get3A_646 : vector<16xf32>
        %add3A_666 = arith.addf %add3A_664, %mul3A_665 : vector<16xf32>
        %mul3A_667 = arith.mulf %get3A_625, %get3A_649 : vector<16xf32>
        %add3A_668 = arith.addf %add3A_666, %mul3A_667 : vector<16xf32>
        %mul3A_669 = arith.mulf %get3A_628, %get3A_652 : vector<16xf32>
        %add3A_670 = arith.addf %add3A_668, %mul3A_669 : vector<16xf32>
        %mul3A_671 = arith.mulf %get3A_631, %get3A_655 : vector<16xf32>
        %add3A_672 = arith.addf %add3A_670, %mul3A_671 : vector<16xf32>
        %mul3A_673 = arith.mulf %get3A_634, %get3A_658 : vector<16xf32>
        %add3A_674 = arith.addf %add3A_672, %mul3A_673 : vector<16xf32>
        %mul3A_675 = arith.mulf %get3A_637, %get3A_661 : vector<16xf32>
        %add3A_676 = arith.addf %add3A_674, %mul3A_675 : vector<16xf32>
        %reduce_sum3A_677 = arith.constant true
        %reduce_sum3A_678 = vector.broadcast %reduce_sum3A_677 : i1 to vector<16xi1>
        %reduce_sum3A_679 = tpu.scan <sum>, %add3A_676 masked %reduce_sum3A_678 : vector<16xf32>, vector<16xi1> -> vector<16xf32>
        %reduce_sum3A_680 = vector.extract %reduce_sum3A_679[15] : f32 from vector<16xf32>
        %broadcast_in_dim3A_681 = vector.broadcast %reduce_sum3A_680 : f32 to vector<16xf32>
        %exp3A_682 = math.exp %broadcast_in_dim3A_681 : vector<16xf32>
        %swap3A_683 = arith.index_cast %add3A_613 : i32 to index
        %swap3A_684 = arith.constant 0 : index
        %swap3A_685 = tpu.vector_load %arg21[%swap3A_683, %swap3A_684] {strides = array<i32>} : memref<32x16xf32, #tpu.memory_space<vmem>>, vector<16xf32>,
        tpu.vector_store %arg21[%swap3A_683, %swap3A_684], %exp3A_682 {strides = array<i32>} : memref<32x16xf32, #tpu.memory_space<vmem>>, vector<16xf32>,
        %mul3A_686 = arith.mulf %get3A_616, %exp3A_682 : vector<16xf32>
        %swap3A_687 = arith.index_cast %add3A_613 : i32 to index
        %swap3A_688 = arith.constant 0 : index
        %swap3A_689 = tpu.vector_load %arg17[%swap3A_687, %swap3A_688] {strides = array<i32>} : memref<32x128xf32, #tpu.memory_space<vmem>>, vector<16xf32>,
        tpu.vector_store %arg17[%swap3A_687, %swap3A_688], %mul3A_686 {strides = array<i32>} : memref<32x128xf32, #tpu.memory_space<vmem>>, vector<16xf32>,
        %mul3A_690 = arith.mulf %get3A_619, %exp3A_682 : vector<16xf32>
        %swap3A_691 = arith.index_cast %add3A_613 : i32 to index
        %swap3A_692 = arith.constant 16 : index
        %swap3A_693 = tpu.vector_load %arg17[%swap3A_691, %swap3A_692] {strides = array<i32>} : memref<32x128xf32, #tpu.memory_space<vmem>>, vector<16xf32>,
        tpu.vector_store %arg17[%swap3A_691, %swap3A_692], %mul3A_690 {strides = array<i32>} : memref<32x128xf32, #tpu.memory_space<vmem>>, vector<16xf32>,
        %mul3A_694 = arith.mulf %get3A_622, %exp3A_682 : vector<16xf32>
        %swap3A_695 = arith.index_cast %add3A_613 : i32 to index
        %swap3A_696 = arith.constant 32 : index
        %swap3A_697 = tpu.vector_load %arg17[%swap3A_695, %swap3A_696] {strides = array<i32>} : memref<32x128xf32, #tpu.memory_space<vmem>>, vector<16xf32>,
        tpu.vector_store %arg17[%swap3A_695, %swap3A_696], %mul3A_694 {strides = array<i32>} : memref<32x128xf32, #tpu.memory_space<vmem>>, vector<16xf32>,
        %mul3A_698 = arith.mulf %get3A_625, %exp3A_682 : vector<16xf32>
        %swap3A_699 = arith.index_cast %add3A_613 : i32 to index
        %swap3A_700 = arith.constant 48 : index
        %swap3A_701 = tpu.vector_load %arg17[%swap3A_699, %swap3A_700] {strides = array<i32>} : memref<32x128xf32, #tpu.memory_space<vmem>>, vector<16xf32>,
        tpu.vector_store %arg17[%swap3A_699, %swap3A_700], %mul3A_698 {strides = array<i32>} : memref<32x128xf32, #tpu.memory_space<vmem>>, vector<16xf32>,
        %mul3A_702 = arith.mulf %get3A_628, %exp3A_682 : vector<16xf32>
        %swap3A_703 = arith.index_cast %add3A_613 : i32 to index
        %swap3A_704 = arith.constant 64 : index
        %swap3A_705 = tpu.vector_load %arg17[%swap3A_703, %swap3A_704] {strides = array<i32>} : memref<32x128xf32, #tpu.memory_space<vmem>>, vector<16xf32>,
        tpu.vector_store %arg17[%swap3A_703, %swap3A_704], %mul3A_702 {strides = array<i32>} : memref<32x128xf32, #tpu.memory_space<vmem>>, vector<16xf32>,
        %mul3A_706 = arith.mulf %get3A_631, %exp3A_682 : vector<16xf32>
        %swap3A_707 = arith.index_cast %add3A_613 : i32 to index
        %swap3A_708 = arith.constant 80 : index
        %swap3A_709 = tpu.vector_load %arg17[%swap3A_707, %swap3A_708] {strides = array<i32>} : memref<32x128xf32, #tpu.memory_space<vmem>>, vector<16xf32>,
        tpu.vector_store %arg17[%swap3A_707, %swap3A_708], %mul3A_706 {strides = array<i32>} : memref<32x128xf32, #tpu.memory_space<vmem>>, vector<16xf32>,
        %mul3A_710 = arith.mulf %get3A_634, %exp3A_682 : vector<16xf32>
        %swap3A_711 = arith.index_cast %add3A_613 : i32 to index
        %swap3A_712 = arith.constant 96 : index
        %swap3A_713 = tpu.vector_load %arg17[%swap3A_711, %swap3A_712] {strides = array<i32>} : memref<32x128xf32, #tpu.memory_space<vmem>>, vector<16xf32>,
        tpu.vector_store %arg17[%swap3A_711, %swap3A_712], %mul3A_710 {strides = array<i32>} : memref<32x128xf32, #tpu.memory_space<vmem>>, vector<16xf32>,
        %mul3A_714 = arith.mulf %get3A_637, %exp3A_682 : vector<16xf32>
        %swap3A_715 = arith.index_cast %add3A_613 : i32 to index
        %swap3A_716 = arith.constant 112 : index
        %swap3A_717 = tpu.vector_load %arg17[%swap3A_715, %swap3A_716] {strides = array<i32>} : memref<32x128xf32, #tpu.memory_space<vmem>>, vector<16xf32>,
        tpu.vector_store %arg17[%swap3A_715, %swap3A_716], %mul3A_714 {strides = array<i32>} : memref<32x128xf32, #tpu.memory_space<vmem>>, vector<16xf32>,
        %scan3A_718 = arith.constant 5 : i32
        %scan3A_719 = arith.addi %scan3A_171, %scan3A_718 : i32
        %mul3A_720 = arith.constant 1 : i32
        %mul3A_721 = arith.muli %scan3A_719, %mul3A_720 : i32
        %add3A_722 = arith.constant 0 : i32
        %add3A_723 = arith.addi %add3A_722, %mul3A_721 : i32
        %get3A_724 = arith.index_cast %add3A_723 : i32 to index
        %get3A_725 = arith.constant 0 : index
        %get3A_726 = tpu.vector_load %arg17[%get3A_724, %get3A_725] {strides = array<i32>} : memref<32x128xf32, #tpu.memory_space<vmem>>, vector<16xf32>,
        %get3A_727 = arith.index_cast %add3A_723 : i32 to index
        %get3A_728 = arith.constant 16 : index
        %get3A_729 = tpu.vector_load %arg17[%get3A_727, %get3A_728] {strides = array<i32>} : memref<32x128xf32, #tpu.memory_space<vmem>>, vector<16xf32>,
        %get3A_730 = arith.index_cast %add3A_723 : i32 to index
        %get3A_731 = arith.constant 32 : index
        %get3A_732 = tpu.vector_load %arg17[%get3A_730, %get3A_731] {strides = array<i32>} : memref<32x128xf32, #tpu.memory_space<vmem>>, vector<16xf32>,
        %get3A_733 = arith.index_cast %add3A_723 : i32 to index
        %get3A_734 = arith.constant 48 : index
        %get3A_735 = tpu.vector_load %arg17[%get3A_733, %get3A_734] {strides = array<i32>} : memref<32x128xf32, #tpu.memory_space<vmem>>, vector<16xf32>,
        %get3A_736 = arith.index_cast %add3A_723 : i32 to index
        %get3A_737 = arith.constant 64 : index
        %get3A_738 = tpu.vector_load %arg17[%get3A_736, %get3A_737] {strides = array<i32>} : memref<32x128xf32, #tpu.memory_space<vmem>>, vector<16xf32>,
        %get3A_739 = arith.index_cast %add3A_723 : i32 to index
        %get3A_740 = arith.constant 80 : index
        %get3A_741 = tpu.vector_load %arg17[%get3A_739, %get3A_740] {strides = array<i32>} : memref<32x128xf32, #tpu.memory_space<vmem>>, vector<16xf32>,
        %get3A_742 = arith.index_cast %add3A_723 : i32 to index
        %get3A_743 = arith.constant 96 : index
        %get3A_744 = tpu.vector_load %arg17[%get3A_742, %get3A_743] {strides = array<i32>} : memref<32x128xf32, #tpu.memory_space<vmem>>, vector<16xf32>,
        %get3A_745 = arith.index_cast %add3A_723 : i32 to index
        %get3A_746 = arith.constant 112 : index
        %get3A_747 = tpu.vector_load %arg17[%get3A_745, %get3A_746] {strides = array<i32>} : memref<32x128xf32, #tpu.memory_space<vmem>>, vector<16xf32>,
        %get3A_748 = arith.index_cast %add3A_723 : i32 to index
        %get3A_749 = arith.constant 0 : index
        %get3A_750 = tpu.vector_load %arg19[%get3A_748, %get3A_749] {strides = array<i32>} : memref<32x128xf32, #tpu.memory_space<vmem>>, vector<16xf32>,
        %get3A_751 = arith.index_cast %add3A_723 : i32 to index
        %get3A_752 = arith.constant 16 : index
        %get3A_753 = tpu.vector_load %arg19[%get3A_751, %get3A_752] {strides = array<i32>} : memref<32x128xf32, #tpu.memory_space<vmem>>, vector<16xf32>,
        %get3A_754 = arith.index_cast %add3A_723 : i32 to index
        %get3A_755 = arith.constant 32 : index
        %get3A_756 = tpu.vector_load %arg19[%get3A_754, %get3A_755] {strides = array<i32>} : memref<32x128xf32, #tpu.memory_space<vmem>>, vector<16xf32>,
        %get3A_757 = arith.index_cast %add3A_723 : i32 to index
        %get3A_758 = arith.constant 48 : index
        %get3A_759 = tpu.vector_load %arg19[%get3A_757, %get3A_758] {strides = array<i32>} : memref<32x128xf32, #tpu.memory_space<vmem>>, vector<16xf32>,
        %get3A_760 = arith.index_cast %add3A_723 : i32 to index
        %get3A_761 = arith.constant 64 : index
        %get3A_762 = tpu.vector_load %arg19[%get3A_760, %get3A_761] {strides = array<i32>} : memref<32x128xf32, #tpu.memory_space<vmem>>, vector<16xf32>,
        %get3A_763 = arith.index_cast %add3A_723 : i32 to index
        %get3A_764 = arith.constant 80 : index
        %get3A_765 = tpu.vector_load %arg19[%get3A_763, %get3A_764] {strides = array<i32>} : memref<32x128xf32, #tpu.memory_space<vmem>>, vector<16xf32>,
        %get3A_766 = arith.index_cast %add3A_723 : i32 to index
        %get3A_767 = arith.constant 96 : index
        %get3A_768 = tpu.vector_load %arg19[%get3A_766, %get3A_767] {strides = array<i32>} : memref<32x128xf32, #tpu.memory_space<vmem>>, vector<16xf32>,
        %get3A_769 = arith.index_cast %add3A_723 : i32 to index
        %get3A_770 = arith.constant 112 : index
        %get3A_771 = tpu.vector_load %arg19[%get3A_769, %get3A_770] {strides = array<i32>} : memref<32x128xf32, #tpu.memory_space<vmem>>, vector<16xf32>,
        %mul3A_772 = arith.mulf %get3A_726, %get3A_750 : vector<16xf32>
        %mul3A_773 = arith.mulf %get3A_729, %get3A_753 : vector<16xf32>
        %add3A_774 = arith.addf %mul3A_772, %mul3A_773 : vector<16xf32>
        %mul3A_775 = arith.mulf %get3A_732, %get3A_756 : vector<16xf32>
        %add3A_776 = arith.addf %add3A_774, %mul3A_775 : vector<16xf32>
        %mul3A_777 = arith.mulf %get3A_735, %get3A_759 : vector<16xf32>
        %add3A_778 = arith.addf %add3A_776, %mul3A_777 : vector<16xf32>
        %mul3A_779 = arith.mulf %get3A_738, %get3A_762 : vector<16xf32>
        %add3A_780 = arith.addf %add3A_778, %mul3A_779 : vector<16xf32>
        %mul3A_781 = arith.mulf %get3A_741, %get3A_765 : vector<16xf32>
        %add3A_782 = arith.addf %add3A_780, %mul3A_781 : vector<16xf32>
        %mul3A_783 = arith.mulf %get3A_744, %get3A_768 : vector<16xf32>
        %add3A_784 = arith.addf %add3A_782, %mul3A_783 : vector<16xf32>
        %mul3A_785 = arith.mulf %get3A_747, %get3A_771 : vector<16xf32>
        %add3A_786 = arith.addf %add3A_784, %mul3A_785 : vector<16xf32>
        %reduce_sum3A_787 = arith.constant true
        %reduce_sum3A_788 = vector.broadcast %reduce_sum3A_787 : i1 to vector<16xi1>
        %reduce_sum3A_789 = tpu.scan <sum>, %add3A_786 masked %reduce_sum3A_788 : vector<16xf32>, vector<16xi1> -> vector<16xf32>
        %reduce_sum3A_790 = vector.extract %reduce_sum3A_789[15] : f32 from vector<16xf32>
        %broadcast_in_dim3A_791 = vector.broadcast %reduce_sum3A_790 : f32 to vector<16xf32>
        %exp3A_792 = math.exp %broadcast_in_dim3A_791 : vector<16xf32>
        %swap3A_793 = arith.index_cast %add3A_723 : i32 to index
        %swap3A_794 = arith.constant 0 : index
        %swap3A_795 = tpu.vector_load %arg21[%swap3A_793, %swap3A_794] {strides = array<i32>} : memref<32x16xf32, #tpu.memory_space<vmem>>, vector<16xf32>,
        tpu.vector_store %arg21[%swap3A_793, %swap3A_794], %exp3A_792 {strides = array<i32>} : memref<32x16xf32, #tpu.memory_space<vmem>>, vector<16xf32>,
        %mul3A_796 = arith.mulf %get3A_726, %exp3A_792 : vector<16xf32>
        %swap3A_797 = arith.index_cast %add3A_723 : i32 to index
        %swap3A_798 = arith.constant 0 : index
        %swap3A_799 = tpu.vector_load %arg17[%swap3A_797, %swap3A_798] {strides = array<i32>} : memref<32x128xf32, #tpu.memory_space<vmem>>, vector<16xf32>,
        tpu.vector_store %arg17[%swap3A_797, %swap3A_798], %mul3A_796 {strides = array<i32>} : memref<32x128xf32, #tpu.memory_space<vmem>>, vector<16xf32>,
        %mul3A_800 = arith.mulf %get3A_729, %exp3A_792 : vector<16xf32>
        %swap3A_801 = arith.index_cast %add3A_723 : i32 to index
        %swap3A_802 = arith.constant 16 : index
        %swap3A_803 = tpu.vector_load %arg17[%swap3A_801, %swap3A_802] {strides = array<i32>} : memref<32x128xf32, #tpu.memory_space<vmem>>, vector<16xf32>,
        tpu.vector_store %arg17[%swap3A_801, %swap3A_802], %mul3A_800 {strides = array<i32>} : memref<32x128xf32, #tpu.memory_space<vmem>>, vector<16xf32>,
        %mul3A_804 = arith.mulf %get3A_732, %exp3A_792 : vector<16xf32>
        %swap3A_805 = arith.index_cast %add3A_723 : i32 to index
        %swap3A_806 = arith.constant 32 : index
        %swap3A_807 = tpu.vector_load %arg17[%swap3A_805, %swap3A_806] {strides = array<i32>} : memref<32x128xf32, #tpu.memory_space<vmem>>, vector<16xf32>,
        tpu.vector_store %arg17[%swap3A_805, %swap3A_806], %mul3A_804 {strides = array<i32>} : memref<32x128xf32, #tpu.memory_space<vmem>>, vector<16xf32>,
        %mul3A_808 = arith.mulf %get3A_735, %exp3A_792 : vector<16xf32>
        %swap3A_809 = arith.index_cast %add3A_723 : i32 to index
        %swap3A_810 = arith.constant 48 : index
        %swap3A_811 = tpu.vector_load %arg17[%swap3A_809, %swap3A_810] {strides = array<i32>} : memref<32x128xf32, #tpu.memory_space<vmem>>, vector<16xf32>,
        tpu.vector_store %arg17[%swap3A_809, %swap3A_810], %mul3A_808 {strides = array<i32>} : memref<32x128xf32, #tpu.memory_space<vmem>>, vector<16xf32>,
        %mul3A_812 = arith.mulf %get3A_738, %exp3A_792 : vector<16xf32>
        %swap3A_813 = arith.index_cast %add3A_723 : i32 to index
        %swap3A_814 = arith.constant 64 : index
        %swap3A_815 = tpu.vector_load %arg17[%swap3A_813, %swap3A_814] {strides = array<i32>} : memref<32x128xf32, #tpu.memory_space<vmem>>, vector<16xf32>,
        tpu.vector_store %arg17[%swap3A_813, %swap3A_814], %mul3A_812 {strides = array<i32>} : memref<32x128xf32, #tpu.memory_space<vmem>>, vector<16xf32>,
        %mul3A_816 = arith.mulf %get3A_741, %exp3A_792 : vector<16xf32>
        %swap3A_817 = arith.index_cast %add3A_723 : i32 to index
        %swap3A_818 = arith.constant 80 : index
        %swap3A_819 = tpu.vector_load %arg17[%swap3A_817, %swap3A_818] {strides = array<i32>} : memref<32x128xf32, #tpu.memory_space<vmem>>, vector<16xf32>,
        tpu.vector_store %arg17[%swap3A_817, %swap3A_818], %mul3A_816 {strides = array<i32>} : memref<32x128xf32, #tpu.memory_space<vmem>>, vector<16xf32>,
        %mul3A_820 = arith.mulf %get3A_744, %exp3A_792 : vector<16xf32>
        %swap3A_821 = arith.index_cast %add3A_723 : i32 to index
        %swap3A_822 = arith.constant 96 : index
        %swap3A_823 = tpu.vector_load %arg17[%swap3A_821, %swap3A_822] {strides = array<i32>} : memref<32x128xf32, #tpu.memory_space<vmem>>, vector<16xf32>,
        tpu.vector_store %arg17[%swap3A_821, %swap3A_822], %mul3A_820 {strides = array<i32>} : memref<32x128xf32, #tpu.memory_space<vmem>>, vector<16xf32>,
        %mul3A_824 = arith.mulf %get3A_747, %exp3A_792 : vector<16xf32>
        %swap3A_825 = arith.index_cast %add3A_723 : i32 to index
        %swap3A_826 = arith.constant 112 : index
        %swap3A_827 = tpu.vector_load %arg17[%swap3A_825, %swap3A_826] {strides = array<i32>} : memref<32x128xf32, #tpu.memory_space<vmem>>, vector<16xf32>,
        tpu.vector_store %arg17[%swap3A_825, %swap3A_826], %mul3A_824 {strides = array<i32>} : memref<32x128xf32, #tpu.memory_space<vmem>>, vector<16xf32>,
        %scan3A_828 = arith.constant 6 : i32
        %scan3A_829 = arith.addi %scan3A_171, %scan3A_828 : i32
        %mul3A_830 = arith.constant 1 : i32
        %mul3A_831 = arith.muli %scan3A_829, %mul3A_830 : i32
        %add3A_832 = arith.constant 0 : i32
        %add3A_833 = arith.addi %add3A_832, %mul3A_831 : i32
        %get3A_834 = arith.index_cast %add3A_833 : i32 to index
        %get3A_835 = arith.constant 0 : index
        %get3A_836 = tpu.vector_load %arg17[%get3A_834, %get3A_835] {strides = array<i32>} : memref<32x128xf32, #tpu.memory_space<vmem>>, vector<16xf32>,
        %get3A_837 = arith.index_cast %add3A_833 : i32 to index
        %get3A_838 = arith.constant 16 : index
        %get3A_839 = tpu.vector_load %arg17[%get3A_837, %get3A_838] {strides = array<i32>} : memref<32x128xf32, #tpu.memory_space<vmem>>, vector<16xf32>,
        %get3A_840 = arith.index_cast %add3A_833 : i32 to index
        %get3A_841 = arith.constant 32 : index
        %get3A_842 = tpu.vector_load %arg17[%get3A_840, %get3A_841] {strides = array<i32>} : memref<32x128xf32, #tpu.memory_space<vmem>>, vector<16xf32>,
        %get3A_843 = arith.index_cast %add3A_833 : i32 to index
        %get3A_844 = arith.constant 48 : index
        %get3A_845 = tpu.vector_load %arg17[%get3A_843, %get3A_844] {strides = array<i32>} : memref<32x128xf32, #tpu.memory_space<vmem>>, vector<16xf32>,
        %get3A_846 = arith.index_cast %add3A_833 : i32 to index
        %get3A_847 = arith.constant 64 : index
        %get3A_848 = tpu.vector_load %arg17[%get3A_846, %get3A_847] {strides = array<i32>} : memref<32x128xf32, #tpu.memory_space<vmem>>, vector<16xf32>,
        %get3A_849 = arith.index_cast %add3A_833 : i32 to index
        %get3A_850 = arith.constant 80 : index
        %get3A_851 = tpu.vector_load %arg17[%get3A_849, %get3A_850] {strides = array<i32>} : memref<32x128xf32, #tpu.memory_space<vmem>>, vector<16xf32>,
        %get3A_852 = arith.index_cast %add3A_833 : i32 to index
        %get3A_853 = arith.constant 96 : index
        %get3A_854 = tpu.vector_load %arg17[%get3A_852, %get3A_853] {strides = array<i32>} : memref<32x128xf32, #tpu.memory_space<vmem>>, vector<16xf32>,
        %get3A_855 = arith.index_cast %add3A_833 : i32 to index
        %get3A_856 = arith.constant 112 : index
        %get3A_857 = tpu.vector_load %arg17[%get3A_855, %get3A_856] {strides = array<i32>} : memref<32x128xf32, #tpu.memory_space<vmem>>, vector<16xf32>,
        %get3A_858 = arith.index_cast %add3A_833 : i32 to index
        %get3A_859 = arith.constant 0 : index
        %get3A_860 = tpu.vector_load %arg19[%get3A_858, %get3A_859] {strides = array<i32>} : memref<32x128xf32, #tpu.memory_space<vmem>>, vector<16xf32>,
        %get3A_861 = arith.index_cast %add3A_833 : i32 to index
        %get3A_862 = arith.constant 16 : index
        %get3A_863 = tpu.vector_load %arg19[%get3A_861, %get3A_862] {strides = array<i32>} : memref<32x128xf32, #tpu.memory_space<vmem>>, vector<16xf32>,
        %get3A_864 = arith.index_cast %add3A_833 : i32 to index
        %get3A_865 = arith.constant 32 : index
        %get3A_866 = tpu.vector_load %arg19[%get3A_864, %get3A_865] {strides = array<i32>} : memref<32x128xf32, #tpu.memory_space<vmem>>, vector<16xf32>,
        %get3A_867 = arith.index_cast %add3A_833 : i32 to index
        %get3A_868 = arith.constant 48 : index
        %get3A_869 = tpu.vector_load %arg19[%get3A_867, %get3A_868] {strides = array<i32>} : memref<32x128xf32, #tpu.memory_space<vmem>>, vector<16xf32>,
        %get3A_870 = arith.index_cast %add3A_833 : i32 to index
        %get3A_871 = arith.constant 64 : index
        %get3A_872 = tpu.vector_load %arg19[%get3A_870, %get3A_871] {strides = array<i32>} : memref<32x128xf32, #tpu.memory_space<vmem>>, vector<16xf32>,
        %get3A_873 = arith.index_cast %add3A_833 : i32 to index
        %get3A_874 = arith.constant 80 : index
        %get3A_875 = tpu.vector_load %arg19[%get3A_873, %get3A_874] {strides = array<i32>} : memref<32x128xf32, #tpu.memory_space<vmem>>, vector<16xf32>,
        %get3A_876 = arith.index_cast %add3A_833 : i32 to index
        %get3A_877 = arith.constant 96 : index
        %get3A_878 = tpu.vector_load %arg19[%get3A_876, %get3A_877] {strides = array<i32>} : memref<32x128xf32, #tpu.memory_space<vmem>>, vector<16xf32>,
        %get3A_879 = arith.index_cast %add3A_833 : i32 to index
        %get3A_880 = arith.constant 112 : index
        %get3A_881 = tpu.vector_load %arg19[%get3A_879, %get3A_880] {strides = array<i32>} : memref<32x128xf32, #tpu.memory_space<vmem>>, vector<16xf32>,
        %mul3A_882 = arith.mulf %get3A_836, %get3A_860 : vector<16xf32>
        %mul3A_883 = arith.mulf %get3A_839, %get3A_863 : vector<16xf32>
        %add3A_884 = arith.addf %mul3A_882, %mul3A_883 : vector<16xf32>
        %mul3A_885 = arith.mulf %get3A_842, %get3A_866 : vector<16xf32>
        %add3A_886 = arith.addf %add3A_884, %mul3A_885 : vector<16xf32>
        %mul3A_887 = arith.mulf %get3A_845, %get3A_869 : vector<16xf32>
        %add3A_888 = arith.addf %add3A_886, %mul3A_887 : vector<16xf32>
        %mul3A_889 = arith.mulf %get3A_848, %get3A_872 : vector<16xf32>
        %add3A_890 = arith.addf %add3A_888, %mul3A_889 : vector<16xf32>
        %mul3A_891 = arith.mulf %get3A_851, %get3A_875 : vector<16xf32>
        %add3A_892 = arith.addf %add3A_890, %mul3A_891 : vector<16xf32>
        %mul3A_893 = arith.mulf %get3A_854, %get3A_878 : vector<16xf32>
        %add3A_894 = arith.addf %add3A_892, %mul3A_893 : vector<16xf32>
        %mul3A_895 = arith.mulf %get3A_857, %get3A_881 : vector<16xf32>
        %add3A_896 = arith.addf %add3A_894, %mul3A_895 : vector<16xf32>
        %reduce_sum3A_897 = arith.constant true
        %reduce_sum3A_898 = vector.broadcast %reduce_sum3A_897 : i1 to vector<16xi1>
        %reduce_sum3A_899 = tpu.scan <sum>, %add3A_896 masked %reduce_sum3A_898 : vector<16xf32>, vector<16xi1> -> vector<16xf32>
        %reduce_sum3A_900 = vector.extract %reduce_sum3A_899[15] : f32 from vector<16xf32>
        %broadcast_in_dim3A_901 = vector.broadcast %reduce_sum3A_900 : f32 to vector<16xf32>
        %exp3A_902 = math.exp %broadcast_in_dim3A_901 : vector<16xf32>
        %swap3A_903 = arith.index_cast %add3A_833 : i32 to index
        %swap3A_904 = arith.constant 0 : index
        %swap3A_905 = tpu.vector_load %arg21[%swap3A_903, %swap3A_904] {strides = array<i32>} : memref<32x16xf32, #tpu.memory_space<vmem>>, vector<16xf32>,
        tpu.vector_store %arg21[%swap3A_903, %swap3A_904], %exp3A_902 {strides = array<i32>} : memref<32x16xf32, #tpu.memory_space<vmem>>, vector<16xf32>,
        %mul3A_906 = arith.mulf %get3A_836, %exp3A_902 : vector<16xf32>
        %swap3A_907 = arith.index_cast %add3A_833 : i32 to index
        %swap3A_908 = arith.constant 0 : index
        %swap3A_909 = tpu.vector_load %arg17[%swap3A_907, %swap3A_908] {strides = array<i32>} : memref<32x128xf32, #tpu.memory_space<vmem>>, vector<16xf32>,
        tpu.vector_store %arg17[%swap3A_907, %swap3A_908], %mul3A_906 {strides = array<i32>} : memref<32x128xf32, #tpu.memory_space<vmem>>, vector<16xf32>,
        %mul3A_910 = arith.mulf %get3A_839, %exp3A_902 : vector<16xf32>
        %swap3A_911 = arith.index_cast %add3A_833 : i32 to index
        %swap3A_912 = arith.constant 16 : index
        %swap3A_913 = tpu.vector_load %arg17[%swap3A_911, %swap3A_912] {strides = array<i32>} : memref<32x128xf32, #tpu.memory_space<vmem>>, vector<16xf32>,
        tpu.vector_store %arg17[%swap3A_911, %swap3A_912], %mul3A_910 {strides = array<i32>} : memref<32x128xf32, #tpu.memory_space<vmem>>, vector<16xf32>,
        %mul3A_914 = arith.mulf %get3A_842, %exp3A_902 : vector<16xf32>
        %swap3A_915 = arith.index_cast %add3A_833 : i32 to index
        %swap3A_916 = arith.constant 32 : index
        %swap3A_917 = tpu.vector_load %arg17[%swap3A_915, %swap3A_916] {strides = array<i32>} : memref<32x128xf32, #tpu.memory_space<vmem>>, vector<16xf32>,
        tpu.vector_store %arg17[%swap3A_915, %swap3A_916], %mul3A_914 {strides = array<i32>} : memref<32x128xf32, #tpu.memory_space<vmem>>, vector<16xf32>,
        %mul3A_918 = arith.mulf %get3A_845, %exp3A_902 : vector<16xf32>
        %swap3A_919 = arith.index_cast %add3A_833 : i32 to index
        %swap3A_920 = arith.constant 48 : index
        %swap3A_921 = tpu.vector_load %arg17[%swap3A_919, %swap3A_920] {strides = array<i32>} : memref<32x128xf32, #tpu.memory_space<vmem>>, vector<16xf32>,
        tpu.vector_store %arg17[%swap3A_919, %swap3A_920], %mul3A_918 {strides = array<i32>} : memref<32x128xf32, #tpu.memory_space<vmem>>, vector<16xf32>,
        %mul3A_922 = arith.mulf %get3A_848, %exp3A_902 : vector<16xf32>
        %swap3A_923 = arith.index_cast %add3A_833 : i32 to index
        %swap3A_924 = arith.constant 64 : index
        %swap3A_925 = tpu.vector_load %arg17[%swap3A_923, %swap3A_924] {strides = array<i32>} : memref<32x128xf32, #tpu.memory_space<vmem>>, vector<16xf32>,
        tpu.vector_store %arg17[%swap3A_923, %swap3A_924], %mul3A_922 {strides = array<i32>} : memref<32x128xf32, #tpu.memory_space<vmem>>, vector<16xf32>,
        %mul3A_926 = arith.mulf %get3A_851, %exp3A_902 : vector<16xf32>
        %swap3A_927 = arith.index_cast %add3A_833 : i32 to index
        %swap3A_928 = arith.constant 80 : index
        %swap3A_929 = tpu.vector_load %arg17[%swap3A_927, %swap3A_928] {strides = array<i32>} : memref<32x128xf32, #tpu.memory_space<vmem>>, vector<16xf32>,
        tpu.vector_store %arg17[%swap3A_927, %swap3A_928], %mul3A_926 {strides = array<i32>} : memref<32x128xf32, #tpu.memory_space<vmem>>, vector<16xf32>,
        %mul3A_930 = arith.mulf %get3A_854, %exp3A_902 : vector<16xf32>
        %swap3A_931 = arith.index_cast %add3A_833 : i32 to index
        %swap3A_932 = arith.constant 96 : index
        %swap3A_933 = tpu.vector_load %arg17[%swap3A_931, %swap3A_932] {strides = array<i32>} : memref<32x128xf32, #tpu.memory_space<vmem>>, vector<16xf32>,
        tpu.vector_store %arg17[%swap3A_931, %swap3A_932], %mul3A_930 {strides = array<i32>} : memref<32x128xf32, #tpu.memory_space<vmem>>, vector<16xf32>,
        %mul3A_934 = arith.mulf %get3A_857, %exp3A_902 : vector<16xf32>
        %swap3A_935 = arith.index_cast %add3A_833 : i32 to index
        %swap3A_936 = arith.constant 112 : index
        %swap3A_937 = tpu.vector_load %arg17[%swap3A_935, %swap3A_936] {strides = array<i32>} : memref<32x128xf32, #tpu.memory_space<vmem>>, vector<16xf32>,
        tpu.vector_store %arg17[%swap3A_935, %swap3A_936], %mul3A_934 {strides = array<i32>} : memref<32x128xf32, #tpu.memory_space<vmem>>, vector<16xf32>,
        %scan3A_938 = arith.constant 7 : i32
        %scan3A_939 = arith.addi %scan3A_171, %scan3A_938 : i32
        %mul3A_940 = arith.constant 1 : i32
        %mul3A_941 = arith.muli %scan3A_939, %mul3A_940 : i32
        %add3A_942 = arith.constant 0 : i32
        %add3A_943 = arith.addi %add3A_942, %mul3A_941 : i32
        %get3A_944 = arith.index_cast %add3A_943 : i32 to index
        %get3A_945 = arith.constant 0 : index
        %get3A_946 = tpu.vector_load %arg17[%get3A_944, %get3A_945] {strides = array<i32>} : memref<32x128xf32, #tpu.memory_space<vmem>>, vector<16xf32>,
        %get3A_947 = arith.index_cast %add3A_943 : i32 to index
        %get3A_948 = arith.constant 16 : index
        %get3A_949 = tpu.vector_load %arg17[%get3A_947, %get3A_948] {strides = array<i32>} : memref<32x128xf32, #tpu.memory_space<vmem>>, vector<16xf32>,
        %get3A_950 = arith.index_cast %add3A_943 : i32 to index
        %get3A_951 = arith.constant 32 : index
        %get3A_952 = tpu.vector_load %arg17[%get3A_950, %get3A_951] {strides = array<i32>} : memref<32x128xf32, #tpu.memory_space<vmem>>, vector<16xf32>,
        %get3A_953 = arith.index_cast %add3A_943 : i32 to index
        %get3A_954 = arith.constant 48 : index
        %get3A_955 = tpu.vector_load %arg17[%get3A_953, %get3A_954] {strides = array<i32>} : memref<32x128xf32, #tpu.memory_space<vmem>>, vector<16xf32>,
        %get3A_956 = arith.index_cast %add3A_943 : i32 to index
        %get3A_957 = arith.constant 64 : index
        %get3A_958 = tpu.vector_load %arg17[%get3A_956, %get3A_957] {strides = array<i32>} : memref<32x128xf32, #tpu.memory_space<vmem>>, vector<16xf32>,
        %get3A_959 = arith.index_cast %add3A_943 : i32 to index
        %get3A_960 = arith.constant 80 : index
        %get3A_961 = tpu.vector_load %arg17[%get3A_959, %get3A_960] {strides = array<i32>} : memref<32x128xf32, #tpu.memory_space<vmem>>, vector<16xf32>,
        %get3A_962 = arith.index_cast %add3A_943 : i32 to index
        %get3A_963 = arith.constant 96 : index
        %get3A_964 = tpu.vector_load %arg17[%get3A_962, %get3A_963] {strides = array<i32>} : memref<32x128xf32, #tpu.memory_space<vmem>>, vector<16xf32>,
        %get3A_965 = arith.index_cast %add3A_943 : i32 to index
        %get3A_966 = arith.constant 112 : index
        %get3A_967 = tpu.vector_load %arg17[%get3A_965, %get3A_966] {strides = array<i32>} : memref<32x128xf32, #tpu.memory_space<vmem>>, vector<16xf32>,
        %get3A_968 = arith.index_cast %add3A_943 : i32 to index
        %get3A_969 = arith.constant 0 : index
        %get3A_970 = tpu.vector_load %arg19[%get3A_968, %get3A_969] {strides = array<i32>} : memref<32x128xf32, #tpu.memory_space<vmem>>, vector<16xf32>,
        %get3A_971 = arith.index_cast %add3A_943 : i32 to index
        %get3A_972 = arith.constant 16 : index
        %get3A_973 = tpu.vector_load %arg19[%get3A_971, %get3A_972] {strides = array<i32>} : memref<32x128xf32, #tpu.memory_space<vmem>>, vector<16xf32>,
        %get3A_974 = arith.index_cast %add3A_943 : i32 to index
        %get3A_975 = arith.constant 32 : index
        %get3A_976 = tpu.vector_load %arg19[%get3A_974, %get3A_975] {strides = array<i32>} : memref<32x128xf32, #tpu.memory_space<vmem>>, vector<16xf32>,
        %get3A_977 = arith.index_cast %add3A_943 : i32 to index
        %get3A_978 = arith.constant 48 : index
        %get3A_979 = tpu.vector_load %arg19[%get3A_977, %get3A_978] {strides = array<i32>} : memref<32x128xf32, #tpu.memory_space<vmem>>, vector<16xf32>,
        %get3A_980 = arith.index_cast %add3A_943 : i32 to index
        %get3A_981 = arith.constant 64 : index
        %get3A_982 = tpu.vector_load %arg19[%get3A_980, %get3A_981] {strides = array<i32>} : memref<32x128xf32, #tpu.memory_space<vmem>>, vector<16xf32>,
        %get3A_983 = arith.index_cast %add3A_943 : i32 to index
        %get3A_984 = arith.constant 80 : index
        %get3A_985 = tpu.vector_load %arg19[%get3A_983, %get3A_984] {strides = array<i32>} : memref<32x128xf32, #tpu.memory_space<vmem>>, vector<16xf32>,
        %get3A_986 = arith.index_cast %add3A_943 : i32 to index
        %get3A_987 = arith.constant 96 : index
        %get3A_988 = tpu.vector_load %arg19[%get3A_986, %get3A_987] {strides = array<i32>} : memref<32x128xf32, #tpu.memory_space<vmem>>, vector<16xf32>,
        %get3A_989 = arith.index_cast %add3A_943 : i32 to index
        %get3A_990 = arith.constant 112 : index
        %get3A_991 = tpu.vector_load %arg19[%get3A_989, %get3A_990] {strides = array<i32>} : memref<32x128xf32, #tpu.memory_space<vmem>>, vector<16xf32>,
        %mul3A_992 = arith.mulf %get3A_946, %get3A_970 : vector<16xf32>
        %mul3A_993 = arith.mulf %get3A_949, %get3A_973 : vector<16xf32>
        %add3A_994 = arith.addf %mul3A_992, %mul3A_993 : vector<16xf32>
        %mul3A_995 = arith.mulf %get3A_952, %get3A_976 : vector<16xf32>
        %add3A_996 = arith.addf %add3A_994, %mul3A_995 : vector<16xf32>
        %mul3A_997 = arith.mulf %get3A_955, %get3A_979 : vector<16xf32>
        %add3A_998 = arith.addf %add3A_996, %mul3A_997 : vector<16xf32>
        %mul3A_999 = arith.mulf %get3A_958, %get3A_982 : vector<16xf32>
        %add3A_1000 = arith.addf %add3A_998, %mul3A_999 : vector<16xf32>
        %mul3A_1001 = arith.mulf %get3A_961, %get3A_985 : vector<16xf32>
        %add3A_1002 = arith.addf %add3A_1000, %mul3A_1001 : vector<16xf32>
        %mul3A_1003 = arith.mulf %get3A_964, %get3A_988 : vector<16xf32>
        %add3A_1004 = arith.addf %add3A_1002, %mul3A_1003 : vector<16xf32>
        %mul3A_1005 = arith.mulf %get3A_967, %get3A_991 : vector<16xf32>
        %add3A_1006 = arith.addf %add3A_1004, %mul3A_1005 : vector<16xf32>
        %reduce_sum3A_1007 = arith.constant true
        %reduce_sum3A_1008 = vector.broadcast %reduce_sum3A_1007 : i1 to vector<16xi1>
        %reduce_sum3A_1009 = tpu.scan <sum>, %add3A_1006 masked %reduce_sum3A_1008 : vector<16xf32>, vector<16xi1> -> vector<16xf32>
        %reduce_sum3A_1010 = vector.extract %reduce_sum3A_1009[15] : f32 from vector<16xf32>
        %broadcast_in_dim3A_1011 = vector.broadcast %reduce_sum3A_1010 : f32 to vector<16xf32>
        %exp3A_1012 = math.exp %broadcast_in_dim3A_1011 : vector<16xf32>
        %swap3A_1013 = arith.index_cast %add3A_943 : i32 to index
        %swap3A_1014 = arith.constant 0 : index
        %swap3A_1015 = tpu.vector_load %arg21[%swap3A_1013, %swap3A_1014] {strides = array<i32>} : memref<32x16xf32, #tpu.memory_space<vmem>>, vector<16xf32>,
        tpu.vector_store %arg21[%swap3A_1013, %swap3A_1014], %exp3A_1012 {strides = array<i32>} : memref<32x16xf32, #tpu.memory_space<vmem>>, vector<16xf32>,
        %mul3A_1016 = arith.mulf %get3A_946, %exp3A_1012 : vector<16xf32>
        %swap3A_1017 = arith.index_cast %add3A_943 : i32 to index
        %swap3A_1018 = arith.constant 0 : index
        %swap3A_1019 = tpu.vector_load %arg17[%swap3A_1017, %swap3A_1018] {strides = array<i32>} : memref<32x128xf32, #tpu.memory_space<vmem>>, vector<16xf32>,
        tpu.vector_store %arg17[%swap3A_1017, %swap3A_1018], %mul3A_1016 {strides = array<i32>} : memref<32x128xf32, #tpu.memory_space<vmem>>, vector<16xf32>,
        %mul3A_1020 = arith.mulf %get3A_949, %exp3A_1012 : vector<16xf32>
        %swap3A_1021 = arith.index_cast %add3A_943 : i32 to index
        %swap3A_1022 = arith.constant 16 : index
        %swap3A_1023 = tpu.vector_load %arg17[%swap3A_1021, %swap3A_1022] {strides = array<i32>} : memref<32x128xf32, #tpu.memory_space<vmem>>, vector<16xf32>,
        tpu.vector_store %arg17[%swap3A_1021, %swap3A_1022], %mul3A_1020 {strides = array<i32>} : memref<32x128xf32, #tpu.memory_space<vmem>>, vector<16xf32>,
        %mul3A_1024 = arith.mulf %get3A_952, %exp3A_1012 : vector<16xf32>
        %swap3A_1025 = arith.index_cast %add3A_943 : i32 to index
        %swap3A_1026 = arith.constant 32 : index
        %swap3A_1027 = tpu.vector_load %arg17[%swap3A_1025, %swap3A_1026] {strides = array<i32>} : memref<32x128xf32, #tpu.memory_space<vmem>>, vector<16xf32>,
        tpu.vector_store %arg17[%swap3A_1025, %swap3A_1026], %mul3A_1024 {strides = array<i32>} : memref<32x128xf32, #tpu.memory_space<vmem>>, vector<16xf32>,
        %mul3A_1028 = arith.mulf %get3A_955, %exp3A_1012 : vector<16xf32>
        %swap3A_1029 = arith.index_cast %add3A_943 : i32 to index
        %swap3A_1030 = arith.constant 48 : index
        %swap3A_1031 = tpu.vector_load %arg17[%swap3A_1029, %swap3A_1030] {strides = array<i32>} : memref<32x128xf32, #tpu.memory_space<vmem>>, vector<16xf32>,
        tpu.vector_store %arg17[%swap3A_1029, %swap3A_1030], %mul3A_1028 {strides = array<i32>} : memref<32x128xf32, #tpu.memory_space<vmem>>, vector<16xf32>,
        %mul3A_1032 = arith.mulf %get3A_958, %exp3A_1012 : vector<16xf32>
        %swap3A_1033 = arith.index_cast %add3A_943 : i32 to index
        %swap3A_1034 = arith.constant 64 : index
        %swap3A_1035 = tpu.vector_load %arg17[%swap3A_1033, %swap3A_1034] {strides = array<i32>} : memref<32x128xf32, #tpu.memory_space<vmem>>, vector<16xf32>,
        tpu.vector_store %arg17[%swap3A_1033, %swap3A_1034], %mul3A_1032 {strides = array<i32>} : memref<32x128xf32, #tpu.memory_space<vmem>>, vector<16xf32>,
        %mul3A_1036 = arith.mulf %get3A_961, %exp3A_1012 : vector<16xf32>
        %swap3A_1037 = arith.index_cast %add3A_943 : i32 to index
        %swap3A_1038 = arith.constant 80 : index
        %swap3A_1039 = tpu.vector_load %arg17[%swap3A_1037, %swap3A_1038] {strides = array<i32>} : memref<32x128xf32, #tpu.memory_space<vmem>>, vector<16xf32>,
        tpu.vector_store %arg17[%swap3A_1037, %swap3A_1038], %mul3A_1036 {strides = array<i32>} : memref<32x128xf32, #tpu.memory_space<vmem>>, vector<16xf32>,
        %mul3A_1040 = arith.mulf %get3A_964, %exp3A_1012 : vector<16xf32>
        %swap3A_1041 = arith.index_cast %add3A_943 : i32 to index
        %swap3A_1042 = arith.constant 96 : index
        %swap3A_1043 = tpu.vector_load %arg17[%swap3A_1041, %swap3A_1042] {strides = array<i32>} : memref<32x128xf32, #tpu.memory_space<vmem>>, vector<16xf32>,
        tpu.vector_store %arg17[%swap3A_1041, %swap3A_1042], %mul3A_1040 {strides = array<i32>} : memref<32x128xf32, #tpu.memory_space<vmem>>, vector<16xf32>,
        %mul3A_1044 = arith.mulf %get3A_967, %exp3A_1012 : vector<16xf32>
        %swap3A_1045 = arith.index_cast %add3A_943 : i32 to index
        %swap3A_1046 = arith.constant 112 : index
        %swap3A_1047 = tpu.vector_load %arg17[%swap3A_1045, %swap3A_1046] {strides = array<i32>} : memref<32x128xf32, #tpu.memory_space<vmem>>, vector<16xf32>,
        tpu.vector_store %arg17[%swap3A_1045, %swap3A_1046], %mul3A_1044 {strides = array<i32>} : memref<32x128xf32, #tpu.memory_space<vmem>>, vector<16xf32>,
      }
      %scan3A_107 = arith.constant 32 : i32
      %dma_start3A_108 = arith.constant 0 : i32
      %dma_start3A_109 = arith.constant 0 : i32
      %dma_start3A_110 = tpu.memref_slice %arg8[%dma_start3A_108, %dma_start3A_109] : memref<10240x128xf32, #tpu.memory_space<vmem_shared>> -> memref<10240x128xf32, #tpu.memory_space<vmem_shared>>
      tpu.enqueue_indirect_dma source(%arg17 : memref<32x128xf32, #tpu.memory_space<vmem>>) target(%dma_start3A_110 : memref<10240x128xf32, #tpu.memory_space<vmem_shared>>) offsets(%arg14 : memref<32xi32, #tpu.memory_space<vmem>>) semaphore(%arg27 : memref<!tpu.dma_semaphore, #tpu.memory_space<semaphore_mem>>) {add = true}
      %dma_start3A_111 = arith.constant 0 : i32
      %dma_start3A_112 = arith.constant 0 : i32
      %dma_start3A_113 = tpu.memref_slice %arg9[%dma_start3A_111, %dma_start3A_112] : memref<10240x16xf32, #tpu.memory_space<vmem_shared>> -> memref<10240x16xf32, #tpu.memory_space<vmem_shared>>
      tpu.enqueue_indirect_dma source(%arg21 : memref<32x16xf32, #tpu.memory_space<vmem>>) target(%dma_start3A_113 : memref<10240x16xf32, #tpu.memory_space<vmem_shared>>) offsets(%arg14 : memref<32xi32, #tpu.memory_space<vmem>>) semaphore(%arg27 : memref<!tpu.dma_semaphore, #tpu.memory_space<semaphore_mem>>) {add = true}
      %dma_wait3A_114 = arith.constant 0 : i32
      %dma_wait3A_115 = arith.constant 0 : i32
      %dma_wait3A_116 = tpu.memref_slice %arg8[%dma_wait3A_114, %dma_wait3A_115] : memref<10240x128xf32, #tpu.memory_space<vmem_shared>> -> memref<10240x128xf32, #tpu.memory_space<vmem_shared>>
      tpu.wait_indirect_dma semaphore(%arg27 : memref<!tpu.dma_semaphore, #tpu.memory_space<semaphore_mem>>) src(%arg17 : memref<32x128xf32, #tpu.memory_space<vmem>>) dst(%dma_wait3A_116 : memref<10240x128xf32, #tpu.memory_space<vmem_shared>>)
      %dma_wait3A_117 = arith.constant 0 : i32
      %dma_wait3A_118 = arith.constant 0 : i32
      %dma_wait3A_119 = tpu.memref_slice %arg9[%dma_wait3A_117, %dma_wait3A_118] : memref<10240x16xf32, #tpu.memory_space<vmem_shared>> -> memref<10240x16xf32, #tpu.memory_space<vmem_shared>>
      tpu.wait_indirect_dma semaphore(%arg27 : memref<!tpu.dma_semaphore, #tpu.memory_space<semaphore_mem>>) src(%arg21 : memref<32x16xf32, #tpu.memory_space<vmem>>) dst(%dma_wait3A_119 : memref<10240x16xf32, #tpu.memory_space<vmem_shared>>)
      %dma_wait3A_120 = arith.constant 0 : i32
      %dma_wait3A_121 = tpu.memref_slice %arg4[%dma_wait3A_120] : memref<321024xi32, #tpu.memory_space<hbm>> -> memref<32xi32, #tpu.memory_space<hbm>>
      %dma_wait3A_122 = arith.constant 0 : i32
      %dma_wait3A_123 = tpu.memref_slice %arg4[%dma_wait3A_122] : memref<321024xi32, #tpu.memory_space<hbm>> -> memref<32xi32, #tpu.memory_space<hbm>>
      tpu.wait_dma2 semaphore(%arg23 : memref<!tpu.dma_semaphore, #tpu.memory_space<semaphore_mem>>) src(%dma_wait3A_123 : memref<32xi32, #tpu.memory_space<hbm>>) dst(%arg10 : memref<32xi32, #tpu.memory_space<vmem>>)
      %dma_wait3A_124 = arith.constant 0 : i32
      %dma_wait3A_125 = tpu.memref_slice %arg4[%dma_wait3A_124] : memref<321024xi32, #tpu.memory_space<hbm>> -> memref<32xi32, #tpu.memory_space<hbm>>
      %dma_wait3A_126 = arith.constant 0 : i32
      %dma_wait3A_127 = tpu.memref_slice %arg4[%dma_wait3A_126] : memref<321024xi32, #tpu.memory_space<hbm>> -> memref<32xi32, #tpu.memory_space<hbm>>
      tpu.wait_dma2 semaphore(%arg23 : memref<!tpu.dma_semaphore, #tpu.memory_space<semaphore_mem>>) src(%dma_wait3A_127 : memref<32xi32, #tpu.memory_space<hbm>>) dst(%arg11 : memref<32xi32, #tpu.memory_space<vmem>>)
      %dma_start3A_128 = arith.constant 0 : i32
      %dma_start3A_129 = arith.constant 0 : i32
      %dma_start3A_130 = tpu.memref_slice %arg2[%dma_start3A_128, %dma_start3A_129] : memref<10000x128xf32, #tpu.memory_space<hbm>> -> memref<10000x128xf32, #tpu.memory_space<hbm>>
      tpu.enqueue_indirect_dma source(%dma_start3A_130 : memref<10000x128xf32, #tpu.memory_space<hbm>>) target(%arg17 : memref<32x128xf32, #tpu.memory_space<vmem>>) offsets(%arg10 : memref<32xi32, #tpu.memory_space<vmem>>) semaphore(%arg25 : memref<!tpu.dma_semaphore, #tpu.memory_space<semaphore_mem>>)
      %dma_start3A_131 = arith.constant 0 : i32
      %dma_start3A_132 = arith.constant 0 : i32
      %dma_start3A_133 = tpu.memref_slice %arg3[%dma_start3A_131, %dma_start3A_132] : memref<10000x128xf32, #tpu.memory_space<hbm>> -> memref<10000x128xf32, #tpu.memory_space<hbm>>
      tpu.enqueue_indirect_dma source(%dma_start3A_133 : memref<10000x128xf32, #tpu.memory_space<hbm>>) target(%arg19 : memref<32x128xf32, #tpu.memory_space<vmem>>) offsets(%arg11 : memref<32xi32, #tpu.memory_space<vmem>>) semaphore(%arg25 : memref<!tpu.dma_semaphore, #tpu.memory_space<semaphore_mem>>)
      %dma_wait3A_134 = arith.constant 0 : i32
      %dma_wait3A_135 = arith.constant 0 : i32
      %dma_wait3A_136 = tpu.memref_slice %arg2[%dma_wait3A_134, %dma_wait3A_135] : memref<10000x128xf32, #tpu.memory_space<hbm>> -> memref<10000x128xf32, #tpu.memory_space<hbm>>
      tpu.wait_indirect_dma semaphore(%arg26 : memref<!tpu.dma_semaphore, #tpu.memory_space<semaphore_mem>>) src(%dma_wait3A_136 : memref<10000x128xf32, #tpu.memory_space<hbm>>) dst(%arg18 : memref<32x128xf32, #tpu.memory_space<vmem>>)
      %dma_wait3A_137 = arith.constant 0 : i32
      %dma_wait3A_138 = arith.constant 0 : i32
      %dma_wait3A_139 = tpu.memref_slice %arg3[%dma_wait3A_137, %dma_wait3A_138] : memref<10000x128xf32, #tpu.memory_space<hbm>> -> memref<10000x128xf32, #tpu.memory_space<hbm>>
      tpu.wait_indirect_dma semaphore(%arg26 : memref<!tpu.dma_semaphore, #tpu.memory_space<semaphore_mem>>) src(%dma_wait3A_139 : memref<10000x128xf32, #tpu.memory_space<hbm>>) dst(%arg20 : memref<32x128xf32, #tpu.memory_space<vmem>>)
      %get3A_140 = arith.constant 0 : index
      %get3A_141 = tpu.vector_load %arg13[%get3A_140] {strides = array<i32>} : memref<32xi32, #tpu.memory_space<vmem>>, vector<16xi32>,
      %swap3A_142 = arith.constant 0 : index
      %swap3A_143 = tpu.vector_load %arg15[%swap3A_142] {strides = array<i32>} : memref<32xi32, #tpu.memory_space<vmem>>, vector<16xi32>,
      tpu.vector_store %arg15[%swap3A_142], %get3A_141 {strides = array<i32>} : memref<32xi32, #tpu.memory_space<vmem>>, vector<16xi32>,
      %get3A_144 = arith.constant 16 : index
      %get3A_145 = tpu.vector_load %arg13[%get3A_144] {strides = array<i32>} : memref<32xi32, #tpu.memory_space<vmem>>, vector<16xi32>,
      %swap3A_146 = arith.constant 16 : index
      %swap3A_147 = tpu.vector_load %arg15[%swap3A_146] {strides = array<i32>} : memref<32xi32, #tpu.memory_space<vmem>>, vector<16xi32>,
      tpu.vector_store %arg15[%swap3A_146], %get3A_145 {strides = array<i32>} : memref<32xi32, #tpu.memory_space<vmem>>, vector<16xi32>,
      %add3A_148 = arith.constant 3 : i32
      %add3A_149 = arith.addi %mul3A_68, %add3A_148 : i32
      %mul3A_150 = arith.constant 32 : i32
      %mul3A_151 = arith.muli %add3A_149, %mul3A_150 : i32
      %add3A_152 = arith.addi %mul3A_6, %mul3A_151 : i32
      %mul3A_153 = arith.constant 32 : i32
      %mul3A_154 = arith.muli %add3A_149, %mul3A_153 : i32
      %add3A_155 = arith.addi %mul3A_6, %mul3A_154 : i32
      %dma_start3A_156 = tpu.memref_slice %arg4[%add3A_152] : memref<321024xi32, #tpu.memory_space<hbm>> -> memref<32xi32, #tpu.memory_space<hbm>>
      %dma_start3A_157 = tpu.memref_slice %arg4[%add3A_152] : memref<321024xi32, #tpu.memory_space<hbm>> -> memref<32xi32, #tpu.memory_space<hbm>>
      tpu.enqueue_dma source(%dma_start3A_157 : memref<32xi32, #tpu.memory_space<hbm>>) target(%arg12 : memref<32xi32, #tpu.memory_space<vmem>>) target_semaphore(%arg24 : memref<!tpu.dma_semaphore, #tpu.memory_space<semaphore_mem>>)
      %dma_start3A_158 = tpu.memref_slice %arg5[%add3A_155] : memref<321024xi32, #tpu.memory_space<hbm>> -> memref<32xi32, #tpu.memory_space<hbm>>
      %dma_start3A_159 = tpu.memref_slice %arg5[%add3A_155] : memref<321024xi32, #tpu.memory_space<hbm>> -> memref<32xi32, #tpu.memory_space<hbm>>
      tpu.enqueue_dma source(%dma_start3A_159 : memref<32xi32, #tpu.memory_space<hbm>>) target(%arg13 : memref<32xi32, #tpu.memory_space<vmem>>) target_semaphore(%arg24 : memref<!tpu.dma_semaphore, #tpu.memory_space<semaphore_mem>>)
      %scan3A_160 = arith.constant 0 : i32
      %scan3A_161 = arith.constant 32 : i32
      %scan3A_162 = arith.addi %scan3A_160, %scan3A_161 : i32
      %scan3A_163 = arith.constant 8 : i32
      scf.for %scan3A_171 = %scan3A_160 to %scan3A_162 step %scan3A_163  : i32 {
        %mul3A_172 = arith.constant 1 : i32
        %mul3A_173 = arith.muli %scan3A_171, %mul3A_172 : i32
        %add3A_174 = arith.constant 0 : i32
        %add3A_175 = arith.addi %add3A_174, %mul3A_173 : i32
        %get3A_176 = arith.index_cast %add3A_175 : i32 to index
        %get3A_177 = arith.constant 0 : index
        %get3A_178 = tpu.vector_load %arg18[%get3A_176, %get3A_177] {strides = array<i32>} : memref<32x128xf32, #tpu.memory_space<vmem>>, vector<16xf32>,
        %get3A_179 = arith.index_cast %add3A_175 : i32 to index
        %get3A_180 = arith.constant 16 : index
        %get3A_181 = tpu.vector_load %arg18[%get3A_179, %get3A_180] {strides = array<i32>} : memref<32x128xf32, #tpu.memory_space<vmem>>, vector<16xf32>,
        %get3A_182 = arith.index_cast %add3A_175 : i32 to index
        %get3A_183 = arith.constant 32 : index
        %get3A_184 = tpu.vector_load %arg18[%get3A_182, %get3A_183] {strides = array<i32>} : memref<32x128xf32, #tpu.memory_space<vmem>>, vector<16xf32>,
        %get3A_185 = arith.index_cast %add3A_175 : i32 to index
        %get3A_186 = arith.constant 48 : index
        %get3A_187 = tpu.vector_load %arg18[%get3A_185, %get3A_186] {strides = array<i32>} : memref<32x128xf32, #tpu.memory_space<vmem>>, vector<16xf32>,
        %get3A_188 = arith.index_cast %add3A_175 : i32 to index
        %get3A_189 = arith.constant 64 : index
        %get3A_190 = tpu.vector_load %arg18[%get3A_188, %get3A_189] {strides = array<i32>} : memref<32x128xf32, #tpu.memory_space<vmem>>, vector<16xf32>,
        %get3A_191 = arith.index_cast %add3A_175 : i32 to index
        %get3A_192 = arith.constant 80 : index
        %get3A_193 = tpu.vector_load %arg18[%get3A_191, %get3A_192] {strides = array<i32>} : memref<32x128xf32, #tpu.memory_space<vmem>>, vector<16xf32>,
        %get3A_194 = arith.index_cast %add3A_175 : i32 to index
        %get3A_195 = arith.constant 96 : index
        %get3A_196 = tpu.vector_load %arg18[%get3A_194, %get3A_195] {strides = array<i32>} : memref<32x128xf32, #tpu.memory_space<vmem>>, vector<16xf32>,
        %get3A_197 = arith.index_cast %add3A_175 : i32 to index
        %get3A_198 = arith.constant 112 : index
        %get3A_199 = tpu.vector_load %arg18[%get3A_197, %get3A_198] {strides = array<i32>} : memref<32x128xf32, #tpu.memory_space<vmem>>, vector<16xf32>,
        %get3A_200 = arith.index_cast %add3A_175 : i32 to index
        %get3A_201 = arith.constant 0 : index
        %get3A_202 = tpu.vector_load %arg20[%get3A_200, %get3A_201] {strides = array<i32>} : memref<32x128xf32, #tpu.memory_space<vmem>>, vector<16xf32>,
        %get3A_203 = arith.index_cast %add3A_175 : i32 to index
        %get3A_204 = arith.constant 16 : index
        %get3A_205 = tpu.vector_load %arg20[%get3A_203, %get3A_204] {strides = array<i32>} : memref<32x128xf32, #tpu.memory_space<vmem>>, vector<16xf32>,
        %get3A_206 = arith.index_cast %add3A_175 : i32 to index
        %get3A_207 = arith.constant 32 : index
        %get3A_208 = tpu.vector_load %arg20[%get3A_206, %get3A_207] {strides = array<i32>} : memref<32x128xf32, #tpu.memory_space<vmem>>, vector<16xf32>,
        %get3A_209 = arith.index_cast %add3A_175 : i32 to index
        %get3A_210 = arith.constant 48 : index
        %get3A_211 = tpu.vector_load %arg20[%get3A_209, %get3A_210] {strides = array<i32>} : memref<32x128xf32, #tpu.memory_space<vmem>>, vector<16xf32>,
        %get3A_212 = arith.index_cast %add3A_175 : i32 to index
        %get3A_213 = arith.constant 64 : index
        %get3A_214 = tpu.vector_load %arg20[%get3A_212, %get3A_213] {strides = array<i32>} : memref<32x128xf32, #tpu.memory_space<vmem>>, vector<16xf32>,
        %get3A_215 = arith.index_cast %add3A_175 : i32 to index
        %get3A_216 = arith.constant 80 : index
        %get3A_217 = tpu.vector_load %arg20[%get3A_215, %get3A_216] {strides = array<i32>} : memref<32x128xf32, #tpu.memory_space<vmem>>, vector<16xf32>,
        %get3A_218 = arith.index_cast %add3A_175 : i32 to index
        %get3A_219 = arith.constant 96 : index
        %get3A_220 = tpu.vector_load %arg20[%get3A_218, %get3A_219] {strides = array<i32>} : memref<32x128xf32, #tpu.memory_space<vmem>>, vector<16xf32>,
        %get3A_221 = arith.index_cast %add3A_175 : i32 to index
        %get3A_222 = arith.constant 112 : index
        %get3A_223 = tpu.vector_load %arg20[%get3A_221, %get3A_222] {strides = array<i32>} : memref<32x128xf32, #tpu.memory_space<vmem>>, vector<16xf32>,
        %mul3A_224 = arith.mulf %get3A_178, %get3A_202 : vector<16xf32>
        %mul3A_225 = arith.mulf %get3A_181, %get3A_205 : vector<16xf32>
        %add3A_226 = arith.addf %mul3A_224, %mul3A_225 : vector<16xf32>
        %mul3A_227 = arith.mulf %get3A_184, %get3A_208 : vector<16xf32>
        %add3A_228 = arith.addf %add3A_226, %mul3A_227 : vector<16xf32>
        %mul3A_229 = arith.mulf %get3A_187, %get3A_211 : vector<16xf32>
        %add3A_230 = arith.addf %add3A_228, %mul3A_229 : vector<16xf32>
        %mul3A_231 = arith.mulf %get3A_190, %get3A_214 : vector<16xf32>
        %add3A_232 = arith.addf %add3A_230, %mul3A_231 : vector<16xf32>
        %mul3A_233 = arith.mulf %get3A_193, %get3A_217 : vector<16xf32>
        %add3A_234 = arith.addf %add3A_232, %mul3A_233 : vector<16xf32>
        %mul3A_235 = arith.mulf %get3A_196, %get3A_220 : vector<16xf32>
        %add3A_236 = arith.addf %add3A_234, %mul3A_235 : vector<16xf32>
        %mul3A_237 = arith.mulf %get3A_199, %get3A_223 : vector<16xf32>
        %add3A_238 = arith.addf %add3A_236, %mul3A_237 : vector<16xf32>
        %reduce_sum3A = arith.constant true
        %reduce_sum3A_239 = vector.broadcast %reduce_sum3A : i1 to vector<16xi1>
        %reduce_sum3A_240 = tpu.scan <sum>, %add3A_238 masked %reduce_sum3A_239 : vector<16xf32>, vector<16xi1> -> vector<16xf32>
        %reduce_sum3A_241 = vector.extract %reduce_sum3A_240[15] : f32 from vector<16xf32>
        %broadcast_in_dim3A_242 = vector.broadcast %reduce_sum3A_241 : f32 to vector<16xf32>
        %exp3A = math.exp %broadcast_in_dim3A_242 : vector<16xf32>
        %swap3A_243 = arith.index_cast %add3A_175 : i32 to index
        %swap3A_244 = arith.constant 0 : index
        %swap3A_245 = tpu.vector_load %arg22[%swap3A_243, %swap3A_244] {strides = array<i32>} : memref<32x16xf32, #tpu.memory_space<vmem>>, vector<16xf32>,
        tpu.vector_store %arg22[%swap3A_243, %swap3A_244], %exp3A {strides = array<i32>} : memref<32x16xf32, #tpu.memory_space<vmem>>, vector<16xf32>,
        %mul3A_246 = arith.mulf %get3A_178, %exp3A : vector<16xf32>
        %swap3A_247 = arith.index_cast %add3A_175 : i32 to index
        %swap3A_248 = arith.constant 0 : index
        %swap3A_249 = tpu.vector_load %arg18[%swap3A_247, %swap3A_248] {strides = array<i32>} : memref<32x128xf32, #tpu.memory_space<vmem>>, vector<16xf32>,
        tpu.vector_store %arg18[%swap3A_247, %swap3A_248], %mul3A_246 {strides = array<i32>} : memref<32x128xf32, #tpu.memory_space<vmem>>, vector<16xf32>,
        %mul3A_250 = arith.mulf %get3A_181, %exp3A : vector<16xf32>
        %swap3A_251 = arith.index_cast %add3A_175 : i32 to index
        %swap3A_252 = arith.constant 16 : index
        %swap3A_253 = tpu.vector_load %arg18[%swap3A_251, %swap3A_252] {strides = array<i32>} : memref<32x128xf32, #tpu.memory_space<vmem>>, vector<16xf32>,
        tpu.vector_store %arg18[%swap3A_251, %swap3A_252], %mul3A_250 {strides = array<i32>} : memref<32x128xf32, #tpu.memory_space<vmem>>, vector<16xf32>,
        %mul3A_254 = arith.mulf %get3A_184, %exp3A : vector<16xf32>
        %swap3A_255 = arith.index_cast %add3A_175 : i32 to index
        %swap3A_256 = arith.constant 32 : index
        %swap3A_257 = tpu.vector_load %arg18[%swap3A_255, %swap3A_256] {strides = array<i32>} : memref<32x128xf32, #tpu.memory_space<vmem>>, vector<16xf32>,
        tpu.vector_store %arg18[%swap3A_255, %swap3A_256], %mul3A_254 {strides = array<i32>} : memref<32x128xf32, #tpu.memory_space<vmem>>, vector<16xf32>,
        %mul3A_258 = arith.mulf %get3A_187, %exp3A : vector<16xf32>
        %swap3A_259 = arith.index_cast %add3A_175 : i32 to index
        %swap3A_260 = arith.constant 48 : index
        %swap3A_261 = tpu.vector_load %arg18[%swap3A_259, %swap3A_260] {strides = array<i32>} : memref<32x128xf32, #tpu.memory_space<vmem>>, vector<16xf32>,
        tpu.vector_store %arg18[%swap3A_259, %swap3A_260], %mul3A_258 {strides = array<i32>} : memref<32x128xf32, #tpu.memory_space<vmem>>, vector<16xf32>,
        %mul3A_262 = arith.mulf %get3A_190, %exp3A : vector<16xf32>
        %swap3A_263 = arith.index_cast %add3A_175 : i32 to index
        %swap3A_264 = arith.constant 64 : index
        %swap3A_265 = tpu.vector_load %arg18[%swap3A_263, %swap3A_264] {strides = array<i32>} : memref<32x128xf32, #tpu.memory_space<vmem>>, vector<16xf32>,
        tpu.vector_store %arg18[%swap3A_263, %swap3A_264], %mul3A_262 {strides = array<i32>} : memref<32x128xf32, #tpu.memory_space<vmem>>, vector<16xf32>,
        %mul3A_266 = arith.mulf %get3A_193, %exp3A : vector<16xf32>
        %swap3A_267 = arith.index_cast %add3A_175 : i32 to index
        %swap3A_268 = arith.constant 80 : index
        %swap3A_269 = tpu.vector_load %arg18[%swap3A_267, %swap3A_268] {strides = array<i32>} : memref<32x128xf32, #tpu.memory_space<vmem>>, vector<16xf32>,
        tpu.vector_store %arg18[%swap3A_267, %swap3A_268], %mul3A_266 {strides = array<i32>} : memref<32x128xf32, #tpu.memory_space<vmem>>, vector<16xf32>,
        %mul3A_270 = arith.mulf %get3A_196, %exp3A : vector<16xf32>
        %swap3A_271 = arith.index_cast %add3A_175 : i32 to index
        %swap3A_272 = arith.constant 96 : index
        %swap3A_273 = tpu.vector_load %arg18[%swap3A_271, %swap3A_272] {strides = array<i32>} : memref<32x128xf32, #tpu.memory_space<vmem>>, vector<16xf32>,
        tpu.vector_store %arg18[%swap3A_271, %swap3A_272], %mul3A_270 {strides = array<i32>} : memref<32x128xf32, #tpu.memory_space<vmem>>, vector<16xf32>,
        %mul3A_274 = arith.mulf %get3A_199, %exp3A : vector<16xf32>
        %swap3A_275 = arith.index_cast %add3A_175 : i32 to index
        %swap3A_276 = arith.constant 112 : index
        %swap3A_277 = tpu.vector_load %arg18[%swap3A_275, %swap3A_276] {strides = array<i32>} : memref<32x128xf32, #tpu.memory_space<vmem>>, vector<16xf32>,
        tpu.vector_store %arg18[%swap3A_275, %swap3A_276], %mul3A_274 {strides = array<i32>} : memref<32x128xf32, #tpu.memory_space<vmem>>, vector<16xf32>,
        %scan3A_278 = arith.constant 1 : i32
        %scan3A_279 = arith.addi %scan3A_171, %scan3A_278 : i32
        %mul3A_280 = arith.constant 1 : i32
        %mul3A_281 = arith.muli %scan3A_279, %mul3A_280 : i32
        %add3A_282 = arith.constant 0 : i32
        %add3A_283 = arith.addi %add3A_282, %mul3A_281 : i32
        %get3A_284 = arith.index_cast %add3A_283 : i32 to index
        %get3A_285 = arith.constant 0 : index
        %get3A_286 = tpu.vector_load %arg18[%get3A_284, %get3A_285] {strides = array<i32>} : memref<32x128xf32, #tpu.memory_space<vmem>>, vector<16xf32>,
        %get3A_287 = arith.index_cast %add3A_283 : i32 to index
        %get3A_288 = arith.constant 16 : index
        %get3A_289 = tpu.vector_load %arg18[%get3A_287, %get3A_288] {strides = array<i32>} : memref<32x128xf32, #tpu.memory_space<vmem>>, vector<16xf32>,
        %get3A_290 = arith.index_cast %add3A_283 : i32 to index
        %get3A_291 = arith.constant 32 : index
        %get3A_292 = tpu.vector_load %arg18[%get3A_290, %get3A_291] {strides = array<i32>} : memref<32x128xf32, #tpu.memory_space<vmem>>, vector<16xf32>,
        %get3A_293 = arith.index_cast %add3A_283 : i32 to index
        %get3A_294 = arith.constant 48 : index
        %get3A_295 = tpu.vector_load %arg18[%get3A_293, %get3A_294] {strides = array<i32>} : memref<32x128xf32, #tpu.memory_space<vmem>>, vector<16xf32>,
        %get3A_296 = arith.index_cast %add3A_283 : i32 to index
        %get3A_297 = arith.constant 64 : index
        %get3A_298 = tpu.vector_load %arg18[%get3A_296, %get3A_297] {strides = array<i32>} : memref<32x128xf32, #tpu.memory_space<vmem>>, vector<16xf32>,
        %get3A_299 = arith.index_cast %add3A_283 : i32 to index
        %get3A_300 = arith.constant 80 : index
        %get3A_301 = tpu.vector_load %arg18[%get3A_299, %get3A_300] {strides = array<i32>} : memref<32x128xf32, #tpu.memory_space<vmem>>, vector<16xf32>,
        %get3A_302 = arith.index_cast %add3A_283 : i32 to index
        %get3A_303 = arith.constant 96 : index
        %get3A_304 = tpu.vector_load %arg18[%get3A_302, %get3A_303] {strides = array<i32>} : memref<32x128xf32, #tpu.memory_space<vmem>>, vector<16xf32>,
        %get3A_305 = arith.index_cast %add3A_283 : i32 to index
        %get3A_306 = arith.constant 112 : index
        %get3A_307 = tpu.vector_load %arg18[%get3A_305, %get3A_306] {strides = array<i32>} : memref<32x128xf32, #tpu.memory_space<vmem>>, vector<16xf32>,
        %get3A_308 = arith.index_cast %add3A_283 : i32 to index
        %get3A_309 = arith.constant 0 : index
        %get3A_310 = tpu.vector_load %arg20[%get3A_308, %get3A_309] {strides = array<i32>} : memref<32x128xf32, #tpu.memory_space<vmem>>, vector<16xf32>,
        %get3A_311 = arith.index_cast %add3A_283 : i32 to index
        %get3A_312 = arith.constant 16 : index
        %get3A_313 = tpu.vector_load %arg20[%get3A_311, %get3A_312] {strides = array<i32>} : memref<32x128xf32, #tpu.memory_space<vmem>>, vector<16xf32>,
        %get3A_314 = arith.index_cast %add3A_283 : i32 to index
        %get3A_315 = arith.constant 32 : index
        %get3A_316 = tpu.vector_load %arg20[%get3A_314, %get3A_315] {strides = array<i32>} : memref<32x128xf32, #tpu.memory_space<vmem>>, vector<16xf32>,
        %get3A_317 = arith.index_cast %add3A_283 : i32 to index
        %get3A_318 = arith.constant 48 : index
        %get3A_319 = tpu.vector_load %arg20[%get3A_317, %get3A_318] {strides = array<i32>} : memref<32x128xf32, #tpu.memory_space<vmem>>, vector<16xf32>,
        %get3A_320 = arith.index_cast %add3A_283 : i32 to index
        %get3A_321 = arith.constant 64 : index
        %get3A_322 = tpu.vector_load %arg20[%get3A_320, %get3A_321] {strides = array<i32>} : memref<32x128xf32, #tpu.memory_space<vmem>>, vector<16xf32>,
        %get3A_323 = arith.index_cast %add3A_283 : i32 to index
        %get3A_324 = arith.constant 80 : index
        %get3A_325 = tpu.vector_load %arg20[%get3A_323, %get3A_324] {strides = array<i32>} : memref<32x128xf32, #tpu.memory_space<vmem>>, vector<16xf32>,
        %get3A_326 = arith.index_cast %add3A_283 : i32 to index
        %get3A_327 = arith.constant 96 : index
        %get3A_328 = tpu.vector_load %arg20[%get3A_326, %get3A_327] {strides = array<i32>} : memref<32x128xf32, #tpu.memory_space<vmem>>, vector<16xf32>,
        %get3A_329 = arith.index_cast %add3A_283 : i32 to index
        %get3A_330 = arith.constant 112 : index
        %get3A_331 = tpu.vector_load %arg20[%get3A_329, %get3A_330] {strides = array<i32>} : memref<32x128xf32, #tpu.memory_space<vmem>>, vector<16xf32>,
        %mul3A_332 = arith.mulf %get3A_286, %get3A_310 : vector<16xf32>
        %mul3A_333 = arith.mulf %get3A_289, %get3A_313 : vector<16xf32>
        %add3A_334 = arith.addf %mul3A_332, %mul3A_333 : vector<16xf32>
        %mul3A_335 = arith.mulf %get3A_292, %get3A_316 : vector<16xf32>
        %add3A_336 = arith.addf %add3A_334, %mul3A_335 : vector<16xf32>
        %mul3A_337 = arith.mulf %get3A_295, %get3A_319 : vector<16xf32>
        %add3A_338 = arith.addf %add3A_336, %mul3A_337 : vector<16xf32>
        %mul3A_339 = arith.mulf %get3A_298, %get3A_322 : vector<16xf32>
        %add3A_340 = arith.addf %add3A_338, %mul3A_339 : vector<16xf32>
        %mul3A_341 = arith.mulf %get3A_301, %get3A_325 : vector<16xf32>
        %add3A_342 = arith.addf %add3A_340, %mul3A_341 : vector<16xf32>
        %mul3A_343 = arith.mulf %get3A_304, %get3A_328 : vector<16xf32>
        %add3A_344 = arith.addf %add3A_342, %mul3A_343 : vector<16xf32>
        %mul3A_345 = arith.mulf %get3A_307, %get3A_331 : vector<16xf32>
        %add3A_346 = arith.addf %add3A_344, %mul3A_345 : vector<16xf32>
        %reduce_sum3A_347 = arith.constant true
        %reduce_sum3A_348 = vector.broadcast %reduce_sum3A_347 : i1 to vector<16xi1>
        %reduce_sum3A_349 = tpu.scan <sum>, %add3A_346 masked %reduce_sum3A_348 : vector<16xf32>, vector<16xi1> -> vector<16xf32>
        %reduce_sum3A_350 = vector.extract %reduce_sum3A_349[15] : f32 from vector<16xf32>
        %broadcast_in_dim3A_351 = vector.broadcast %reduce_sum3A_350 : f32 to vector<16xf32>
        %exp3A_352 = math.exp %broadcast_in_dim3A_351 : vector<16xf32>
        %swap3A_353 = arith.index_cast %add3A_283 : i32 to index
        %swap3A_354 = arith.constant 0 : index
        %swap3A_355 = tpu.vector_load %arg22[%swap3A_353, %swap3A_354] {strides = array<i32>} : memref<32x16xf32, #tpu.memory_space<vmem>>, vector<16xf32>,
        tpu.vector_store %arg22[%swap3A_353, %swap3A_354], %exp3A_352 {strides = array<i32>} : memref<32x16xf32, #tpu.memory_space<vmem>>, vector<16xf32>,
        %mul3A_356 = arith.mulf %get3A_286, %exp3A_352 : vector<16xf32>
        %swap3A_357 = arith.index_cast %add3A_283 : i32 to index
        %swap3A_358 = arith.constant 0 : index
        %swap3A_359 = tpu.vector_load %arg18[%swap3A_357, %swap3A_358] {strides = array<i32>} : memref<32x128xf32, #tpu.memory_space<vmem>>, vector<16xf32>,
        tpu.vector_store %arg18[%swap3A_357, %swap3A_358], %mul3A_356 {strides = array<i32>} : memref<32x128xf32, #tpu.memory_space<vmem>>, vector<16xf32>,
        %mul3A_360 = arith.mulf %get3A_289, %exp3A_352 : vector<16xf32>
        %swap3A_361 = arith.index_cast %add3A_283 : i32 to index
        %swap3A_362 = arith.constant 16 : index
        %swap3A_363 = tpu.vector_load %arg18[%swap3A_361, %swap3A_362] {strides = array<i32>} : memref<32x128xf32, #tpu.memory_space<vmem>>, vector<16xf32>,
        tpu.vector_store %arg18[%swap3A_361, %swap3A_362], %mul3A_360 {strides = array<i32>} : memref<32x128xf32, #tpu.memory_space<vmem>>, vector<16xf32>,
        %mul3A_364 = arith.mulf %get3A_292, %exp3A_352 : vector<16xf32>
        %swap3A_365 = arith.index_cast %add3A_283 : i32 to index
        %swap3A_366 = arith.constant 32 : index
        %swap3A_367 = tpu.vector_load %arg18[%swap3A_365, %swap3A_366] {strides = array<i32>} : memref<32x128xf32, #tpu.memory_space<vmem>>, vector<16xf32>,
        tpu.vector_store %arg18[%swap3A_365, %swap3A_366], %mul3A_364 {strides = array<i32>} : memref<32x128xf32, #tpu.memory_space<vmem>>, vector<16xf32>,
        %mul3A_368 = arith.mulf %get3A_295, %exp3A_352 : vector<16xf32>
        %swap3A_369 = arith.index_cast %add3A_283 : i32 to index
        %swap3A_370 = arith.constant 48 : index
        %swap3A_371 = tpu.vector_load %arg18[%swap3A_369, %swap3A_370] {strides = array<i32>} : memref<32x128xf32, #tpu.memory_space<vmem>>, vector<16xf32>,
        tpu.vector_store %arg18[%swap3A_369, %swap3A_370], %mul3A_368 {strides = array<i32>} : memref<32x128xf32, #tpu.memory_space<vmem>>, vector<16xf32>,
        %mul3A_372 = arith.mulf %get3A_298, %exp3A_352 : vector<16xf32>
        %swap3A_373 = arith.index_cast %add3A_283 : i32 to index
        %swap3A_374 = arith.constant 64 : index
        %swap3A_375 = tpu.vector_load %arg18[%swap3A_373, %swap3A_374] {strides = array<i32>} : memref<32x128xf32, #tpu.memory_space<vmem>>, vector<16xf32>,
        tpu.vector_store %arg18[%swap3A_373, %swap3A_374], %mul3A_372 {strides = array<i32>} : memref<32x128xf32, #tpu.memory_space<vmem>>, vector<16xf32>,
        %mul3A_376 = arith.mulf %get3A_301, %exp3A_352 : vector<16xf32>
        %swap3A_377 = arith.index_cast %add3A_283 : i32 to index
        %swap3A_378 = arith.constant 80 : index
        %swap3A_379 = tpu.vector_load %arg18[%swap3A_377, %swap3A_378] {strides = array<i32>} : memref<32x128xf32, #tpu.memory_space<vmem>>, vector<16xf32>,
        tpu.vector_store %arg18[%swap3A_377, %swap3A_378], %mul3A_376 {strides = array<i32>} : memref<32x128xf32, #tpu.memory_space<vmem>>, vector<16xf32>,
        %mul3A_380 = arith.mulf %get3A_304, %exp3A_352 : vector<16xf32>
        %swap3A_381 = arith.index_cast %add3A_283 : i32 to index
        %swap3A_382 = arith.constant 96 : index
        %swap3A_383 = tpu.vector_load %arg18[%swap3A_381, %swap3A_382] {strides = array<i32>} : memref<32x128xf32, #tpu.memory_space<vmem>>, vector<16xf32>,
        tpu.vector_store %arg18[%swap3A_381, %swap3A_382], %mul3A_380 {strides = array<i32>} : memref<32x128xf32, #tpu.memory_space<vmem>>, vector<16xf32>,
        %mul3A_384 = arith.mulf %get3A_307, %exp3A_352 : vector<16xf32>
        %swap3A_385 = arith.index_cast %add3A_283 : i32 to index
        %swap3A_386 = arith.constant 112 : index
        %swap3A_387 = tpu.vector_load %arg18[%swap3A_385, %swap3A_386] {strides = array<i32>} : memref<32x128xf32, #tpu.memory_space<vmem>>, vector<16xf32>,
        tpu.vector_store %arg18[%swap3A_385, %swap3A_386], %mul3A_384 {strides = array<i32>} : memref<32x128xf32, #tpu.memory_space<vmem>>, vector<16xf32>,
        %scan3A_388 = arith.constant 2 : i32
        %scan3A_389 = arith.addi %scan3A_171, %scan3A_388 : i32
        %mul3A_390 = arith.constant 1 : i32
        %mul3A_391 = arith.muli %scan3A_389, %mul3A_390 : i32
        %add3A_392 = arith.constant 0 : i32
        %add3A_393 = arith.addi %add3A_392, %mul3A_391 : i32
        %get3A_394 = arith.index_cast %add3A_393 : i32 to index
        %get3A_395 = arith.constant 0 : index
        %get3A_396 = tpu.vector_load %arg18[%get3A_394, %get3A_395] {strides = array<i32>} : memref<32x128xf32, #tpu.memory_space<vmem>>, vector<16xf32>,
        %get3A_397 = arith.index_cast %add3A_393 : i32 to index
        %get3A_398 = arith.constant 16 : index
        %get3A_399 = tpu.vector_load %arg18[%get3A_397, %get3A_398] {strides = array<i32>} : memref<32x128xf32, #tpu.memory_space<vmem>>, vector<16xf32>,
        %get3A_400 = arith.index_cast %add3A_393 : i32 to index
        %get3A_401 = arith.constant 32 : index
        %get3A_402 = tpu.vector_load %arg18[%get3A_400, %get3A_401] {strides = array<i32>} : memref<32x128xf32, #tpu.memory_space<vmem>>, vector<16xf32>,
        %get3A_403 = arith.index_cast %add3A_393 : i32 to index
        %get3A_404 = arith.constant 48 : index
        %get3A_405 = tpu.vector_load %arg18[%get3A_403, %get3A_404] {strides = array<i32>} : memref<32x128xf32, #tpu.memory_space<vmem>>, vector<16xf32>,
        %get3A_406 = arith.index_cast %add3A_393 : i32 to index
        %get3A_407 = arith.constant 64 : index
        %get3A_408 = tpu.vector_load %arg18[%get3A_406, %get3A_407] {strides = array<i32>} : memref<32x128xf32, #tpu.memory_space<vmem>>, vector<16xf32>,
        %get3A_409 = arith.index_cast %add3A_393 : i32 to index
        %get3A_410 = arith.constant 80 : index
        %get3A_411 = tpu.vector_load %arg18[%get3A_409, %get3A_410] {strides = array<i32>} : memref<32x128xf32, #tpu.memory_space<vmem>>, vector<16xf32>,
        %get3A_412 = arith.index_cast %add3A_393 : i32 to index
        %get3A_413 = arith.constant 96 : index
        %get3A_414 = tpu.vector_load %arg18[%get3A_412, %get3A_413] {strides = array<i32>} : memref<32x128xf32, #tpu.memory_space<vmem>>, vector<16xf32>,
        %get3A_415 = arith.index_cast %add3A_393 : i32 to index
        %get3A_416 = arith.constant 112 : index
        %get3A_417 = tpu.vector_load %arg18[%get3A_415, %get3A_416] {strides = array<i32>} : memref<32x128xf32, #tpu.memory_space<vmem>>, vector<16xf32>,
        %get3A_418 = arith.index_cast %add3A_393 : i32 to index
        %get3A_419 = arith.constant 0 : index
        %get3A_420 = tpu.vector_load %arg20[%get3A_418, %get3A_419] {strides = array<i32>} : memref<32x128xf32, #tpu.memory_space<vmem>>, vector<16xf32>,
        %get3A_421 = arith.index_cast %add3A_393 : i32 to index
        %get3A_422 = arith.constant 16 : index
        %get3A_423 = tpu.vector_load %arg20[%get3A_421, %get3A_422] {strides = array<i32>} : memref<32x128xf32, #tpu.memory_space<vmem>>, vector<16xf32>,
        %get3A_424 = arith.index_cast %add3A_393 : i32 to index
        %get3A_425 = arith.constant 32 : index
        %get3A_426 = tpu.vector_load %arg20[%get3A_424, %get3A_425] {strides = array<i32>} : memref<32x128xf32, #tpu.memory_space<vmem>>, vector<16xf32>,
        %get3A_427 = arith.index_cast %add3A_393 : i32 to index
        %get3A_428 = arith.constant 48 : index
        %get3A_429 = tpu.vector_load %arg20[%get3A_427, %get3A_428] {strides = array<i32>} : memref<32x128xf32, #tpu.memory_space<vmem>>, vector<16xf32>,
        %get3A_430 = arith.index_cast %add3A_393 : i32 to index
        %get3A_431 = arith.constant 64 : index
        %get3A_432 = tpu.vector_load %arg20[%get3A_430, %get3A_431] {strides = array<i32>} : memref<32x128xf32, #tpu.memory_space<vmem>>, vector<16xf32>,
        %get3A_433 = arith.index_cast %add3A_393 : i32 to index
        %get3A_434 = arith.constant 80 : index
        %get3A_435 = tpu.vector_load %arg20[%get3A_433, %get3A_434] {strides = array<i32>} : memref<32x128xf32, #tpu.memory_space<vmem>>, vector<16xf32>,
        %get3A_436 = arith.index_cast %add3A_393 : i32 to index
        %get3A_437 = arith.constant 96 : index
        %get3A_438 = tpu.vector_load %arg20[%get3A_436, %get3A_437] {strides = array<i32>} : memref<32x128xf32, #tpu.memory_space<vmem>>, vector<16xf32>,
        %get3A_439 = arith.index_cast %add3A_393 : i32 to index
        %get3A_440 = arith.constant 112 : index
        %get3A_441 = tpu.vector_load %arg20[%get3A_439, %get3A_440] {strides = array<i32>} : memref<32x128xf32, #tpu.memory_space<vmem>>, vector<16xf32>,
        %mul3A_442 = arith.mulf %get3A_396, %get3A_420 : vector<16xf32>
        %mul3A_443 = arith.mulf %get3A_399, %get3A_423 : vector<16xf32>
        %add3A_444 = arith.addf %mul3A_442, %mul3A_443 : vector<16xf32>
        %mul3A_445 = arith.mulf %get3A_402, %get3A_426 : vector<16xf32>
        %add3A_446 = arith.addf %add3A_444, %mul3A_445 : vector<16xf32>
        %mul3A_447 = arith.mulf %get3A_405, %get3A_429 : vector<16xf32>
        %add3A_448 = arith.addf %add3A_446, %mul3A_447 : vector<16xf32>
        %mul3A_449 = arith.mulf %get3A_408, %get3A_432 : vector<16xf32>
        %add3A_450 = arith.addf %add3A_448, %mul3A_449 : vector<16xf32>
        %mul3A_451 = arith.mulf %get3A_411, %get3A_435 : vector<16xf32>
        %add3A_452 = arith.addf %add3A_450, %mul3A_451 : vector<16xf32>
        %mul3A_453 = arith.mulf %get3A_414, %get3A_438 : vector<16xf32>
        %add3A_454 = arith.addf %add3A_452, %mul3A_453 : vector<16xf32>
        %mul3A_455 = arith.mulf %get3A_417, %get3A_441 : vector<16xf32>
        %add3A_456 = arith.addf %add3A_454, %mul3A_455 : vector<16xf32>
        %reduce_sum3A_457 = arith.constant true
        %reduce_sum3A_458 = vector.broadcast %reduce_sum3A_457 : i1 to vector<16xi1>
        %reduce_sum3A_459 = tpu.scan <sum>, %add3A_456 masked %reduce_sum3A_458 : vector<16xf32>, vector<16xi1> -> vector<16xf32>
        %reduce_sum3A_460 = vector.extract %reduce_sum3A_459[15] : f32 from vector<16xf32>
        %broadcast_in_dim3A_461 = vector.broadcast %reduce_sum3A_460 : f32 to vector<16xf32>
        %exp3A_462 = math.exp %broadcast_in_dim3A_461 : vector<16xf32>
        %swap3A_463 = arith.index_cast %add3A_393 : i32 to index
        %swap3A_464 = arith.constant 0 : index
        %swap3A_465 = tpu.vector_load %arg22[%swap3A_463, %swap3A_464] {strides = array<i32>} : memref<32x16xf32, #tpu.memory_space<vmem>>, vector<16xf32>,
        tpu.vector_store %arg22[%swap3A_463, %swap3A_464], %exp3A_462 {strides = array<i32>} : memref<32x16xf32, #tpu.memory_space<vmem>>, vector<16xf32>,
        %mul3A_466 = arith.mulf %get3A_396, %exp3A_462 : vector<16xf32>
        %swap3A_467 = arith.index_cast %add3A_393 : i32 to index
        %swap3A_468 = arith.constant 0 : index
        %swap3A_469 = tpu.vector_load %arg18[%swap3A_467, %swap3A_468] {strides = array<i32>} : memref<32x128xf32, #tpu.memory_space<vmem>>, vector<16xf32>,
        tpu.vector_store %arg18[%swap3A_467, %swap3A_468], %mul3A_466 {strides = array<i32>} : memref<32x128xf32, #tpu.memory_space<vmem>>, vector<16xf32>,
        %mul3A_470 = arith.mulf %get3A_399, %exp3A_462 : vector<16xf32>
        %swap3A_471 = arith.index_cast %add3A_393 : i32 to index
        %swap3A_472 = arith.constant 16 : index
        %swap3A_473 = tpu.vector_load %arg18[%swap3A_471, %swap3A_472] {strides = array<i32>} : memref<32x128xf32, #tpu.memory_space<vmem>>, vector<16xf32>,
        tpu.vector_store %arg18[%swap3A_471, %swap3A_472], %mul3A_470 {strides = array<i32>} : memref<32x128xf32, #tpu.memory_space<vmem>>, vector<16xf32>,
        %mul3A_474 = arith.mulf %get3A_402, %exp3A_462 : vector<16xf32>
        %swap3A_475 = arith.index_cast %add3A_393 : i32 to index
        %swap3A_476 = arith.constant 32 : index
        %swap3A_477 = tpu.vector_load %arg18[%swap3A_475, %swap3A_476] {strides = array<i32>} : memref<32x128xf32, #tpu.memory_space<vmem>>, vector<16xf32>,
        tpu.vector_store %arg18[%swap3A_475, %swap3A_476], %mul3A_474 {strides = array<i32>} : memref<32x128xf32, #tpu.memory_space<vmem>>, vector<16xf32>,
        %mul3A_478 = arith.mulf %get3A_405, %exp3A_462 : vector<16xf32>
        %swap3A_479 = arith.index_cast %add3A_393 : i32 to index
        %swap3A_480 = arith.constant 48 : index
        %swap3A_481 = tpu.vector_load %arg18[%swap3A_479, %swap3A_480] {strides = array<i32>} : memref<32x128xf32, #tpu.memory_space<vmem>>, vector<16xf32>,
        tpu.vector_store %arg18[%swap3A_479, %swap3A_480], %mul3A_478 {strides = array<i32>} : memref<32x128xf32, #tpu.memory_space<vmem>>, vector<16xf32>,
        %mul3A_482 = arith.mulf %get3A_408, %exp3A_462 : vector<16xf32>
        %swap3A_483 = arith.index_cast %add3A_393 : i32 to index
        %swap3A_484 = arith.constant 64 : index
        %swap3A_485 = tpu.vector_load %arg18[%swap3A_483, %swap3A_484] {strides = array<i32>} : memref<32x128xf32, #tpu.memory_space<vmem>>, vector<16xf32>,
        tpu.vector_store %arg18[%swap3A_483, %swap3A_484], %mul3A_482 {strides = array<i32>} : memref<32x128xf32, #tpu.memory_space<vmem>>, vector<16xf32>,
        %mul3A_486 = arith.mulf %get3A_411, %exp3A_462 : vector<16xf32>
        %swap3A_487 = arith.index_cast %add3A_393 : i32 to index
        %swap3A_488 = arith.constant 80 : index
        %swap3A_489 = tpu.vector_load %arg18[%swap3A_487, %swap3A_488] {strides = array<i32>} : memref<32x128xf32, #tpu.memory_space<vmem>>, vector<16xf32>,
        tpu.vector_store %arg18[%swap3A_487, %swap3A_488], %mul3A_486 {strides = array<i32>} : memref<32x128xf32, #tpu.memory_space<vmem>>, vector<16xf32>,
        %mul3A_490 = arith.mulf %get3A_414, %exp3A_462 : vector<16xf32>
        %swap3A_491 = arith.index_cast %add3A_393 : i32 to index
        %swap3A_492 = arith.constant 96 : index
        %swap3A_493 = tpu.vector_load %arg18[%swap3A_491, %swap3A_492] {strides = array<i32>} : memref<32x128xf32, #tpu.memory_space<vmem>>, vector<16xf32>,
        tpu.vector_store %arg18[%swap3A_491, %swap3A_492], %mul3A_490 {strides = array<i32>} : memref<32x128xf32, #tpu.memory_space<vmem>>, vector<16xf32>,
        %mul3A_494 = arith.mulf %get3A_417, %exp3A_462 : vector<16xf32>
        %swap3A_495 = arith.index_cast %add3A_393 : i32 to index
        %swap3A_496 = arith.constant 112 : index
        %swap3A_497 = tpu.vector_load %arg18[%swap3A_495, %swap3A_496] {strides = array<i32>} : memref<32x128xf32, #tpu.memory_space<vmem>>, vector<16xf32>,
        tpu.vector_store %arg18[%swap3A_495, %swap3A_496], %mul3A_494 {strides = array<i32>} : memref<32x128xf32, #tpu.memory_space<vmem>>, vector<16xf32>,
        %scan3A_498 = arith.constant 3 : i32
        %scan3A_499 = arith.addi %scan3A_171, %scan3A_498 : i32
        %mul3A_500 = arith.constant 1 : i32
        %mul3A_501 = arith.muli %scan3A_499, %mul3A_500 : i32
        %add3A_502 = arith.constant 0 : i32
        %add3A_503 = arith.addi %add3A_502, %mul3A_501 : i32
        %get3A_504 = arith.index_cast %add3A_503 : i32 to index
        %get3A_505 = arith.constant 0 : index
        %get3A_506 = tpu.vector_load %arg18[%get3A_504, %get3A_505] {strides = array<i32>} : memref<32x128xf32, #tpu.memory_space<vmem>>, vector<16xf32>,
        %get3A_507 = arith.index_cast %add3A_503 : i32 to index
        %get3A_508 = arith.constant 16 : index
        %get3A_509 = tpu.vector_load %arg18[%get3A_507, %get3A_508] {strides = array<i32>} : memref<32x128xf32, #tpu.memory_space<vmem>>, vector<16xf32>,
        %get3A_510 = arith.index_cast %add3A_503 : i32 to index
        %get3A_511 = arith.constant 32 : index
        %get3A_512 = tpu.vector_load %arg18[%get3A_510, %get3A_511] {strides = array<i32>} : memref<32x128xf32, #tpu.memory_space<vmem>>, vector<16xf32>,
        %get3A_513 = arith.index_cast %add3A_503 : i32 to index
        %get3A_514 = arith.constant 48 : index
        %get3A_515 = tpu.vector_load %arg18[%get3A_513, %get3A_514] {strides = array<i32>} : memref<32x128xf32, #tpu.memory_space<vmem>>, vector<16xf32>,
        %get3A_516 = arith.index_cast %add3A_503 : i32 to index
        %get3A_517 = arith.constant 64 : index
        %get3A_518 = tpu.vector_load %arg18[%get3A_516, %get3A_517] {strides = array<i32>} : memref<32x128xf32, #tpu.memory_space<vmem>>, vector<16xf32>,
        %get3A_519 = arith.index_cast %add3A_503 : i32 to index
        %get3A_520 = arith.constant 80 : index
        %get3A_521 = tpu.vector_load %arg18[%get3A_519, %get3A_520] {strides = array<i32>} : memref<32x128xf32, #tpu.memory_space<vmem>>, vector<16xf32>,
        %get3A_522 = arith.index_cast %add3A_503 : i32 to index
        %get3A_523 = arith.constant 96 : index
        %get3A_524 = tpu.vector_load %arg18[%get3A_522, %get3A_523] {strides = array<i32>} : memref<32x128xf32, #tpu.memory_space<vmem>>, vector<16xf32>,
        %get3A_525 = arith.index_cast %add3A_503 : i32 to index
        %get3A_526 = arith.constant 112 : index
        %get3A_527 = tpu.vector_load %arg18[%get3A_525, %get3A_526] {strides = array<i32>} : memref<32x128xf32, #tpu.memory_space<vmem>>, vector<16xf32>,
        %get3A_528 = arith.index_cast %add3A_503 : i32 to index
        %get3A_529 = arith.constant 0 : index
        %get3A_530 = tpu.vector_load %arg20[%get3A_528, %get3A_529] {strides = array<i32>} : memref<32x128xf32, #tpu.memory_space<vmem>>, vector<16xf32>,
        %get3A_531 = arith.index_cast %add3A_503 : i32 to index
        %get3A_532 = arith.constant 16 : index
        %get3A_533 = tpu.vector_load %arg20[%get3A_531, %get3A_532] {strides = array<i32>} : memref<32x128xf32, #tpu.memory_space<vmem>>, vector<16xf32>,
        %get3A_534 = arith.index_cast %add3A_503 : i32 to index
        %get3A_535 = arith.constant 32 : index
        %get3A_536 = tpu.vector_load %arg20[%get3A_534, %get3A_535] {strides = array<i32>} : memref<32x128xf32, #tpu.memory_space<vmem>>, vector<16xf32>,
        %get3A_537 = arith.index_cast %add3A_503 : i32 to index
        %get3A_538 = arith.constant 48 : index
        %get3A_539 = tpu.vector_load %arg20[%get3A_537, %get3A_538] {strides = array<i32>} : memref<32x128xf32, #tpu.memory_space<vmem>>, vector<16xf32>,
        %get3A_540 = arith.index_cast %add3A_503 : i32 to index
        %get3A_541 = arith.constant 64 : index
        %get3A_542 = tpu.vector_load %arg20[%get3A_540, %get3A_541] {strides = array<i32>} : memref<32x128xf32, #tpu.memory_space<vmem>>, vector<16xf32>,
        %get3A_543 = arith.index_cast %add3A_503 : i32 to index
        %get3A_544 = arith.constant 80 : index
        %get3A_545 = tpu.vector_load %arg20[%get3A_543, %get3A_544] {strides = array<i32>} : memref<32x128xf32, #tpu.memory_space<vmem>>, vector<16xf32>,
        %get3A_546 = arith.index_cast %add3A_503 : i32 to index
        %get3A_547 = arith.constant 96 : index
        %get3A_548 = tpu.vector_load %arg20[%get3A_546, %get3A_547] {strides = array<i32>} : memref<32x128xf32, #tpu.memory_space<vmem>>, vector<16xf32>,
        %get3A_549 = arith.index_cast %add3A_503 : i32 to index
        %get3A_550 = arith.constant 112 : index
        %get3A_551 = tpu.vector_load %arg20[%get3A_549, %get3A_550] {strides = array<i32>} : memref<32x128xf32, #tpu.memory_space<vmem>>, vector<16xf32>,
        %mul3A_552 = arith.mulf %get3A_506, %get3A_530 : vector<16xf32>
        %mul3A_553 = arith.mulf %get3A_509, %get3A_533 : vector<16xf32>
        %add3A_554 = arith.addf %mul3A_552, %mul3A_553 : vector<16xf32>
        %mul3A_555 = arith.mulf %get3A_512, %get3A_536 : vector<16xf32>
        %add3A_556 = arith.addf %add3A_554, %mul3A_555 : vector<16xf32>
        %mul3A_557 = arith.mulf %get3A_515, %get3A_539 : vector<16xf32>
        %add3A_558 = arith.addf %add3A_556, %mul3A_557 : vector<16xf32>
        %mul3A_559 = arith.mulf %get3A_518, %get3A_542 : vector<16xf32>
        %add3A_560 = arith.addf %add3A_558, %mul3A_559 : vector<16xf32>
        %mul3A_561 = arith.mulf %get3A_521, %get3A_545 : vector<16xf32>
        %add3A_562 = arith.addf %add3A_560, %mul3A_561 : vector<16xf32>
        %mul3A_563 = arith.mulf %get3A_524, %get3A_548 : vector<16xf32>
        %add3A_564 = arith.addf %add3A_562, %mul3A_563 : vector<16xf32>
        %mul3A_565 = arith.mulf %get3A_527, %get3A_551 : vector<16xf32>
        %add3A_566 = arith.addf %add3A_564, %mul3A_565 : vector<16xf32>
        %reduce_sum3A_567 = arith.constant true
        %reduce_sum3A_568 = vector.broadcast %reduce_sum3A_567 : i1 to vector<16xi1>
        %reduce_sum3A_569 = tpu.scan <sum>, %add3A_566 masked %reduce_sum3A_568 : vector<16xf32>, vector<16xi1> -> vector<16xf32>
        %reduce_sum3A_570 = vector.extract %reduce_sum3A_569[15] : f32 from vector<16xf32>
        %broadcast_in_dim3A_571 = vector.broadcast %reduce_sum3A_570 : f32 to vector<16xf32>
        %exp3A_572 = math.exp %broadcast_in_dim3A_571 : vector<16xf32>
        %swap3A_573 = arith.index_cast %add3A_503 : i32 to index
        %swap3A_574 = arith.constant 0 : index
        %swap3A_575 = tpu.vector_load %arg22[%swap3A_573, %swap3A_574] {strides = array<i32>} : memref<32x16xf32, #tpu.memory_space<vmem>>, vector<16xf32>,
        tpu.vector_store %arg22[%swap3A_573, %swap3A_574], %exp3A_572 {strides = array<i32>} : memref<32x16xf32, #tpu.memory_space<vmem>>, vector<16xf32>,
        %mul3A_576 = arith.mulf %get3A_506, %exp3A_572 : vector<16xf32>
        %swap3A_577 = arith.index_cast %add3A_503 : i32 to index
        %swap3A_578 = arith.constant 0 : index
        %swap3A_579 = tpu.vector_load %arg18[%swap3A_577, %swap3A_578] {strides = array<i32>} : memref<32x128xf32, #tpu.memory_space<vmem>>, vector<16xf32>,
        tpu.vector_store %arg18[%swap3A_577, %swap3A_578], %mul3A_576 {strides = array<i32>} : memref<32x128xf32, #tpu.memory_space<vmem>>, vector<16xf32>,
        %mul3A_580 = arith.mulf %get3A_509, %exp3A_572 : vector<16xf32>
        %swap3A_581 = arith.index_cast %add3A_503 : i32 to index
        %swap3A_582 = arith.constant 16 : index
        %swap3A_583 = tpu.vector_load %arg18[%swap3A_581, %swap3A_582] {strides = array<i32>} : memref<32x128xf32, #tpu.memory_space<vmem>>, vector<16xf32>,
        tpu.vector_store %arg18[%swap3A_581, %swap3A_582], %mul3A_580 {strides = array<i32>} : memref<32x128xf32, #tpu.memory_space<vmem>>, vector<16xf32>,
        %mul3A_584 = arith.mulf %get3A_512, %exp3A_572 : vector<16xf32>
        %swap3A_585 = arith.index_cast %add3A_503 : i32 to index
        %swap3A_586 = arith.constant 32 : index
        %swap3A_587 = tpu.vector_load %arg18[%swap3A_585, %swap3A_586] {strides = array<i32>} : memref<32x128xf32, #tpu.memory_space<vmem>>, vector<16xf32>,
        tpu.vector_store %arg18[%swap3A_585, %swap3A_586], %mul3A_584 {strides = array<i32>} : memref<32x128xf32, #tpu.memory_space<vmem>>, vector<16xf32>,
        %mul3A_588 = arith.mulf %get3A_515, %exp3A_572 : vector<16xf32>
        %swap3A_589 = arith.index_cast %add3A_503 : i32 to index
        %swap3A_590 = arith.constant 48 : index
        %swap3A_591 = tpu.vector_load %arg18[%swap3A_589, %swap3A_590] {strides = array<i32>} : memref<32x128xf32, #tpu.memory_space<vmem>>, vector<16xf32>,
        tpu.vector_store %arg18[%swap3A_589, %swap3A_590], %mul3A_588 {strides = array<i32>} : memref<32x128xf32, #tpu.memory_space<vmem>>, vector<16xf32>,
        %mul3A_592 = arith.mulf %get3A_518, %exp3A_572 : vector<16xf32>
        %swap3A_593 = arith.index_cast %add3A_503 : i32 to index
        %swap3A_594 = arith.constant 64 : index
        %swap3A_595 = tpu.vector_load %arg18[%swap3A_593, %swap3A_594] {strides = array<i32>} : memref<32x128xf32, #tpu.memory_space<vmem>>, vector<16xf32>,
        tpu.vector_store %arg18[%swap3A_593, %swap3A_594], %mul3A_592 {strides = array<i32>} : memref<32x128xf32, #tpu.memory_space<vmem>>, vector<16xf32>,
        %mul3A_596 = arith.mulf %get3A_521, %exp3A_572 : vector<16xf32>
        %swap3A_597 = arith.index_cast %add3A_503 : i32 to index
        %swap3A_598 = arith.constant 80 : index
        %swap3A_599 = tpu.vector_load %arg18[%swap3A_597, %swap3A_598] {strides = array<i32>} : memref<32x128xf32, #tpu.memory_space<vmem>>, vector<16xf32>,
        tpu.vector_store %arg18[%swap3A_597, %swap3A_598], %mul3A_596 {strides = array<i32>} : memref<32x128xf32, #tpu.memory_space<vmem>>, vector<16xf32>,
        %mul3A_600 = arith.mulf %get3A_524, %exp3A_572 : vector<16xf32>
        %swap3A_601 = arith.index_cast %add3A_503 : i32 to index
        %swap3A_602 = arith.constant 96 : index
        %swap3A_603 = tpu.vector_load %arg18[%swap3A_601, %swap3A_602] {strides = array<i32>} : memref<32x128xf32, #tpu.memory_space<vmem>>, vector<16xf32>,
        tpu.vector_store %arg18[%swap3A_601, %swap3A_602], %mul3A_600 {strides = array<i32>} : memref<32x128xf32, #tpu.memory_space<vmem>>, vector<16xf32>,
        %mul3A_604 = arith.mulf %get3A_527, %exp3A_572 : vector<16xf32>
        %swap3A_605 = arith.index_cast %add3A_503 : i32 to index
        %swap3A_606 = arith.constant 112 : index
        %swap3A_607 = tpu.vector_load %arg18[%swap3A_605, %swap3A_606] {strides = array<i32>} : memref<32x128xf32, #tpu.memory_space<vmem>>, vector<16xf32>,
        tpu.vector_store %arg18[%swap3A_605, %swap3A_606], %mul3A_604 {strides = array<i32>} : memref<32x128xf32, #tpu.memory_space<vmem>>, vector<16xf32>,
        %scan3A_608 = arith.constant 4 : i32
        %scan3A_609 = arith.addi %scan3A_171, %scan3A_608 : i32
        %mul3A_610 = arith.constant 1 : i32
        %mul3A_611 = arith.muli %scan3A_609, %mul3A_610 : i32
        %add3A_612 = arith.constant 0 : i32
        %add3A_613 = arith.addi %add3A_612, %mul3A_611 : i32
        %get3A_614 = arith.index_cast %add3A_613 : i32 to index
        %get3A_615 = arith.constant 0 : index
        %get3A_616 = tpu.vector_load %arg18[%get3A_614, %get3A_615] {strides = array<i32>} : memref<32x128xf32, #tpu.memory_space<vmem>>, vector<16xf32>,
        %get3A_617 = arith.index_cast %add3A_613 : i32 to index
        %get3A_618 = arith.constant 16 : index
        %get3A_619 = tpu.vector_load %arg18[%get3A_617, %get3A_618] {strides = array<i32>} : memref<32x128xf32, #tpu.memory_space<vmem>>, vector<16xf32>,
        %get3A_620 = arith.index_cast %add3A_613 : i32 to index
        %get3A_621 = arith.constant 32 : index
        %get3A_622 = tpu.vector_load %arg18[%get3A_620, %get3A_621] {strides = array<i32>} : memref<32x128xf32, #tpu.memory_space<vmem>>, vector<16xf32>,
        %get3A_623 = arith.index_cast %add3A_613 : i32 to index
        %get3A_624 = arith.constant 48 : index
        %get3A_625 = tpu.vector_load %arg18[%get3A_623, %get3A_624] {strides = array<i32>} : memref<32x128xf32, #tpu.memory_space<vmem>>, vector<16xf32>,
        %get3A_626 = arith.index_cast %add3A_613 : i32 to index
        %get3A_627 = arith.constant 64 : index
        %get3A_628 = tpu.vector_load %arg18[%get3A_626, %get3A_627] {strides = array<i32>} : memref<32x128xf32, #tpu.memory_space<vmem>>, vector<16xf32>,
        %get3A_629 = arith.index_cast %add3A_613 : i32 to index
        %get3A_630 = arith.constant 80 : index
        %get3A_631 = tpu.vector_load %arg18[%get3A_629, %get3A_630] {strides = array<i32>} : memref<32x128xf32, #tpu.memory_space<vmem>>, vector<16xf32>,
        %get3A_632 = arith.index_cast %add3A_613 : i32 to index
        %get3A_633 = arith.constant 96 : index
        %get3A_634 = tpu.vector_load %arg18[%get3A_632, %get3A_633] {strides = array<i32>} : memref<32x128xf32, #tpu.memory_space<vmem>>, vector<16xf32>,
        %get3A_635 = arith.index_cast %add3A_613 : i32 to index
        %get3A_636 = arith.constant 112 : index
        %get3A_637 = tpu.vector_load %arg18[%get3A_635, %get3A_636] {strides = array<i32>} : memref<32x128xf32, #tpu.memory_space<vmem>>, vector<16xf32>,
        %get3A_638 = arith.index_cast %add3A_613 : i32 to index
        %get3A_639 = arith.constant 0 : index
        %get3A_640 = tpu.vector_load %arg20[%get3A_638, %get3A_639] {strides = array<i32>} : memref<32x128xf32, #tpu.memory_space<vmem>>, vector<16xf32>,
        %get3A_641 = arith.index_cast %add3A_613 : i32 to index
        %get3A_642 = arith.constant 16 : index
        %get3A_643 = tpu.vector_load %arg20[%get3A_641, %get3A_642] {strides = array<i32>} : memref<32x128xf32, #tpu.memory_space<vmem>>, vector<16xf32>,
        %get3A_644 = arith.index_cast %add3A_613 : i32 to index
        %get3A_645 = arith.constant 32 : index
        %get3A_646 = tpu.vector_load %arg20[%get3A_644, %get3A_645] {strides = array<i32>} : memref<32x128xf32, #tpu.memory_space<vmem>>, vector<16xf32>,
        %get3A_647 = arith.index_cast %add3A_613 : i32 to index
        %get3A_648 = arith.constant 48 : index
        %get3A_649 = tpu.vector_load %arg20[%get3A_647, %get3A_648] {strides = array<i32>} : memref<32x128xf32, #tpu.memory_space<vmem>>, vector<16xf32>,
        %get3A_650 = arith.index_cast %add3A_613 : i32 to index
        %get3A_651 = arith.constant 64 : index
        %get3A_652 = tpu.vector_load %arg20[%get3A_650, %get3A_651] {strides = array<i32>} : memref<32x128xf32, #tpu.memory_space<vmem>>, vector<16xf32>,
        %get3A_653 = arith.index_cast %add3A_613 : i32 to index
        %get3A_654 = arith.constant 80 : index
        %get3A_655 = tpu.vector_load %arg20[%get3A_653, %get3A_654] {strides = array<i32>} : memref<32x128xf32, #tpu.memory_space<vmem>>, vector<16xf32>,
        %get3A_656 = arith.index_cast %add3A_613 : i32 to index
        %get3A_657 = arith.constant 96 : index
        %get3A_658 = tpu.vector_load %arg20[%get3A_656, %get3A_657] {strides = array<i32>} : memref<32x128xf32, #tpu.memory_space<vmem>>, vector<16xf32>,
        %get3A_659 = arith.index_cast %add3A_613 : i32 to index
        %get3A_660 = arith.constant 112 : index
        %get3A_661 = tpu.vector_load %arg20[%get3A_659, %get3A_660] {strides = array<i32>} : memref<32x128xf32, #tpu.memory_space<vmem>>, vector<16xf32>,
        %mul3A_662 = arith.mulf %get3A_616, %get3A_640 : vector<16xf32>
        %mul3A_663 = arith.mulf %get3A_619, %get3A_643 : vector<16xf32>
        %add3A_664 = arith.addf %mul3A_662, %mul3A_663 : vector<16xf32>
        %mul3A_665 = arith.mulf %get3A_622, %get3A_646 : vector<16xf32>
        %add3A_666 = arith.addf %add3A_664, %mul3A_665 : vector<16xf32>
        %mul3A_667 = arith.mulf %get3A_625, %get3A_649 : vector<16xf32>
        %add3A_668 = arith.addf %add3A_666, %mul3A_667 : vector<16xf32>
        %mul3A_669 = arith.mulf %get3A_628, %get3A_652 : vector<16xf32>
        %add3A_670 = arith.addf %add3A_668, %mul3A_669 : vector<16xf32>
        %mul3A_671 = arith.mulf %get3A_631, %get3A_655 : vector<16xf32>
        %add3A_672 = arith.addf %add3A_670, %mul3A_671 : vector<16xf32>
        %mul3A_673 = arith.mulf %get3A_634, %get3A_658 : vector<16xf32>
        %add3A_674 = arith.addf %add3A_672, %mul3A_673 : vector<16xf32>
        %mul3A_675 = arith.mulf %get3A_637, %get3A_661 : vector<16xf32>
        %add3A_676 = arith.addf %add3A_674, %mul3A_675 : vector<16xf32>
        %reduce_sum3A_677 = arith.constant true
        %reduce_sum3A_678 = vector.broadcast %reduce_sum3A_677 : i1 to vector<16xi1>
        %reduce_sum3A_679 = tpu.scan <sum>, %add3A_676 masked %reduce_sum3A_678 : vector<16xf32>, vector<16xi1> -> vector<16xf32>
        %reduce_sum3A_680 = vector.extract %reduce_sum3A_679[15] : f32 from vector<16xf32>
        %broadcast_in_dim3A_681 = vector.broadcast %reduce_sum3A_680 : f32 to vector<16xf32>
        %exp3A_682 = math.exp %broadcast_in_dim3A_681 : vector<16xf32>
        %swap3A_683 = arith.index_cast %add3A_613 : i32 to index
        %swap3A_684 = arith.constant 0 : index
        %swap3A_685 = tpu.vector_load %arg22[%swap3A_683, %swap3A_684] {strides = array<i32>} : memref<32x16xf32, #tpu.memory_space<vmem>>, vector<16xf32>,
        tpu.vector_store %arg22[%swap3A_683, %swap3A_684], %exp3A_682 {strides = array<i32>} : memref<32x16xf32, #tpu.memory_space<vmem>>, vector<16xf32>,
        %mul3A_686 = arith.mulf %get3A_616, %exp3A_682 : vector<16xf32>
        %swap3A_687 = arith.index_cast %add3A_613 : i32 to index
        %swap3A_688 = arith.constant 0 : index
        %swap3A_689 = tpu.vector_load %arg18[%swap3A_687, %swap3A_688] {strides = array<i32>} : memref<32x128xf32, #tpu.memory_space<vmem>>, vector<16xf32>,
        tpu.vector_store %arg18[%swap3A_687, %swap3A_688], %mul3A_686 {strides = array<i32>} : memref<32x128xf32, #tpu.memory_space<vmem>>, vector<16xf32>,
        %mul3A_690 = arith.mulf %get3A_619, %exp3A_682 : vector<16xf32>
        %swap3A_691 = arith.index_cast %add3A_613 : i32 to index
        %swap3A_692 = arith.constant 16 : index
        %swap3A_693 = tpu.vector_load %arg18[%swap3A_691, %swap3A_692] {strides = array<i32>} : memref<32x128xf32, #tpu.memory_space<vmem>>, vector<16xf32>,
        tpu.vector_store %arg18[%swap3A_691, %swap3A_692], %mul3A_690 {strides = array<i32>} : memref<32x128xf32, #tpu.memory_space<vmem>>, vector<16xf32>,
        %mul3A_694 = arith.mulf %get3A_622, %exp3A_682 : vector<16xf32>
        %swap3A_695 = arith.index_cast %add3A_613 : i32 to index
        %swap3A_696 = arith.constant 32 : index
        %swap3A_697 = tpu.vector_load %arg18[%swap3A_695, %swap3A_696] {strides = array<i32>} : memref<32x128xf32, #tpu.memory_space<vmem>>, vector<16xf32>,
        tpu.vector_store %arg18[%swap3A_695, %swap3A_696], %mul3A_694 {strides = array<i32>} : memref<32x128xf32, #tpu.memory_space<vmem>>, vector<16xf32>,
        %mul3A_698 = arith.mulf %get3A_625, %exp3A_682 : vector<16xf32>
        %swap3A_699 = arith.index_cast %add3A_613 : i32 to index
        %swap3A_700 = arith.constant 48 : index
        %swap3A_701 = tpu.vector_load %arg18[%swap3A_699, %swap3A_700] {strides = array<i32>} : memref<32x128xf32, #tpu.memory_space<vmem>>, vector<16xf32>,
        tpu.vector_store %arg18[%swap3A_699, %swap3A_700], %mul3A_698 {strides = array<i32>} : memref<32x128xf32, #tpu.memory_space<vmem>>, vector<16xf32>,
        %mul3A_702 = arith.mulf %get3A_628, %exp3A_682 : vector<16xf32>
        %swap3A_703 = arith.index_cast %add3A_613 : i32 to index
        %swap3A_704 = arith.constant 64 : index
        %swap3A_705 = tpu.vector_load %arg18[%swap3A_703, %swap3A_704] {strides = array<i32>} : memref<32x128xf32, #tpu.memory_space<vmem>>, vector<16xf32>,
        tpu.vector_store %arg18[%swap3A_703, %swap3A_704], %mul3A_702 {strides = array<i32>} : memref<32x128xf32, #tpu.memory_space<vmem>>, vector<16xf32>,
        %mul3A_706 = arith.mulf %get3A_631, %exp3A_682 : vector<16xf32>
        %swap3A_707 = arith.index_cast %add3A_613 : i32 to index
        %swap3A_708 = arith.constant 80 : index
        %swap3A_709 = tpu.vector_load %arg18[%swap3A_707, %swap3A_708] {strides = array<i32>} : memref<32x128xf32, #tpu.memory_space<vmem>>, vector<16xf32>,
        tpu.vector_store %arg18[%swap3A_707, %swap3A_708], %mul3A_706 {strides = array<i32>} : memref<32x128xf32, #tpu.memory_space<vmem>>, vector<16xf32>,
        %mul3A_710 = arith.mulf %get3A_634, %exp3A_682 : vector<16xf32>
        %swap3A_711 = arith.index_cast %add3A_613 : i32 to index
        %swap3A_712 = arith.constant 96 : index
        %swap3A_713 = tpu.vector_load %arg18[%swap3A_711, %swap3A_712] {strides = array<i32>} : memref<32x128xf32, #tpu.memory_space<vmem>>, vector<16xf32>,
        tpu.vector_store %arg18[%swap3A_711, %swap3A_712], %mul3A_710 {strides = array<i32>} : memref<32x128xf32, #tpu.memory_space<vmem>>, vector<16xf32>,
        %mul3A_714 = arith.mulf %get3A_637, %exp3A_682 : vector<16xf32>
        %swap3A_715 = arith.index_cast %add3A_613 : i32 to index
        %swap3A_716 = arith.constant 112 : index
        %swap3A_717 = tpu.vector_load %arg18[%swap3A_715, %swap3A_716] {strides = array<i32>} : memref<32x128xf32, #tpu.memory_space<vmem>>, vector<16xf32>,
        tpu.vector_store %arg18[%swap3A_715, %swap3A_716], %mul3A_714 {strides = array<i32>} : memref<32x128xf32, #tpu.memory_space<vmem>>, vector<16xf32>,
        %scan3A_718 = arith.constant 5 : i32
        %scan3A_719 = arith.addi %scan3A_171, %scan3A_718 : i32
        %mul3A_720 = arith.constant 1 : i32
        %mul3A_721 = arith.muli %scan3A_719, %mul3A_720 : i32
        %add3A_722 = arith.constant 0 : i32
        %add3A_723 = arith.addi %add3A_722, %mul3A_721 : i32
        %get3A_724 = arith.index_cast %add3A_723 : i32 to index
        %get3A_725 = arith.constant 0 : index
        %get3A_726 = tpu.vector_load %arg18[%get3A_724, %get3A_725] {strides = array<i32>} : memref<32x128xf32, #tpu.memory_space<vmem>>, vector<16xf32>,
        %get3A_727 = arith.index_cast %add3A_723 : i32 to index
        %get3A_728 = arith.constant 16 : index
        %get3A_729 = tpu.vector_load %arg18[%get3A_727, %get3A_728] {strides = array<i32>} : memref<32x128xf32, #tpu.memory_space<vmem>>, vector<16xf32>,
        %get3A_730 = arith.index_cast %add3A_723 : i32 to index
        %get3A_731 = arith.constant 32 : index
        %get3A_732 = tpu.vector_load %arg18[%get3A_730, %get3A_731] {strides = array<i32>} : memref<32x128xf32, #tpu.memory_space<vmem>>, vector<16xf32>,
        %get3A_733 = arith.index_cast %add3A_723 : i32 to index
        %get3A_734 = arith.constant 48 : index
        %get3A_735 = tpu.vector_load %arg18[%get3A_733, %get3A_734] {strides = array<i32>} : memref<32x128xf32, #tpu.memory_space<vmem>>, vector<16xf32>,
        %get3A_736 = arith.index_cast %add3A_723 : i32 to index
        %get3A_737 = arith.constant 64 : index
        %get3A_738 = tpu.vector_load %arg18[%get3A_736, %get3A_737] {strides = array<i32>} : memref<32x128xf32, #tpu.memory_space<vmem>>, vector<16xf32>,
        %get3A_739 = arith.index_cast %add3A_723 : i32 to index
        %get3A_740 = arith.constant 80 : index
        %get3A_741 = tpu.vector_load %arg18[%get3A_739, %get3A_740] {strides = array<i32>} : memref<32x128xf32, #tpu.memory_space<vmem>>, vector<16xf32>,
        %get3A_742 = arith.index_cast %add3A_723 : i32 to index
        %get3A_743 = arith.constant 96 : index
        %get3A_744 = tpu.vector_load %arg18[%get3A_742, %get3A_743] {strides = array<i32>} : memref<32x128xf32, #tpu.memory_space<vmem>>, vector<16xf32>,
        %get3A_745 = arith.index_cast %add3A_723 : i32 to index
        %get3A_746 = arith.constant 112 : index
        %get3A_747 = tpu.vector_load %arg18[%get3A_745, %get3A_746] {strides = array<i32>} : memref<32x128xf32, #tpu.memory_space<vmem>>, vector<16xf32>,
        %get3A_748 = arith.index_cast %add3A_723 : i32 to index
        %get3A_749 = arith.constant 0 : index
        %get3A_750 = tpu.vector_load %arg20[%get3A_748, %get3A_749] {strides = array<i32>} : memref<32x128xf32, #tpu.memory_space<vmem>>, vector<16xf32>,
        %get3A_751 = arith.index_cast %add3A_723 : i32 to index
        %get3A_752 = arith.constant 16 : index
        %get3A_753 = tpu.vector_load %arg20[%get3A_751, %get3A_752] {strides = array<i32>} : memref<32x128xf32, #tpu.memory_space<vmem>>, vector<16xf32>,
        %get3A_754 = arith.index_cast %add3A_723 : i32 to index
        %get3A_755 = arith.constant 32 : index
        %get3A_756 = tpu.vector_load %arg20[%get3A_754, %get3A_755] {strides = array<i32>} : memref<32x128xf32, #tpu.memory_space<vmem>>, vector<16xf32>,
        %get3A_757 = arith.index_cast %add3A_723 : i32 to index
        %get3A_758 = arith.constant 48 : index
        %get3A_759 = tpu.vector_load %arg20[%get3A_757, %get3A_758] {strides = array<i32>} : memref<32x128xf32, #tpu.memory_space<vmem>>, vector<16xf32>,
        %get3A_760 = arith.index_cast %add3A_723 : i32 to index
        %get3A_761 = arith.constant 64 : index
        %get3A_762 = tpu.vector_load %arg20[%get3A_760, %get3A_761] {strides = array<i32>} : memref<32x128xf32, #tpu.memory_space<vmem>>, vector<16xf32>,
        %get3A_763 = arith.index_cast %add3A_723 : i32 to index
        %get3A_764 = arith.constant 80 : index
        %get3A_765 = tpu.vector_load %arg20[%get3A_763, %get3A_764] {strides = array<i32>} : memref<32x128xf32, #tpu.memory_space<vmem>>, vector<16xf32>,
        %get3A_766 = arith.index_cast %add3A_723 : i32 to index
        %get3A_767 = arith.constant 96 : index
        %get3A_768 = tpu.vector_load %arg20[%get3A_766, %get3A_767] {strides = array<i32>} : memref<32x128xf32, #tpu.memory_space<vmem>>, vector<16xf32>,
        %get3A_769 = arith.index_cast %add3A_723 : i32 to index
        %get3A_770 = arith.constant 112 : index
        %get3A_771 = tpu.vector_load %arg20[%get3A_769, %get3A_770] {strides = array<i32>} : memref<32x128xf32, #tpu.memory_space<vmem>>, vector<16xf32>,
        %mul3A_772 = arith.mulf %get3A_726, %get3A_750 : vector<16xf32>
        %mul3A_773 = arith.mulf %get3A_729, %get3A_753 : vector<16xf32>
        %add3A_774 = arith.addf %mul3A_772, %mul3A_773 : vector<16xf32>
        %mul3A_775 = arith.mulf %get3A_732, %get3A_756 : vector<16xf32>
        %add3A_776 = arith.addf %add3A_774, %mul3A_775 : vector<16xf32>
        %mul3A_777 = arith.mulf %get3A_735, %get3A_759 : vector<16xf32>
        %add3A_778 = arith.addf %add3A_776, %mul3A_777 : vector<16xf32>
        %mul3A_779 = arith.mulf %get3A_738, %get3A_762 : vector<16xf32>
        %add3A_780 = arith.addf %add3A_778, %mul3A_779 : vector<16xf32>
        %mul3A_781 = arith.mulf %get3A_741, %get3A_765 : vector<16xf32>
        %add3A_782 = arith.addf %add3A_780, %mul3A_781 : vector<16xf32>
        %mul3A_783 = arith.mulf %get3A_744, %get3A_768 : vector<16xf32>
        %add3A_784 = arith.addf %add3A_782, %mul3A_783 : vector<16xf32>
        %mul3A_785 = arith.mulf %get3A_747, %get3A_771 : vector<16xf32>
        %add3A_786 = arith.addf %add3A_784, %mul3A_785 : vector<16xf32>
        %reduce_sum3A_787 = arith.constant true
        %reduce_sum3A_788 = vector.broadcast %reduce_sum3A_787 : i1 to vector<16xi1>
        %reduce_sum3A_789 = tpu.scan <sum>, %add3A_786 masked %reduce_sum3A_788 : vector<16xf32>, vector<16xi1> -> vector<16xf32>
        %reduce_sum3A_790 = vector.extract %reduce_sum3A_789[15] : f32 from vector<16xf32>
        %broadcast_in_dim3A_791 = vector.broadcast %reduce_sum3A_790 : f32 to vector<16xf32>
        %exp3A_792 = math.exp %broadcast_in_dim3A_791 : vector<16xf32>
        %swap3A_793 = arith.index_cast %add3A_723 : i32 to index
        %swap3A_794 = arith.constant 0 : index
        %swap3A_795 = tpu.vector_load %arg22[%swap3A_793, %swap3A_794] {strides = array<i32>} : memref<32x16xf32, #tpu.memory_space<vmem>>, vector<16xf32>,
        tpu.vector_store %arg22[%swap3A_793, %swap3A_794], %exp3A_792 {strides = array<i32>} : memref<32x16xf32, #tpu.memory_space<vmem>>, vector<16xf32>,
        %mul3A_796 = arith.mulf %get3A_726, %exp3A_792 : vector<16xf32>
        %swap3A_797 = arith.index_cast %add3A_723 : i32 to index
        %swap3A_798 = arith.constant 0 : index
        %swap3A_799 = tpu.vector_load %arg18[%swap3A_797, %swap3A_798] {strides = array<i32>} : memref<32x128xf32, #tpu.memory_space<vmem>>, vector<16xf32>,
        tpu.vector_store %arg18[%swap3A_797, %swap3A_798], %mul3A_796 {strides = array<i32>} : memref<32x128xf32, #tpu.memory_space<vmem>>, vector<16xf32>,
        %mul3A_800 = arith.mulf %get3A_729, %exp3A_792 : vector<16xf32>
        %swap3A_801 = arith.index_cast %add3A_723 : i32 to index
        %swap3A_802 = arith.constant 16 : index
        %swap3A_803 = tpu.vector_load %arg18[%swap3A_801, %swap3A_802] {strides = array<i32>} : memref<32x128xf32, #tpu.memory_space<vmem>>, vector<16xf32>,
        tpu.vector_store %arg18[%swap3A_801, %swap3A_802], %mul3A_800 {strides = array<i32>} : memref<32x128xf32, #tpu.memory_space<vmem>>, vector<16xf32>,
        %mul3A_804 = arith.mulf %get3A_732, %exp3A_792 : vector<16xf32>
        %swap3A_805 = arith.index_cast %add3A_723 : i32 to index
        %swap3A_806 = arith.constant 32 : index
        %swap3A_807 = tpu.vector_load %arg18[%swap3A_805, %swap3A_806] {strides = array<i32>} : memref<32x128xf32, #tpu.memory_space<vmem>>, vector<16xf32>,
        tpu.vector_store %arg18[%swap3A_805, %swap3A_806], %mul3A_804 {strides = array<i32>} : memref<32x128xf32, #tpu.memory_space<vmem>>, vector<16xf32>,
        %mul3A_808 = arith.mulf %get3A_735, %exp3A_792 : vector<16xf32>
        %swap3A_809 = arith.index_cast %add3A_723 : i32 to index
        %swap3A_810 = arith.constant 48 : index
        %swap3A_811 = tpu.vector_load %arg18[%swap3A_809, %swap3A_810] {strides = array<i32>} : memref<32x128xf32, #tpu.memory_space<vmem>>, vector<16xf32>,
        tpu.vector_store %arg18[%swap3A_809, %swap3A_810], %mul3A_808 {strides = array<i32>} : memref<32x128xf32, #tpu.memory_space<vmem>>, vector<16xf32>,
        %mul3A_812 = arith.mulf %get3A_738, %exp3A_792 : vector<16xf32>
        %swap3A_813 = arith.index_cast %add3A_723 : i32 to index
        %swap3A_814 = arith.constant 64 : index
        %swap3A_815 = tpu.vector_load %arg18[%swap3A_813, %swap3A_814] {strides = array<i32>} : memref<32x128xf32, #tpu.memory_space<vmem>>, vector<16xf32>,
        tpu.vector_store %arg18[%swap3A_813, %swap3A_814], %mul3A_812 {strides = array<i32>} : memref<32x128xf32, #tpu.memory_space<vmem>>, vector<16xf32>,
        %mul3A_816 = arith.mulf %get3A_741, %exp3A_792 : vector<16xf32>
        %swap3A_817 = arith.index_cast %add3A_723 : i32 to index
        %swap3A_818 = arith.constant 80 : index
        %swap3A_819 = tpu.vector_load %arg18[%swap3A_817, %swap3A_818] {strides = array<i32>} : memref<32x128xf32, #tpu.memory_space<vmem>>, vector<16xf32>,
        tpu.vector_store %arg18[%swap3A_817, %swap3A_818], %mul3A_816 {strides = array<i32>} : memref<32x128xf32, #tpu.memory_space<vmem>>, vector<16xf32>,
        %mul3A_820 = arith.mulf %get3A_744, %exp3A_792 : vector<16xf32>
        %swap3A_821 = arith.index_cast %add3A_723 : i32 to index
        %swap3A_822 = arith.constant 96 : index
        %swap3A_823 = tpu.vector_load %arg18[%swap3A_821, %swap3A_822] {strides = array<i32>} : memref<32x128xf32, #tpu.memory_space<vmem>>, vector<16xf32>,
        tpu.vector_store %arg18[%swap3A_821, %swap3A_822], %mul3A_820 {strides = array<i32>} : memref<32x128xf32, #tpu.memory_space<vmem>>, vector<16xf32>,
        %mul3A_824 = arith.mulf %get3A_747, %exp3A_792 : vector<16xf32>
        %swap3A_825 = arith.index_cast %add3A_723 : i32 to index
        %swap3A_826 = arith.constant 112 : index
        %swap3A_827 = tpu.vector_load %arg18[%swap3A_825, %swap3A_826] {strides = array<i32>} : memref<32x128xf32, #tpu.memory_space<vmem>>, vector<16xf32>,
        tpu.vector_store %arg18[%swap3A_825, %swap3A_826], %mul3A_824 {strides = array<i32>} : memref<32x128xf32, #tpu.memory_space<vmem>>, vector<16xf32>,
        %scan3A_828 = arith.constant 6 : i32
        %scan3A_829 = arith.addi %scan3A_171, %scan3A_828 : i32
        %mul3A_830 = arith.constant 1 : i32
        %mul3A_831 = arith.muli %scan3A_829, %mul3A_830 : i32
        %add3A_832 = arith.constant 0 : i32
        %add3A_833 = arith.addi %add3A_832, %mul3A_831 : i32
        %get3A_834 = arith.index_cast %add3A_833 : i32 to index
        %get3A_835 = arith.constant 0 : index
        %get3A_836 = tpu.vector_load %arg18[%get3A_834, %get3A_835] {strides = array<i32>} : memref<32x128xf32, #tpu.memory_space<vmem>>, vector<16xf32>,
        %get3A_837 = arith.index_cast %add3A_833 : i32 to index
        %get3A_838 = arith.constant 16 : index
        %get3A_839 = tpu.vector_load %arg18[%get3A_837, %get3A_838] {strides = array<i32>} : memref<32x128xf32, #tpu.memory_space<vmem>>, vector<16xf32>,
        %get3A_840 = arith.index_cast %add3A_833 : i32 to index
        %get3A_841 = arith.constant 32 : index
        %get3A_842 = tpu.vector_load %arg18[%get3A_840, %get3A_841] {strides = array<i32>} : memref<32x128xf32, #tpu.memory_space<vmem>>, vector<16xf32>,
        %get3A_843 = arith.index_cast %add3A_833 : i32 to index
        %get3A_844 = arith.constant 48 : index
        %get3A_845 = tpu.vector_load %arg18[%get3A_843, %get3A_844] {strides = array<i32>} : memref<32x128xf32, #tpu.memory_space<vmem>>, vector<16xf32>,
        %get3A_846 = arith.index_cast %add3A_833 : i32 to index
        %get3A_847 = arith.constant 64 : index
        %get3A_848 = tpu.vector_load %arg18[%get3A_846, %get3A_847] {strides = array<i32>} : memref<32x128xf32, #tpu.memory_space<vmem>>, vector<16xf32>,
        %get3A_849 = arith.index_cast %add3A_833 : i32 to index
        %get3A_850 = arith.constant 80 : index
        %get3A_851 = tpu.vector_load %arg18[%get3A_849, %get3A_850] {strides = array<i32>} : memref<32x128xf32, #tpu.memory_space<vmem>>, vector<16xf32>,
        %get3A_852 = arith.index_cast %add3A_833 : i32 to index
        %get3A_853 = arith.constant 96 : index
        %get3A_854 = tpu.vector_load %arg18[%get3A_852, %get3A_853] {strides = array<i32>} : memref<32x128xf32, #tpu.memory_space<vmem>>, vector<16xf32>,
        %get3A_855 = arith.index_cast %add3A_833 : i32 to index
        %get3A_856 = arith.constant 112 : index
        %get3A_857 = tpu.vector_load %arg18[%get3A_855, %get3A_856] {strides = array<i32>} : memref<32x128xf32, #tpu.memory_space<vmem>>, vector<16xf32>,
        %get3A_858 = arith.index_cast %add3A_833 : i32 to index
        %get3A_859 = arith.constant 0 : index
        %get3A_860 = tpu.vector_load %arg20[%get3A_858, %get3A_859] {strides = array<i32>} : memref<32x128xf32, #tpu.memory_space<vmem>>, vector<16xf32>,
        %get3A_861 = arith.index_cast %add3A_833 : i32 to index
        %get3A_862 = arith.constant 16 : index
        %get3A_863 = tpu.vector_load %arg20[%get3A_861, %get3A_862] {strides = array<i32>} : memref<32x128xf32, #tpu.memory_space<vmem>>, vector<16xf32>,
        %get3A_864 = arith.index_cast %add3A_833 : i32 to index
        %get3A_865 = arith.constant 32 : index
        %get3A_866 = tpu.vector_load %arg20[%get3A_864, %get3A_865] {strides = array<i32>} : memref<32x128xf32, #tpu.memory_space<vmem>>, vector<16xf32>,
        %get3A_867 = arith.index_cast %add3A_833 : i32 to index
        %get3A_868 = arith.constant 48 : index
        %get3A_869 = tpu.vector_load %arg20[%get3A_867, %get3A_868] {strides = array<i32>} : memref<32x128xf32, #tpu.memory_space<vmem>>, vector<16xf32>,
        %get3A_870 = arith.index_cast %add3A_833 : i32 to index
        %get3A_871 = arith.constant 64 : index
        %get3A_872 = tpu.vector_load %arg20[%get3A_870, %get3A_871] {strides = array<i32>} : memref<32x128xf32, #tpu.memory_space<vmem>>, vector<16xf32>,
        %get3A_873 = arith.index_cast %add3A_833 : i32 to index
        %get3A_874 = arith.constant 80 : index
        %get3A_875 = tpu.vector_load %arg20[%get3A_873, %get3A_874] {strides = array<i32>} : memref<32x128xf32, #tpu.memory_space<vmem>>, vector<16xf32>,
        %get3A_876 = arith.index_cast %add3A_833 : i32 to index
        %get3A_877 = arith.constant 96 : index
        %get3A_878 = tpu.vector_load %arg20[%get3A_876, %get3A_877] {strides = array<i32>} : memref<32x128xf32, #tpu.memory_space<vmem>>, vector<16xf32>,
        %get3A_879 = arith.index_cast %add3A_833 : i32 to index
        %get3A_880 = arith.constant 112 : index
        %get3A_881 = tpu.vector_load %arg20[%get3A_879, %get3A_880] {strides = array<i32>} : memref<32x128xf32, #tpu.memory_space<vmem>>, vector<16xf32>,
        %mul3A_882 = arith.mulf %get3A_836, %get3A_860 : vector<16xf32>
        %mul3A_883 = arith.mulf %get3A_839, %get3A_863 : vector<16xf32>
        %add3A_884 = arith.addf %mul3A_882, %mul3A_883 : vector<16xf32>
        %mul3A_885 = arith.mulf %get3A_842, %get3A_866 : vector<16xf32>
        %add3A_886 = arith.addf %add3A_884, %mul3A_885 : vector<16xf32>
        %mul3A_887 = arith.mulf %get3A_845, %get3A_869 : vector<16xf32>
        %add3A_888 = arith.addf %add3A_886, %mul3A_887 : vector<16xf32>
        %mul3A_889 = arith.mulf %get3A_848, %get3A_872 : vector<16xf32>
        %add3A_890 = arith.addf %add3A_888, %mul3A_889 : vector<16xf32>
        %mul3A_891 = arith.mulf %get3A_851, %get3A_875 : vector<16xf32>
        %add3A_892 = arith.addf %add3A_890, %mul3A_891 : vector<16xf32>
        %mul3A_893 = arith.mulf %get3A_854, %get3A_878 : vector<16xf32>
        %add3A_894 = arith.addf %add3A_892, %mul3A_893 : vector<16xf32>
        %mul3A_895 = arith.mulf %get3A_857, %get3A_881 : vector<16xf32>
        %add3A_896 = arith.addf %add3A_894, %mul3A_895 : vector<16xf32>
        %reduce_sum3A_897 = arith.constant true
        %reduce_sum3A_898 = vector.broadcast %reduce_sum3A_897 : i1 to vector<16xi1>
        %reduce_sum3A_899 = tpu.scan <sum>, %add3A_896 masked %reduce_sum3A_898 : vector<16xf32>, vector<16xi1> -> vector<16xf32>
        %reduce_sum3A_900 = vector.extract %reduce_sum3A_899[15] : f32 from vector<16xf32>
        %broadcast_in_dim3A_901 = vector.broadcast %reduce_sum3A_900 : f32 to vector<16xf32>
        %exp3A_902 = math.exp %broadcast_in_dim3A_901 : vector<16xf32>
        %swap3A_903 = arith.index_cast %add3A_833 : i32 to index
        %swap3A_904 = arith.constant 0 : index
        %swap3A_905 = tpu.vector_load %arg22[%swap3A_903, %swap3A_904] {strides = array<i32>} : memref<32x16xf32, #tpu.memory_space<vmem>>, vector<16xf32>,
        tpu.vector_store %arg22[%swap3A_903, %swap3A_904], %exp3A_902 {strides = array<i32>} : memref<32x16xf32, #tpu.memory_space<vmem>>, vector<16xf32>,
        %mul3A_906 = arith.mulf %get3A_836, %exp3A_902 : vector<16xf32>
        %swap3A_907 = arith.index_cast %add3A_833 : i32 to index
        %swap3A_908 = arith.constant 0 : index
        %swap3A_909 = tpu.vector_load %arg18[%swap3A_907, %swap3A_908] {strides = array<i32>} : memref<32x128xf32, #tpu.memory_space<vmem>>, vector<16xf32>,
        tpu.vector_store %arg18[%swap3A_907, %swap3A_908], %mul3A_906 {strides = array<i32>} : memref<32x128xf32, #tpu.memory_space<vmem>>, vector<16xf32>,
        %mul3A_910 = arith.mulf %get3A_839, %exp3A_902 : vector<16xf32>
        %swap3A_911 = arith.index_cast %add3A_833 : i32 to index
        %swap3A_912 = arith.constant 16 : index
        %swap3A_913 = tpu.vector_load %arg18[%swap3A_911, %swap3A_912] {strides = array<i32>} : memref<32x128xf32, #tpu.memory_space<vmem>>, vector<16xf32>,
        tpu.vector_store %arg18[%swap3A_911, %swap3A_912], %mul3A_910 {strides = array<i32>} : memref<32x128xf32, #tpu.memory_space<vmem>>, vector<16xf32>,
        %mul3A_914 = arith.mulf %get3A_842, %exp3A_902 : vector<16xf32>
        %swap3A_915 = arith.index_cast %add3A_833 : i32 to index
        %swap3A_916 = arith.constant 32 : index
        %swap3A_917 = tpu.vector_load %arg18[%swap3A_915, %swap3A_916] {strides = array<i32>} : memref<32x128xf32, #tpu.memory_space<vmem>>, vector<16xf32>,
        tpu.vector_store %arg18[%swap3A_915, %swap3A_916], %mul3A_914 {strides = array<i32>} : memref<32x128xf32, #tpu.memory_space<vmem>>, vector<16xf32>,
        %mul3A_918 = arith.mulf %get3A_845, %exp3A_902 : vector<16xf32>
        %swap3A_919 = arith.index_cast %add3A_833 : i32 to index
        %swap3A_920 = arith.constant 48 : index
        %swap3A_921 = tpu.vector_load %arg18[%swap3A_919, %swap3A_920] {strides = array<i32>} : memref<32x128xf32, #tpu.memory_space<vmem>>, vector<16xf32>,
        tpu.vector_store %arg18[%swap3A_919, %swap3A_920], %mul3A_918 {strides = array<i32>} : memref<32x128xf32, #tpu.memory_space<vmem>>, vector<16xf32>,
        %mul3A_922 = arith.mulf %get3A_848, %exp3A_902 : vector<16xf32>
        %swap3A_923 = arith.index_cast %add3A_833 : i32 to index
        %swap3A_924 = arith.constant 64 : index
        %swap3A_925 = tpu.vector_load %arg18[%swap3A_923, %swap3A_924] {strides = array<i32>} : memref<32x128xf32, #tpu.memory_space<vmem>>, vector<16xf32>,
        tpu.vector_store %arg18[%swap3A_923, %swap3A_924], %mul3A_922 {strides = array<i32>} : memref<32x128xf32, #tpu.memory_space<vmem>>, vector<16xf32>,
        %mul3A_926 = arith.mulf %get3A_851, %exp3A_902 : vector<16xf32>
        %swap3A_927 = arith.index_cast %add3A_833 : i32 to index
        %swap3A_928 = arith.constant 80 : index
        %swap3A_929 = tpu.vector_load %arg18[%swap3A_927, %swap3A_928] {strides = array<i32>} : memref<32x128xf32, #tpu.memory_space<vmem>>, vector<16xf32>,
        tpu.vector_store %arg18[%swap3A_927, %swap3A_928], %mul3A_926 {strides = array<i32>} : memref<32x128xf32, #tpu.memory_space<vmem>>, vector<16xf32>,
        %mul3A_930 = arith.mulf %get3A_854, %exp3A_902 : vector<16xf32>
        %swap3A_931 = arith.index_cast %add3A_833 : i32 to index
        %swap3A_932 = arith.constant 96 : index
        %swap3A_933 = tpu.vector_load %arg18[%swap3A_931, %swap3A_932] {strides = array<i32>} : memref<32x128xf32, #tpu.memory_space<vmem>>, vector<16xf32>,
        tpu.vector_store %arg18[%swap3A_931, %swap3A_932], %mul3A_930 {strides = array<i32>} : memref<32x128xf32, #tpu.memory_space<vmem>>, vector<16xf32>,
        %mul3A_934 = arith.mulf %get3A_857, %exp3A_902 : vector<16xf32>
        %swap3A_935 = arith.index_cast %add3A_833 : i32 to index
        %swap3A_936 = arith.constant 112 : index
        %swap3A_937 = tpu.vector_load %arg18[%swap3A_935, %swap3A_936] {strides = array<i32>} : memref<32x128xf32, #tpu.memory_space<vmem>>, vector<16xf32>,
        tpu.vector_store %arg18[%swap3A_935, %swap3A_936], %mul3A_934 {strides = array<i32>} : memref<32x128xf32, #tpu.memory_space<vmem>>, vector<16xf32>,
        %scan3A_938 = arith.constant 7 : i32
        %scan3A_939 = arith.addi %scan3A_171, %scan3A_938 : i32
        %mul3A_940 = arith.constant 1 : i32
        %mul3A_941 = arith.muli %scan3A_939, %mul3A_940 : i32
        %add3A_942 = arith.constant 0 : i32
        %add3A_943 = arith.addi %add3A_942, %mul3A_941 : i32
        %get3A_944 = arith.index_cast %add3A_943 : i32 to index
        %get3A_945 = arith.constant 0 : index
        %get3A_946 = tpu.vector_load %arg18[%get3A_944, %get3A_945] {strides = array<i32>} : memref<32x128xf32, #tpu.memory_space<vmem>>, vector<16xf32>,
        %get3A_947 = arith.index_cast %add3A_943 : i32 to index
        %get3A_948 = arith.constant 16 : index
        %get3A_949 = tpu.vector_load %arg18[%get3A_947, %get3A_948] {strides = array<i32>} : memref<32x128xf32, #tpu.memory_space<vmem>>, vector<16xf32>,
        %get3A_950 = arith.index_cast %add3A_943 : i32 to index
        %get3A_951 = arith.constant 32 : index
        %get3A_952 = tpu.vector_load %arg18[%get3A_950, %get3A_951] {strides = array<i32>} : memref<32x128xf32, #tpu.memory_space<vmem>>, vector<16xf32>,
        %get3A_953 = arith.index_cast %add3A_943 : i32 to index
        %get3A_954 = arith.constant 48 : index
        %get3A_955 = tpu.vector_load %arg18[%get3A_953, %get3A_954] {strides = array<i32>} : memref<32x128xf32, #tpu.memory_space<vmem>>, vector<16xf32>,
        %get3A_956 = arith.index_cast %add3A_943 : i32 to index
        %get3A_957 = arith.constant 64 : index
        %get3A_958 = tpu.vector_load %arg18[%get3A_956, %get3A_957] {strides = array<i32>} : memref<32x128xf32, #tpu.memory_space<vmem>>, vector<16xf32>,
        %get3A_959 = arith.index_cast %add3A_943 : i32 to index
        %get3A_960 = arith.constant 80 : index
        %get3A_961 = tpu.vector_load %arg18[%get3A_959, %get3A_960] {strides = array<i32>} : memref<32x128xf32, #tpu.memory_space<vmem>>, vector<16xf32>,
        %get3A_962 = arith.index_cast %add3A_943 : i32 to index
        %get3A_963 = arith.constant 96 : index
        %get3A_964 = tpu.vector_load %arg18[%get3A_962, %get3A_963] {strides = array<i32>} : memref<32x128xf32, #tpu.memory_space<vmem>>, vector<16xf32>,
        %get3A_965 = arith.index_cast %add3A_943 : i32 to index
        %get3A_966 = arith.constant 112 : index
        %get3A_967 = tpu.vector_load %arg18[%get3A_965, %get3A_966] {strides = array<i32>} : memref<32x128xf32, #tpu.memory_space<vmem>>, vector<16xf32>,
        %get3A_968 = arith.index_cast %add3A_943 : i32 to index
        %get3A_969 = arith.constant 0 : index
        %get3A_970 = tpu.vector_load %arg20[%get3A_968, %get3A_969] {strides = array<i32>} : memref<32x128xf32, #tpu.memory_space<vmem>>, vector<16xf32>,
        %get3A_971 = arith.index_cast %add3A_943 : i32 to index
        %get3A_972 = arith.constant 16 : index
        %get3A_973 = tpu.vector_load %arg20[%get3A_971, %get3A_972] {strides = array<i32>} : memref<32x128xf32, #tpu.memory_space<vmem>>, vector<16xf32>,
        %get3A_974 = arith.index_cast %add3A_943 : i32 to index
        %get3A_975 = arith.constant 32 : index
        %get3A_976 = tpu.vector_load %arg20[%get3A_974, %get3A_975] {strides = array<i32>} : memref<32x128xf32, #tpu.memory_space<vmem>>, vector<16xf32>,
        %get3A_977 = arith.index_cast %add3A_943 : i32 to index
        %get3A_978 = arith.constant 48 : index
        %get3A_979 = tpu.vector_load %arg20[%get3A_977, %get3A_978] {strides = array<i32>} : memref<32x128xf32, #tpu.memory_space<vmem>>, vector<16xf32>,
        %get3A_980 = arith.index_cast %add3A_943 : i32 to index
        %get3A_981 = arith.constant 64 : index
        %get3A_982 = tpu.vector_load %arg20[%get3A_980, %get3A_981] {strides = array<i32>} : memref<32x128xf32, #tpu.memory_space<vmem>>, vector<16xf32>,
        %get3A_983 = arith.index_cast %add3A_943 : i32 to index
        %get3A_984 = arith.constant 80 : index
        %get3A_985 = tpu.vector_load %arg20[%get3A_983, %get3A_984] {strides = array<i32>} : memref<32x128xf32, #tpu.memory_space<vmem>>, vector<16xf32>,
        %get3A_986 = arith.index_cast %add3A_943 : i32 to index
        %get3A_987 = arith.constant 96 : index
        %get3A_988 = tpu.vector_load %arg20[%get3A_986, %get3A_987] {strides = array<i32>} : memref<32x128xf32, #tpu.memory_space<vmem>>, vector<16xf32>,
        %get3A_989 = arith.index_cast %add3A_943 : i32 to index
        %get3A_990 = arith.constant 112 : index
        %get3A_991 = tpu.vector_load %arg20[%get3A_989, %get3A_990] {strides = array<i32>} : memref<32x128xf32, #tpu.memory_space<vmem>>, vector<16xf32>,
        %mul3A_992 = arith.mulf %get3A_946, %get3A_970 : vector<16xf32>
        %mul3A_993 = arith.mulf %get3A_949, %get3A_973 : vector<16xf32>
        %add3A_994 = arith.addf %mul3A_992, %mul3A_993 : vector<16xf32>
        %mul3A_995 = arith.mulf %get3A_952, %get3A_976 : vector<16xf32>
        %add3A_996 = arith.addf %add3A_994, %mul3A_995 : vector<16xf32>
        %mul3A_997 = arith.mulf %get3A_955, %get3A_979 : vector<16xf32>
        %add3A_998 = arith.addf %add3A_996, %mul3A_997 : vector<16xf32>
        %mul3A_999 = arith.mulf %get3A_958, %get3A_982 : vector<16xf32>
        %add3A_1000 = arith.addf %add3A_998, %mul3A_999 : vector<16xf32>
        %mul3A_1001 = arith.mulf %get3A_961, %get3A_985 : vector<16xf32>
        %add3A_1002 = arith.addf %add3A_1000, %mul3A_1001 : vector<16xf32>
        %mul3A_1003 = arith.mulf %get3A_964, %get3A_988 : vector<16xf32>
        %add3A_1004 = arith.addf %add3A_1002, %mul3A_1003 : vector<16xf32>
        %mul3A_1005 = arith.mulf %get3A_967, %get3A_991 : vector<16xf32>
        %add3A_1006 = arith.addf %add3A_1004, %mul3A_1005 : vector<16xf32>
        %reduce_sum3A_1007 = arith.constant true
        %reduce_sum3A_1008 = vector.broadcast %reduce_sum3A_1007 : i1 to vector<16xi1>
        %reduce_sum3A_1009 = tpu.scan <sum>, %add3A_1006 masked %reduce_sum3A_1008 : vector<16xf32>, vector<16xi1> -> vector<16xf32>
        %reduce_sum3A_1010 = vector.extract %reduce_sum3A_1009[15] : f32 from vector<16xf32>
        %broadcast_in_dim3A_1011 = vector.broadcast %reduce_sum3A_1010 : f32 to vector<16xf32>
        %exp3A_1012 = math.exp %broadcast_in_dim3A_1011 : vector<16xf32>
        %swap3A_1013 = arith.index_cast %add3A_943 : i32 to index
        %swap3A_1014 = arith.constant 0 : index
        %swap3A_1015 = tpu.vector_load %arg22[%swap3A_1013, %swap3A_1014] {strides = array<i32>} : memref<32x16xf32, #tpu.memory_space<vmem>>, vector<16xf32>,
        tpu.vector_store %arg22[%swap3A_1013, %swap3A_1014], %exp3A_1012 {strides = array<i32>} : memref<32x16xf32, #tpu.memory_space<vmem>>, vector<16xf32>,
        %mul3A_1016 = arith.mulf %get3A_946, %exp3A_1012 : vector<16xf32>
        %swap3A_1017 = arith.index_cast %add3A_943 : i32 to index
        %swap3A_1018 = arith.constant 0 : index
        %swap3A_1019 = tpu.vector_load %arg18[%swap3A_1017, %swap3A_1018] {strides = array<i32>} : memref<32x128xf32, #tpu.memory_space<vmem>>, vector<16xf32>,
        tpu.vector_store %arg18[%swap3A_1017, %swap3A_1018], %mul3A_1016 {strides = array<i32>} : memref<32x128xf32, #tpu.memory_space<vmem>>, vector<16xf32>,
        %mul3A_1020 = arith.mulf %get3A_949, %exp3A_1012 : vector<16xf32>
        %swap3A_1021 = arith.index_cast %add3A_943 : i32 to index
        %swap3A_1022 = arith.constant 16 : index
        %swap3A_1023 = tpu.vector_load %arg18[%swap3A_1021, %swap3A_1022] {strides = array<i32>} : memref<32x128xf32, #tpu.memory_space<vmem>>, vector<16xf32>,
        tpu.vector_store %arg18[%swap3A_1021, %swap3A_1022], %mul3A_1020 {strides = array<i32>} : memref<32x128xf32, #tpu.memory_space<vmem>>, vector<16xf32>,
        %mul3A_1024 = arith.mulf %get3A_952, %exp3A_1012 : vector<16xf32>
        %swap3A_1025 = arith.index_cast %add3A_943 : i32 to index
        %swap3A_1026 = arith.constant 32 : index
        %swap3A_1027 = tpu.vector_load %arg18[%swap3A_1025, %swap3A_1026] {strides = array<i32>} : memref<32x128xf32, #tpu.memory_space<vmem>>, vector<16xf32>,
        tpu.vector_store %arg18[%swap3A_1025, %swap3A_1026], %mul3A_1024 {strides = array<i32>} : memref<32x128xf32, #tpu.memory_space<vmem>>, vector<16xf32>,
        %mul3A_1028 = arith.mulf %get3A_955, %exp3A_1012 : vector<16xf32>
        %swap3A_1029 = arith.index_cast %add3A_943 : i32 to index
        %swap3A_1030 = arith.constant 48 : index
        %swap3A_1031 = tpu.vector_load %arg18[%swap3A_1029, %swap3A_1030] {strides = array<i32>} : memref<32x128xf32, #tpu.memory_space<vmem>>, vector<16xf32>,
        tpu.vector_store %arg18[%swap3A_1029, %swap3A_1030], %mul3A_1028 {strides = array<i32>} : memref<32x128xf32, #tpu.memory_space<vmem>>, vector<16xf32>,
        %mul3A_1032 = arith.mulf %get3A_958, %exp3A_1012 : vector<16xf32>
        %swap3A_1033 = arith.index_cast %add3A_943 : i32 to index
        %swap3A_1034 = arith.constant 64 : index
        %swap3A_1035 = tpu.vector_load %arg18[%swap3A_1033, %swap3A_1034] {strides = array<i32>} : memref<32x128xf32, #tpu.memory_space<vmem>>, vector<16xf32>,
        tpu.vector_store %arg18[%swap3A_1033, %swap3A_1034], %mul3A_1032 {strides = array<i32>} : memref<32x128xf32, #tpu.memory_space<vmem>>, vector<16xf32>,
        %mul3A_1036 = arith.mulf %get3A_961, %exp3A_1012 : vector<16xf32>
        %swap3A_1037 = arith.index_cast %add3A_943 : i32 to index
        %swap3A_1038 = arith.constant 80 : index
        %swap3A_1039 = tpu.vector_load %arg18[%swap3A_1037, %swap3A_1038] {strides = array<i32>} : memref<32x128xf32, #tpu.memory_space<vmem>>, vector<16xf32>,
        tpu.vector_store %arg18[%swap3A_1037, %swap3A_1038], %mul3A_1036 {strides = array<i32>} : memref<32x128xf32, #tpu.memory_space<vmem>>, vector<16xf32>,
        %mul3A_1040 = arith.mulf %get3A_964, %exp3A_1012 : vector<16xf32>
        %swap3A_1041 = arith.index_cast %add3A_943 : i32 to index
        %swap3A_1042 = arith.constant 96 : index
        %swap3A_1043 = tpu.vector_load %arg18[%swap3A_1041, %swap3A_1042] {strides = array<i32>} : memref<32x128xf32, #tpu.memory_space<vmem>>, vector<16xf32>,
        tpu.vector_store %arg18[%swap3A_1041, %swap3A_1042], %mul3A_1040 {strides = array<i32>} : memref<32x128xf32, #tpu.memory_space<vmem>>, vector<16xf32>,
        %mul3A_1044 = arith.mulf %get3A_967, %exp3A_1012 : vector<16xf32>
        %swap3A_1045 = arith.index_cast %add3A_943 : i32 to index
        %swap3A_1046 = arith.constant 112 : index
        %swap3A_1047 = tpu.vector_load %arg18[%swap3A_1045, %swap3A_1046] {strides = array<i32>} : memref<32x128xf32, #tpu.memory_space<vmem>>, vector<16xf32>,
        tpu.vector_store %arg18[%swap3A_1045, %swap3A_1046], %mul3A_1044 {strides = array<i32>} : memref<32x128xf32, #tpu.memory_space<vmem>>, vector<16xf32>,
      }
      %scan3A_164 = arith.constant 32 : i32
      %dma_start3A_165 = arith.constant 0 : i32
      %dma_start3A_166 = arith.constant 0 : i32
      %dma_start3A_167 = tpu.memref_slice %arg8[%dma_start3A_165, %dma_start3A_166] : memref<10240x128xf32, #tpu.memory_space<vmem_shared>> -> memref<10240x128xf32, #tpu.memory_space<vmem_shared>>
      tpu.enqueue_indirect_dma source(%arg18 : memref<32x128xf32, #tpu.memory_space<vmem>>) target(%dma_start3A_167 : memref<10240x128xf32, #tpu.memory_space<vmem_shared>>) offsets(%arg15 : memref<32xi32, #tpu.memory_space<vmem>>) semaphore(%arg28 : memref<!tpu.dma_semaphore, #tpu.memory_space<semaphore_mem>>) {add = true}
      %dma_start3A_168 = arith.constant 0 : i32
      %dma_start3A_169 = arith.constant 0 : i32
      %dma_start3A_170 = tpu.memref_slice %arg9[%dma_start3A_168, %dma_start3A_169] : memref<10240x16xf32, #tpu.memory_space<vmem_shared>> -> memref<10240x16xf32, #tpu.memory_space<vmem_shared>>
      tpu.enqueue_indirect_dma source(%arg22 : memref<32x16xf32, #tpu.memory_space<vmem>>) target(%dma_start3A_170 : memref<10240x16xf32, #tpu.memory_space<vmem_shared>>) offsets(%arg15 : memref<32xi32, #tpu.memory_space<vmem>>) semaphore(%arg28 : memref<!tpu.dma_semaphore, #tpu.memory_space<semaphore_mem>>) {add = true}
    }
    %scan3A_34 = arith.constant 156 : i32
    %dma_wait3A = arith.constant 0 : i32
    %dma_wait3A_35 = arith.constant 0 : i32
    %dma_wait3A_36 = tpu.memref_slice %arg2[%dma_wait3A, %dma_wait3A_35] : memref<10000x128xf32, #tpu.memory_space<hbm>> -> memref<10000x128xf32, #tpu.memory_space<hbm>>
    tpu.wait_indirect_dma semaphore(%arg25 : memref<!tpu.dma_semaphore, #tpu.memory_space<semaphore_mem>>) src(%dma_wait3A_36 : memref<10000x128xf32, #tpu.memory_space<hbm>>) dst(%arg17 : memref<32x128xf32, #tpu.memory_space<vmem>>)
    %dma_wait3A_37 = arith.constant 0 : i32
    %dma_wait3A_38 = arith.constant 0 : i32
    %dma_wait3A_39 = tpu.memref_slice %arg3[%dma_wait3A_37, %dma_wait3A_38] : memref<10000x128xf32, #tpu.memory_space<hbm>> -> memref<10000x128xf32, #tpu.memory_space<hbm>>
    tpu.wait_indirect_dma semaphore(%arg25 : memref<!tpu.dma_semaphore, #tpu.memory_space<semaphore_mem>>) src(%dma_wait3A_39 : memref<10000x128xf32, #tpu.memory_space<hbm>>) dst(%arg19 : memref<32x128xf32, #tpu.memory_space<vmem>>)
    %dma_wait3A_40 = arith.constant 0 : i32
    %dma_wait3A_41 = tpu.memref_slice %arg4[%dma_wait3A_40] : memref<321024xi32, #tpu.memory_space<hbm>> -> memref<32xi32, #tpu.memory_space<hbm>>
    %dma_wait3A_42 = arith.constant 0 : i32
    %dma_wait3A_43 = tpu.memref_slice %arg4[%dma_wait3A_42] : memref<321024xi32, #tpu.memory_space<hbm>> -> memref<32xi32, #tpu.memory_space<hbm>>
    tpu.wait_dma2 semaphore(%arg24 : memref<!tpu.dma_semaphore, #tpu.memory_space<semaphore_mem>>) src(%dma_wait3A_43 : memref<32xi32, #tpu.memory_space<hbm>>) dst(%arg12 : memref<32xi32, #tpu.memory_space<vmem>>)
    %dma_wait3A_44 = arith.constant 0 : i32
    %dma_wait3A_45 = tpu.memref_slice %arg4[%dma_wait3A_44] : memref<321024xi32, #tpu.memory_space<hbm>> -> memref<32xi32, #tpu.memory_space<hbm>>
    %dma_wait3A_46 = arith.constant 0 : i32
    %dma_wait3A_47 = tpu.memref_slice %arg4[%dma_wait3A_46] : memref<321024xi32, #tpu.memory_space<hbm>> -> memref<32xi32, #tpu.memory_space<hbm>>
    tpu.wait_dma2 semaphore(%arg24 : memref<!tpu.dma_semaphore, #tpu.memory_space<semaphore_mem>>) src(%dma_wait3A_47 : memref<32xi32, #tpu.memory_space<hbm>>) dst(%arg13 : memref<32xi32, #tpu.memory_space<vmem>>)
    %dma_wait3A_48 = arith.constant 0 : i32
    %dma_wait3A_49 = arith.constant 0 : i32
    %dma_wait3A_50 = tpu.memref_slice %arg8[%dma_wait3A_48, %dma_wait3A_49] : memref<10240x128xf32, #tpu.memory_space<vmem_shared>> -> memref<10240x128xf32, #tpu.memory_space<vmem_shared>>
    tpu.wait_indirect_dma semaphore(%arg28 : memref<!tpu.dma_semaphore, #tpu.memory_space<semaphore_mem>>) src(%arg18 : memref<32x128xf32, #tpu.memory_space<vmem>>) dst(%dma_wait3A_50 : memref<10240x128xf32, #tpu.memory_space<vmem_shared>>)
    %dma_wait3A_51 = arith.constant 0 : i32
    %dma_wait3A_52 = arith.constant 0 : i32
    %dma_wait3A_53 = tpu.memref_slice %arg9[%dma_wait3A_51, %dma_wait3A_52] : memref<10240x16xf32, #tpu.memory_space<vmem_shared>> -> memref<10240x16xf32, #tpu.memory_space<vmem_shared>>
    tpu.wait_indirect_dma semaphore(%arg28 : memref<!tpu.dma_semaphore, #tpu.memory_space<semaphore_mem>>) src(%arg22 : memref<32x16xf32, #tpu.memory_space<vmem>>) dst(%dma_wait3A_53 : memref<10240x16xf32, #tpu.memory_space<vmem_shared>>)
    %lt3A = arith.constant 16 : i32
    %lt3A_54 = arith.cmpi slt, %add3A, %lt3A : i32
    %convert_element_type3A = arith.extui %lt3A_54 : i1 to i32
    %cond3A = arith.constant 0 : i32
    %cond3A_55 = arith.cmpi ne, %convert_element_type3A, %cond3A : i32
    scf.if %cond3A_55 {
      %scan3A_62 = arith.constant 0 : i32
      %scan3A_63 = arith.constant 32 : i32
      %scan3A_64 = arith.addi %scan3A_62, %scan3A_63 : i32
      %scan3A_65 = arith.constant 8 : i32
      scf.for %scan3A_85 = %scan3A_62 to %scan3A_64 step %scan3A_65  : i32 {
        %mul3A_86 = arith.constant 1 : i32
        %mul3A_87 = arith.muli %scan3A_85, %mul3A_86 : i32
        %add3A_88 = arith.constant 0 : i32
        %add3A_89 = arith.addi %add3A_88, %mul3A_87 : i32
        %get3A_90 = arith.index_cast %add3A_89 : i32 to index
        %get3A_91 = arith.constant 0 : index
        %get3A_92 = tpu.vector_load %arg17[%get3A_90, %get3A_91] {strides = array<i32>} : memref<32x128xf32, #tpu.memory_space<vmem>>, vector<16xf32>,
        %get3A_93 = arith.index_cast %add3A_89 : i32 to index
        %get3A_94 = arith.constant 16 : index
        %get3A_95 = tpu.vector_load %arg17[%get3A_93, %get3A_94] {strides = array<i32>} : memref<32x128xf32, #tpu.memory_space<vmem>>, vector<16xf32>,
        %get3A_96 = arith.index_cast %add3A_89 : i32 to index
        %get3A_97 = arith.constant 32 : index
        %get3A_98 = tpu.vector_load %arg17[%get3A_96, %get3A_97] {strides = array<i32>} : memref<32x128xf32, #tpu.memory_space<vmem>>, vector<16xf32>,
        %get3A_99 = arith.index_cast %add3A_89 : i32 to index
        %get3A_100 = arith.constant 48 : index
        %get3A_101 = tpu.vector_load %arg17[%get3A_99, %get3A_100] {strides = array<i32>} : memref<32x128xf32, #tpu.memory_space<vmem>>, vector<16xf32>,
        %get3A_102 = arith.index_cast %add3A_89 : i32 to index
        %get3A_103 = arith.constant 64 : index
        %get3A_104 = tpu.vector_load %arg17[%get3A_102, %get3A_103] {strides = array<i32>} : memref<32x128xf32, #tpu.memory_space<vmem>>, vector<16xf32>,
        %get3A_105 = arith.index_cast %add3A_89 : i32 to index
        %get3A_106 = arith.constant 80 : index
        %get3A_107 = tpu.vector_load %arg17[%get3A_105, %get3A_106] {strides = array<i32>} : memref<32x128xf32, #tpu.memory_space<vmem>>, vector<16xf32>,
        %get3A_108 = arith.index_cast %add3A_89 : i32 to index
        %get3A_109 = arith.constant 96 : index
        %get3A_110 = tpu.vector_load %arg17[%get3A_108, %get3A_109] {strides = array<i32>} : memref<32x128xf32, #tpu.memory_space<vmem>>, vector<16xf32>,
        %get3A_111 = arith.index_cast %add3A_89 : i32 to index
        %get3A_112 = arith.constant 112 : index
        %get3A_113 = tpu.vector_load %arg17[%get3A_111, %get3A_112] {strides = array<i32>} : memref<32x128xf32, #tpu.memory_space<vmem>>, vector<16xf32>,
        %get3A_114 = arith.index_cast %add3A_89 : i32 to index
        %get3A_115 = arith.constant 0 : index
        %get3A_116 = tpu.vector_load %arg19[%get3A_114, %get3A_115] {strides = array<i32>} : memref<32x128xf32, #tpu.memory_space<vmem>>, vector<16xf32>,
        %get3A_117 = arith.index_cast %add3A_89 : i32 to index
        %get3A_118 = arith.constant 16 : index
        %get3A_119 = tpu.vector_load %arg19[%get3A_117, %get3A_118] {strides = array<i32>} : memref<32x128xf32, #tpu.memory_space<vmem>>, vector<16xf32>,
        %get3A_120 = arith.index_cast %add3A_89 : i32 to index
        %get3A_121 = arith.constant 32 : index
        %get3A_122 = tpu.vector_load %arg19[%get3A_120, %get3A_121] {strides = array<i32>} : memref<32x128xf32, #tpu.memory_space<vmem>>, vector<16xf32>,
        %get3A_123 = arith.index_cast %add3A_89 : i32 to index
        %get3A_124 = arith.constant 48 : index
        %get3A_125 = tpu.vector_load %arg19[%get3A_123, %get3A_124] {strides = array<i32>} : memref<32x128xf32, #tpu.memory_space<vmem>>, vector<16xf32>,
        %get3A_126 = arith.index_cast %add3A_89 : i32 to index
        %get3A_127 = arith.constant 64 : index
        %get3A_128 = tpu.vector_load %arg19[%get3A_126, %get3A_127] {strides = array<i32>} : memref<32x128xf32, #tpu.memory_space<vmem>>, vector<16xf32>,
        %get3A_129 = arith.index_cast %add3A_89 : i32 to index
        %get3A_130 = arith.constant 80 : index
        %get3A_131 = tpu.vector_load %arg19[%get3A_129, %get3A_130] {strides = array<i32>} : memref<32x128xf32, #tpu.memory_space<vmem>>, vector<16xf32>,
        %get3A_132 = arith.index_cast %add3A_89 : i32 to index
        %get3A_133 = arith.constant 96 : index
        %get3A_134 = tpu.vector_load %arg19[%get3A_132, %get3A_133] {strides = array<i32>} : memref<32x128xf32, #tpu.memory_space<vmem>>, vector<16xf32>,
        %get3A_135 = arith.index_cast %add3A_89 : i32 to index
        %get3A_136 = arith.constant 112 : index
        %get3A_137 = tpu.vector_load %arg19[%get3A_135, %get3A_136] {strides = array<i32>} : memref<32x128xf32, #tpu.memory_space<vmem>>, vector<16xf32>,
        %mul3A_138 = arith.mulf %get3A_92, %get3A_116 : vector<16xf32>
        %mul3A_139 = arith.mulf %get3A_95, %get3A_119 : vector<16xf32>
        %add3A_140 = arith.addf %mul3A_138, %mul3A_139 : vector<16xf32>
        %mul3A_141 = arith.mulf %get3A_98, %get3A_122 : vector<16xf32>
        %add3A_142 = arith.addf %add3A_140, %mul3A_141 : vector<16xf32>
        %mul3A_143 = arith.mulf %get3A_101, %get3A_125 : vector<16xf32>
        %add3A_144 = arith.addf %add3A_142, %mul3A_143 : vector<16xf32>
        %mul3A_145 = arith.mulf %get3A_104, %get3A_128 : vector<16xf32>
        %add3A_146 = arith.addf %add3A_144, %mul3A_145 : vector<16xf32>
        %mul3A_147 = arith.mulf %get3A_107, %get3A_131 : vector<16xf32>
        %add3A_148 = arith.addf %add3A_146, %mul3A_147 : vector<16xf32>
        %mul3A_149 = arith.mulf %get3A_110, %get3A_134 : vector<16xf32>
        %add3A_150 = arith.addf %add3A_148, %mul3A_149 : vector<16xf32>
        %mul3A_151 = arith.mulf %get3A_113, %get3A_137 : vector<16xf32>
        %add3A_152 = arith.addf %add3A_150, %mul3A_151 : vector<16xf32>
        %reduce_sum3A = arith.constant true
        %reduce_sum3A_153 = vector.broadcast %reduce_sum3A : i1 to vector<16xi1>
        %reduce_sum3A_154 = tpu.scan <sum>, %add3A_152 masked %reduce_sum3A_153 : vector<16xf32>, vector<16xi1> -> vector<16xf32>
        %reduce_sum3A_155 = vector.extract %reduce_sum3A_154[15] : f32 from vector<16xf32>
        %broadcast_in_dim3A_156 = vector.broadcast %reduce_sum3A_155 : f32 to vector<16xf32>
        %exp3A = math.exp %broadcast_in_dim3A_156 : vector<16xf32>
        %swap3A_157 = arith.index_cast %add3A_89 : i32 to index
        %swap3A_158 = arith.constant 0 : index
        %swap3A_159 = tpu.vector_load %arg21[%swap3A_157, %swap3A_158] {strides = array<i32>} : memref<32x16xf32, #tpu.memory_space<vmem>>, vector<16xf32>,
        tpu.vector_store %arg21[%swap3A_157, %swap3A_158], %exp3A {strides = array<i32>} : memref<32x16xf32, #tpu.memory_space<vmem>>, vector<16xf32>,
        %mul3A_160 = arith.mulf %get3A_92, %exp3A : vector<16xf32>
        %swap3A_161 = arith.index_cast %add3A_89 : i32 to index
        %swap3A_162 = arith.constant 0 : index
        %swap3A_163 = tpu.vector_load %arg17[%swap3A_161, %swap3A_162] {strides = array<i32>} : memref<32x128xf32, #tpu.memory_space<vmem>>, vector<16xf32>,
        tpu.vector_store %arg17[%swap3A_161, %swap3A_162], %mul3A_160 {strides = array<i32>} : memref<32x128xf32, #tpu.memory_space<vmem>>, vector<16xf32>,
        %mul3A_164 = arith.mulf %get3A_95, %exp3A : vector<16xf32>
        %swap3A_165 = arith.index_cast %add3A_89 : i32 to index
        %swap3A_166 = arith.constant 16 : index
        %swap3A_167 = tpu.vector_load %arg17[%swap3A_165, %swap3A_166] {strides = array<i32>} : memref<32x128xf32, #tpu.memory_space<vmem>>, vector<16xf32>,
        tpu.vector_store %arg17[%swap3A_165, %swap3A_166], %mul3A_164 {strides = array<i32>} : memref<32x128xf32, #tpu.memory_space<vmem>>, vector<16xf32>,
        %mul3A_168 = arith.mulf %get3A_98, %exp3A : vector<16xf32>
        %swap3A_169 = arith.index_cast %add3A_89 : i32 to index
        %swap3A_170 = arith.constant 32 : index
        %swap3A_171 = tpu.vector_load %arg17[%swap3A_169, %swap3A_170] {strides = array<i32>} : memref<32x128xf32, #tpu.memory_space<vmem>>, vector<16xf32>,
        tpu.vector_store %arg17[%swap3A_169, %swap3A_170], %mul3A_168 {strides = array<i32>} : memref<32x128xf32, #tpu.memory_space<vmem>>, vector<16xf32>,
        %mul3A_172 = arith.mulf %get3A_101, %exp3A : vector<16xf32>
        %swap3A_173 = arith.index_cast %add3A_89 : i32 to index
        %swap3A_174 = arith.constant 48 : index
        %swap3A_175 = tpu.vector_load %arg17[%swap3A_173, %swap3A_174] {strides = array<i32>} : memref<32x128xf32, #tpu.memory_space<vmem>>, vector<16xf32>,
        tpu.vector_store %arg17[%swap3A_173, %swap3A_174], %mul3A_172 {strides = array<i32>} : memref<32x128xf32, #tpu.memory_space<vmem>>, vector<16xf32>,
        %mul3A_176 = arith.mulf %get3A_104, %exp3A : vector<16xf32>
        %swap3A_177 = arith.index_cast %add3A_89 : i32 to index
        %swap3A_178 = arith.constant 64 : index
        %swap3A_179 = tpu.vector_load %arg17[%swap3A_177, %swap3A_178] {strides = array<i32>} : memref<32x128xf32, #tpu.memory_space<vmem>>, vector<16xf32>,
        tpu.vector_store %arg17[%swap3A_177, %swap3A_178], %mul3A_176 {strides = array<i32>} : memref<32x128xf32, #tpu.memory_space<vmem>>, vector<16xf32>,
        %mul3A_180 = arith.mulf %get3A_107, %exp3A : vector<16xf32>
        %swap3A_181 = arith.index_cast %add3A_89 : i32 to index
        %swap3A_182 = arith.constant 80 : index
        %swap3A_183 = tpu.vector_load %arg17[%swap3A_181, %swap3A_182] {strides = array<i32>} : memref<32x128xf32, #tpu.memory_space<vmem>>, vector<16xf32>,
        tpu.vector_store %arg17[%swap3A_181, %swap3A_182], %mul3A_180 {strides = array<i32>} : memref<32x128xf32, #tpu.memory_space<vmem>>, vector<16xf32>,
        %mul3A_184 = arith.mulf %get3A_110, %exp3A : vector<16xf32>
        %swap3A_185 = arith.index_cast %add3A_89 : i32 to index
        %swap3A_186 = arith.constant 96 : index
        %swap3A_187 = tpu.vector_load %arg17[%swap3A_185, %swap3A_186] {strides = array<i32>} : memref<32x128xf32, #tpu.memory_space<vmem>>, vector<16xf32>,
        tpu.vector_store %arg17[%swap3A_185, %swap3A_186], %mul3A_184 {strides = array<i32>} : memref<32x128xf32, #tpu.memory_space<vmem>>, vector<16xf32>,
        %mul3A_188 = arith.mulf %get3A_113, %exp3A : vector<16xf32>
        %swap3A_189 = arith.index_cast %add3A_89 : i32 to index
        %swap3A_190 = arith.constant 112 : index
        %swap3A_191 = tpu.vector_load %arg17[%swap3A_189, %swap3A_190] {strides = array<i32>} : memref<32x128xf32, #tpu.memory_space<vmem>>, vector<16xf32>,
        tpu.vector_store %arg17[%swap3A_189, %swap3A_190], %mul3A_188 {strides = array<i32>} : memref<32x128xf32, #tpu.memory_space<vmem>>, vector<16xf32>,
        %scan3A_192 = arith.constant 1 : i32
        %scan3A_193 = arith.addi %scan3A_85, %scan3A_192 : i32
        %mul3A_194 = arith.constant 1 : i32
        %mul3A_195 = arith.muli %scan3A_193, %mul3A_194 : i32
        %add3A_196 = arith.constant 0 : i32
        %add3A_197 = arith.addi %add3A_196, %mul3A_195 : i32
        %get3A_198 = arith.index_cast %add3A_197 : i32 to index
        %get3A_199 = arith.constant 0 : index
        %get3A_200 = tpu.vector_load %arg17[%get3A_198, %get3A_199] {strides = array<i32>} : memref<32x128xf32, #tpu.memory_space<vmem>>, vector<16xf32>,
        %get3A_201 = arith.index_cast %add3A_197 : i32 to index
        %get3A_202 = arith.constant 16 : index
        %get3A_203 = tpu.vector_load %arg17[%get3A_201, %get3A_202] {strides = array<i32>} : memref<32x128xf32, #tpu.memory_space<vmem>>, vector<16xf32>,
        %get3A_204 = arith.index_cast %add3A_197 : i32 to index
        %get3A_205 = arith.constant 32 : index
        %get3A_206 = tpu.vector_load %arg17[%get3A_204, %get3A_205] {strides = array<i32>} : memref<32x128xf32, #tpu.memory_space<vmem>>, vector<16xf32>,
        %get3A_207 = arith.index_cast %add3A_197 : i32 to index
        %get3A_208 = arith.constant 48 : index
        %get3A_209 = tpu.vector_load %arg17[%get3A_207, %get3A_208] {strides = array<i32>} : memref<32x128xf32, #tpu.memory_space<vmem>>, vector<16xf32>,
        %get3A_210 = arith.index_cast %add3A_197 : i32 to index
        %get3A_211 = arith.constant 64 : index
        %get3A_212 = tpu.vector_load %arg17[%get3A_210, %get3A_211] {strides = array<i32>} : memref<32x128xf32, #tpu.memory_space<vmem>>, vector<16xf32>,
        %get3A_213 = arith.index_cast %add3A_197 : i32 to index
        %get3A_214 = arith.constant 80 : index
        %get3A_215 = tpu.vector_load %arg17[%get3A_213, %get3A_214] {strides = array<i32>} : memref<32x128xf32, #tpu.memory_space<vmem>>, vector<16xf32>,
        %get3A_216 = arith.index_cast %add3A_197 : i32 to index
        %get3A_217 = arith.constant 96 : index
        %get3A_218 = tpu.vector_load %arg17[%get3A_216, %get3A_217] {strides = array<i32>} : memref<32x128xf32, #tpu.memory_space<vmem>>, vector<16xf32>,
        %get3A_219 = arith.index_cast %add3A_197 : i32 to index
        %get3A_220 = arith.constant 112 : index
        %get3A_221 = tpu.vector_load %arg17[%get3A_219, %get3A_220] {strides = array<i32>} : memref<32x128xf32, #tpu.memory_space<vmem>>, vector<16xf32>,
        %get3A_222 = arith.index_cast %add3A_197 : i32 to index
        %get3A_223 = arith.constant 0 : index
        %get3A_224 = tpu.vector_load %arg19[%get3A_222, %get3A_223] {strides = array<i32>} : memref<32x128xf32, #tpu.memory_space<vmem>>, vector<16xf32>,
        %get3A_225 = arith.index_cast %add3A_197 : i32 to index
        %get3A_226 = arith.constant 16 : index
        %get3A_227 = tpu.vector_load %arg19[%get3A_225, %get3A_226] {strides = array<i32>} : memref<32x128xf32, #tpu.memory_space<vmem>>, vector<16xf32>,
        %get3A_228 = arith.index_cast %add3A_197 : i32 to index
        %get3A_229 = arith.constant 32 : index
        %get3A_230 = tpu.vector_load %arg19[%get3A_228, %get3A_229] {strides = array<i32>} : memref<32x128xf32, #tpu.memory_space<vmem>>, vector<16xf32>,
        %get3A_231 = arith.index_cast %add3A_197 : i32 to index
        %get3A_232 = arith.constant 48 : index
        %get3A_233 = tpu.vector_load %arg19[%get3A_231, %get3A_232] {strides = array<i32>} : memref<32x128xf32, #tpu.memory_space<vmem>>, vector<16xf32>,
        %get3A_234 = arith.index_cast %add3A_197 : i32 to index
        %get3A_235 = arith.constant 64 : index
        %get3A_236 = tpu.vector_load %arg19[%get3A_234, %get3A_235] {strides = array<i32>} : memref<32x128xf32, #tpu.memory_space<vmem>>, vector<16xf32>,
        %get3A_237 = arith.index_cast %add3A_197 : i32 to index
        %get3A_238 = arith.constant 80 : index
        %get3A_239 = tpu.vector_load %arg19[%get3A_237, %get3A_238] {strides = array<i32>} : memref<32x128xf32, #tpu.memory_space<vmem>>, vector<16xf32>,
        %get3A_240 = arith.index_cast %add3A_197 : i32 to index
        %get3A_241 = arith.constant 96 : index
        %get3A_242 = tpu.vector_load %arg19[%get3A_240, %get3A_241] {strides = array<i32>} : memref<32x128xf32, #tpu.memory_space<vmem>>, vector<16xf32>,
        %get3A_243 = arith.index_cast %add3A_197 : i32 to index
        %get3A_244 = arith.constant 112 : index
        %get3A_245 = tpu.vector_load %arg19[%get3A_243, %get3A_244] {strides = array<i32>} : memref<32x128xf32, #tpu.memory_space<vmem>>, vector<16xf32>,
        %mul3A_246 = arith.mulf %get3A_200, %get3A_224 : vector<16xf32>
        %mul3A_247 = arith.mulf %get3A_203, %get3A_227 : vector<16xf32>
        %add3A_248 = arith.addf %mul3A_246, %mul3A_247 : vector<16xf32>
        %mul3A_249 = arith.mulf %get3A_206, %get3A_230 : vector<16xf32>
        %add3A_250 = arith.addf %add3A_248, %mul3A_249 : vector<16xf32>
        %mul3A_251 = arith.mulf %get3A_209, %get3A_233 : vector<16xf32>
        %add3A_252 = arith.addf %add3A_250, %mul3A_251 : vector<16xf32>
        %mul3A_253 = arith.mulf %get3A_212, %get3A_236 : vector<16xf32>
        %add3A_254 = arith.addf %add3A_252, %mul3A_253 : vector<16xf32>
        %mul3A_255 = arith.mulf %get3A_215, %get3A_239 : vector<16xf32>
        %add3A_256 = arith.addf %add3A_254, %mul3A_255 : vector<16xf32>
        %mul3A_257 = arith.mulf %get3A_218, %get3A_242 : vector<16xf32>
        %add3A_258 = arith.addf %add3A_256, %mul3A_257 : vector<16xf32>
        %mul3A_259 = arith.mulf %get3A_221, %get3A_245 : vector<16xf32>
        %add3A_260 = arith.addf %add3A_258, %mul3A_259 : vector<16xf32>
        %reduce_sum3A_261 = arith.constant true
        %reduce_sum3A_262 = vector.broadcast %reduce_sum3A_261 : i1 to vector<16xi1>
        %reduce_sum3A_263 = tpu.scan <sum>, %add3A_260 masked %reduce_sum3A_262 : vector<16xf32>, vector<16xi1> -> vector<16xf32>
        %reduce_sum3A_264 = vector.extract %reduce_sum3A_263[15] : f32 from vector<16xf32>
        %broadcast_in_dim3A_265 = vector.broadcast %reduce_sum3A_264 : f32 to vector<16xf32>
        %exp3A_266 = math.exp %broadcast_in_dim3A_265 : vector<16xf32>
        %swap3A_267 = arith.index_cast %add3A_197 : i32 to index
        %swap3A_268 = arith.constant 0 : index
        %swap3A_269 = tpu.vector_load %arg21[%swap3A_267, %swap3A_268] {strides = array<i32>} : memref<32x16xf32, #tpu.memory_space<vmem>>, vector<16xf32>,
        tpu.vector_store %arg21[%swap3A_267, %swap3A_268], %exp3A_266 {strides = array<i32>} : memref<32x16xf32, #tpu.memory_space<vmem>>, vector<16xf32>,
        %mul3A_270 = arith.mulf %get3A_200, %exp3A_266 : vector<16xf32>
        %swap3A_271 = arith.index_cast %add3A_197 : i32 to index
        %swap3A_272 = arith.constant 0 : index
        %swap3A_273 = tpu.vector_load %arg17[%swap3A_271, %swap3A_272] {strides = array<i32>} : memref<32x128xf32, #tpu.memory_space<vmem>>, vector<16xf32>,
        tpu.vector_store %arg17[%swap3A_271, %swap3A_272], %mul3A_270 {strides = array<i32>} : memref<32x128xf32, #tpu.memory_space<vmem>>, vector<16xf32>,
        %mul3A_274 = arith.mulf %get3A_203, %exp3A_266 : vector<16xf32>
        %swap3A_275 = arith.index_cast %add3A_197 : i32 to index
        %swap3A_276 = arith.constant 16 : index
        %swap3A_277 = tpu.vector_load %arg17[%swap3A_275, %swap3A_276] {strides = array<i32>} : memref<32x128xf32, #tpu.memory_space<vmem>>, vector<16xf32>,
        tpu.vector_store %arg17[%swap3A_275, %swap3A_276], %mul3A_274 {strides = array<i32>} : memref<32x128xf32, #tpu.memory_space<vmem>>, vector<16xf32>,
        %mul3A_278 = arith.mulf %get3A_206, %exp3A_266 : vector<16xf32>
        %swap3A_279 = arith.index_cast %add3A_197 : i32 to index
        %swap3A_280 = arith.constant 32 : index
        %swap3A_281 = tpu.vector_load %arg17[%swap3A_279, %swap3A_280] {strides = array<i32>} : memref<32x128xf32, #tpu.memory_space<vmem>>, vector<16xf32>,
        tpu.vector_store %arg17[%swap3A_279, %swap3A_280], %mul3A_278 {strides = array<i32>} : memref<32x128xf32, #tpu.memory_space<vmem>>, vector<16xf32>,
        %mul3A_282 = arith.mulf %get3A_209, %exp3A_266 : vector<16xf32>
        %swap3A_283 = arith.index_cast %add3A_197 : i32 to index
        %swap3A_284 = arith.constant 48 : index
        %swap3A_285 = tpu.vector_load %arg17[%swap3A_283, %swap3A_284] {strides = array<i32>} : memref<32x128xf32, #tpu.memory_space<vmem>>, vector<16xf32>,
        tpu.vector_store %arg17[%swap3A_283, %swap3A_284], %mul3A_282 {strides = array<i32>} : memref<32x128xf32, #tpu.memory_space<vmem>>, vector<16xf32>,
        %mul3A_286 = arith.mulf %get3A_212, %exp3A_266 : vector<16xf32>
        %swap3A_287 = arith.index_cast %add3A_197 : i32 to index
        %swap3A_288 = arith.constant 64 : index
        %swap3A_289 = tpu.vector_load %arg17[%swap3A_287, %swap3A_288] {strides = array<i32>} : memref<32x128xf32, #tpu.memory_space<vmem>>, vector<16xf32>,
        tpu.vector_store %arg17[%swap3A_287, %swap3A_288], %mul3A_286 {strides = array<i32>} : memref<32x128xf32, #tpu.memory_space<vmem>>, vector<16xf32>,
        %mul3A_290 = arith.mulf %get3A_215, %exp3A_266 : vector<16xf32>
        %swap3A_291 = arith.index_cast %add3A_197 : i32 to index
        %swap3A_292 = arith.constant 80 : index
        %swap3A_293 = tpu.vector_load %arg17[%swap3A_291, %swap3A_292] {strides = array<i32>} : memref<32x128xf32, #tpu.memory_space<vmem>>, vector<16xf32>,
        tpu.vector_store %arg17[%swap3A_291, %swap3A_292], %mul3A_290 {strides = array<i32>} : memref<32x128xf32, #tpu.memory_space<vmem>>, vector<16xf32>,
        %mul3A_294 = arith.mulf %get3A_218, %exp3A_266 : vector<16xf32>
        %swap3A_295 = arith.index_cast %add3A_197 : i32 to index
        %swap3A_296 = arith.constant 96 : index
        %swap3A_297 = tpu.vector_load %arg17[%swap3A_295, %swap3A_296] {strides = array<i32>} : memref<32x128xf32, #tpu.memory_space<vmem>>, vector<16xf32>,
        tpu.vector_store %arg17[%swap3A_295, %swap3A_296], %mul3A_294 {strides = array<i32>} : memref<32x128xf32, #tpu.memory_space<vmem>>, vector<16xf32>,
        %mul3A_298 = arith.mulf %get3A_221, %exp3A_266 : vector<16xf32>
        %swap3A_299 = arith.index_cast %add3A_197 : i32 to index
        %swap3A_300 = arith.constant 112 : index
        %swap3A_301 = tpu.vector_load %arg17[%swap3A_299, %swap3A_300] {strides = array<i32>} : memref<32x128xf32, #tpu.memory_space<vmem>>, vector<16xf32>,
        tpu.vector_store %arg17[%swap3A_299, %swap3A_300], %mul3A_298 {strides = array<i32>} : memref<32x128xf32, #tpu.memory_space<vmem>>, vector<16xf32>,
        %scan3A_302 = arith.constant 2 : i32
        %scan3A_303 = arith.addi %scan3A_85, %scan3A_302 : i32
        %mul3A_304 = arith.constant 1 : i32
        %mul3A_305 = arith.muli %scan3A_303, %mul3A_304 : i32
        %add3A_306 = arith.constant 0 : i32
        %add3A_307 = arith.addi %add3A_306, %mul3A_305 : i32
        %get3A_308 = arith.index_cast %add3A_307 : i32 to index
        %get3A_309 = arith.constant 0 : index
        %get3A_310 = tpu.vector_load %arg17[%get3A_308, %get3A_309] {strides = array<i32>} : memref<32x128xf32, #tpu.memory_space<vmem>>, vector<16xf32>,
        %get3A_311 = arith.index_cast %add3A_307 : i32 to index
        %get3A_312 = arith.constant 16 : index
        %get3A_313 = tpu.vector_load %arg17[%get3A_311, %get3A_312] {strides = array<i32>} : memref<32x128xf32, #tpu.memory_space<vmem>>, vector<16xf32>,
        %get3A_314 = arith.index_cast %add3A_307 : i32 to index
        %get3A_315 = arith.constant 32 : index
        %get3A_316 = tpu.vector_load %arg17[%get3A_314, %get3A_315] {strides = array<i32>} : memref<32x128xf32, #tpu.memory_space<vmem>>, vector<16xf32>,
        %get3A_317 = arith.index_cast %add3A_307 : i32 to index
        %get3A_318 = arith.constant 48 : index
        %get3A_319 = tpu.vector_load %arg17[%get3A_317, %get3A_318] {strides = array<i32>} : memref<32x128xf32, #tpu.memory_space<vmem>>, vector<16xf32>,
        %get3A_320 = arith.index_cast %add3A_307 : i32 to index
        %get3A_321 = arith.constant 64 : index
        %get3A_322 = tpu.vector_load %arg17[%get3A_320, %get3A_321] {strides = array<i32>} : memref<32x128xf32, #tpu.memory_space<vmem>>, vector<16xf32>,
        %get3A_323 = arith.index_cast %add3A_307 : i32 to index
        %get3A_324 = arith.constant 80 : index
        %get3A_325 = tpu.vector_load %arg17[%get3A_323, %get3A_324] {strides = array<i32>} : memref<32x128xf32, #tpu.memory_space<vmem>>, vector<16xf32>,
        %get3A_326 = arith.index_cast %add3A_307 : i32 to index
        %get3A_327 = arith.constant 96 : index
        %get3A_328 = tpu.vector_load %arg17[%get3A_326, %get3A_327] {strides = array<i32>} : memref<32x128xf32, #tpu.memory_space<vmem>>, vector<16xf32>,
        %get3A_329 = arith.index_cast %add3A_307 : i32 to index
        %get3A_330 = arith.constant 112 : index
        %get3A_331 = tpu.vector_load %arg17[%get3A_329, %get3A_330] {strides = array<i32>} : memref<32x128xf32, #tpu.memory_space<vmem>>, vector<16xf32>,
        %get3A_332 = arith.index_cast %add3A_307 : i32 to index
        %get3A_333 = arith.constant 0 : index
        %get3A_334 = tpu.vector_load %arg19[%get3A_332, %get3A_333] {strides = array<i32>} : memref<32x128xf32, #tpu.memory_space<vmem>>, vector<16xf32>,
        %get3A_335 = arith.index_cast %add3A_307 : i32 to index
        %get3A_336 = arith.constant 16 : index
        %get3A_337 = tpu.vector_load %arg19[%get3A_335, %get3A_336] {strides = array<i32>} : memref<32x128xf32, #tpu.memory_space<vmem>>, vector<16xf32>,
        %get3A_338 = arith.index_cast %add3A_307 : i32 to index
        %get3A_339 = arith.constant 32 : index
        %get3A_340 = tpu.vector_load %arg19[%get3A_338, %get3A_339] {strides = array<i32>} : memref<32x128xf32, #tpu.memory_space<vmem>>, vector<16xf32>,
        %get3A_341 = arith.index_cast %add3A_307 : i32 to index
        %get3A_342 = arith.constant 48 : index
        %get3A_343 = tpu.vector_load %arg19[%get3A_341, %get3A_342] {strides = array<i32>} : memref<32x128xf32, #tpu.memory_space<vmem>>, vector<16xf32>,
        %get3A_344 = arith.index_cast %add3A_307 : i32 to index
        %get3A_345 = arith.constant 64 : index
        %get3A_346 = tpu.vector_load %arg19[%get3A_344, %get3A_345] {strides = array<i32>} : memref<32x128xf32, #tpu.memory_space<vmem>>, vector<16xf32>,
        %get3A_347 = arith.index_cast %add3A_307 : i32 to index
        %get3A_348 = arith.constant 80 : index
        %get3A_349 = tpu.vector_load %arg19[%get3A_347, %get3A_348] {strides = array<i32>} : memref<32x128xf32, #tpu.memory_space<vmem>>, vector<16xf32>,
        %get3A_350 = arith.index_cast %add3A_307 : i32 to index
        %get3A_351 = arith.constant 96 : index
        %get3A_352 = tpu.vector_load %arg19[%get3A_350, %get3A_351] {strides = array<i32>} : memref<32x128xf32, #tpu.memory_space<vmem>>, vector<16xf32>,
        %get3A_353 = arith.index_cast %add3A_307 : i32 to index
        %get3A_354 = arith.constant 112 : index
        %get3A_355 = tpu.vector_load %arg19[%get3A_353, %get3A_354] {strides = array<i32>} : memref<32x128xf32, #tpu.memory_space<vmem>>, vector<16xf32>,
        %mul3A_356 = arith.mulf %get3A_310, %get3A_334 : vector<16xf32>
        %mul3A_357 = arith.mulf %get3A_313, %get3A_337 : vector<16xf32>
        %add3A_358 = arith.addf %mul3A_356, %mul3A_357 : vector<16xf32>
        %mul3A_359 = arith.mulf %get3A_316, %get3A_340 : vector<16xf32>
        %add3A_360 = arith.addf %add3A_358, %mul3A_359 : vector<16xf32>
        %mul3A_361 = arith.mulf %get3A_319, %get3A_343 : vector<16xf32>
        %add3A_362 = arith.addf %add3A_360, %mul3A_361 : vector<16xf32>
        %mul3A_363 = arith.mulf %get3A_322, %get3A_346 : vector<16xf32>
        %add3A_364 = arith.addf %add3A_362, %mul3A_363 : vector<16xf32>
        %mul3A_365 = arith.mulf %get3A_325, %get3A_349 : vector<16xf32>
        %add3A_366 = arith.addf %add3A_364, %mul3A_365 : vector<16xf32>
        %mul3A_367 = arith.mulf %get3A_328, %get3A_352 : vector<16xf32>
        %add3A_368 = arith.addf %add3A_366, %mul3A_367 : vector<16xf32>
        %mul3A_369 = arith.mulf %get3A_331, %get3A_355 : vector<16xf32>
        %add3A_370 = arith.addf %add3A_368, %mul3A_369 : vector<16xf32>
        %reduce_sum3A_371 = arith.constant true
        %reduce_sum3A_372 = vector.broadcast %reduce_sum3A_371 : i1 to vector<16xi1>
        %reduce_sum3A_373 = tpu.scan <sum>, %add3A_370 masked %reduce_sum3A_372 : vector<16xf32>, vector<16xi1> -> vector<16xf32>
        %reduce_sum3A_374 = vector.extract %reduce_sum3A_373[15] : f32 from vector<16xf32>
        %broadcast_in_dim3A_375 = vector.broadcast %reduce_sum3A_374 : f32 to vector<16xf32>
        %exp3A_376 = math.exp %broadcast_in_dim3A_375 : vector<16xf32>
        %swap3A_377 = arith.index_cast %add3A_307 : i32 to index
        %swap3A_378 = arith.constant 0 : index
        %swap3A_379 = tpu.vector_load %arg21[%swap3A_377, %swap3A_378] {strides = array<i32>} : memref<32x16xf32, #tpu.memory_space<vmem>>, vector<16xf32>,
        tpu.vector_store %arg21[%swap3A_377, %swap3A_378], %exp3A_376 {strides = array<i32>} : memref<32x16xf32, #tpu.memory_space<vmem>>, vector<16xf32>,
        %mul3A_380 = arith.mulf %get3A_310, %exp3A_376 : vector<16xf32>
        %swap3A_381 = arith.index_cast %add3A_307 : i32 to index
        %swap3A_382 = arith.constant 0 : index
        %swap3A_383 = tpu.vector_load %arg17[%swap3A_381, %swap3A_382] {strides = array<i32>} : memref<32x128xf32, #tpu.memory_space<vmem>>, vector<16xf32>,
        tpu.vector_store %arg17[%swap3A_381, %swap3A_382], %mul3A_380 {strides = array<i32>} : memref<32x128xf32, #tpu.memory_space<vmem>>, vector<16xf32>,
        %mul3A_384 = arith.mulf %get3A_313, %exp3A_376 : vector<16xf32>
        %swap3A_385 = arith.index_cast %add3A_307 : i32 to index
        %swap3A_386 = arith.constant 16 : index
        %swap3A_387 = tpu.vector_load %arg17[%swap3A_385, %swap3A_386] {strides = array<i32>} : memref<32x128xf32, #tpu.memory_space<vmem>>, vector<16xf32>,
        tpu.vector_store %arg17[%swap3A_385, %swap3A_386], %mul3A_384 {strides = array<i32>} : memref<32x128xf32, #tpu.memory_space<vmem>>, vector<16xf32>,
        %mul3A_388 = arith.mulf %get3A_316, %exp3A_376 : vector<16xf32>
        %swap3A_389 = arith.index_cast %add3A_307 : i32 to index
        %swap3A_390 = arith.constant 32 : index
        %swap3A_391 = tpu.vector_load %arg17[%swap3A_389, %swap3A_390] {strides = array<i32>} : memref<32x128xf32, #tpu.memory_space<vmem>>, vector<16xf32>,
        tpu.vector_store %arg17[%swap3A_389, %swap3A_390], %mul3A_388 {strides = array<i32>} : memref<32x128xf32, #tpu.memory_space<vmem>>, vector<16xf32>,
        %mul3A_392 = arith.mulf %get3A_319, %exp3A_376 : vector<16xf32>
        %swap3A_393 = arith.index_cast %add3A_307 : i32 to index
        %swap3A_394 = arith.constant 48 : index
        %swap3A_395 = tpu.vector_load %arg17[%swap3A_393, %swap3A_394] {strides = array<i32>} : memref<32x128xf32, #tpu.memory_space<vmem>>, vector<16xf32>,
        tpu.vector_store %arg17[%swap3A_393, %swap3A_394], %mul3A_392 {strides = array<i32>} : memref<32x128xf32, #tpu.memory_space<vmem>>, vector<16xf32>,
        %mul3A_396 = arith.mulf %get3A_322, %exp3A_376 : vector<16xf32>
        %swap3A_397 = arith.index_cast %add3A_307 : i32 to index
        %swap3A_398 = arith.constant 64 : index
        %swap3A_399 = tpu.vector_load %arg17[%swap3A_397, %swap3A_398] {strides = array<i32>} : memref<32x128xf32, #tpu.memory_space<vmem>>, vector<16xf32>,
        tpu.vector_store %arg17[%swap3A_397, %swap3A_398], %mul3A_396 {strides = array<i32>} : memref<32x128xf32, #tpu.memory_space<vmem>>, vector<16xf32>,
        %mul3A_400 = arith.mulf %get3A_325, %exp3A_376 : vector<16xf32>
        %swap3A_401 = arith.index_cast %add3A_307 : i32 to index
        %swap3A_402 = arith.constant 80 : index
        %swap3A_403 = tpu.vector_load %arg17[%swap3A_401, %swap3A_402] {strides = array<i32>} : memref<32x128xf32, #tpu.memory_space<vmem>>, vector<16xf32>,
        tpu.vector_store %arg17[%swap3A_401, %swap3A_402], %mul3A_400 {strides = array<i32>} : memref<32x128xf32, #tpu.memory_space<vmem>>, vector<16xf32>,
        %mul3A_404 = arith.mulf %get3A_328, %exp3A_376 : vector<16xf32>
        %swap3A_405 = arith.index_cast %add3A_307 : i32 to index
        %swap3A_406 = arith.constant 96 : index
        %swap3A_407 = tpu.vector_load %arg17[%swap3A_405, %swap3A_406] {strides = array<i32>} : memref<32x128xf32, #tpu.memory_space<vmem>>, vector<16xf32>,
        tpu.vector_store %arg17[%swap3A_405, %swap3A_406], %mul3A_404 {strides = array<i32>} : memref<32x128xf32, #tpu.memory_space<vmem>>, vector<16xf32>,
        %mul3A_408 = arith.mulf %get3A_331, %exp3A_376 : vector<16xf32>
        %swap3A_409 = arith.index_cast %add3A_307 : i32 to index
        %swap3A_410 = arith.constant 112 : index
        %swap3A_411 = tpu.vector_load %arg17[%swap3A_409, %swap3A_410] {strides = array<i32>} : memref<32x128xf32, #tpu.memory_space<vmem>>, vector<16xf32>,
        tpu.vector_store %arg17[%swap3A_409, %swap3A_410], %mul3A_408 {strides = array<i32>} : memref<32x128xf32, #tpu.memory_space<vmem>>, vector<16xf32>,
        %scan3A_412 = arith.constant 3 : i32
        %scan3A_413 = arith.addi %scan3A_85, %scan3A_412 : i32
        %mul3A_414 = arith.constant 1 : i32
        %mul3A_415 = arith.muli %scan3A_413, %mul3A_414 : i32
        %add3A_416 = arith.constant 0 : i32
        %add3A_417 = arith.addi %add3A_416, %mul3A_415 : i32
        %get3A_418 = arith.index_cast %add3A_417 : i32 to index
        %get3A_419 = arith.constant 0 : index
        %get3A_420 = tpu.vector_load %arg17[%get3A_418, %get3A_419] {strides = array<i32>} : memref<32x128xf32, #tpu.memory_space<vmem>>, vector<16xf32>,
        %get3A_421 = arith.index_cast %add3A_417 : i32 to index
        %get3A_422 = arith.constant 16 : index
        %get3A_423 = tpu.vector_load %arg17[%get3A_421, %get3A_422] {strides = array<i32>} : memref<32x128xf32, #tpu.memory_space<vmem>>, vector<16xf32>,
        %get3A_424 = arith.index_cast %add3A_417 : i32 to index
        %get3A_425 = arith.constant 32 : index
        %get3A_426 = tpu.vector_load %arg17[%get3A_424, %get3A_425] {strides = array<i32>} : memref<32x128xf32, #tpu.memory_space<vmem>>, vector<16xf32>,
        %get3A_427 = arith.index_cast %add3A_417 : i32 to index
        %get3A_428 = arith.constant 48 : index
        %get3A_429 = tpu.vector_load %arg17[%get3A_427, %get3A_428] {strides = array<i32>} : memref<32x128xf32, #tpu.memory_space<vmem>>, vector<16xf32>,
        %get3A_430 = arith.index_cast %add3A_417 : i32 to index
        %get3A_431 = arith.constant 64 : index
        %get3A_432 = tpu.vector_load %arg17[%get3A_430, %get3A_431] {strides = array<i32>} : memref<32x128xf32, #tpu.memory_space<vmem>>, vector<16xf32>,
        %get3A_433 = arith.index_cast %add3A_417 : i32 to index
        %get3A_434 = arith.constant 80 : index
        %get3A_435 = tpu.vector_load %arg17[%get3A_433, %get3A_434] {strides = array<i32>} : memref<32x128xf32, #tpu.memory_space<vmem>>, vector<16xf32>,
        %get3A_436 = arith.index_cast %add3A_417 : i32 to index
        %get3A_437 = arith.constant 96 : index
        %get3A_438 = tpu.vector_load %arg17[%get3A_436, %get3A_437] {strides = array<i32>} : memref<32x128xf32, #tpu.memory_space<vmem>>, vector<16xf32>,
        %get3A_439 = arith.index_cast %add3A_417 : i32 to index
        %get3A_440 = arith.constant 112 : index
        %get3A_441 = tpu.vector_load %arg17[%get3A_439, %get3A_440] {strides = array<i32>} : memref<32x128xf32, #tpu.memory_space<vmem>>, vector<16xf32>,
        %get3A_442 = arith.index_cast %add3A_417 : i32 to index
        %get3A_443 = arith.constant 0 : index
        %get3A_444 = tpu.vector_load %arg19[%get3A_442, %get3A_443] {strides = array<i32>} : memref<32x128xf32, #tpu.memory_space<vmem>>, vector<16xf32>,
        %get3A_445 = arith.index_cast %add3A_417 : i32 to index
        %get3A_446 = arith.constant 16 : index
        %get3A_447 = tpu.vector_load %arg19[%get3A_445, %get3A_446] {strides = array<i32>} : memref<32x128xf32, #tpu.memory_space<vmem>>, vector<16xf32>,
        %get3A_448 = arith.index_cast %add3A_417 : i32 to index
        %get3A_449 = arith.constant 32 : index
        %get3A_450 = tpu.vector_load %arg19[%get3A_448, %get3A_449] {strides = array<i32>} : memref<32x128xf32, #tpu.memory_space<vmem>>, vector<16xf32>,
        %get3A_451 = arith.index_cast %add3A_417 : i32 to index
        %get3A_452 = arith.constant 48 : index
        %get3A_453 = tpu.vector_load %arg19[%get3A_451, %get3A_452] {strides = array<i32>} : memref<32x128xf32, #tpu.memory_space<vmem>>, vector<16xf32>,
        %get3A_454 = arith.index_cast %add3A_417 : i32 to index
        %get3A_455 = arith.constant 64 : index
        %get3A_456 = tpu.vector_load %arg19[%get3A_454, %get3A_455] {strides = array<i32>} : memref<32x128xf32, #tpu.memory_space<vmem>>, vector<16xf32>,
        %get3A_457 = arith.index_cast %add3A_417 : i32 to index
        %get3A_458 = arith.constant 80 : index
        %get3A_459 = tpu.vector_load %arg19[%get3A_457, %get3A_458] {strides = array<i32>} : memref<32x128xf32, #tpu.memory_space<vmem>>, vector<16xf32>,
        %get3A_460 = arith.index_cast %add3A_417 : i32 to index
        %get3A_461 = arith.constant 96 : index
        %get3A_462 = tpu.vector_load %arg19[%get3A_460, %get3A_461] {strides = array<i32>} : memref<32x128xf32, #tpu.memory_space<vmem>>, vector<16xf32>,
        %get3A_463 = arith.index_cast %add3A_417 : i32 to index
        %get3A_464 = arith.constant 112 : index
        %get3A_465 = tpu.vector_load %arg19[%get3A_463, %get3A_464] {strides = array<i32>} : memref<32x128xf32, #tpu.memory_space<vmem>>, vector<16xf32>,
        %mul3A_466 = arith.mulf %get3A_420, %get3A_444 : vector<16xf32>
        %mul3A_467 = arith.mulf %get3A_423, %get3A_447 : vector<16xf32>
        %add3A_468 = arith.addf %mul3A_466, %mul3A_467 : vector<16xf32>
        %mul3A_469 = arith.mulf %get3A_426, %get3A_450 : vector<16xf32>
        %add3A_470 = arith.addf %add3A_468, %mul3A_469 : vector<16xf32>
        %mul3A_471 = arith.mulf %get3A_429, %get3A_453 : vector<16xf32>
        %add3A_472 = arith.addf %add3A_470, %mul3A_471 : vector<16xf32>
        %mul3A_473 = arith.mulf %get3A_432, %get3A_456 : vector<16xf32>
        %add3A_474 = arith.addf %add3A_472, %mul3A_473 : vector<16xf32>
        %mul3A_475 = arith.mulf %get3A_435, %get3A_459 : vector<16xf32>
        %add3A_476 = arith.addf %add3A_474, %mul3A_475 : vector<16xf32>
        %mul3A_477 = arith.mulf %get3A_438, %get3A_462 : vector<16xf32>
        %add3A_478 = arith.addf %add3A_476, %mul3A_477 : vector<16xf32>
        %mul3A_479 = arith.mulf %get3A_441, %get3A_465 : vector<16xf32>
        %add3A_480 = arith.addf %add3A_478, %mul3A_479 : vector<16xf32>
        %reduce_sum3A_481 = arith.constant true
        %reduce_sum3A_482 = vector.broadcast %reduce_sum3A_481 : i1 to vector<16xi1>
        %reduce_sum3A_483 = tpu.scan <sum>, %add3A_480 masked %reduce_sum3A_482 : vector<16xf32>, vector<16xi1> -> vector<16xf32>
        %reduce_sum3A_484 = vector.extract %reduce_sum3A_483[15] : f32 from vector<16xf32>
        %broadcast_in_dim3A_485 = vector.broadcast %reduce_sum3A_484 : f32 to vector<16xf32>
        %exp3A_486 = math.exp %broadcast_in_dim3A_485 : vector<16xf32>
        %swap3A_487 = arith.index_cast %add3A_417 : i32 to index
        %swap3A_488 = arith.constant 0 : index
        %swap3A_489 = tpu.vector_load %arg21[%swap3A_487, %swap3A_488] {strides = array<i32>} : memref<32x16xf32, #tpu.memory_space<vmem>>, vector<16xf32>,
        tpu.vector_store %arg21[%swap3A_487, %swap3A_488], %exp3A_486 {strides = array<i32>} : memref<32x16xf32, #tpu.memory_space<vmem>>, vector<16xf32>,
        %mul3A_490 = arith.mulf %get3A_420, %exp3A_486 : vector<16xf32>
        %swap3A_491 = arith.index_cast %add3A_417 : i32 to index
        %swap3A_492 = arith.constant 0 : index
        %swap3A_493 = tpu.vector_load %arg17[%swap3A_491, %swap3A_492] {strides = array<i32>} : memref<32x128xf32, #tpu.memory_space<vmem>>, vector<16xf32>,
        tpu.vector_store %arg17[%swap3A_491, %swap3A_492], %mul3A_490 {strides = array<i32>} : memref<32x128xf32, #tpu.memory_space<vmem>>, vector<16xf32>,
        %mul3A_494 = arith.mulf %get3A_423, %exp3A_486 : vector<16xf32>
        %swap3A_495 = arith.index_cast %add3A_417 : i32 to index
        %swap3A_496 = arith.constant 16 : index
        %swap3A_497 = tpu.vector_load %arg17[%swap3A_495, %swap3A_496] {strides = array<i32>} : memref<32x128xf32, #tpu.memory_space<vmem>>, vector<16xf32>,
        tpu.vector_store %arg17[%swap3A_495, %swap3A_496], %mul3A_494 {strides = array<i32>} : memref<32x128xf32, #tpu.memory_space<vmem>>, vector<16xf32>,
        %mul3A_498 = arith.mulf %get3A_426, %exp3A_486 : vector<16xf32>
        %swap3A_499 = arith.index_cast %add3A_417 : i32 to index
        %swap3A_500 = arith.constant 32 : index
        %swap3A_501 = tpu.vector_load %arg17[%swap3A_499, %swap3A_500] {strides = array<i32>} : memref<32x128xf32, #tpu.memory_space<vmem>>, vector<16xf32>,
        tpu.vector_store %arg17[%swap3A_499, %swap3A_500], %mul3A_498 {strides = array<i32>} : memref<32x128xf32, #tpu.memory_space<vmem>>, vector<16xf32>,
        %mul3A_502 = arith.mulf %get3A_429, %exp3A_486 : vector<16xf32>
        %swap3A_503 = arith.index_cast %add3A_417 : i32 to index
        %swap3A_504 = arith.constant 48 : index
        %swap3A_505 = tpu.vector_load %arg17[%swap3A_503, %swap3A_504] {strides = array<i32>} : memref<32x128xf32, #tpu.memory_space<vmem>>, vector<16xf32>,
        tpu.vector_store %arg17[%swap3A_503, %swap3A_504], %mul3A_502 {strides = array<i32>} : memref<32x128xf32, #tpu.memory_space<vmem>>, vector<16xf32>,
        %mul3A_506 = arith.mulf %get3A_432, %exp3A_486 : vector<16xf32>
        %swap3A_507 = arith.index_cast %add3A_417 : i32 to index
        %swap3A_508 = arith.constant 64 : index
        %swap3A_509 = tpu.vector_load %arg17[%swap3A_507, %swap3A_508] {strides = array<i32>} : memref<32x128xf32, #tpu.memory_space<vmem>>, vector<16xf32>,
        tpu.vector_store %arg17[%swap3A_507, %swap3A_508], %mul3A_506 {strides = array<i32>} : memref<32x128xf32, #tpu.memory_space<vmem>>, vector<16xf32>,
        %mul3A_510 = arith.mulf %get3A_435, %exp3A_486 : vector<16xf32>
        %swap3A_511 = arith.index_cast %add3A_417 : i32 to index
        %swap3A_512 = arith.constant 80 : index
        %swap3A_513 = tpu.vector_load %arg17[%swap3A_511, %swap3A_512] {strides = array<i32>} : memref<32x128xf32, #tpu.memory_space<vmem>>, vector<16xf32>,
        tpu.vector_store %arg17[%swap3A_511, %swap3A_512], %mul3A_510 {strides = array<i32>} : memref<32x128xf32, #tpu.memory_space<vmem>>, vector<16xf32>,
        %mul3A_514 = arith.mulf %get3A_438, %exp3A_486 : vector<16xf32>
        %swap3A_515 = arith.index_cast %add3A_417 : i32 to index
        %swap3A_516 = arith.constant 96 : index
        %swap3A_517 = tpu.vector_load %arg17[%swap3A_515, %swap3A_516] {strides = array<i32>} : memref<32x128xf32, #tpu.memory_space<vmem>>, vector<16xf32>,
        tpu.vector_store %arg17[%swap3A_515, %swap3A_516], %mul3A_514 {strides = array<i32>} : memref<32x128xf32, #tpu.memory_space<vmem>>, vector<16xf32>,
        %mul3A_518 = arith.mulf %get3A_441, %exp3A_486 : vector<16xf32>
        %swap3A_519 = arith.index_cast %add3A_417 : i32 to index
        %swap3A_520 = arith.constant 112 : index
        %swap3A_521 = tpu.vector_load %arg17[%swap3A_519, %swap3A_520] {strides = array<i32>} : memref<32x128xf32, #tpu.memory_space<vmem>>, vector<16xf32>,
        tpu.vector_store %arg17[%swap3A_519, %swap3A_520], %mul3A_518 {strides = array<i32>} : memref<32x128xf32, #tpu.memory_space<vmem>>, vector<16xf32>,
        %scan3A_522 = arith.constant 4 : i32
        %scan3A_523 = arith.addi %scan3A_85, %scan3A_522 : i32
        %mul3A_524 = arith.constant 1 : i32
        %mul3A_525 = arith.muli %scan3A_523, %mul3A_524 : i32
        %add3A_526 = arith.constant 0 : i32
        %add3A_527 = arith.addi %add3A_526, %mul3A_525 : i32
        %get3A_528 = arith.index_cast %add3A_527 : i32 to index
        %get3A_529 = arith.constant 0 : index
        %get3A_530 = tpu.vector_load %arg17[%get3A_528, %get3A_529] {strides = array<i32>} : memref<32x128xf32, #tpu.memory_space<vmem>>, vector<16xf32>,
        %get3A_531 = arith.index_cast %add3A_527 : i32 to index
        %get3A_532 = arith.constant 16 : index
        %get3A_533 = tpu.vector_load %arg17[%get3A_531, %get3A_532] {strides = array<i32>} : memref<32x128xf32, #tpu.memory_space<vmem>>, vector<16xf32>,
        %get3A_534 = arith.index_cast %add3A_527 : i32 to index
        %get3A_535 = arith.constant 32 : index
        %get3A_536 = tpu.vector_load %arg17[%get3A_534, %get3A_535] {strides = array<i32>} : memref<32x128xf32, #tpu.memory_space<vmem>>, vector<16xf32>,
        %get3A_537 = arith.index_cast %add3A_527 : i32 to index
        %get3A_538 = arith.constant 48 : index
        %get3A_539 = tpu.vector_load %arg17[%get3A_537, %get3A_538] {strides = array<i32>} : memref<32x128xf32, #tpu.memory_space<vmem>>, vector<16xf32>,
        %get3A_540 = arith.index_cast %add3A_527 : i32 to index
        %get3A_541 = arith.constant 64 : index
        %get3A_542 = tpu.vector_load %arg17[%get3A_540, %get3A_541] {strides = array<i32>} : memref<32x128xf32, #tpu.memory_space<vmem>>, vector<16xf32>,
        %get3A_543 = arith.index_cast %add3A_527 : i32 to index
        %get3A_544 = arith.constant 80 : index
        %get3A_545 = tpu.vector_load %arg17[%get3A_543, %get3A_544] {strides = array<i32>} : memref<32x128xf32, #tpu.memory_space<vmem>>, vector<16xf32>,
        %get3A_546 = arith.index_cast %add3A_527 : i32 to index
        %get3A_547 = arith.constant 96 : index
        %get3A_548 = tpu.vector_load %arg17[%get3A_546, %get3A_547] {strides = array<i32>} : memref<32x128xf32, #tpu.memory_space<vmem>>, vector<16xf32>,
        %get3A_549 = arith.index_cast %add3A_527 : i32 to index
        %get3A_550 = arith.constant 112 : index
        %get3A_551 = tpu.vector_load %arg17[%get3A_549, %get3A_550] {strides = array<i32>} : memref<32x128xf32, #tpu.memory_space<vmem>>, vector<16xf32>,
        %get3A_552 = arith.index_cast %add3A_527 : i32 to index
        %get3A_553 = arith.constant 0 : index
        %get3A_554 = tpu.vector_load %arg19[%get3A_552, %get3A_553] {strides = array<i32>} : memref<32x128xf32, #tpu.memory_space<vmem>>, vector<16xf32>,
        %get3A_555 = arith.index_cast %add3A_527 : i32 to index
        %get3A_556 = arith.constant 16 : index
        %get3A_557 = tpu.vector_load %arg19[%get3A_555, %get3A_556] {strides = array<i32>} : memref<32x128xf32, #tpu.memory_space<vmem>>, vector<16xf32>,
        %get3A_558 = arith.index_cast %add3A_527 : i32 to index
        %get3A_559 = arith.constant 32 : index
        %get3A_560 = tpu.vector_load %arg19[%get3A_558, %get3A_559] {strides = array<i32>} : memref<32x128xf32, #tpu.memory_space<vmem>>, vector<16xf32>,
        %get3A_561 = arith.index_cast %add3A_527 : i32 to index
        %get3A_562 = arith.constant 48 : index
        %get3A_563 = tpu.vector_load %arg19[%get3A_561, %get3A_562] {strides = array<i32>} : memref<32x128xf32, #tpu.memory_space<vmem>>, vector<16xf32>,
        %get3A_564 = arith.index_cast %add3A_527 : i32 to index
        %get3A_565 = arith.constant 64 : index
        %get3A_566 = tpu.vector_load %arg19[%get3A_564, %get3A_565] {strides = array<i32>} : memref<32x128xf32, #tpu.memory_space<vmem>>, vector<16xf32>,
        %get3A_567 = arith.index_cast %add3A_527 : i32 to index
        %get3A_568 = arith.constant 80 : index
        %get3A_569 = tpu.vector_load %arg19[%get3A_567, %get3A_568] {strides = array<i32>} : memref<32x128xf32, #tpu.memory_space<vmem>>, vector<16xf32>,
        %get3A_570 = arith.index_cast %add3A_527 : i32 to index
        %get3A_571 = arith.constant 96 : index
        %get3A_572 = tpu.vector_load %arg19[%get3A_570, %get3A_571] {strides = array<i32>} : memref<32x128xf32, #tpu.memory_space<vmem>>, vector<16xf32>,
        %get3A_573 = arith.index_cast %add3A_527 : i32 to index
        %get3A_574 = arith.constant 112 : index
        %get3A_575 = tpu.vector_load %arg19[%get3A_573, %get3A_574] {strides = array<i32>} : memref<32x128xf32, #tpu.memory_space<vmem>>, vector<16xf32>,
        %mul3A_576 = arith.mulf %get3A_530, %get3A_554 : vector<16xf32>
        %mul3A_577 = arith.mulf %get3A_533, %get3A_557 : vector<16xf32>
        %add3A_578 = arith.addf %mul3A_576, %mul3A_577 : vector<16xf32>
        %mul3A_579 = arith.mulf %get3A_536, %get3A_560 : vector<16xf32>
        %add3A_580 = arith.addf %add3A_578, %mul3A_579 : vector<16xf32>
        %mul3A_581 = arith.mulf %get3A_539, %get3A_563 : vector<16xf32>
        %add3A_582 = arith.addf %add3A_580, %mul3A_581 : vector<16xf32>
        %mul3A_583 = arith.mulf %get3A_542, %get3A_566 : vector<16xf32>
        %add3A_584 = arith.addf %add3A_582, %mul3A_583 : vector<16xf32>
        %mul3A_585 = arith.mulf %get3A_545, %get3A_569 : vector<16xf32>
        %add3A_586 = arith.addf %add3A_584, %mul3A_585 : vector<16xf32>
        %mul3A_587 = arith.mulf %get3A_548, %get3A_572 : vector<16xf32>
        %add3A_588 = arith.addf %add3A_586, %mul3A_587 : vector<16xf32>
        %mul3A_589 = arith.mulf %get3A_551, %get3A_575 : vector<16xf32>
        %add3A_590 = arith.addf %add3A_588, %mul3A_589 : vector<16xf32>
        %reduce_sum3A_591 = arith.constant true
        %reduce_sum3A_592 = vector.broadcast %reduce_sum3A_591 : i1 to vector<16xi1>
        %reduce_sum3A_593 = tpu.scan <sum>, %add3A_590 masked %reduce_sum3A_592 : vector<16xf32>, vector<16xi1> -> vector<16xf32>
        %reduce_sum3A_594 = vector.extract %reduce_sum3A_593[15] : f32 from vector<16xf32>
        %broadcast_in_dim3A_595 = vector.broadcast %reduce_sum3A_594 : f32 to vector<16xf32>
        %exp3A_596 = math.exp %broadcast_in_dim3A_595 : vector<16xf32>
        %swap3A_597 = arith.index_cast %add3A_527 : i32 to index
        %swap3A_598 = arith.constant 0 : index
        %swap3A_599 = tpu.vector_load %arg21[%swap3A_597, %swap3A_598] {strides = array<i32>} : memref<32x16xf32, #tpu.memory_space<vmem>>, vector<16xf32>,
        tpu.vector_store %arg21[%swap3A_597, %swap3A_598], %exp3A_596 {strides = array<i32>} : memref<32x16xf32, #tpu.memory_space<vmem>>, vector<16xf32>,
        %mul3A_600 = arith.mulf %get3A_530, %exp3A_596 : vector<16xf32>
        %swap3A_601 = arith.index_cast %add3A_527 : i32 to index
        %swap3A_602 = arith.constant 0 : index
        %swap3A_603 = tpu.vector_load %arg17[%swap3A_601, %swap3A_602] {strides = array<i32>} : memref<32x128xf32, #tpu.memory_space<vmem>>, vector<16xf32>,
        tpu.vector_store %arg17[%swap3A_601, %swap3A_602], %mul3A_600 {strides = array<i32>} : memref<32x128xf32, #tpu.memory_space<vmem>>, vector<16xf32>,
        %mul3A_604 = arith.mulf %get3A_533, %exp3A_596 : vector<16xf32>
        %swap3A_605 = arith.index_cast %add3A_527 : i32 to index
        %swap3A_606 = arith.constant 16 : index
        %swap3A_607 = tpu.vector_load %arg17[%swap3A_605, %swap3A_606] {strides = array<i32>} : memref<32x128xf32, #tpu.memory_space<vmem>>, vector<16xf32>,
        tpu.vector_store %arg17[%swap3A_605, %swap3A_606], %mul3A_604 {strides = array<i32>} : memref<32x128xf32, #tpu.memory_space<vmem>>, vector<16xf32>,
        %mul3A_608 = arith.mulf %get3A_536, %exp3A_596 : vector<16xf32>
        %swap3A_609 = arith.index_cast %add3A_527 : i32 to index
        %swap3A_610 = arith.constant 32 : index
        %swap3A_611 = tpu.vector_load %arg17[%swap3A_609, %swap3A_610] {strides = array<i32>} : memref<32x128xf32, #tpu.memory_space<vmem>>, vector<16xf32>,
        tpu.vector_store %arg17[%swap3A_609, %swap3A_610], %mul3A_608 {strides = array<i32>} : memref<32x128xf32, #tpu.memory_space<vmem>>, vector<16xf32>,
        %mul3A_612 = arith.mulf %get3A_539, %exp3A_596 : vector<16xf32>
        %swap3A_613 = arith.index_cast %add3A_527 : i32 to index
        %swap3A_614 = arith.constant 48 : index
        %swap3A_615 = tpu.vector_load %arg17[%swap3A_613, %swap3A_614] {strides = array<i32>} : memref<32x128xf32, #tpu.memory_space<vmem>>, vector<16xf32>,
        tpu.vector_store %arg17[%swap3A_613, %swap3A_614], %mul3A_612 {strides = array<i32>} : memref<32x128xf32, #tpu.memory_space<vmem>>, vector<16xf32>,
        %mul3A_616 = arith.mulf %get3A_542, %exp3A_596 : vector<16xf32>
        %swap3A_617 = arith.index_cast %add3A_527 : i32 to index
        %swap3A_618 = arith.constant 64 : index
        %swap3A_619 = tpu.vector_load %arg17[%swap3A_617, %swap3A_618] {strides = array<i32>} : memref<32x128xf32, #tpu.memory_space<vmem>>, vector<16xf32>,
        tpu.vector_store %arg17[%swap3A_617, %swap3A_618], %mul3A_616 {strides = array<i32>} : memref<32x128xf32, #tpu.memory_space<vmem>>, vector<16xf32>,
        %mul3A_620 = arith.mulf %get3A_545, %exp3A_596 : vector<16xf32>
        %swap3A_621 = arith.index_cast %add3A_527 : i32 to index
        %swap3A_622 = arith.constant 80 : index
        %swap3A_623 = tpu.vector_load %arg17[%swap3A_621, %swap3A_622] {strides = array<i32>} : memref<32x128xf32, #tpu.memory_space<vmem>>, vector<16xf32>,
        tpu.vector_store %arg17[%swap3A_621, %swap3A_622], %mul3A_620 {strides = array<i32>} : memref<32x128xf32, #tpu.memory_space<vmem>>, vector<16xf32>,
        %mul3A_624 = arith.mulf %get3A_548, %exp3A_596 : vector<16xf32>
        %swap3A_625 = arith.index_cast %add3A_527 : i32 to index
        %swap3A_626 = arith.constant 96 : index
        %swap3A_627 = tpu.vector_load %arg17[%swap3A_625, %swap3A_626] {strides = array<i32>} : memref<32x128xf32, #tpu.memory_space<vmem>>, vector<16xf32>,
        tpu.vector_store %arg17[%swap3A_625, %swap3A_626], %mul3A_624 {strides = array<i32>} : memref<32x128xf32, #tpu.memory_space<vmem>>, vector<16xf32>,
        %mul3A_628 = arith.mulf %get3A_551, %exp3A_596 : vector<16xf32>
        %swap3A_629 = arith.index_cast %add3A_527 : i32 to index
        %swap3A_630 = arith.constant 112 : index
        %swap3A_631 = tpu.vector_load %arg17[%swap3A_629, %swap3A_630] {strides = array<i32>} : memref<32x128xf32, #tpu.memory_space<vmem>>, vector<16xf32>,
        tpu.vector_store %arg17[%swap3A_629, %swap3A_630], %mul3A_628 {strides = array<i32>} : memref<32x128xf32, #tpu.memory_space<vmem>>, vector<16xf32>,
        %scan3A_632 = arith.constant 5 : i32
        %scan3A_633 = arith.addi %scan3A_85, %scan3A_632 : i32
        %mul3A_634 = arith.constant 1 : i32
        %mul3A_635 = arith.muli %scan3A_633, %mul3A_634 : i32
        %add3A_636 = arith.constant 0 : i32
        %add3A_637 = arith.addi %add3A_636, %mul3A_635 : i32
        %get3A_638 = arith.index_cast %add3A_637 : i32 to index
        %get3A_639 = arith.constant 0 : index
        %get3A_640 = tpu.vector_load %arg17[%get3A_638, %get3A_639] {strides = array<i32>} : memref<32x128xf32, #tpu.memory_space<vmem>>, vector<16xf32>,
        %get3A_641 = arith.index_cast %add3A_637 : i32 to index
        %get3A_642 = arith.constant 16 : index
        %get3A_643 = tpu.vector_load %arg17[%get3A_641, %get3A_642] {strides = array<i32>} : memref<32x128xf32, #tpu.memory_space<vmem>>, vector<16xf32>,
        %get3A_644 = arith.index_cast %add3A_637 : i32 to index
        %get3A_645 = arith.constant 32 : index
        %get3A_646 = tpu.vector_load %arg17[%get3A_644, %get3A_645] {strides = array<i32>} : memref<32x128xf32, #tpu.memory_space<vmem>>, vector<16xf32>,
        %get3A_647 = arith.index_cast %add3A_637 : i32 to index
        %get3A_648 = arith.constant 48 : index
        %get3A_649 = tpu.vector_load %arg17[%get3A_647, %get3A_648] {strides = array<i32>} : memref<32x128xf32, #tpu.memory_space<vmem>>, vector<16xf32>,
        %get3A_650 = arith.index_cast %add3A_637 : i32 to index
        %get3A_651 = arith.constant 64 : index
        %get3A_652 = tpu.vector_load %arg17[%get3A_650, %get3A_651] {strides = array<i32>} : memref<32x128xf32, #tpu.memory_space<vmem>>, vector<16xf32>,
        %get3A_653 = arith.index_cast %add3A_637 : i32 to index
        %get3A_654 = arith.constant 80 : index
        %get3A_655 = tpu.vector_load %arg17[%get3A_653, %get3A_654] {strides = array<i32>} : memref<32x128xf32, #tpu.memory_space<vmem>>, vector<16xf32>,
        %get3A_656 = arith.index_cast %add3A_637 : i32 to index
        %get3A_657 = arith.constant 96 : index
        %get3A_658 = tpu.vector_load %arg17[%get3A_656, %get3A_657] {strides = array<i32>} : memref<32x128xf32, #tpu.memory_space<vmem>>, vector<16xf32>,
        %get3A_659 = arith.index_cast %add3A_637 : i32 to index
        %get3A_660 = arith.constant 112 : index
        %get3A_661 = tpu.vector_load %arg17[%get3A_659, %get3A_660] {strides = array<i32>} : memref<32x128xf32, #tpu.memory_space<vmem>>, vector<16xf32>,
        %get3A_662 = arith.index_cast %add3A_637 : i32 to index
        %get3A_663 = arith.constant 0 : index
        %get3A_664 = tpu.vector_load %arg19[%get3A_662, %get3A_663] {strides = array<i32>} : memref<32x128xf32, #tpu.memory_space<vmem>>, vector<16xf32>,
        %get3A_665 = arith.index_cast %add3A_637 : i32 to index
        %get3A_666 = arith.constant 16 : index
        %get3A_667 = tpu.vector_load %arg19[%get3A_665, %get3A_666] {strides = array<i32>} : memref<32x128xf32, #tpu.memory_space<vmem>>, vector<16xf32>,
        %get3A_668 = arith.index_cast %add3A_637 : i32 to index
        %get3A_669 = arith.constant 32 : index
        %get3A_670 = tpu.vector_load %arg19[%get3A_668, %get3A_669] {strides = array<i32>} : memref<32x128xf32, #tpu.memory_space<vmem>>, vector<16xf32>,
        %get3A_671 = arith.index_cast %add3A_637 : i32 to index
        %get3A_672 = arith.constant 48 : index
        %get3A_673 = tpu.vector_load %arg19[%get3A_671, %get3A_672] {strides = array<i32>} : memref<32x128xf32, #tpu.memory_space<vmem>>, vector<16xf32>,
        %get3A_674 = arith.index_cast %add3A_637 : i32 to index
        %get3A_675 = arith.constant 64 : index
        %get3A_676 = tpu.vector_load %arg19[%get3A_674, %get3A_675] {strides = array<i32>} : memref<32x128xf32, #tpu.memory_space<vmem>>, vector<16xf32>,
        %get3A_677 = arith.index_cast %add3A_637 : i32 to index
        %get3A_678 = arith.constant 80 : index
        %get3A_679 = tpu.vector_load %arg19[%get3A_677, %get3A_678] {strides = array<i32>} : memref<32x128xf32, #tpu.memory_space<vmem>>, vector<16xf32>,
        %get3A_680 = arith.index_cast %add3A_637 : i32 to index
        %get3A_681 = arith.constant 96 : index
        %get3A_682 = tpu.vector_load %arg19[%get3A_680, %get3A_681] {strides = array<i32>} : memref<32x128xf32, #tpu.memory_space<vmem>>, vector<16xf32>,
        %get3A_683 = arith.index_cast %add3A_637 : i32 to index
        %get3A_684 = arith.constant 112 : index
        %get3A_685 = tpu.vector_load %arg19[%get3A_683, %get3A_684] {strides = array<i32>} : memref<32x128xf32, #tpu.memory_space<vmem>>, vector<16xf32>,
        %mul3A_686 = arith.mulf %get3A_640, %get3A_664 : vector<16xf32>
        %mul3A_687 = arith.mulf %get3A_643, %get3A_667 : vector<16xf32>
        %add3A_688 = arith.addf %mul3A_686, %mul3A_687 : vector<16xf32>
        %mul3A_689 = arith.mulf %get3A_646, %get3A_670 : vector<16xf32>
        %add3A_690 = arith.addf %add3A_688, %mul3A_689 : vector<16xf32>
        %mul3A_691 = arith.mulf %get3A_649, %get3A_673 : vector<16xf32>
        %add3A_692 = arith.addf %add3A_690, %mul3A_691 : vector<16xf32>
        %mul3A_693 = arith.mulf %get3A_652, %get3A_676 : vector<16xf32>
        %add3A_694 = arith.addf %add3A_692, %mul3A_693 : vector<16xf32>
        %mul3A_695 = arith.mulf %get3A_655, %get3A_679 : vector<16xf32>
        %add3A_696 = arith.addf %add3A_694, %mul3A_695 : vector<16xf32>
        %mul3A_697 = arith.mulf %get3A_658, %get3A_682 : vector<16xf32>
        %add3A_698 = arith.addf %add3A_696, %mul3A_697 : vector<16xf32>
        %mul3A_699 = arith.mulf %get3A_661, %get3A_685 : vector<16xf32>
        %add3A_700 = arith.addf %add3A_698, %mul3A_699 : vector<16xf32>
        %reduce_sum3A_701 = arith.constant true
        %reduce_sum3A_702 = vector.broadcast %reduce_sum3A_701 : i1 to vector<16xi1>
        %reduce_sum3A_703 = tpu.scan <sum>, %add3A_700 masked %reduce_sum3A_702 : vector<16xf32>, vector<16xi1> -> vector<16xf32>
        %reduce_sum3A_704 = vector.extract %reduce_sum3A_703[15] : f32 from vector<16xf32>
        %broadcast_in_dim3A_705 = vector.broadcast %reduce_sum3A_704 : f32 to vector<16xf32>
        %exp3A_706 = math.exp %broadcast_in_dim3A_705 : vector<16xf32>
        %swap3A_707 = arith.index_cast %add3A_637 : i32 to index
        %swap3A_708 = arith.constant 0 : index
        %swap3A_709 = tpu.vector_load %arg21[%swap3A_707, %swap3A_708] {strides = array<i32>} : memref<32x16xf32, #tpu.memory_space<vmem>>, vector<16xf32>,
        tpu.vector_store %arg21[%swap3A_707, %swap3A_708], %exp3A_706 {strides = array<i32>} : memref<32x16xf32, #tpu.memory_space<vmem>>, vector<16xf32>,
        %mul3A_710 = arith.mulf %get3A_640, %exp3A_706 : vector<16xf32>
        %swap3A_711 = arith.index_cast %add3A_637 : i32 to index
        %swap3A_712 = arith.constant 0 : index
        %swap3A_713 = tpu.vector_load %arg17[%swap3A_711, %swap3A_712] {strides = array<i32>} : memref<32x128xf32, #tpu.memory_space<vmem>>, vector<16xf32>,
        tpu.vector_store %arg17[%swap3A_711, %swap3A_712], %mul3A_710 {strides = array<i32>} : memref<32x128xf32, #tpu.memory_space<vmem>>, vector<16xf32>,
        %mul3A_714 = arith.mulf %get3A_643, %exp3A_706 : vector<16xf32>
        %swap3A_715 = arith.index_cast %add3A_637 : i32 to index
        %swap3A_716 = arith.constant 16 : index
        %swap3A_717 = tpu.vector_load %arg17[%swap3A_715, %swap3A_716] {strides = array<i32>} : memref<32x128xf32, #tpu.memory_space<vmem>>, vector<16xf32>,
        tpu.vector_store %arg17[%swap3A_715, %swap3A_716], %mul3A_714 {strides = array<i32>} : memref<32x128xf32, #tpu.memory_space<vmem>>, vector<16xf32>,
        %mul3A_718 = arith.mulf %get3A_646, %exp3A_706 : vector<16xf32>
        %swap3A_719 = arith.index_cast %add3A_637 : i32 to index
        %swap3A_720 = arith.constant 32 : index
        %swap3A_721 = tpu.vector_load %arg17[%swap3A_719, %swap3A_720] {strides = array<i32>} : memref<32x128xf32, #tpu.memory_space<vmem>>, vector<16xf32>,
        tpu.vector_store %arg17[%swap3A_719, %swap3A_720], %mul3A_718 {strides = array<i32>} : memref<32x128xf32, #tpu.memory_space<vmem>>, vector<16xf32>,
        %mul3A_722 = arith.mulf %get3A_649, %exp3A_706 : vector<16xf32>
        %swap3A_723 = arith.index_cast %add3A_637 : i32 to index
        %swap3A_724 = arith.constant 48 : index
        %swap3A_725 = tpu.vector_load %arg17[%swap3A_723, %swap3A_724] {strides = array<i32>} : memref<32x128xf32, #tpu.memory_space<vmem>>, vector<16xf32>,
        tpu.vector_store %arg17[%swap3A_723, %swap3A_724], %mul3A_722 {strides = array<i32>} : memref<32x128xf32, #tpu.memory_space<vmem>>, vector<16xf32>,
        %mul3A_726 = arith.mulf %get3A_652, %exp3A_706 : vector<16xf32>
        %swap3A_727 = arith.index_cast %add3A_637 : i32 to index
        %swap3A_728 = arith.constant 64 : index
        %swap3A_729 = tpu.vector_load %arg17[%swap3A_727, %swap3A_728] {strides = array<i32>} : memref<32x128xf32, #tpu.memory_space<vmem>>, vector<16xf32>,
        tpu.vector_store %arg17[%swap3A_727, %swap3A_728], %mul3A_726 {strides = array<i32>} : memref<32x128xf32, #tpu.memory_space<vmem>>, vector<16xf32>,
        %mul3A_730 = arith.mulf %get3A_655, %exp3A_706 : vector<16xf32>
        %swap3A_731 = arith.index_cast %add3A_637 : i32 to index
        %swap3A_732 = arith.constant 80 : index
        %swap3A_733 = tpu.vector_load %arg17[%swap3A_731, %swap3A_732] {strides = array<i32>} : memref<32x128xf32, #tpu.memory_space<vmem>>, vector<16xf32>,
        tpu.vector_store %arg17[%swap3A_731, %swap3A_732], %mul3A_730 {strides = array<i32>} : memref<32x128xf32, #tpu.memory_space<vmem>>, vector<16xf32>,
        %mul3A_734 = arith.mulf %get3A_658, %exp3A_706 : vector<16xf32>
        %swap3A_735 = arith.index_cast %add3A_637 : i32 to index
        %swap3A_736 = arith.constant 96 : index
        %swap3A_737 = tpu.vector_load %arg17[%swap3A_735, %swap3A_736] {strides = array<i32>} : memref<32x128xf32, #tpu.memory_space<vmem>>, vector<16xf32>,
        tpu.vector_store %arg17[%swap3A_735, %swap3A_736], %mul3A_734 {strides = array<i32>} : memref<32x128xf32, #tpu.memory_space<vmem>>, vector<16xf32>,
        %mul3A_738 = arith.mulf %get3A_661, %exp3A_706 : vector<16xf32>
        %swap3A_739 = arith.index_cast %add3A_637 : i32 to index
        %swap3A_740 = arith.constant 112 : index
        %swap3A_741 = tpu.vector_load %arg17[%swap3A_739, %swap3A_740] {strides = array<i32>} : memref<32x128xf32, #tpu.memory_space<vmem>>, vector<16xf32>,
        tpu.vector_store %arg17[%swap3A_739, %swap3A_740], %mul3A_738 {strides = array<i32>} : memref<32x128xf32, #tpu.memory_space<vmem>>, vector<16xf32>,
        %scan3A_742 = arith.constant 6 : i32
        %scan3A_743 = arith.addi %scan3A_85, %scan3A_742 : i32
        %mul3A_744 = arith.constant 1 : i32
        %mul3A_745 = arith.muli %scan3A_743, %mul3A_744 : i32
        %add3A_746 = arith.constant 0 : i32
        %add3A_747 = arith.addi %add3A_746, %mul3A_745 : i32
        %get3A_748 = arith.index_cast %add3A_747 : i32 to index
        %get3A_749 = arith.constant 0 : index
        %get3A_750 = tpu.vector_load %arg17[%get3A_748, %get3A_749] {strides = array<i32>} : memref<32x128xf32, #tpu.memory_space<vmem>>, vector<16xf32>,
        %get3A_751 = arith.index_cast %add3A_747 : i32 to index
        %get3A_752 = arith.constant 16 : index
        %get3A_753 = tpu.vector_load %arg17[%get3A_751, %get3A_752] {strides = array<i32>} : memref<32x128xf32, #tpu.memory_space<vmem>>, vector<16xf32>,
        %get3A_754 = arith.index_cast %add3A_747 : i32 to index
        %get3A_755 = arith.constant 32 : index
        %get3A_756 = tpu.vector_load %arg17[%get3A_754, %get3A_755] {strides = array<i32>} : memref<32x128xf32, #tpu.memory_space<vmem>>, vector<16xf32>,
        %get3A_757 = arith.index_cast %add3A_747 : i32 to index
        %get3A_758 = arith.constant 48 : index
        %get3A_759 = tpu.vector_load %arg17[%get3A_757, %get3A_758] {strides = array<i32>} : memref<32x128xf32, #tpu.memory_space<vmem>>, vector<16xf32>,
        %get3A_760 = arith.index_cast %add3A_747 : i32 to index
        %get3A_761 = arith.constant 64 : index
        %get3A_762 = tpu.vector_load %arg17[%get3A_760, %get3A_761] {strides = array<i32>} : memref<32x128xf32, #tpu.memory_space<vmem>>, vector<16xf32>,
        %get3A_763 = arith.index_cast %add3A_747 : i32 to index
        %get3A_764 = arith.constant 80 : index
        %get3A_765 = tpu.vector_load %arg17[%get3A_763, %get3A_764] {strides = array<i32>} : memref<32x128xf32, #tpu.memory_space<vmem>>, vector<16xf32>,
        %get3A_766 = arith.index_cast %add3A_747 : i32 to index
        %get3A_767 = arith.constant 96 : index
        %get3A_768 = tpu.vector_load %arg17[%get3A_766, %get3A_767] {strides = array<i32>} : memref<32x128xf32, #tpu.memory_space<vmem>>, vector<16xf32>,
        %get3A_769 = arith.index_cast %add3A_747 : i32 to index
        %get3A_770 = arith.constant 112 : index
        %get3A_771 = tpu.vector_load %arg17[%get3A_769, %get3A_770] {strides = array<i32>} : memref<32x128xf32, #tpu.memory_space<vmem>>, vector<16xf32>,
        %get3A_772 = arith.index_cast %add3A_747 : i32 to index
        %get3A_773 = arith.constant 0 : index
        %get3A_774 = tpu.vector_load %arg19[%get3A_772, %get3A_773] {strides = array<i32>} : memref<32x128xf32, #tpu.memory_space<vmem>>, vector<16xf32>,
        %get3A_775 = arith.index_cast %add3A_747 : i32 to index
        %get3A_776 = arith.constant 16 : index
        %get3A_777 = tpu.vector_load %arg19[%get3A_775, %get3A_776] {strides = array<i32>} : memref<32x128xf32, #tpu.memory_space<vmem>>, vector<16xf32>,
        %get3A_778 = arith.index_cast %add3A_747 : i32 to index
        %get3A_779 = arith.constant 32 : index
        %get3A_780 = tpu.vector_load %arg19[%get3A_778, %get3A_779] {strides = array<i32>} : memref<32x128xf32, #tpu.memory_space<vmem>>, vector<16xf32>,
        %get3A_781 = arith.index_cast %add3A_747 : i32 to index
        %get3A_782 = arith.constant 48 : index
        %get3A_783 = tpu.vector_load %arg19[%get3A_781, %get3A_782] {strides = array<i32>} : memref<32x128xf32, #tpu.memory_space<vmem>>, vector<16xf32>,
        %get3A_784 = arith.index_cast %add3A_747 : i32 to index
        %get3A_785 = arith.constant 64 : index
        %get3A_786 = tpu.vector_load %arg19[%get3A_784, %get3A_785] {strides = array<i32>} : memref<32x128xf32, #tpu.memory_space<vmem>>, vector<16xf32>,
        %get3A_787 = arith.index_cast %add3A_747 : i32 to index
        %get3A_788 = arith.constant 80 : index
        %get3A_789 = tpu.vector_load %arg19[%get3A_787, %get3A_788] {strides = array<i32>} : memref<32x128xf32, #tpu.memory_space<vmem>>, vector<16xf32>,
        %get3A_790 = arith.index_cast %add3A_747 : i32 to index
        %get3A_791 = arith.constant 96 : index
        %get3A_792 = tpu.vector_load %arg19[%get3A_790, %get3A_791] {strides = array<i32>} : memref<32x128xf32, #tpu.memory_space<vmem>>, vector<16xf32>,
        %get3A_793 = arith.index_cast %add3A_747 : i32 to index
        %get3A_794 = arith.constant 112 : index
        %get3A_795 = tpu.vector_load %arg19[%get3A_793, %get3A_794] {strides = array<i32>} : memref<32x128xf32, #tpu.memory_space<vmem>>, vector<16xf32>,
        %mul3A_796 = arith.mulf %get3A_750, %get3A_774 : vector<16xf32>
        %mul3A_797 = arith.mulf %get3A_753, %get3A_777 : vector<16xf32>
        %add3A_798 = arith.addf %mul3A_796, %mul3A_797 : vector<16xf32>
        %mul3A_799 = arith.mulf %get3A_756, %get3A_780 : vector<16xf32>
        %add3A_800 = arith.addf %add3A_798, %mul3A_799 : vector<16xf32>
        %mul3A_801 = arith.mulf %get3A_759, %get3A_783 : vector<16xf32>
        %add3A_802 = arith.addf %add3A_800, %mul3A_801 : vector<16xf32>
        %mul3A_803 = arith.mulf %get3A_762, %get3A_786 : vector<16xf32>
        %add3A_804 = arith.addf %add3A_802, %mul3A_803 : vector<16xf32>
        %mul3A_805 = arith.mulf %get3A_765, %get3A_789 : vector<16xf32>
        %add3A_806 = arith.addf %add3A_804, %mul3A_805 : vector<16xf32>
        %mul3A_807 = arith.mulf %get3A_768, %get3A_792 : vector<16xf32>
        %add3A_808 = arith.addf %add3A_806, %mul3A_807 : vector<16xf32>
        %mul3A_809 = arith.mulf %get3A_771, %get3A_795 : vector<16xf32>
        %add3A_810 = arith.addf %add3A_808, %mul3A_809 : vector<16xf32>
        %reduce_sum3A_811 = arith.constant true
        %reduce_sum3A_812 = vector.broadcast %reduce_sum3A_811 : i1 to vector<16xi1>
        %reduce_sum3A_813 = tpu.scan <sum>, %add3A_810 masked %reduce_sum3A_812 : vector<16xf32>, vector<16xi1> -> vector<16xf32>
        %reduce_sum3A_814 = vector.extract %reduce_sum3A_813[15] : f32 from vector<16xf32>
        %broadcast_in_dim3A_815 = vector.broadcast %reduce_sum3A_814 : f32 to vector<16xf32>
        %exp3A_816 = math.exp %broadcast_in_dim3A_815 : vector<16xf32>
        %swap3A_817 = arith.index_cast %add3A_747 : i32 to index
        %swap3A_818 = arith.constant 0 : index
        %swap3A_819 = tpu.vector_load %arg21[%swap3A_817, %swap3A_818] {strides = array<i32>} : memref<32x16xf32, #tpu.memory_space<vmem>>, vector<16xf32>,
        tpu.vector_store %arg21[%swap3A_817, %swap3A_818], %exp3A_816 {strides = array<i32>} : memref<32x16xf32, #tpu.memory_space<vmem>>, vector<16xf32>,
        %mul3A_820 = arith.mulf %get3A_750, %exp3A_816 : vector<16xf32>
        %swap3A_821 = arith.index_cast %add3A_747 : i32 to index
        %swap3A_822 = arith.constant 0 : index
        %swap3A_823 = tpu.vector_load %arg17[%swap3A_821, %swap3A_822] {strides = array<i32>} : memref<32x128xf32, #tpu.memory_space<vmem>>, vector<16xf32>,
        tpu.vector_store %arg17[%swap3A_821, %swap3A_822], %mul3A_820 {strides = array<i32>} : memref<32x128xf32, #tpu.memory_space<vmem>>, vector<16xf32>,
        %mul3A_824 = arith.mulf %get3A_753, %exp3A_816 : vector<16xf32>
        %swap3A_825 = arith.index_cast %add3A_747 : i32 to index
        %swap3A_826 = arith.constant 16 : index
        %swap3A_827 = tpu.vector_load %arg17[%swap3A_825, %swap3A_826] {strides = array<i32>} : memref<32x128xf32, #tpu.memory_space<vmem>>, vector<16xf32>,
        tpu.vector_store %arg17[%swap3A_825, %swap3A_826], %mul3A_824 {strides = array<i32>} : memref<32x128xf32, #tpu.memory_space<vmem>>, vector<16xf32>,
        %mul3A_828 = arith.mulf %get3A_756, %exp3A_816 : vector<16xf32>
        %swap3A_829 = arith.index_cast %add3A_747 : i32 to index
        %swap3A_830 = arith.constant 32 : index
        %swap3A_831 = tpu.vector_load %arg17[%swap3A_829, %swap3A_830] {strides = array<i32>} : memref<32x128xf32, #tpu.memory_space<vmem>>, vector<16xf32>,
        tpu.vector_store %arg17[%swap3A_829, %swap3A_830], %mul3A_828 {strides = array<i32>} : memref<32x128xf32, #tpu.memory_space<vmem>>, vector<16xf32>,
        %mul3A_832 = arith.mulf %get3A_759, %exp3A_816 : vector<16xf32>
        %swap3A_833 = arith.index_cast %add3A_747 : i32 to index
        %swap3A_834 = arith.constant 48 : index
        %swap3A_835 = tpu.vector_load %arg17[%swap3A_833, %swap3A_834] {strides = array<i32>} : memref<32x128xf32, #tpu.memory_space<vmem>>, vector<16xf32>,
        tpu.vector_store %arg17[%swap3A_833, %swap3A_834], %mul3A_832 {strides = array<i32>} : memref<32x128xf32, #tpu.memory_space<vmem>>, vector<16xf32>,
        %mul3A_836 = arith.mulf %get3A_762, %exp3A_816 : vector<16xf32>
        %swap3A_837 = arith.index_cast %add3A_747 : i32 to index
        %swap3A_838 = arith.constant 64 : index
        %swap3A_839 = tpu.vector_load %arg17[%swap3A_837, %swap3A_838] {strides = array<i32>} : memref<32x128xf32, #tpu.memory_space<vmem>>, vector<16xf32>,
        tpu.vector_store %arg17[%swap3A_837, %swap3A_838], %mul3A_836 {strides = array<i32>} : memref<32x128xf32, #tpu.memory_space<vmem>>, vector<16xf32>,
        %mul3A_840 = arith.mulf %get3A_765, %exp3A_816 : vector<16xf32>
        %swap3A_841 = arith.index_cast %add3A_747 : i32 to index
        %swap3A_842 = arith.constant 80 : index
        %swap3A_843 = tpu.vector_load %arg17[%swap3A_841, %swap3A_842] {strides = array<i32>} : memref<32x128xf32, #tpu.memory_space<vmem>>, vector<16xf32>,
        tpu.vector_store %arg17[%swap3A_841, %swap3A_842], %mul3A_840 {strides = array<i32>} : memref<32x128xf32, #tpu.memory_space<vmem>>, vector<16xf32>,
        %mul3A_844 = arith.mulf %get3A_768, %exp3A_816 : vector<16xf32>
        %swap3A_845 = arith.index_cast %add3A_747 : i32 to index
        %swap3A_846 = arith.constant 96 : index
        %swap3A_847 = tpu.vector_load %arg17[%swap3A_845, %swap3A_846] {strides = array<i32>} : memref<32x128xf32, #tpu.memory_space<vmem>>, vector<16xf32>,
        tpu.vector_store %arg17[%swap3A_845, %swap3A_846], %mul3A_844 {strides = array<i32>} : memref<32x128xf32, #tpu.memory_space<vmem>>, vector<16xf32>,
        %mul3A_848 = arith.mulf %get3A_771, %exp3A_816 : vector<16xf32>
        %swap3A_849 = arith.index_cast %add3A_747 : i32 to index
        %swap3A_850 = arith.constant 112 : index
        %swap3A_851 = tpu.vector_load %arg17[%swap3A_849, %swap3A_850] {strides = array<i32>} : memref<32x128xf32, #tpu.memory_space<vmem>>, vector<16xf32>,
        tpu.vector_store %arg17[%swap3A_849, %swap3A_850], %mul3A_848 {strides = array<i32>} : memref<32x128xf32, #tpu.memory_space<vmem>>, vector<16xf32>,
        %scan3A_852 = arith.constant 7 : i32
        %scan3A_853 = arith.addi %scan3A_85, %scan3A_852 : i32
        %mul3A_854 = arith.constant 1 : i32
        %mul3A_855 = arith.muli %scan3A_853, %mul3A_854 : i32
        %add3A_856 = arith.constant 0 : i32
        %add3A_857 = arith.addi %add3A_856, %mul3A_855 : i32
        %get3A_858 = arith.index_cast %add3A_857 : i32 to index
        %get3A_859 = arith.constant 0 : index
        %get3A_860 = tpu.vector_load %arg17[%get3A_858, %get3A_859] {strides = array<i32>} : memref<32x128xf32, #tpu.memory_space<vmem>>, vector<16xf32>,
        %get3A_861 = arith.index_cast %add3A_857 : i32 to index
        %get3A_862 = arith.constant 16 : index
        %get3A_863 = tpu.vector_load %arg17[%get3A_861, %get3A_862] {strides = array<i32>} : memref<32x128xf32, #tpu.memory_space<vmem>>, vector<16xf32>,
        %get3A_864 = arith.index_cast %add3A_857 : i32 to index
        %get3A_865 = arith.constant 32 : index
        %get3A_866 = tpu.vector_load %arg17[%get3A_864, %get3A_865] {strides = array<i32>} : memref<32x128xf32, #tpu.memory_space<vmem>>, vector<16xf32>,
        %get3A_867 = arith.index_cast %add3A_857 : i32 to index
        %get3A_868 = arith.constant 48 : index
        %get3A_869 = tpu.vector_load %arg17[%get3A_867, %get3A_868] {strides = array<i32>} : memref<32x128xf32, #tpu.memory_space<vmem>>, vector<16xf32>,
        %get3A_870 = arith.index_cast %add3A_857 : i32 to index
        %get3A_871 = arith.constant 64 : index
        %get3A_872 = tpu.vector_load %arg17[%get3A_870, %get3A_871] {strides = array<i32>} : memref<32x128xf32, #tpu.memory_space<vmem>>, vector<16xf32>,
        %get3A_873 = arith.index_cast %add3A_857 : i32 to index
        %get3A_874 = arith.constant 80 : index
        %get3A_875 = tpu.vector_load %arg17[%get3A_873, %get3A_874] {strides = array<i32>} : memref<32x128xf32, #tpu.memory_space<vmem>>, vector<16xf32>,
        %get3A_876 = arith.index_cast %add3A_857 : i32 to index
        %get3A_877 = arith.constant 96 : index
        %get3A_878 = tpu.vector_load %arg17[%get3A_876, %get3A_877] {strides = array<i32>} : memref<32x128xf32, #tpu.memory_space<vmem>>, vector<16xf32>,
        %get3A_879 = arith.index_cast %add3A_857 : i32 to index
        %get3A_880 = arith.constant 112 : index
        %get3A_881 = tpu.vector_load %arg17[%get3A_879, %get3A_880] {strides = array<i32>} : memref<32x128xf32, #tpu.memory_space<vmem>>, vector<16xf32>,
        %get3A_882 = arith.index_cast %add3A_857 : i32 to index
        %get3A_883 = arith.constant 0 : index
        %get3A_884 = tpu.vector_load %arg19[%get3A_882, %get3A_883] {strides = array<i32>} : memref<32x128xf32, #tpu.memory_space<vmem>>, vector<16xf32>,
        %get3A_885 = arith.index_cast %add3A_857 : i32 to index
        %get3A_886 = arith.constant 16 : index
        %get3A_887 = tpu.vector_load %arg19[%get3A_885, %get3A_886] {strides = array<i32>} : memref<32x128xf32, #tpu.memory_space<vmem>>, vector<16xf32>,
        %get3A_888 = arith.index_cast %add3A_857 : i32 to index
        %get3A_889 = arith.constant 32 : index
        %get3A_890 = tpu.vector_load %arg19[%get3A_888, %get3A_889] {strides = array<i32>} : memref<32x128xf32, #tpu.memory_space<vmem>>, vector<16xf32>,
        %get3A_891 = arith.index_cast %add3A_857 : i32 to index
        %get3A_892 = arith.constant 48 : index
        %get3A_893 = tpu.vector_load %arg19[%get3A_891, %get3A_892] {strides = array<i32>} : memref<32x128xf32, #tpu.memory_space<vmem>>, vector<16xf32>,
        %get3A_894 = arith.index_cast %add3A_857 : i32 to index
        %get3A_895 = arith.constant 64 : index
        %get3A_896 = tpu.vector_load %arg19[%get3A_894, %get3A_895] {strides = array<i32>} : memref<32x128xf32, #tpu.memory_space<vmem>>, vector<16xf32>,
        %get3A_897 = arith.index_cast %add3A_857 : i32 to index
        %get3A_898 = arith.constant 80 : index
        %get3A_899 = tpu.vector_load %arg19[%get3A_897, %get3A_898] {strides = array<i32>} : memref<32x128xf32, #tpu.memory_space<vmem>>, vector<16xf32>,
        %get3A_900 = arith.index_cast %add3A_857 : i32 to index
        %get3A_901 = arith.constant 96 : index
        %get3A_902 = tpu.vector_load %arg19[%get3A_900, %get3A_901] {strides = array<i32>} : memref<32x128xf32, #tpu.memory_space<vmem>>, vector<16xf32>,
        %get3A_903 = arith.index_cast %add3A_857 : i32 to index
        %get3A_904 = arith.constant 112 : index
        %get3A_905 = tpu.vector_load %arg19[%get3A_903, %get3A_904] {strides = array<i32>} : memref<32x128xf32, #tpu.memory_space<vmem>>, vector<16xf32>,
        %mul3A_906 = arith.mulf %get3A_860, %get3A_884 : vector<16xf32>
        %mul3A_907 = arith.mulf %get3A_863, %get3A_887 : vector<16xf32>
        %add3A_908 = arith.addf %mul3A_906, %mul3A_907 : vector<16xf32>
        %mul3A_909 = arith.mulf %get3A_866, %get3A_890 : vector<16xf32>
        %add3A_910 = arith.addf %add3A_908, %mul3A_909 : vector<16xf32>
        %mul3A_911 = arith.mulf %get3A_869, %get3A_893 : vector<16xf32>
        %add3A_912 = arith.addf %add3A_910, %mul3A_911 : vector<16xf32>
        %mul3A_913 = arith.mulf %get3A_872, %get3A_896 : vector<16xf32>
        %add3A_914 = arith.addf %add3A_912, %mul3A_913 : vector<16xf32>
        %mul3A_915 = arith.mulf %get3A_875, %get3A_899 : vector<16xf32>
        %add3A_916 = arith.addf %add3A_914, %mul3A_915 : vector<16xf32>
        %mul3A_917 = arith.mulf %get3A_878, %get3A_902 : vector<16xf32>
        %add3A_918 = arith.addf %add3A_916, %mul3A_917 : vector<16xf32>
        %mul3A_919 = arith.mulf %get3A_881, %get3A_905 : vector<16xf32>
        %add3A_920 = arith.addf %add3A_918, %mul3A_919 : vector<16xf32>
        %reduce_sum3A_921 = arith.constant true
        %reduce_sum3A_922 = vector.broadcast %reduce_sum3A_921 : i1 to vector<16xi1>
        %reduce_sum3A_923 = tpu.scan <sum>, %add3A_920 masked %reduce_sum3A_922 : vector<16xf32>, vector<16xi1> -> vector<16xf32>
        %reduce_sum3A_924 = vector.extract %reduce_sum3A_923[15] : f32 from vector<16xf32>
        %broadcast_in_dim3A_925 = vector.broadcast %reduce_sum3A_924 : f32 to vector<16xf32>
        %exp3A_926 = math.exp %broadcast_in_dim3A_925 : vector<16xf32>
        %swap3A_927 = arith.index_cast %add3A_857 : i32 to index
        %swap3A_928 = arith.constant 0 : index
        %swap3A_929 = tpu.vector_load %arg21[%swap3A_927, %swap3A_928] {strides = array<i32>} : memref<32x16xf32, #tpu.memory_space<vmem>>, vector<16xf32>,
        tpu.vector_store %arg21[%swap3A_927, %swap3A_928], %exp3A_926 {strides = array<i32>} : memref<32x16xf32, #tpu.memory_space<vmem>>, vector<16xf32>,
        %mul3A_930 = arith.mulf %get3A_860, %exp3A_926 : vector<16xf32>
        %swap3A_931 = arith.index_cast %add3A_857 : i32 to index
        %swap3A_932 = arith.constant 0 : index
        %swap3A_933 = tpu.vector_load %arg17[%swap3A_931, %swap3A_932] {strides = array<i32>} : memref<32x128xf32, #tpu.memory_space<vmem>>, vector<16xf32>,
        tpu.vector_store %arg17[%swap3A_931, %swap3A_932], %mul3A_930 {strides = array<i32>} : memref<32x128xf32, #tpu.memory_space<vmem>>, vector<16xf32>,
        %mul3A_934 = arith.mulf %get3A_863, %exp3A_926 : vector<16xf32>
        %swap3A_935 = arith.index_cast %add3A_857 : i32 to index
        %swap3A_936 = arith.constant 16 : index
        %swap3A_937 = tpu.vector_load %arg17[%swap3A_935, %swap3A_936] {strides = array<i32>} : memref<32x128xf32, #tpu.memory_space<vmem>>, vector<16xf32>,
        tpu.vector_store %arg17[%swap3A_935, %swap3A_936], %mul3A_934 {strides = array<i32>} : memref<32x128xf32, #tpu.memory_space<vmem>>, vector<16xf32>,
        %mul3A_938 = arith.mulf %get3A_866, %exp3A_926 : vector<16xf32>
        %swap3A_939 = arith.index_cast %add3A_857 : i32 to index
        %swap3A_940 = arith.constant 32 : index
        %swap3A_941 = tpu.vector_load %arg17[%swap3A_939, %swap3A_940] {strides = array<i32>} : memref<32x128xf32, #tpu.memory_space<vmem>>, vector<16xf32>,
        tpu.vector_store %arg17[%swap3A_939, %swap3A_940], %mul3A_938 {strides = array<i32>} : memref<32x128xf32, #tpu.memory_space<vmem>>, vector<16xf32>,
        %mul3A_942 = arith.mulf %get3A_869, %exp3A_926 : vector<16xf32>
        %swap3A_943 = arith.index_cast %add3A_857 : i32 to index
        %swap3A_944 = arith.constant 48 : index
        %swap3A_945 = tpu.vector_load %arg17[%swap3A_943, %swap3A_944] {strides = array<i32>} : memref<32x128xf32, #tpu.memory_space<vmem>>, vector<16xf32>,
        tpu.vector_store %arg17[%swap3A_943, %swap3A_944], %mul3A_942 {strides = array<i32>} : memref<32x128xf32, #tpu.memory_space<vmem>>, vector<16xf32>,
        %mul3A_946 = arith.mulf %get3A_872, %exp3A_926 : vector<16xf32>
        %swap3A_947 = arith.index_cast %add3A_857 : i32 to index
        %swap3A_948 = arith.constant 64 : index
        %swap3A_949 = tpu.vector_load %arg17[%swap3A_947, %swap3A_948] {strides = array<i32>} : memref<32x128xf32, #tpu.memory_space<vmem>>, vector<16xf32>,
        tpu.vector_store %arg17[%swap3A_947, %swap3A_948], %mul3A_946 {strides = array<i32>} : memref<32x128xf32, #tpu.memory_space<vmem>>, vector<16xf32>,
        %mul3A_950 = arith.mulf %get3A_875, %exp3A_926 : vector<16xf32>
        %swap3A_951 = arith.index_cast %add3A_857 : i32 to index
        %swap3A_952 = arith.constant 80 : index
        %swap3A_953 = tpu.vector_load %arg17[%swap3A_951, %swap3A_952] {strides = array<i32>} : memref<32x128xf32, #tpu.memory_space<vmem>>, vector<16xf32>,
        tpu.vector_store %arg17[%swap3A_951, %swap3A_952], %mul3A_950 {strides = array<i32>} : memref<32x128xf32, #tpu.memory_space<vmem>>, vector<16xf32>,
        %mul3A_954 = arith.mulf %get3A_878, %exp3A_926 : vector<16xf32>
        %swap3A_955 = arith.index_cast %add3A_857 : i32 to index
        %swap3A_956 = arith.constant 96 : index
        %swap3A_957 = tpu.vector_load %arg17[%swap3A_955, %swap3A_956] {strides = array<i32>} : memref<32x128xf32, #tpu.memory_space<vmem>>, vector<16xf32>,
        tpu.vector_store %arg17[%swap3A_955, %swap3A_956], %mul3A_954 {strides = array<i32>} : memref<32x128xf32, #tpu.memory_space<vmem>>, vector<16xf32>,
        %mul3A_958 = arith.mulf %get3A_881, %exp3A_926 : vector<16xf32>
        %swap3A_959 = arith.index_cast %add3A_857 : i32 to index
        %swap3A_960 = arith.constant 112 : index
        %swap3A_961 = tpu.vector_load %arg17[%swap3A_959, %swap3A_960] {strides = array<i32>} : memref<32x128xf32, #tpu.memory_space<vmem>>, vector<16xf32>,
        tpu.vector_store %arg17[%swap3A_959, %swap3A_960], %mul3A_958 {strides = array<i32>} : memref<32x128xf32, #tpu.memory_space<vmem>>, vector<16xf32>,
      }
      %scan3A_66 = arith.constant 32 : i32
      %get3A = arith.constant 0 : index
      %get3A_67 = tpu.vector_load %arg11[%get3A] {strides = array<i32>} : memref<32xi32, #tpu.memory_space<vmem>>, vector<16xi32>,
      %swap3A = arith.constant 0 : index
      %swap3A_68 = tpu.vector_load %arg14[%swap3A] {strides = array<i32>} : memref<32xi32, #tpu.memory_space<vmem>>, vector<16xi32>,
      tpu.vector_store %arg14[%swap3A], %get3A_67 {strides = array<i32>} : memref<32xi32, #tpu.memory_space<vmem>>, vector<16xi32>,
      %get3A_69 = arith.constant 16 : index
      %get3A_70 = tpu.vector_load %arg11[%get3A_69] {strides = array<i32>} : memref<32xi32, #tpu.memory_space<vmem>>, vector<16xi32>,
      %swap3A_71 = arith.constant 16 : index
      %swap3A_72 = tpu.vector_load %arg14[%swap3A_71] {strides = array<i32>} : memref<32xi32, #tpu.memory_space<vmem>>, vector<16xi32>,
      tpu.vector_store %arg14[%swap3A_71], %get3A_70 {strides = array<i32>} : memref<32xi32, #tpu.memory_space<vmem>>, vector<16xi32>,
      %dma_start3A_73 = arith.constant 0 : i32
      %dma_start3A_74 = arith.constant 0 : i32
      %dma_start3A_75 = tpu.memref_slice %arg8[%dma_start3A_73, %dma_start3A_74] : memref<10240x128xf32, #tpu.memory_space<vmem_shared>> -> memref<10240x128xf32, #tpu.memory_space<vmem_shared>>
      tpu.enqueue_indirect_dma source(%arg17 : memref<32x128xf32, #tpu.memory_space<vmem>>) target(%dma_start3A_75 : memref<10240x128xf32, #tpu.memory_space<vmem_shared>>) offsets(%arg14 : memref<32xi32, #tpu.memory_space<vmem>>) semaphore(%arg27 : memref<!tpu.dma_semaphore, #tpu.memory_space<semaphore_mem>>) {add = true}
      %dma_start3A_76 = arith.constant 0 : i32
      %dma_start3A_77 = arith.constant 0 : i32
      %dma_start3A_78 = tpu.memref_slice %arg9[%dma_start3A_76, %dma_start3A_77] : memref<10240x16xf32, #tpu.memory_space<vmem_shared>> -> memref<10240x16xf32, #tpu.memory_space<vmem_shared>>
      tpu.enqueue_indirect_dma source(%arg21 : memref<32x16xf32, #tpu.memory_space<vmem>>) target(%dma_start3A_78 : memref<10240x16xf32, #tpu.memory_space<vmem_shared>>) offsets(%arg14 : memref<32xi32, #tpu.memory_space<vmem>>) semaphore(%arg27 : memref<!tpu.dma_semaphore, #tpu.memory_space<semaphore_mem>>) {add = true}
      %dma_wait3A_79 = arith.constant 0 : i32
      %dma_wait3A_80 = arith.constant 0 : i32
      %dma_wait3A_81 = tpu.memref_slice %arg8[%dma_wait3A_79, %dma_wait3A_80] : memref<10240x128xf32, #tpu.memory_space<vmem_shared>> -> memref<10240x128xf32, #tpu.memory_space<vmem_shared>>
      tpu.wait_indirect_dma semaphore(%arg27 : memref<!tpu.dma_semaphore, #tpu.memory_space<semaphore_mem>>) src(%arg17 : memref<32x128xf32, #tpu.memory_space<vmem>>) dst(%dma_wait3A_81 : memref<10240x128xf32, #tpu.memory_space<vmem_shared>>)
      %dma_wait3A_82 = arith.constant 0 : i32
      %dma_wait3A_83 = arith.constant 0 : i32
      %dma_wait3A_84 = tpu.memref_slice %arg9[%dma_wait3A_82, %dma_wait3A_83] : memref<10240x16xf32, #tpu.memory_space<vmem_shared>> -> memref<10240x16xf32, #tpu.memory_space<vmem_shared>>
      tpu.wait_indirect_dma semaphore(%arg27 : memref<!tpu.dma_semaphore, #tpu.memory_space<semaphore_mem>>) src(%arg21 : memref<32x16xf32, #tpu.memory_space<vmem>>) dst(%dma_wait3A_84 : memref<10240x16xf32, #tpu.memory_space<vmem_shared>>)
    } else {
    }
    %barrier3A_56 = arith.constant 0 : index
    tpu.barrier barrier_id(%barrier3A_56)
    %scan3A_57 = arith.constant 0 : i32
    %scan3A_58 = arith.constant 20 : i32
    %scan3A_59 = arith.addi %scan3A_57, %scan3A_58 : i32
    %scan3A_60 = arith.constant 1 : i32
    scf.for %scan3A_62 = %scan3A_57 to %scan3A_59 step %scan3A_60  : i32 {
      %mul3A_63 = arith.constant 1 : i32
      %mul3A_64 = arith.muli %scan3A_62, %mul3A_63 : i32
      %add3A_65 = arith.constant 0 : i32
      %add3A_66 = arith.addi %add3A_65, %mul3A_64 : i32
      %mul3A_67 = arith.constant 32 : i32
      %mul3A_68 = arith.muli %mul3A_67, %add3A_66 : i32
      %add3A_69 = arith.addi %mul3A_11, %mul3A_68 : i32
      %add3A_70 = arith.constant 0 : i32
      %add3A_71 = arith.addi %add3A_69, %add3A_70 : i32
      %add3A_72 = vector.broadcast %add3A_71 : i32 to vector<16xi32>
      %add3A_73 = arith.addi %iota3A, %add3A_72 : vector<16xi32>
      %swap3A = arith.constant 0 : index
      %swap3A_74 = tpu.vector_load %arg16[%swap3A] {strides = array<i32>} : memref<32xi32, #tpu.memory_space<vmem>>, vector<16xi32>,
      tpu.vector_store %arg16[%swap3A], %add3A_73 {strides = array<i32>} : memref<32xi32, #tpu.memory_space<vmem>>, vector<16xi32>,
      %add3A_75 = arith.constant 16 : i32
      %add3A_76 = arith.addi %add3A_69, %add3A_75 : i32
      %add3A_77 = vector.broadcast %add3A_76 : i32 to vector<16xi32>
      %add3A_78 = arith.addi %iota3A, %add3A_77 : vector<16xi32>
      %swap3A_79 = arith.constant 16 : index
      %swap3A_80 = tpu.vector_load %arg16[%swap3A_79] {strides = array<i32>} : memref<32xi32, #tpu.memory_space<vmem>>, vector<16xi32>,
      tpu.vector_store %arg16[%swap3A_79], %add3A_78 {strides = array<i32>} : memref<32xi32, #tpu.memory_space<vmem>>, vector<16xi32>,
      "tpu.region"() ({
        %run_scoped3A = tpu.sem_alloc : memref<!tpu.dma_semaphore, #tpu.memory_space<semaphore_mem>>
        %dma_start3A_81 = arith.constant 0 : i32
        %dma_start3A_82 = arith.constant 0 : i32
        %dma_start3A_83 = tpu.memref_slice %arg8[%dma_start3A_81, %dma_start3A_82] : memref<10240x128xf32, #tpu.memory_space<vmem_shared>> -> memref<10240x128xf32, #tpu.memory_space<vmem_shared>>
        tpu.enqueue_indirect_dma source(%dma_start3A_83 : memref<10240x128xf32, #tpu.memory_space<vmem_shared>>) target(%arg17 : memref<32x128xf32, #tpu.memory_space<vmem>>) offsets(%arg16 : memref<32xi32, #tpu.memory_space<vmem>>) semaphore(%run_scoped3A : memref<!tpu.dma_semaphore, #tpu.memory_space<semaphore_mem>>)
        %dma_wait3A_84 = arith.constant 0 : i32
        %dma_wait3A_85 = arith.constant 0 : i32
        %dma_wait3A_86 = tpu.memref_slice %arg8[%dma_wait3A_84, %dma_wait3A_85] : memref<10240x128xf32, #tpu.memory_space<vmem_shared>> -> memref<10240x128xf32, #tpu.memory_space<vmem_shared>>
        tpu.wait_indirect_dma semaphore(%run_scoped3A : memref<!tpu.dma_semaphore, #tpu.memory_space<semaphore_mem>>) src(%dma_wait3A_86 : memref<10240x128xf32, #tpu.memory_space<vmem_shared>>) dst(%arg17 : memref<32x128xf32, #tpu.memory_space<vmem>>)
        tpu.yield
      }) : () -> ()
      "tpu.region"() ({
        %run_scoped3A = tpu.sem_alloc : memref<!tpu.dma_semaphore, #tpu.memory_space<semaphore_mem>>
        %dma_start3A_81 = arith.constant 0 : i32
        %dma_start3A_82 = arith.constant 0 : i32
        %dma_start3A_83 = tpu.memref_slice %arg9[%dma_start3A_81, %dma_start3A_82] : memref<10240x16xf32, #tpu.memory_space<vmem_shared>> -> memref<10240x16xf32, #tpu.memory_space<vmem_shared>>
        tpu.enqueue_indirect_dma source(%dma_start3A_83 : memref<10240x16xf32, #tpu.memory_space<vmem_shared>>) target(%arg21 : memref<32x16xf32, #tpu.memory_space<vmem>>) offsets(%arg16 : memref<32xi32, #tpu.memory_space<vmem>>) semaphore(%run_scoped3A : memref<!tpu.dma_semaphore, #tpu.memory_space<semaphore_mem>>)
        %dma_wait3A_84 = arith.constant 0 : i32
        %dma_wait3A_85 = arith.constant 0 : i32
        %dma_wait3A_86 = tpu.memref_slice %arg9[%dma_wait3A_84, %dma_wait3A_85] : memref<10240x16xf32, #tpu.memory_space<vmem_shared>> -> memref<10240x16xf32, #tpu.memory_space<vmem_shared>>
        tpu.wait_indirect_dma semaphore(%run_scoped3A : memref<!tpu.dma_semaphore, #tpu.memory_space<semaphore_mem>>) src(%dma_wait3A_86 : memref<10240x16xf32, #tpu.memory_space<vmem_shared>>) dst(%arg21 : memref<32x16xf32, #tpu.memory_space<vmem>>)
        tpu.yield
      }) : () -> ()
      "tpu.region"() ({
        %run_scoped3A = tpu.sem_alloc : memref<!tpu.dma_semaphore, #tpu.memory_space<semaphore_mem>>
        %dma_start3A_81 = arith.constant 0 : i32
        %dma_start3A_82 = tpu.memref_slice %arg6[%arg0, %add3A_69, %dma_start3A_81] : memref<2x10240x128xf32, #tpu.memory_space<hbm>> -> memref<1x32x128xf32, #tpu.memory_space<hbm>>
        %dma_start3A_83 = tpu.memref_squeeze %dma_start3A_82 : memref<1x32x128xf32, #tpu.memory_space<hbm>> -> memref<32x128xf32, #tpu.memory_space<hbm>>
        %dma_start3A_84 = arith.constant 0 : i32
        %dma_start3A_85 = tpu.memref_slice %arg6[%arg0, %add3A_69, %dma_start3A_84] : memref<2x10240x128xf32, #tpu.memory_space<hbm>> -> memref<1x32x128xf32, #tpu.memory_space<hbm>>
        %dma_start3A_86 = tpu.memref_squeeze %dma_start3A_85 : memref<1x32x128xf32, #tpu.memory_space<hbm>> -> memref<32x128xf32, #tpu.memory_space<hbm>>
        tpu.enqueue_dma source(%arg17 : memref<32x128xf32, #tpu.memory_space<vmem>>) target(%dma_start3A_86 : memref<32x128xf32, #tpu.memory_space<hbm>>) target_semaphore(%run_scoped3A : memref<!tpu.dma_semaphore, #tpu.memory_space<semaphore_mem>>)
        %dma_wait3A_87 = arith.constant 0 : i32
        %dma_wait3A_88 = tpu.memref_slice %arg6[%arg0, %add3A_69, %dma_wait3A_87] : memref<2x10240x128xf32, #tpu.memory_space<hbm>> -> memref<1x32x128xf32, #tpu.memory_space<hbm>>
        %dma_wait3A_89 = tpu.memref_squeeze %dma_wait3A_88 : memref<1x32x128xf32, #tpu.memory_space<hbm>> -> memref<32x128xf32, #tpu.memory_space<hbm>>
        %dma_wait3A_90 = arith.constant 0 : i32
        %dma_wait3A_91 = tpu.memref_slice %arg6[%arg0, %add3A_69, %dma_wait3A_90] : memref<2x10240x128xf32, #tpu.memory_space<hbm>> -> memref<1x32x128xf32, #tpu.memory_space<hbm>>
        %dma_wait3A_92 = tpu.memref_squeeze %dma_wait3A_91 : memref<1x32x128xf32, #tpu.memory_space<hbm>> -> memref<32x128xf32, #tpu.memory_space<hbm>>
        tpu.wait_dma2 semaphore(%run_scoped3A : memref<!tpu.dma_semaphore, #tpu.memory_space<semaphore_mem>>) src(%arg17 : memref<32x128xf32, #tpu.memory_space<vmem>>) dst(%dma_wait3A_92 : memref<32x128xf32, #tpu.memory_space<hbm>>)
        tpu.yield
      }) : () -> ()
      "tpu.region"() ({
        %run_scoped3A = tpu.sem_alloc : memref<!tpu.dma_semaphore, #tpu.memory_space<semaphore_mem>>
        %dma_start3A_81 = arith.constant 0 : i32
        %dma_start3A_82 = tpu.memref_slice %arg7[%arg0, %add3A_69, %dma_start3A_81] : memref<2x10240x16xf32, #tpu.memory_space<hbm>> -> memref<1x32x16xf32, #tpu.memory_space<hbm>>
        %dma_start3A_83 = tpu.memref_squeeze %dma_start3A_82 : memref<1x32x16xf32, #tpu.memory_space<hbm>> -> memref<32x16xf32, #tpu.memory_space<hbm>>
        %dma_start3A_84 = arith.constant 0 : i32
        %dma_start3A_85 = tpu.memref_slice %arg7[%arg0, %add3A_69, %dma_start3A_84] : memref<2x10240x16xf32, #tpu.memory_space<hbm>> -> memref<1x32x16xf32, #tpu.memory_space<hbm>>
        %dma_start3A_86 = tpu.memref_squeeze %dma_start3A_85 : memref<1x32x16xf32, #tpu.memory_space<hbm>> -> memref<32x16xf32, #tpu.memory_space<hbm>>
        tpu.enqueue_dma source(%arg21 : memref<32x16xf32, #tpu.memory_space<vmem>>) target(%dma_start3A_86 : memref<32x16xf32, #tpu.memory_space<hbm>>) target_semaphore(%run_scoped3A : memref<!tpu.dma_semaphore, #tpu.memory_space<semaphore_mem>>)
        %dma_wait3A_87 = arith.constant 0 : i32
        %dma_wait3A_88 = tpu.memref_slice %arg7[%arg0, %add3A_69, %dma_wait3A_87] : memref<2x10240x16xf32, #tpu.memory_space<hbm>> -> memref<1x32x16xf32, #tpu.memory_space<hbm>>
        %dma_wait3A_89 = tpu.memref_squeeze %dma_wait3A_88 : memref<1x32x16xf32, #tpu.memory_space<hbm>> -> memref<32x16xf32, #tpu.memory_space<hbm>>
        %dma_wait3A_90 = arith.constant 0 : i32
        %dma_wait3A_91 = tpu.memref_slice %arg7[%arg0, %add3A_69, %dma_wait3A_90] : memref<2x10240x16xf32, #tpu.memory_space<hbm>> -> memref<1x32x16xf32, #tpu.memory_space<hbm>>
        %dma_wait3A_92 = tpu.memref_squeeze %dma_wait3A_91 : memref<1x32x16xf32, #tpu.memory_space<hbm>> -> memref<32x16xf32, #tpu.memory_space<hbm>>
        tpu.wait_dma2 semaphore(%run_scoped3A : memref<!tpu.dma_semaphore, #tpu.memory_space<semaphore_mem>>) src(%arg21 : memref<32x16xf32, #tpu.memory_space<vmem>>) dst(%dma_wait3A_92 : memref<32x16xf32, #tpu.memory_space<hbm>>)
        tpu.yield
      }) : () -> ()
    }
    %scan3A_61 = arith.constant 20 : i32
    return
  }
}

module attributes {stable_mosaic.version = 14 : i64} {
  func.func @_matmul_body(%arg0: i32, %arg1: memref<1000x128xf32, #tpu.memory_space<vmem>>, %arg2: memref<128x128xf32, #tpu.memory_space<vmem>>, %arg3: memref<1000x128xf32, #tpu.memory_space<vmem>>) attributes {dimension_semantics = [#tpu.dimension_semantics<arbitrary>], iteration_bounds = array<i64: 10>, scalar_prefetch = 0 : i64, scratch_operands = 0 : i64, tpu.core_type = #tpu.core_type<tc>, window_params = [{transform_indices = @transform_0, window_bounds = array<i64: 1000, 128>}, {pipeline_mode = #tpu.pipeline_mode<synchronous>, transform_indices = @transform_1, window_bounds = array<i64: 128, 128>}, {transform_indices = @transform_2, window_bounds = array<i64: 1000, 128>}]} {
    %get3A = arith.constant 0 : index
    %get3A_0 = arith.constant 0 : index
    %get3A_1 = vector.load %arg1[%get3A, %get3A_0] : memref<1000x128xf32, #tpu.memory_space<vmem>>, vector<1000x128xf32>
    %get3A_2 = arith.constant 0 : index
    %get3A_3 = arith.constant 0 : index
    %get3A_4 = vector.load %arg2[%get3A_2, %get3A_3] : memref<128x128xf32, #tpu.memory_space<vmem>>, vector<128x128xf32>
    %dot_general3A = arith.constant dense<0.000000e+00> : vector<1000x128xf32>
    %dot_general3A_5 = tpu.matmul %get3A_1, %get3A_4, %dot_general3A {dimension_numbers = #tpu.dot_dimension_numbers<[1], [0], [0], [1], [0, 0, 1, 1], [], []>, transpose_lhs_hint = false} : vector<1000x128xf32>, vector<128x128xf32>, vector<1000x128xf32> -> vector<1000x128xf32>
    %swap3A = arith.constant 0 : index
    %swap3A_6 = arith.constant 0 : index
    %swap3A_7 = vector.load %arg3[%swap3A, %swap3A_6] : memref<1000x128xf32, #tpu.memory_space<vmem>>, vector<1000x128xf32>
    tpu.vector_store %arg3[%swap3A, %swap3A_6], %dot_general3A_5 {strides = array<i32>} : memref<1000x128xf32, #tpu.memory_space<vmem>>, vector<1000x128xf32>,
    return
  }
  func.func @transform_0(%arg0: i32) -> (i32, i32) {
    %c0_i32 = arith.constant 0 : i32
    %c0_i32_0 = arith.constant 0 : i32
    return %arg0, %c0_i32 : i32, i32
  }
  func.func @transform_1(%arg0: i32) -> (i32, i32) {
    %c0_i32 = arith.constant 0 : i32
    %c0_i32_0 = arith.constant 0 : i32
    %c0_i32_1 = arith.constant 0 : i32
    return %c0_i32, %c0_i32_0 : i32, i32
  }
  func.func @transform_2(%arg0: i32) -> (i32, i32) {
    %c0_i32 = arith.constant 0 : i32
    %c0_i32_0 = arith.constant 0 : i32
    return %arg0, %c0_i32 : i32, i32
  }
}

module attributes {stable_mosaic.version = 14 : i64} {
  func.func @_combine_body(%arg0: i32, %arg1: memref<2x2048x128xf32, #tpu.memory_space<vmem>>, %arg2: memref<2x2048x16xf32, #tpu.memory_space<vmem>>, %arg3: memref<2048x128xf32, #tpu.memory_space<vmem>>) attributes {dimension_semantics = [#tpu.dimension_semantics<arbitrary>], iteration_bounds = array<i64: 5>, scalar_prefetch = 0 : i64, scratch_operands = 0 : i64, tpu.core_type = #tpu.core_type<tc>, window_params = [{transform_indices = @transform_0, window_bounds = array<i64: 2, 2048, 128>}, {transform_indices = @transform_1, window_bounds = array<i64: 2, 2048, 16>}, {transform_indices = @transform_2, window_bounds = array<i64: 2048, 128>}]} {
    %get3A = arith.constant 0 : index
    %get3A_0 = arith.constant 0 : index
    %get3A_1 = arith.constant 0 : index
    %get3A_2 = vector.load %arg1[%get3A, %get3A_0, %get3A_1] : memref<2x2048x128xf32, #tpu.memory_space<vmem>>, vector<1x2048x128xf32>
    %get3A_3 = vector.shape_cast %get3A_2 : vector<1x2048x128xf32> to vector<2048x128xf32>
    %get3A_4 = arith.constant 1 : index
    %get3A_5 = arith.constant 0 : index
    %get3A_6 = arith.constant 0 : index
    %get3A_7 = vector.load %arg1[%get3A_4, %get3A_5, %get3A_6] : memref<2x2048x128xf32, #tpu.memory_space<vmem>>, vector<1x2048x128xf32>
    %get3A_8 = vector.shape_cast %get3A_7 : vector<1x2048x128xf32> to vector<2048x128xf32>
    %add3A = arith.addf %get3A_3, %get3A_8 : vector<2048x128xf32>
    %get3A_9 = arith.constant 0 : index
    %get3A_10 = arith.constant 0 : index
    %get3A_11 = arith.constant 0 : index
    %get3A_12 = vector.load %arg2[%get3A_9, %get3A_10, %get3A_11] : memref<2x2048x16xf32, #tpu.memory_space<vmem>>, vector<1x2048x1xf32>
    %get3A_13 = vector.shape_cast %get3A_12 : vector<1x2048x1xf32> to vector<2048x1xf32>
    %get3A_14 = arith.constant 1 : index
    %get3A_15 = arith.constant 0 : index
    %get3A_16 = arith.constant 0 : index
    %get3A_17 = vector.load %arg2[%get3A_14, %get3A_15, %get3A_16] : memref<2x2048x16xf32, #tpu.memory_space<vmem>>, vector<1x2048x1xf32>
    %get3A_18 = vector.shape_cast %get3A_17 : vector<1x2048x1xf32> to vector<2048x1xf32>
    %add3A_19 = arith.addf %get3A_13, %get3A_18 : vector<2048x1xf32>
    %add3A_20 = arith.constant 1.000000e-16 : f32
    %add3A_21 = vector.broadcast %add3A_20 : f32 to vector<2048x1xf32>
    %add3A_22 = arith.addf %add3A_19, %add3A_21 : vector<2048x1xf32>
    %div3A = vector.broadcast %add3A_22 : vector<2048x1xf32> to vector<2048x128xf32>
    %div3A_23 = arith.divf %add3A, %div3A : vector<2048x128xf32>
    %mul3A = arith.mulf %div3A_23, %div3A_23 : vector<2048x128xf32>
    %reduce_sum3A = arith.constant dense<0.000000e+00> : vector<2048xf32>
    %reduce_sum3A_24 = vector.multi_reduction <add>, %mul3A, %reduce_sum3A [1] : vector<2048x128xf32> to vector<2048xf32>
    %broadcast_in_dim3A = vector.shape_cast %reduce_sum3A_24 : vector<2048xf32> to vector<2048x1xf32>
    %add3A_25 = arith.constant 1.000000e+00 : f32
    %add3A_26 = vector.broadcast %add3A_25 : f32 to vector<2048x1xf32>
    %add3A_27 = arith.addf %add3A_26, %broadcast_in_dim3A : vector<2048x1xf32>
    %div3A_28 = arith.divf %broadcast_in_dim3A, %add3A_27 : vector<2048x1xf32>
    %add3A_29 = arith.constant 9.99999971E-10 : f32
    %add3A_30 = vector.broadcast %add3A_29 : f32 to vector<2048x1xf32>
    %add3A_31 = arith.addf %broadcast_in_dim3A, %add3A_30 : vector<2048x1xf32>
    %sqrt3A = math.sqrt %add3A_31 : vector<2048x1xf32>
    %div3A_32 = arith.divf %div3A_28, %sqrt3A : vector<2048x1xf32>
    %mul3A_33 = vector.broadcast %div3A_32 : vector<2048x1xf32> to vector<2048x128xf32>
    %mul3A_34 = arith.mulf %div3A_23, %mul3A_33 : vector<2048x128xf32>
    %swap3A = arith.constant 0 : index
    %swap3A_35 = arith.constant 0 : index
    %swap3A_36 = vector.load %arg3[%swap3A, %swap3A_35] : memref<2048x128xf32, #tpu.memory_space<vmem>>, vector<2048x128xf32>
    tpu.vector_store %arg3[%swap3A, %swap3A_35], %mul3A_34 {strides = array<i32>} : memref<2048x128xf32, #tpu.memory_space<vmem>>, vector<2048x128xf32>,
    return
  }
  func.func @transform_0(%arg0: i32) -> (i32, i32, i32) {
    %c0_i32 = arith.constant 0 : i32
    %c0_i32_0 = arith.constant 0 : i32
    %c0_i32_1 = arith.constant 0 : i32
    return %c0_i32, %arg0, %c0_i32_0 : i32, i32, i32
  }
  func.func @transform_1(%arg0: i32) -> (i32, i32, i32) {
    %c0_i32 = arith.constant 0 : i32
    %c0_i32_0 = arith.constant 0 : i32
    %c0_i32_1 = arith.constant 0 : i32
    return %c0_i32, %arg0, %c0_i32_0 : i32, i32, i32
  }
  func.func @transform_2(%arg0: i32) -> (i32, i32) {
    %c0_i32 = arith.constant 0 : i32
    %c0_i32_0 = arith.constant 0 : i32
    return %arg0, %c0_i32 : i32, i32
  }
}

</mosaic_0001>

<sc_bundles>
// kernel: kernel.5.cloned.1.call-start
scs
__scs_entry_jumppad:
0x0: {  	(pc) =	sbr.rel $0x88, $3  }
0x1: {  	(tag) =	ssettag $0x0;
	lr =	simm.s32 $0x1  }
0x2: {  	[smem:$0x3F9E] =	sst lr;
	_ =	strace $0xD0000000  }
0x3: {  	_ = 	snop  }
0x4: {  	_ = 	snop  }
0x5: {  	_ = 	snop  }
0x6: {  	_ = 	snop  }
0x7: {  	_ = 	snop  }
__scs_overlays_trampoline_lowered:
0x8: {  	[smem:$0x3FAD] =	sst s0  }
0x9: {  	[smem:$0x3FAE] =	sst s1  }
0xa: {  	[smem:$0x3FAF] =	sst s2  }
0xb: {  	[smem:$0x3FB0] =	sst s3  }
0xc: {  	[smem:$0x3FB1] =	sst s4  }
0xd: {  	[smem:$0x3FB2] =	sst s5  }
0xe: {  	[smem:$0x3FB3] =	sst s6  }
0xf: {  	[smem:$0x3FB4] =	sst s7  }
0x10: {  	[smem:$0x3FB5] =	sst s8  }
0x11: {  	[smem:$0x3FB6] =	sst s9;
	s0 =	simm.s32 @!p0 $0x0  }
0x12: {  	s1 =	sld [smem:$0x3F9C];
	s0 =	simm.s32 @p0 $0x1  }
0x13: {  	[smem:$0x3FB7] =	sst s0;
	s0 =	simm.s32 @!p1 $0x0  }
0x14: {  	s2 =	sld [smem:$0x3F9B];
	s0 =	simm.s32 @p1 $0x1  }
0x15: {  	[smem:$0x3FB8] =	sst s0;
	s0 =	simm.s32 @!p2 $0x0  }
0x16: {  	s3 =	sld [smem:$0x3FDB];
	s0 =	simm.s32 @p2 $0x1  }
0x17: {  	s4 =	simm.s32 $0x1BF5;
	[smem:$0x3FBA] =	sst s0  }
0x18: {  	s0 =	sld [smem:$0x3F9D];
	_ =	swait.ge [sflag:s4], $0x0  }
0x19: {  	s7 =	sld [smem:$0x3F9E]  }
0x1a: {  	s8 =	sadd.s32 $0xFFFFE003, lr  }
0x1b: {  	s9 =	sadd.s32 $0xFFFFFEF7, lr;
	s5 =	simm.s32 $0xFFFFFFFF;
	p2 =	slt.u32 s8, $0xFFFFF086  }
0x1c: {  	p1 =	slt.u32 s9, $0xF7A;
	s5 =	simm.s32 @!p2 $0x0  }
0x1d: {  	s5 =	simm.s32 @p1 $0x1;
	p0 =	seq.s32 s7, s2  }
0x1e: {  	s7 =	smul.u32 @!p0 $0xF7A, s2;
	p2 =	seq.s32 @!p0 s5, $0x0  }
0x1f: {  	s9 =	smul.u32 $0xF7A, s1;
	s8 =	simm.s32 @!p0 $0x1BF5;
	p2 =	por !p2, p0  }
0x20: {  	[sflag:s8] =	ssyncset.s32 @!p0 $0xFFFFF086;
	s6 =	sadd.s32 @!p0 s3, s7;
	s7 =	simm.s32 @!p0 $0x108  }
0x21: {  	s3 =	sadd.s32 s3, s9;
	s6 =	sadd.s32 @!p0 $0x88, s6;
	s7 =	simm.s32 @p2 $0x1082  }
0x22: {  	[simem:s7], [sflag:s8] =	dma.local @!p0 [hbm:s6], $0xF7A  }
0x23: {  	s9 =	sor.u32 $0xD0000000, s2;
	s6 =	simm.s32 $0x108;
	_ =	swait.ge @!p0 [sflag:s8], $0x0  }
0x24: {  	s3 =	sadd.s32 $0x88, s3;
	s6 =	simm.s32 @!p1 $0x1082;
	[sflag:s4] =	ssyncset.s32 $0xFFFFF086  }
0x25: {  	[simem:s6], [sflag:s4] =	dma.local [hbm:s3], $0xF7A  }
0x26: {  	[smem:$0x3F9E] =	sst s1;
	(tag) =	ssettag s2;
	_ =	strace s9  }
0x27: {  	s1 =	sld [smem:$0x3FAE]  }
0x28: {  	s2 =	sld [smem:$0x3FAF]  }
0x29: {  	s4 =	sld [smem:$0x3FB1]  }
0x2a: {  	p0 =	seq.s32 s5, $0x0;
	s5 =	sld [smem:$0x3FB2]  }
0x2b: {  	s6 =	sld [smem:$0x3FB3]  }
0x2c: {  	s7 =	sld [smem:$0x3FB4]  }
0x2d: {  	s3 =	simm.s32 $0x108;
	s8 =	sld [smem:$0x3FB5]  }
0x2e: {  	s3 =	simm.s32 @!p0 $0x1082;
	s9 =	sld [smem:$0x3FB6]  }
0x2f: {  	lr =	sadd.s32 s0, s3;
	s0 =	sld [smem:$0x3FAD]  }
0x30: {  	s3 =	sld [smem:$0x3FB0]  }
0x31: {  	[smem:$0x3FB9] =	sst s10  }
0x32: {  	s10 =	sld [smem:$0x3FB7];
	_ =	sdelay $0x3  }
0x33: {  	p0 =	seq.s32 s10, $0x1;
	s10 =	sld [smem:$0x3FB9];
	_ =	sdelay $0x3  }
0x34: {  	[smem:$0x3FB9] =	sst s10  }
0x35: {  	s10 =	sld [smem:$0x3FB8];
	_ =	sdelay $0x3  }
0x36: {  	p1 =	seq.s32 s10, $0x1;
	s10 =	sld [smem:$0x3FB9];
	_ =	sdelay $0x3  }
0x37: {  	[smem:$0x3FB9] =	sst s10  }
0x38: {  	s10 =	sld [smem:$0x3FBA]  }
0x39: {  	_ = 	snop;
	(pc) =	sbr.ind lr, $3  }
0x3a: {  	_ = 	snop  }
0x3b: {  	_ = 	snop  }
0x3c: {  	p2 =	seq.s32 s10, $0x1;
	s10 =	sld [smem:$0x3FB9]  }
0x3d: {  	_ =	shalt  }
0x3e: {  	_ =	shalt  }
0x3f: {  	_ =	shalt  }
0x40: {  	_ =	shalt  }
0x41: {  	_ =	shalt  }
0x42: {  	_ =	shalt  }
0x43: {  	_ =	shalt  }
0x44: {  	_ =	shalt  }
0x45: {  	_ =	shalt  }
0x46: {  	_ =	shalt  }
0x47: {  	_ =	shalt  }
0x48: {  	_ =	shalt  }
0x49: {  	_ =	shalt  }
0x4a: {  	_ =	shalt  }
0x4b: {  	_ =	shalt  }
0x4c: {  	_ =	shalt  }
0x4d: {  	_ =	shalt  }
0x4e: {  	_ =	shalt  }
0x4f: {  	_ =	shalt  }
0x50: {  	_ =	shalt  }
0x51: {  	_ =	shalt  }
0x52: {  	_ =	shalt  }
0x53: {  	_ =	shalt  }
0x54: {  	_ =	shalt  }
0x55: {  	_ =	shalt  }
0x56: {  	_ =	shalt  }
0x57: {  	_ =	shalt  }
0x58: {  	_ =	shalt  }
0x59: {  	_ =	shalt  }
0x5a: {  	_ =	shalt  }
0x5b: {  	_ =	shalt  }
0x5c: {  	_ =	shalt  }
0x5d: {  	_ =	shalt  }
0x5e: {  	_ =	shalt  }
0x5f: {  	_ =	shalt  }
0x60: {  	_ =	shalt  }
0x61: {  	_ =	shalt  }
0x62: {  	_ =	shalt  }
0x63: {  	_ =	shalt  }
0x64: {  	_ =	shalt  }
0x65: {  	_ =	shalt  }
0x66: {  	_ =	shalt  }
0x67: {  	_ =	shalt  }
0x68: {  	_ =	shalt  }
0x69: {  	_ =	shalt  }
0x6a: {  	_ =	shalt  }
0x6b: {  	_ =	shalt  }
0x6c: {  	_ =	shalt  }
0x6d: {  	_ =	shalt  }
0x6e: {  	_ =	shalt  }
0x6f: {  	_ =	shalt  }
0x70: {  	_ =	shalt  }
0x71: {  	_ =	shalt  }
0x72: {  	_ =	shalt  }
0x73: {  	_ =	shalt  }
0x74: {  	_ =	shalt  }
0x75: {  	_ =	shalt  }
0x76: {  	_ =	shalt  }
0x77: {  	_ =	shalt  }
0x78: {  	_ =	shalt  }
0x79: {  	_ =	shalt  }
0x7a: {  	_ =	shalt  }
0x7b: {  	_ =	shalt  }
0x7c: {  	_ =	shalt  }
0x7d: {  	_ =	shalt  }
0x7e: {  	_ =	shalt  }
0x7f: {  	_ =	shalt  }
0x80: {  	_ =	shalt  }
0x81: {  	_ =	shalt  }
0x82: {  	_ =	shalt  }
0x83: {  	_ =	shalt  }
0x84: {  	_ =	shalt  }
0x85: {  	_ =	shalt  }
0x86: {  	_ =	shalt  }
0x87: {  	_ =	shalt  }
.Lfunc_end0:
.L_simem_size_0:
called_computation_lowered:
.L_overlay_start_0:
0x88: {  	s2 =	sld [smem:$0x3FD9]  }
0x89: {  	s3 =	sld [smem:$0x3FFE];
	_ =	sdelay $0x1  }
0x8a: {  	s1 =	srdreg.scid  }
0x8b: {  	s0 =	sand.u32 $0x1, s1  }
0x8c: {  	s17 =	sshll.u32 s0, $0xA;
	s2 =	sadd.s32 s3, s2  }
0x8d: {  	s2 =	sadd.s32 s2, s17  }
0x8e: {  	[smem:$0x3FC5] =	sst s2  }
0x8f: {  	_ = 	snop  }
0x90: {  	s2 =	sld [smem:$0x3FC9]  }
0x91: {  	s18 =	sld [smem:$0x3FD0];
	(tm) =	ssettm $0x1  }
0x92: {  	s4 =	sld [smem:$0x3FFB];
	_ =	sdelay $0x3  }
0x93: {  	_ =	strace s4  }
0x94: {  	s4 =	sld [smem:$0x3FFC];
	_ =	sdelay $0x3  }
0x95: {  	_ =	strace s4  }
0x96: {  	s4 =	sld [smem:$0x3FFD];
	_ =	sdelay $0x3  }
0x97: {  	_ =	strace s4  }
0x98: {  	_ =	strace $0x8FFFFFFF  }
0x99: {  	s19 =	sld [smem:$0x3FDB];
	_ =	sdelay $0x1  }
0x9a: {  	s5 =	simm.s32 $_scs_section_size  }
0x9b: {  	s6 =	simm.s32 $_size__tile_overlayer_lowered;
	s7 =	simm.s32 $_tile_overlayer_lowered  }
0x9c: {  	s22 =	simm.s32 $0x1BFF;
	s21 =	sshll.u32 s7, $0x1;
	s4 =	sadd.s32 s5, s19  }
0x9d: {  	s8 =	simm.s32 $0x0;
	s20 =	sshll.u32 s6, $0x1;
	s6 =	sadd.s32 s21, s4  }
0x9e: {  	[timem:s8], [sflag:s22] =	dma.local [hbm:s6], s20  }
0x9f: {  	_ =	swait.ge [sflag:s22], s20  }
0xa0: {  	s5 =	ssub.s32 $0x0, s20;
	[sflag:s22] =	ssyncset.done $0x0  }
0xa1: {  	[sflag:s22] =	ssyncadd.s32 s5;
	_ =	sdelay $0x1  }
0xa2: {  	s23 =	simm.s32 $0x1B8B  }
0xa3: {  	_ =	swait.ge [sflag:s23], $0x1  }
0xa4: {  	[sflag:s23] =	ssyncset.done $0x0  }
0xa5: {  	s25 =	simm.s32 $0x1B8E;
	s24 =	sld [smem:$0x3FFE];
	[sflag:s23] =	ssyncadd.s32 $0xFFFFFFFF  }
0xa6: {  	s26 =	simm.s32 $execute0_lowered;
	[smem:$0x3FD2] =	sst s25  }
0xa7: {  	s6 =	sshll.u32 s26, $0x1;
	_ =	strace $0x80000046;
	[dreg:$0x1] =	wrdreg $0xFFFFFFFF  }
0xa8: {  	s28 =	simm.s32 $_size_execute0_lowered;
	s4 =	sadd.s32 s4, s6;
	[dreg:$0x0] =	wrdreg $0x0  }
0xa9: {  	s6 =	sshll.u32 s28, $0x1;
	[dreg:$0x2] =	wrdreg s4  }
0xaa: {  	[dreg:$0x3] =	wrdreg s6  }
0xab: {  	[dreg:$0x4] =	wrdreg $0xC0  }
0xac: {  	_ =	task [dreg:s8], $0x5FFFF  }
0xad: {  	[dreg:$0x1] =	wrdreg $0xFFFFFFFF  }
0xae: {  	[dreg:$0x0] =	wrdreg $0x60  }
0xaf: {  	[dreg:$0x2] =	wrdreg s18  }
0xb0: {  	[dreg:$0x3] =	wrdreg s2  }
0xb1: {  	[dreg:$0x4] =	wrdreg s24  }
0xb2: {  	[dreg:$0x5] =	wrdreg $0x0  }
0xb3: {  	[dreg:$0x6] =	wrdreg $0x140000  }
0xb4: {  	[dreg:$0x7] =	wrdreg $0x9  }
0xb5: {  	_ =	task.clear_ibuf [dreg:s8], $0x8FFFF;
	_ =	strace $0x90000046  }
0xb6: {  	s29 =	simm.s32 $0x9;
	_ =	strace $0x80000048  }
0xb7: {  	_ =	swait.ge [sflag:s29], $0x1  }
0xb8: {  	[sflag:s29] =	ssyncadd.s32 $0xFFFFFFFF  }
0xb9: {  	_ =	strace $0x90000048  }
0xba: {  	_ =	sfence  }
0xbb: {  	s30 =	sld [smem:$0x0];
	_ =	sdelay $0x2  }
0xbc: {  	s31 =	sshll.u32 s1, $0xD;
	s1 =	sshrl.u32 s1, $0x2  }
0xbd: {  	s3 =	sand.u32 $0x4000, s31;
	s1 =	sadd.s32 s1, s30  }
0xbe: {  	s0 =	sor.u32 s3, s0;
	s1 =	sshll.u32 s1, $0x11  }
0xbf: {  	s0 =	sor.u32 s1, s0  }
0xc0: {  	s0 =	sadd.s32 $0x8F2B, s0  }
0xc1: {  	[sflag:s0] =	ssyncadd.remote.s32 $0x1  }
0xc2: {  	_ =	sfence.sel $0xFFFF  }
0xc3: {  	[dreg:$0x0] =	wrdreg $0xFFFFFFFF;
	(pc) =	sbr.abs _section_cstart, $3  }
0xc4: {  	[dreg:$0x1] =	wrdreg $0xFFFFFFFF  }
0xc5: {  	_ =	task.clear_ibuf [dreg:s8], $0x2FFFF;
	_ =	strace $0x9FFFFFFF  }
0xc6: {  	(tm) =	ssettm $0x7FFFFFFF  }
0xc7: {  	_ =	shalt  }
tec
execute0_lowered:
.L_overlay_start_1:
0x0: {  	(tag) =	ssettag $0x1  }
0x1: {  	s14 =	rddreg [dreg:$0x0]  }
0x2: {  	s0 =	rddreg [dreg:$0x2]  }
0x3: {  	s4 =	rddreg [dreg:$0x3]  }
0x4: {  	s5 =	rddreg [dreg:$0x4];
	s1 =	srdreg.scid  }
0x5: {  	s2 =	stileid.u32;
	s6 =	simm.s32 $0x0;
	s20 =	simm.s32 $0x20  }
0x6: {  	s21 =	simm.s32 $0x16B00;
	s22 =	simm.s32 $0x16B80;
	s28 =	simm.s32 $0x16900  }
0x7: {  	s29 =	simm.s32 $0x16980;
	s31 =	simm.s32 $0x3;
	s13 =	simm.s32 $0x4  }
0x8: {  	s16 =	simm.s32 $0x16A80;
	s1 =	sand.u32 $0x1, s1;
	s7 =	sshll.u32 s2, $0x1  }
0x9: {  	[smem:$0x7FF] =	sst s6;
	s9 =	smul.u32 $0x14000, s2;
	s8 =	sadd.s32 $0x800, s0  }
0xa: {  	p0 =	sgt.u32 s2, $0x7;
	s3 =	smul.u32 $0x140000, s1;
	s10 =	sor.u32 s1, s7  }
0xb: {  	_ =	strace $0x80000047;
	s7 =	sadd.s32 $0xA600, s0;
	s1 =	ssub.s32 $0x2, s1  }
0xc: {  	s11 =	smul.u32 $0x138, s10;
	s10 =	smin.u32 s10, $0x10;
	s23 =	sshrl.u32 s1, $0x1  }
0xd: {  	s3 =	sadd.s32 s9, s3;
	s1 =	ssub.s32 s1, s23;
	s9 =	smul.u32 $0x280, s2  }
0xe: {  	s23 =	simm.s32 $0x7;
	s2 =	simm.s32 $0x0;
	s10 =	sadd.s32 s10, s11  }
0xf: {  	s3 =	sshrl.u32 s3, $0x3;
	s1 =	smax.u32 s1, $0x1;
	s11 =	sshll.u32 s10, $0x5  }
0x10: {  	s0 =	sadd.s32 s3, s0;
	s10 =	sshll.u32 s10, $0x2;
	[dreg:$0xb] =	wrdreg s1  }
0x11: {  	s30 =	sor.u32 $0x10, s9;
	s24 =	sshrl.u32 s11, $0x3;
	s12 =	sadd.s32 s7, s10  }
0x12: {  	s10 =	sadd.s32 s8, s10;
	s26 =	sadd.s32 $0x40, s11;
	[dreg:$0xc] =	wrdreg s30  }
0x13: {  	s15 =	sadd.s32 $0x60, s11;
	s17 =	sadd.s32 $0x64400, s0;
	[dreg:$0x6] =	wrdreg s12  }
0x14: {  	s18 =	sadd.s32 $0x14400, s0;
	s0 =	simm.s32 $0x17B80;
	[dreg:$0x7] =	wrdreg s10  }
0x15: {  	s11 =	simm.s32 $0x5;
	s3 =	sadd.s32 $0x4, s24;
	[dreg:$0xa] =	wrdreg s26  }
0x16: {  	s24 =	simm.s32 $0x1AB80;
	s26 =	simm.s32 $0x16880;
	s25 =	sadd.s32 s7, s3  }
0x17: {  	s10 =	simm.s32 $0x16A00;
	s3 =	sadd.s32 s8, s3;
	[dreg:$0x8] =	wrdreg s25  }
0x18: {  	v0 =	vimm.f32 $0.0e+00;
	v4 =	vlaneseq.u32;
	s12 =	simm.s32 $0x1;
	[dreg:$0x9] =	wrdreg s3;
	s25 =	simm.s32 $0x16800  }
.LBB2_1:
0x19: {  	[dreg:$0xd] =	wrdreg s2;
	s1 =	simm.s32 $0x0;
	s3 =	simm.s32 $0x200  }
.LBB2_2:
0x1a: {  	p1 =	sne.s32 s3, $0x3E00;
	[tilespmem:s1+$0x1BB80] =	vst v0  }
0x1b: {  	[tilespmem:s1+$0x16B80] =	vst v0  }
0x1c: {  	[tilespmem:s1+$0x16B90] =	vst v0  }
0x1d: {  	[tilespmem:s1+$0x16BA0] =	vst v0  }
0x1e: {  	[tilespmem:s1+$0x16BB0] =	vst v0  }
.Ltmp0:
0x1f: {  	[tilespmem:s1+$0x16BC0] =	vst v0;
	(pc) =	sbr.rel @p1 .LBB2_2-.Ltmp0, $4  }
0x20: {  	[tilespmem:s1+$0x16BD0] =	vst v0  }
0x21: {  	[tilespmem:s1+$0x16BE0] =	vst v0  }
0x22: {  	[tilespmem:s1+$0x16BF0] =	vst v0  }
0x23: {  	[tilespmem:s1+$0x1AB80] =	vst v0;
	s1 =	sshra.s32 s3, $0x2;
	s3 =	sadd.s32 $0x200, s3  }
0x24: {  	[tilespmem:s1+$0x1BB80] =	vst v0  }
0x25: {  	[tilespmem:s1+$0x16B80] =	vst v0  }
0x26: {  	[tilespmem:s1+$0x16B90] =	vst v0  }
0x27: {  	[tilespmem:s1+$0x16BA0] =	vst v0  }
0x28: {  	[tilespmem:s1+$0x16BB0] =	vst v0  }
0x29: {  	[tilespmem:s1+$0x16BC0] =	vst v0  }
0x2a: {  	[tilespmem:s1+$0x16BD0] =	vst v0  }
0x2b: {  	[tilespmem:s1+$0x16BE0] =	vst v0  }
0x2c: {  	s3 =	sadd.s32 $0x0, s9;
	[tilespmem:s1+$0x16BF0] =	vst v0  }
0x2d: {  	[tilespmem:s1+$0x1AB80] =	vst v0;
	s19 =	sadd.s32 $0x10, s3;
	v3 =	vor.u32 s3, v4  }
0x2e: {  	v2 =	vor.u32 s19, v4;
	[tilespmem:$0x16B00] =	vst v3  }
0x2f: {  	[tilespmem:$0x16B10] =	vst v2  }
0x30: {  	[spmem:s4] =	stream.indirect.scatter [tilespmem:s22], [sflag:$0x7], $0x80, s21, s20, $0xb8;
	[tilespmem:$0x1CB80] =	vst v63  }
0x31: {  	_ =	swait.ge [sflag:s23], $0x1000  }
0x32: {  	[sflag:s23] =	ssyncset.done $0x0  }
0x33: {  	[sflag:s23] =	ssyncadd.s32 $0xFFFFF000  }
0x34: {  	[spmem:s5] =	stream.indirect.scatter [tilespmem:s24], [sflag:$0x7], $0x10, s21, s20, $0xb8;
	[tilespmem:$0x1CB80] =	vst v63  }
0x35: {  	s1 =	sadd.s32 $0x20, s9;
	s3 =	simm.s32 $0x40;
	_ =	swait.ge [sflag:s23], $0x200  }
.LBB2_4:
0x36: {  	s19 =	sadd.s32 $0x10, s1  }
0x37: {  	[sflag:s23] =	ssyncset.done $0x0;
	s30 =	smov.u32 s3;
	s2 =	sadd.s32 $0x20, s3  }
0x38: {  	p1 =	sne.s32 s3, $0x260;
	v2 =	vor.u32 s1, v4;
	v3 =	vor.u32 s19, v4;
	[sflag:s23] =	ssyncadd.s32 $0xFFFFFE00  }
0x39: {  	[tilespmem:$0x16B10] =	vst v3  }
0x3a: {  	[tilespmem:$0x16B00] =	vst v2  }
0x3b: {  	[spmem:s4] =	stream.indirect.scatter [tilespmem:s22], [sflag:$0x7], $0x80, s21, s20, $0xb8;
	[tilespmem:$0x1CB80] =	vst v63  }
.Ltmp1:
0x3c: {  	_ =	swait.ge [sflag:s23], $0x1000;
	(pc) =	sbr.rel @p1 .LBB2_4-.Ltmp1, $4  }
0x3d: {  	[sflag:s23] =	ssyncset.done $0x0  }
0x3e: {  	[sflag:s23] =	ssyncadd.s32 $0xFFFFF000  }
0x3f: {  	[spmem:s5] =	stream.indirect.scatter [tilespmem:s24], [sflag:$0x7], $0x10, s21, s20, $0xb8;
	[tilespmem:$0x1CB80] =	vst v63  }
0x40: {  	s1 =	sadd.s32 s30, s9;
	s3 =	smov.u32 s2;
	_ =	swait.ge [sflag:s23], $0x200  }
0x41: {  	s2 =	sadd.s32 $0x10, s1;
	[sflag:s23] =	ssyncset.done $0x0  }
0x42: {  	v2 =	vor.u32 s2, v4;
	[sflag:s23] =	ssyncadd.s32 $0xFFFFFE00  }
0x43: {  	v3 =	vor.u32 s1, v4;
	[tilespmem:$0x16B10] =	vst v2  }
0x44: {  	[tilespmem:$0x16B00] =	vst v3  }
0x45: {  	[spmem:s4] =	stream.indirect.scatter [tilespmem:s22], [sflag:$0x7], $0x80, s21, s20, $0xb8;
	[tilespmem:$0x1CB80] =	vst v63  }
0x46: {  	_ =	swait.ge [sflag:s23], $0x1000  }
0x47: {  	[sflag:s23] =	ssyncset.done $0x0  }
0x48: {  	[sflag:s23] =	ssyncadd.s32 $0xFFFFF000  }
0x49: {  	[spmem:s5] =	stream.indirect.scatter [tilespmem:s24], [sflag:$0x7], $0x10, s21, s20, $0xb8;
	[tilespmem:$0x1CB80] =	vst v63  }
0x4a: {  	_ =	swait.ge [sflag:s23], $0x200  }
0x4b: {  	[sflag:s23] =	ssyncset.done $0x0  }
0x4c: {  	[sflag:s23] =	ssyncadd.s32 $0xFFFFFE00  }
0x4d: {  	[bflag:$0x0] =	sbarrier.arrive $0xFFFF  }
0x4e: {  	s3 =	simm.s32 $0x0;
	s2 =	rddreg [dreg:$0x6]  }
0x4f: {  	[tilespmem:s25], [sflag:$0x7] =	stream.linear.gather [hbm4b:s2+s3], $0x20, $0x38;
	[tilespmem:$0x1CB80] =	vst v63  }
0x50: {  	_ =	swait.ge [sflag:s23], $0x20  }
0x51: {  	[sflag:s23] =	ssyncset.done $0x0  }
0x52: {  	s19 =	rddreg [dreg:$0x7];
	[sflag:s23] =	ssyncadd.s32 $0xFFFFFFE0  }
0x53: {  	[tilespmem:s26], [sflag:$0x7] =	stream.linear.gather [hbm4b:s19+s3], $0x20, $0x38;
	[tilespmem:$0x1CB80] =	vst v63  }
0x54: {  	_ =	swait.ge [sflag:s23], $0x20  }
0x55: {  	[sflag:s23] =	ssyncset.done $0x0  }
0x56: {  	s30 =	rddreg [dreg:$0x8];
	[sflag:s23] =	ssyncadd.s32 $0xFFFFFFE0  }
0x57: {  	[tilespmem:s28], [sflag:$0x7] =	stream.linear.gather [hbm4b:s30+s3], $0x20, $0x38;
	[tilespmem:$0x1CB80] =	vst v63  }
0x58: {  	_ =	swait.ge [sflag:s23], $0x20  }
0x59: {  	[sflag:s23] =	ssyncset.done $0x0  }
0x5a: {  	s2 =	rddreg [dreg:$0x9];
	[sflag:s23] =	ssyncadd.s32 $0xFFFFFFE0  }
0x5b: {  	[tilespmem:s29], [sflag:$0x7] =	stream.linear.gather [hbm4b:s2+s3], $0x20, $0x38;
	[tilespmem:$0x1CB80] =	vst v63  }
0x5c: {  	_ =	swait.ge [sflag:s23], $0x20  }
0x5d: {  	[sflag:s23] =	ssyncset.done $0x0  }
0x5e: {  	[sflag:s23] =	ssyncadd.s32 $0xFFFFFFE0  }
0x5f: {  	[tilespmem:s22], [sflag:$0x3] =	stream.indirect.gather [hbm4b:s14+s20], $0x80, s25, s20, $0xb8;
	[tilespmem:$0x1CB80] =	vst v63  }
0x60: {  	s30 =	simm.s32 $0x18B80;
	s19 =	rddreg [dreg:$0x1]  }
0x61: {  	[tilespmem:s30], [sflag:$0x3] =	stream.indirect.gather [hbm4b:s19+s20], $0x80, s26, s20, $0xb8;
	[tilespmem:$0x1CB80] =	vst v63  }
.LBB2_6:
0x62: {  	_ =	swait.ge [sflag:s31], $0x1000  }
0x63: {  	[sflag:s31] =	ssyncset.done $0x0  }
0x64: {  	[sflag:s31] =	ssyncadd.s32 $0xFFFFF000  }
0x65: {  	_ =	swait.ge [sflag:s31], $0x1000  }
0x66: {  	[sflag:s31] =	ssyncset.done $0x0  }
0x67: {  	[sflag:s31] =	ssyncadd.s32 $0xFFFFF000  }
0x68: {  	v2 =	vld [tilespmem:$0x16880]  }
0x69: {  	v3 =	vld [tilespmem:$0x16890];
	_ =	sdelay $0x1  }
0x6a: {  	s19 =	sshll.u32 s3, $0x6;
	s1 =	rddreg [dreg:$0xa]  }
0x6b: {  	s1 =	sadd.s32 s19, s1  }
0x6c: {  	s1 =	sshrl.u32 s1, $0x3;
	[tilespmem:$0x16A00] =	vst v2  }
0x6d: {  	s2 =	sadd.s32 s7, s1;
	[tilespmem:$0x16A10] =	vst v3  }
0x6e: {  	[tilespmem:s25], [sflag:$0x1] =	stream.linear.gather [hbm4b:s2+s6], $0x20, $0x38;
	[tilespmem:$0x1CB80] =	vst v63  }
0x6f: {  	p1 =	seq.s32 s3, $0x0;
	s1 =	sadd.s32 s8, s1  }
0x70: {  	[tilespmem:s26], [sflag:$0x1] =	stream.linear.gather [hbm4b:s1+s6], $0x20, $0x38;
	[tilespmem:$0x1CB80] =	vst v63  }
0x71: {  	s1 =	simm.s32 @!p1 $0x6  }
0x72: {  	_ =	swait.ge @!p1 [sflag:s1], $0x1000  }
0x73: {  	[sflag:s1] =	ssyncset.done @!p1 $0x0  }
0x74: {  	[sflag:s1] =	ssyncadd.s32 @!p1 $0xFFFFF000  }
0x75: {  	_ =	swait.ge @!p1 [sflag:s1], $0x200  }
0x76: {  	[sflag:s1] =	ssyncset.done @!p1 $0x0  }
0x77: {  	[sflag:s1] =	ssyncadd.s32 @!p1 $0xFFFFFE00;
	s1 =	simm.s32 @!p1 $0x2  }
0x78: {  	_ =	swait.ge @!p1 [sflag:s1], $0x20  }
0x79: {  	[sflag:s1] =	ssyncset.done @!p1 $0x0  }
0x7a: {  	[sflag:s1] =	ssyncadd.s32 @!p1 $0xFFFFFFE0  }
0x7b: {  	_ =	swait.ge @!p1 [sflag:s1], $0x20  }
0x7c: {  	[sflag:s1] =	ssyncset.done @!p1 $0x0  }
0x7d: {  	[sflag:s1] =	ssyncadd.s32 @!p1 $0xFFFFFFE0  }
0x7e: {  	[tilespmem:s0], [sflag:$0x4] =	stream.indirect.gather [hbm4b:s14+s20], $0x80, s28, s20, $0xb8;
	[tilespmem:$0x1CB80] =	vst v63  }
0x7f: {  	s30 =	simm.s32 $0x0;
	s2 =	simm.s32 $0x19B80;
	s1 =	rddreg [dreg:$0x1]  }
0x80: {  	[tilespmem:s2], [sflag:$0x4] =	stream.indirect.gather [hbm4b:s1+s20], $0x80, s29, s20, $0xb8;
	[tilespmem:$0x1CB80] =	vst v63  }
.LBB2_7:
0x81: {  	s1 =	sshll.u32 s30, $0x7  }
0x82: {  	v48 =	vld [tilespmem:s1+$0x16B80]  }
0x83: {  	v49 =	vld [tilespmem:s1+$0x16B90]  }
0x84: {  	v43 =	vld [tilespmem:s1+$0x16BA0]  }
0x85: {  	v44 =	vld [tilespmem:s1+$0x16BB0]  }
0x86: {  	v35 =	vld [tilespmem:s1+$0x16BC0]  }
0x87: {  	v38 =	vld [tilespmem:s1+$0x16BD0]  }
0x88: {  	v39 =	vld [tilespmem:s1+$0x16BE0]  }
0x89: {  	v40 =	vld [tilespmem:s1+$0x16BF0]  }
0x8a: {  	v2 =	vld [tilespmem:s1+$0x18B80]  }
0x8b: {  	v3 =	vld [tilespmem:s1+$0x18B90]  }
0x8c: {  	v4 =	vld [tilespmem:s1+$0x18BA0]  }
0x8d: {  	v9 =	vld [tilespmem:s1+$0x18BB0]  }
0x8e: {  	v10 =	vld [tilespmem:s1+$0x18BC0]  }
0x8f: {  	v11 =	vld [tilespmem:s1+$0x18BD0]  }
0x90: {  	v12 =	vld [tilespmem:s1+$0x18BE0]  }
0x91: {  	v13 =	vld [tilespmem:s1+$0x18BF0]  }
0x92: {  	v47 =	vld [tilespmem:s1+$0x16C00]  }
0x93: {  	v45 =	vld [tilespmem:s1+$0x16C10]  }
0x94: {  	v46 =	vld [tilespmem:s1+$0x16C20]  }
0x95: {  	v41 =	vld [tilespmem:s1+$0x16C30]  }
0x96: {  	v42 =	vld [tilespmem:s1+$0x16C40]  }
0x97: {  	v36 =	vld [tilespmem:s1+$0x16C50]  }
0x98: {  	v37 =	vld [tilespmem:s1+$0x16C60]  }
0x99: {  	v33 =	vld [tilespmem:s1+$0x16C70]  }
0x9a: {  	v14 =	vld [tilespmem:s1+$0x18C00]  }
0x9b: {  	v15 =	vld [tilespmem:s1+$0x18C10]  }
0x9c: {  	v16 =	vld [tilespmem:s1+$0x18C20]  }
0x9d: {  	v21 =	vld [tilespmem:s1+$0x18C30]  }
0x9e: {  	v22 =	vld [tilespmem:s1+$0x18C40]  }
0x9f: {  	v24 =	vld [tilespmem:s1+$0x18C50]  }
0xa0: {  	v25 =	vld [tilespmem:s1+$0x18C60]  }
0xa1: {  	v28 =	vld [tilespmem:s1+$0x18C70]  }
0xa2: {  	v34 =	vld [tilespmem:s1+$0x16C80]  }
0xa3: {  	v32 =	vld [tilespmem:s1+$0x16C90]  }
0xa4: {  	v26 =	vld [tilespmem:s1+$0x16CA0]  }
0xa5: {  	v27 =	vld [tilespmem:s1+$0x16CB0]  }
0xa6: {  	v23 =	vld [tilespmem:s1+$0x16CC0]  }
0xa7: {  	v19 =	vld [tilespmem:s1+$0x16CD0]  }
0xa8: {  	v20 =	vld [tilespmem:s1+$0x16CE0]  }
0xa9: {  	v18 =	vld [tilespmem:s1+$0x16CF0]  }
0xaa: {  	v29 =	vld [tilespmem:s1+$0x18C80]  }
0xab: {  	v30 =	vld [tilespmem:s1+$0x18C90]  }
0xac: {  	v7 =	vld [tilespmem:s1+$0x18CA0]  }
0xad: {  	v50 =	vld [tilespmem:s1+$0x18CB0]  }
0xae: {  	v51 =	vld [tilespmem:s1+$0x18CC0]  }
0xaf: {  	v52 =	vld [tilespmem:s1+$0x18CD0]  }
0xb0: {  	v53 =	vld [tilespmem:s1+$0x18CE0]  }
0xb1: {  	v54 =	vld [tilespmem:s1+$0x18CF0]  }
0xb2: {  	v17 =	vld [tilespmem:s1+$0x16D00]  }
0xb3: {  	v31 =	vld [tilespmem:s1+$0x16D10]  }
0xb4: {  	v0 =	vld [tilespmem:s1+$0x16D20]  }
0xb5: {  	v1 =	vld [tilespmem:s1+$0x16D30]  }
0xb6: {  	v5 =	vld [tilespmem:s1+$0x16D60]  }
0xb7: {  	v6 =	vld [tilespmem:s1+$0x16D70]  }
0xb8: {  	v55 =	vld [tilespmem:s1+$0x18D00]  }
0xb9: {  	v56 =	vld [tilespmem:s1+$0x18D10];
	v2 =	vmul.f32 v2, v48;
	v3 =	vmul.f32 v3, v49  }
0xba: {  	v57 =	vld [tilespmem:s1+$0x18D20]  }
0xbb: {  	v58 =	vld [tilespmem:s1+$0x18D30];
	v59 =	vmul.f32 v4, v43;
	v2 =	vadd.f32 v3, v2  }
0xbc: {  	v4 =	vld [tilespmem:s1+$0x16D40]  }
0xbd: {  	v9 =	vmul.f32 v9, v44;
	v62 =	vmul.f32 v15, v45;
	v15 =	vld [tilespmem:s1+$0x16D80];
	v3 =	vadd.f32 v59, v2  }
0xbe: {  	v63 =	vmul.f32 v12, v39;
	v12 =	vld [tilespmem:s1+$0x16DC0]  }
0xbf: {  	v10 =	vmul.f32 v10, v35;
	v61 =	vmul.f32 v14, v47;
	v14 =	vld [tilespmem:s1+$0x16DF0];
	v9 =	vadd.f32 v9, v3  }
0xc0: {  	v8 =	vmul.f32 v7, v26;
	v7 =	vld [tilespmem:s1+$0x18DC0]  }
0xc1: {  	v60 =	vmul.f32 v11, v38;
	v11 =	vadd.f32 v62, v61;
	v61 =	vld [tilespmem:s1+$0x18D60];
	v9 =	vadd.f32 v10, v9  }
0xc2: {  	v62 =	vld [tilespmem:s1+$0x18D70];
	v3 =	vmul.f32 v16, v46  }
0xc3: {  	v2 =	vld [tilespmem:s1+$0x16D50];
	v9 =	vadd.f32 v60, v9  }
0xc4: {  	v21 =	vmul.f32 v21, v41;
	v59 =	vld [tilespmem:s1+$0x18D40];
	v11 =	vadd.f32 v3, v11  }
0xc5: {  	v16 =	vmul.f32 v13, v40;
	v13 =	vld [tilespmem:s1+$0x16DD0];
	v9 =	vadd.f32 v63, v9  }
0xc6: {  	v10 =	vld [tilespmem:s1+$0x16DB0];
	v3 =	vadd.f32 v21, v11;
	v21 =	vmul.f32 v22, v42  }
0xc7: {  	v24 =	vmul.f32 v24, v36;
	v60 =	vld [tilespmem:s1+$0x18D50];
	v9 =	vadd.f32 v16, v9  }
0xc8: {  	v11 =	vld [tilespmem:s1+$0x16D90];
	v22 =	vadd.f32 v21, v3;
	v63 =	vmul.f32 v29, v34;
	v29 =	vmul.f32 v30, v32  }
0xc9: {  	v3 =	vmul.f32 v28, v33;
	v28 =	vmul.f32 v51, v23;
	v51 =	vld [tilespmem:s1+$0x18DB0];
	(xrf2) =	vadd.scan.msk.f32 $0xffff, v9  }
0xca: {  	v25 =	vmul.f32 v25, v37;
	v16 =	vld [tilespmem:s1+$0x16DA0];
	v21 =	vadd.f32 v29, v63;
	v9 =	vadd.f32 v24, v22  }
0xcb: {  	v63 =	vld [tilespmem:s1+$0x18D80]  }
0xcc: {  	v21 =	vadd.f32 v8, v21;
	v8 =	vld [tilespmem:s1+$0x18DE0];
	v30 =	vadd.f32 v25, v9;
	v25 =	vmul.f32 v50, v27  }
0xcd: {  	v9 =	vld [tilespmem:s1+$0x16DE0]  }
0xce: {  	v24 =	vadd.f32 v3, v30;
	v3 =	vld [tilespmem:s1+$0x18DA0];
	v21 =	vadd.f32 v25, v21  }
0xcf: {  	v50 =	vld [tilespmem:s1+$0x18D90]  }
0xd0: {  	v30 =	vmul.f32 v52, v19;
	v52 =	vld [tilespmem:s1+$0x18DD0];
	v21 =	vadd.f32 v28, v21  }
0xd1: {  	v25 =	vmul.f32 v53, v20;
	v53 =	vld [tilespmem:s1+$0x18DF0]  }
0xd2: {  	v56 =	vmul.f32 v56, v31;
	v62 =	vmul.f32 v62, v6;
	(xrf2) =	vadd.scan.msk.f32 $0xffff, v24;
	v22 =	vadd.f32 v30, v21;
	v21 =	vld [tilespmem:s1+$0x16E00]  }
0xd3: {  	[tilespmem:$0x1FFF0] =	vst v6;
	v28 =	vmul.f32 v55, v17;
	v30 =	vld [tilespmem:s1+$0x16E40];
	v6 =	vmul.f32 v3, v16;
	v29, _, _ =	vpop (xrf2)  }
0xd4: {  	v3 =	vmul.f32 v51, v10;
	v51 =	vld [tilespmem:s1+$0x18E70];
	v25 =	vadd.f32 v25, v22;
	v24 =	vmul.f32 $1.442695020e+00, v29  }
0xd5: {  	[tilespmem:$0x1FFB0] =	vst v0;
	v22 =	vld [tilespmem:s1+$0x16E10];
	v29 =	vadd.f32 v56, v28;
	v56 =	vmul.f32 v57, v0;
	v57 =	vmul.f32 v58, v1  }
0xd6: {  	[tilespmem:$0x1FFC0] =	vst v1;
	v28 =	vld [tilespmem:s1+$0x16E20];
	v0 =	vmul.f32 v59, v4;
	v1 =	vmul.f32 v60, v2  }
0xd7: {  	[tilespmem:$0x1FFD0] =	vst v4;
	v4 =	vmov v2;
	v2 =	vmul.f32 v61, v5;
	v61 =	vld [tilespmem:s1+$0x18E30];
	v24 =	vbroadcast v24, $0xF  }
0xd8: {  	[tilespmem:$0x1FFA0] =	vst v31;
	v55 =	vmul.f32 v54, v18;
	v60 =	vld [tilespmem:s1+$0x18E50]  }
0xd9: {  	[tilespmem:$0x1FFE0] =	vst v5;
	v5 =	vmul.f32 v63, v15;
	v63 =	vld [tilespmem:s1+$0x18E60];
	v31 =	vadd.f32 v56, v29;
	(erf) = vpow2.f32 v24  }
0xda: {  	v29 =	vld [tilespmem:s1+$0x16E50]  }
0xdb: {  	v25 =	vadd.f32 v55, v25;
	v56 =	vld [tilespmem:s1+$0x18E20];
	v54 =	vadd.f32 v57, v31  }
0xdc: {  	v24 =	vld [tilespmem:s1+$0x16E30];
	v58, _, _ =	vpop (xrf2)  }
0xdd: {  	v31 =	vld [tilespmem:s1+$0x16E60];
	(xrf2) =	vadd.scan.msk.f32 $0xffff, v25;
	v55 =	vmul.f32 $1.442695020e+00, v58;
	v54 =	vadd.f32 v0, v54  }
0xde: {  	v57 =	vld [tilespmem:s1+$0x18E00]  }
0xdf: {  	v25 =	vld [tilespmem:s1+$0x16E70];
	v55 =	vbroadcast v55, $0xF;
	v54 =	vadd.f32 v1, v54  }
0xe0: {  	v50 =	vmul.f32 v50, v11;
	v58 =	vld [tilespmem:s1+$0x18E10]  }
0xe1: {  	(erf) = vpow2.f32 v55;
	v54 =	vadd.f32 v2, v54;
	v55 =	vld [tilespmem:s1+$0x18E40]  }
0xe2: {  	v50 =	vadd.f32 v50, v5;
	v2 =	vld [tilespmem:s1+$0x18ED0];
	v59 =	vpop (erf)  }
0xe3: {  	v62 =	vadd.f32 v62, v54;
	v49 =	vmul.f32 v59, v49;
	v54 =	vmul.f32 v59, v38;
	v38 =	vld [tilespmem:s1+$0x16E90]  }
0xe4: {  	v1 =	vadd.f32 v6, v50;
	v48 =	vmul.f32 v59, v48;
	v50 =	vmul.f32 v59, v39;
	v39 =	vld [tilespmem:s1+$0x16EA0]  }
0xe5: {  	v43 =	vmul.f32 v59, v43;
	[tilespmem:s1+$0x16B90] =	vst v49;
	v49 =	vmul.f32 v59, v35;
	v35 =	vld [tilespmem:s1+$0x16E80]  }
0xe6: {  	v1 =	vadd.f32 v3, v1;
	v44 =	vmul.f32 v59, v44;
	[tilespmem:s1+$0x1AB80] =	vst v59;
	v59 =	vmul.f32 v59, v40;
	v40 =	vld [tilespmem:s1+$0x16EB0]  }
0xe7: {  	v5, _, _ =	vpop (xrf2);
	(xrf2) =	vadd.scan.msk.f32 $0xffff, v62;
	v62 =	vmul.f32 v7, v12;
	v7 =	vmul.f32 v58, v22;
	[tilespmem:s1+$0x16BA0] =	vst v43;
	v43 =	vld [tilespmem:s1+$0x16EC0]  }
0xe8: {  	v6 =	vmul.f32 $1.442695020e+00, v5;
	v5 =	vmul.f32 v52, v13;
	[tilespmem:s1+$0x16BB0] =	vst v44;
	v44 =	vld [tilespmem:s1+$0x16ED0]  }
0xe9: {  	[tilespmem:s1+$0x16B80] =	vst v48;
	v0 =	vadd.f32 v62, v1;
	v62 =	vmul.f32 v8, v9;
	v1 =	vld [tilespmem:s1+$0x18E80];
	v8 =	vmul.f32 v53, v14  }
0xea: {  	v48 =	vbroadcast v6, $0xF;
	v6 =	vmul.f32 v57, v21;
	[tilespmem:s1+$0x16BC0] =	vst v49;
	v57 =	vld [tilespmem:s1+$0x18E90];
	v49 =	vpop (erf)  }
0xeb: {  	v0 =	vadd.f32 v5, v0;
	v5 =	vmul.f32 v49, v47;
	v47 =	vld [tilespmem:s1+$0x16EE0];
	v45 =	vmul.f32 v49, v45  }
0xec: {  	v46 =	vmul.f32 v49, v46;
	v58 =	vmul.f32 v49, v41;
	v41 =	vld [tilespmem:s1+$0x16EF0]  }
0xed: {  	v0 =	vadd.f32 v62, v0;
	v42 =	vmul.f32 v49, v42;
	v62 =	vld [tilespmem:s1+$0x18EA0];
	v36 =	vmul.f32 v49, v36  }
0xee: {  	v37 =	vmul.f32 v49, v37;
	[tilespmem:s1+$0x1AC00] =	vst v49;
	v49 =	vmul.f32 v49, v33;
	v33 =	vld [tilespmem:s1+$0x16F00]  }
0xef: {  	v6 =	vadd.f32 v7, v6;
	v7 =	vmul.f32 v56, v28;
	[tilespmem:s1+$0x16C00] =	vst v5;
	v5 =	vld [tilespmem:s1+$0x18EB0]  }
0xf0: {  	[tilespmem:s1+$0x16BF0] =	vst v59;
	(erf) = vpow2.f32 v48;
	v0 =	vadd.f32 v8, v0;
	v8 =	vld [tilespmem:s1+$0x18EC0]  }
0xf1: {  	v56 =	vmul.f32 v61, v24;
	v48 =	vadd.f32 v7, v6;
	[tilespmem:s1+$0x16C40] =	vst v42;
	v42 =	vld [tilespmem:s1+$0x16F50]  }
0xf2: {  	v1 =	vmul.f32 v1, v35;
	v53 =	vmul.f32 v57, v38;
	[tilespmem:s1+$0x16C50] =	vst v36;
	v36 =	vld [tilespmem:$0x1FFA0]  }
0xf3: {  	v61 =	vmul.f32 v55, v30;
	[tilespmem:s1+$0x16C20] =	vst v46;
	v46 =	vld [tilespmem:$0x1FFB0];
	v59 =	vadd.f32 v56, v48  }
0xf4: {  	v7 =	vmul.f32 v60, v29;
	v3, _, _ =	vpop (xrf2);
	v1 =	vadd.f32 v53, v1;
	v53 =	vld [tilespmem:s1+$0x18EF0]  }
0xf5: {  	[tilespmem:s1+$0x16C10] =	vst v45;
	(xrf2) =	vadd.scan.msk.f32 $0xffff, v0;
	v6 =	vmul.f32 $1.442695020e+00, v3;
	v45 =	vadd.f32 v61, v59;
	v59 =	vld [tilespmem:s1+$0x18EE0]  }
0xf6: {  	[tilespmem:s1+$0x16BE0] =	vst v50;
	v50 =	vmul.f32 v62, v39;
	v62 =	vmul.f32 v51, v25;
	v51 =	vld [tilespmem:s1+$0x18F20]  }
0xf7: {  	[tilespmem:s1+$0x16C30] =	vst v58;
	v58 =	vmul.f32 v63, v31;
	v63 =	vmul.f32 v5, v40;
	v5 =	vld [tilespmem:s1+$0x18F00]  }
0xf8: {  	v0 =	vbroadcast v6, $0xF;
	v57 =	vadd.f32 v7, v45;
	v7 =	vmul.f32 v8, v43;
	v8 =	vld [tilespmem:s1+$0x18F10]  }
0xf9: {  	[tilespmem:s1+$0x16BD0] =	vst v54;
	v1 =	vadd.f32 v50, v1;
	v50 =	vmul.f32 v2, v44;
	v45 =	vld [tilespmem:s1+$0x18F60];
	v54 =	vpop (erf)  }
0xfa: {  	(erf) = vpow2.f32 v0;
	v60 =	vmul.f32 v54, v34;
	v61 =	vadd.f32 v58, v57;
	v34 =	vld [tilespmem:s1+$0x16F10]  }
0xfb: {  	[tilespmem:s1+$0x16C60] =	vst v37;
	v32 =	vmul.f32 v54, v32;
	v1 =	vadd.f32 v63, v1;
	v48 =	vmul.f32 v54, v26;
	v26 =	vld [tilespmem:s1+$0x16F20]  }
0xfc: {  	[tilespmem:s1+$0x16C70] =	vst v49;
	v27 =	vmul.f32 v54, v27;
	v52 =	vmul.f32 v54, v19;
	v19 =	vld [tilespmem:s1+$0x16F30];
	v6 =	vadd.f32 v62, v61  }
0xfd: {  	v23 =	vmul.f32 v54, v23;
	v20 =	vmul.f32 v54, v20;
	v58 =	vld [tilespmem:s1+$0x18F30];
	[tilespmem:s1+$0x1AC80] =	vst v54  }
0xfe: {  	v18 =	vmul.f32 v54, v18;
	v54 =	vld [tilespmem:s1+$0x18F70];
	[tilespmem:s1+$0x16C80] =	vst v60;
	v49 =	vadd.f32 v7, v1;
	(xrf2) =	vadd.scan.msk.f32 $0xffff, v6  }
0xff: {  	v57 =	vmul.f32 v59, v47;
	[tilespmem:s1+$0x16CC0] =	vst v23;
	v23 =	vld [tilespmem:s1+$0x16F40];
	v59 =	vmul.f32 v5, v33;
	v55, _, _ =	vpop (xrf2)  }
0x100: {  	[tilespmem:s1+$0x16C90] =	vst v32;
	v60 =	vld [tilespmem:s1+$0x18F40];
	v0 =	vadd.f32 v50, v49;
	v37 =	vmul.f32 v8, v34;
	v56 =	vmul.f32 $1.442695020e+00, v55  }
0x101: {  	[tilespmem:s1+$0x16CB0] =	vst v27;
	v61 =	vmul.f32 v53, v41;
	v62 =	vld [tilespmem:s1+$0x18F50];
	v2 =	vmul.f32 v51, v26  }
0x102: {  	[tilespmem:s1+$0x16CF0] =	vst v18;
	v18 =	vld [tilespmem:s1+$0x16F60];
	v0 =	vadd.f32 v57, v0;
	v37 =	vadd.f32 v37, v59;
	v27 =	vbroadcast v56, $0xF  }
0x103: {  	[tilespmem:s1+$0x16CA0] =	vst v48;
	v50 =	vld [tilespmem:$0x1FFC0];
	v63 =	vmul.f32 v58, v19  }
0x104: {  	[tilespmem:s1+$0x16CD0] =	vst v52;
	v52 =	vld [tilespmem:$0x1FFD0];
	v0 =	vadd.f32 v61, v0;
	v32 =	vpop (erf);
	v2 =	vadd.f32 v2, v37;
	(erf) = vpow2.f32 v27  }
0x105: {  	[tilespmem:s1+$0x16CE0] =	vst v20;
	v58 =	vld [tilespmem:$0x1FFE0];
	v1 =	vmul.f32 v60, v23;
	v17 =	vmul.f32 v32, v17  }
0x106: {  	v60 =	vld [tilespmem:$0x1FFF0];
	v37 =	vmul.f32 v32, v36;
	(xrf2) =	vadd.scan.msk.f32 $0xffff, v0;
	[tilespmem:s1+$0x1AD00] =	vst v32;
	v2 =	vadd.f32 v63, v2  }
0x107: {  	v48 =	vmul.f32 v32, v46;
	v0 =	vld [tilespmem:s1+$0x16F70];
	[tilespmem:s1+$0x16D00] =	vst v17  }
0x108: {  	v56 =	vmul.f32 v62, v42;
	v51 =	vmul.f32 v32, v50;
	[tilespmem:s1+$0x16D10] =	vst v37;
	v1 =	vadd.f32 v1, v2;
	v49, _, _ =	vpop (xrf2)  }
0x109: {  	v53 =	vmul.f32 v32, v52;
	[tilespmem:s1+$0x16D20] =	vst v48;
	v55 =	vmul.f32 $1.442695020e+00, v49  }
0x10a: {  	v57 =	vmul.f32 v45, v18;
	v4 =	vmul.f32 v32, v4;
	[tilespmem:s1+$0x16D30] =	vst v51;
	v1 =	vadd.f32 v56, v1  }
0x10b: {  	v59 =	vmul.f32 v32, v58;
	[tilespmem:s1+$0x16D40] =	vst v53;
	v2 =	vbroadcast v55, $0xF  }
0x10c: {  	v3 =	vmul.f32 v32, v60;
	[tilespmem:s1+$0x16D50] =	vst v4;
	v62 =	vmul.f32 v54, v0;
	v1 =	vadd.f32 v57, v1  }
0x10d: {  	[tilespmem:s1+$0x16D60] =	vst v59;
	v61 =	vpop (erf);
	(erf) = vpow2.f32 v2  }
0x10e: {  	[tilespmem:s1+$0x16D70] =	vst v3;
	v1 =	vadd.f32 v62, v1;
	v63 =	vmul.f32 v61, v15  }
0x10f: {  	v6 =	vmul.f32 v61, v11;
	[tilespmem:s1+$0x1AD80] =	vst v61  }
0x110: {  	v7 =	vmul.f32 v61, v16;
	v8, _, _ =	vpop (xrf2);
	(xrf2) =	vadd.scan.msk.f32 $0xffff, v1;
	[tilespmem:s1+$0x16D80] =	vst v63  }
0x111: {  	v11 =	vmul.f32 v61, v10;
	[tilespmem:s1+$0x16D90] =	vst v6  }
0x112: {  	v12 =	vmul.f32 v61, v12;
	v2 =	vmul.f32 $1.442695020e+00, v8;
	[tilespmem:s1+$0x16DA0] =	vst v7  }
0x113: {  	v13 =	vmul.f32 v61, v13;
	[tilespmem:s1+$0x16DB0] =	vst v11  }
0x114: {  	v15 =	vmul.f32 v61, v9;
	[tilespmem:s1+$0x16DC0] =	vst v12;
	v2 =	vbroadcast v2, $0xF  }
0x115: {  	v16 =	vmul.f32 v61, v14;
	[tilespmem:s1+$0x16DD0] =	vst v13  }
0x116: {  	[tilespmem:s1+$0x16DE0] =	vst v15;
	v17 =	vpop (erf);
	(erf) = vpow2.f32 v2  }
0x117: {  	[tilespmem:s1+$0x16DF0] =	vst v16;
	v20 =	vmul.f32 v17, v21  }
0x118: {  	v21 =	vmul.f32 v17, v22;
	[tilespmem:s1+$0x1AE00] =	vst v17  }
0x119: {  	v22 =	vmul.f32 v17, v28;
	[tilespmem:s1+$0x16E00] =	vst v20  }
0x11a: {  	v27 =	vmul.f32 v17, v24;
	v28 =	vmul.f32 v17, v30;
	[tilespmem:s1+$0x16E10] =	vst v21;
	v30, _, _ =	vpop (xrf2)  }
0x11b: {  	[tilespmem:s1+$0x16E20] =	vst v22;
	v3 =	vmul.f32 $1.442695020e+00, v30  }
0x11c: {  	v32 =	vmul.f32 v17, v29;
	[tilespmem:s1+$0x16E30] =	vst v27  }
0x11d: {  	v36 =	vmul.f32 v17, v31;
	[tilespmem:s1+$0x16E40] =	vst v28;
	v37 =	vbroadcast v3, $0xF  }
0x11e: {  	v45 =	vmul.f32 v17, v25;
	[tilespmem:s1+$0x16E50] =	vst v32  }
0x11f: {  	[tilespmem:s1+$0x16E60] =	vst v36;
	v46 =	vpop (erf);
	(erf) = vpow2.f32 v37  }
0x120: {  	[tilespmem:s1+$0x16E70] =	vst v45;
	v48 =	vmul.f32 v46, v35  }
0x121: {  	v49 =	vmul.f32 v46, v38;
	[tilespmem:s1+$0x1AE80] =	vst v46  }
0x122: {  	v50 =	vmul.f32 v46, v39;
	[tilespmem:s1+$0x16E80] =	vst v48  }
0x123: {  	v51 =	vmul.f32 v46, v40;
	[tilespmem:s1+$0x16E90] =	vst v49  }
0x124: {  	v52 =	vmul.f32 v46, v43;
	[tilespmem:s1+$0x16EA0] =	vst v50  }
0x125: {  	v53 =	vmul.f32 v46, v44;
	[tilespmem:s1+$0x16EB0] =	vst v51  }
0x126: {  	v54 =	vmul.f32 v46, v47;
	[tilespmem:s1+$0x16EC0] =	vst v52  }
0x127: {  	v55 =	vmul.f32 v46, v41;
	[tilespmem:s1+$0x16ED0] =	vst v53  }
0x128: {  	[tilespmem:s1+$0x16EE0] =	vst v54;
	v56 =	vpop (erf)  }
0x129: {  	[tilespmem:s1+$0x16EF0] =	vst v55;
	v57 =	vmul.f32 v56, v33  }
0x12a: {  	[tilespmem:s1+$0x1AF00] =	vst v56;
	v58 =	vmul.f32 v56, v34  }
0x12b: {  	v59 =	vmul.f32 v56, v26;
	[tilespmem:s1+$0x16F00] =	vst v57  }
0x12c: {  	v60 =	vmul.f32 v56, v19;
	[tilespmem:s1+$0x16F10] =	vst v58  }
0x12d: {  	p1 =	slt.u32 s30, $0x18;
	v61 =	vmul.f32 v56, v23;
	[tilespmem:s1+$0x16F20] =	vst v59  }
.Ltmp2:
0x12e: {  	v62 =	vmul.f32 v56, v42;
	[tilespmem:s1+$0x16F30] =	vst v60;
	(pc) =	sbr.rel @p1 .LBB2_7-.Ltmp2, $4  }
0x12f: {  	v63 =	vmul.f32 v56, v18;
	[tilespmem:s1+$0x16F40] =	vst v61  }
0x130: {  	v0 =	vmul.f32 v56, v0;
	[tilespmem:s1+$0x16F50] =	vst v62  }
0x131: {  	[tilespmem:s1+$0x16F60] =	vst v63  }
0x132: {  	s30 =	sadd.s32 $0x8, s30;
	[tilespmem:s1+$0x16F70] =	vst v0  }
0x133: {  	[spmem:s4] =	stream.indirect.scatter.add.f32 [tilespmem:s22], [sflag:$0x5], $0x80, s10, s20, $0xb8;
	[tilespmem:$0x1CB80] =	vst v63  }
0x134: {  	_ = 	snop  }
0x135: {  	[spmem:s5] =	stream.indirect.scatter.add.f32 [tilespmem:s24], [sflag:$0x5], $0x10, s10, s20, $0xb8;
	[tilespmem:$0x1CB80] =	vst v63  }
0x136: {  	_ =	swait.ge [sflag:s11], $0x1000  }
0x137: {  	[sflag:s11] =	ssyncset.done $0x0  }
0x138: {  	[sflag:s11] =	ssyncadd.s32 $0xFFFFF000  }
0x139: {  	_ =	swait.ge [sflag:s11], $0x200  }
0x13a: {  	[sflag:s11] =	ssyncset.done $0x0  }
0x13b: {  	[sflag:s11] =	ssyncadd.s32 $0xFFFFFE00  }
0x13c: {  	_ =	swait.ge [sflag:s12], $0x20  }
0x13d: {  	[sflag:s12] =	ssyncset.done $0x0  }
0x13e: {  	[sflag:s12] =	ssyncadd.s32 $0xFFFFFFE0  }
0x13f: {  	_ =	swait.ge [sflag:s12], $0x20  }
0x140: {  	[sflag:s12] =	ssyncset.done $0x0  }
0x141: {  	[sflag:s12] =	ssyncadd.s32 $0xFFFFFFE0  }
0x142: {  	[tilespmem:s22], [sflag:$0x3] =	stream.indirect.gather [hbm4b:s14+s20], $0x80, s25, s20, $0xb8;
	[tilespmem:$0x1CB80] =	vst v63  }
0x143: {  	s2 =	simm.s32 $0x18B80;
	s1 =	rddreg [dreg:$0x1]  }
0x144: {  	[tilespmem:s2], [sflag:$0x3] =	stream.indirect.gather [hbm4b:s1+s20], $0x80, s26, s20, $0xb8;
	[tilespmem:$0x1CB80] =	vst v63  }
0x145: {  	_ =	swait.ge [sflag:s13], $0x1000  }
0x146: {  	[sflag:s13] =	ssyncset.done $0x0  }
0x147: {  	[sflag:s13] =	ssyncadd.s32 $0xFFFFF000  }
0x148: {  	_ =	swait.ge [sflag:s13], $0x1000  }
0x149: {  	[sflag:s13] =	ssyncset.done $0x0  }
0x14a: {  	[sflag:s13] =	ssyncadd.s32 $0xFFFFF000  }
0x14b: {  	v0 =	vld [tilespmem:$0x16980]  }
0x14c: {  	v1 =	vld [tilespmem:$0x16990];
	_ =	sdelay $0x2  }
0x14d: {  	s19 =	sadd.s32 s19, s15  }
0x14e: {  	s1 =	sshrl.u32 s19, $0x3;
	[tilespmem:$0x16A80] =	vst v0  }
0x14f: {  	s19 =	simm.s32 $0x0;
	s30 =	sadd.s32 s7, s1;
	[tilespmem:$0x16A90] =	vst v1  }
0x150: {  	[tilespmem:s28], [sflag:$0x2] =	stream.linear.gather [hbm4b:s30+s19], $0x20, $0x38;
	[tilespmem:$0x1CB80] =	vst v63  }
0x151: {  	s1 =	sadd.s32 s8, s1  }
0x152: {  	[tilespmem:s29], [sflag:$0x2] =	stream.linear.gather [hbm4b:s1+s19], $0x20, $0x38;
	[tilespmem:$0x1CB80] =	vst v63  }
.LBB2_9:
0x153: {  	s1 =	sshll.u32 s19, $0x7  }
0x154: {  	v48 =	vld [tilespmem:s1+$0x17B80]  }
0x155: {  	v49 =	vld [tilespmem:s1+$0x17B90]  }
0x156: {  	v43 =	vld [tilespmem:s1+$0x17BA0]  }
0x157: {  	v44 =	vld [tilespmem:s1+$0x17BB0]  }
0x158: {  	v35 =	vld [tilespmem:s1+$0x17BC0]  }
0x159: {  	v38 =	vld [tilespmem:s1+$0x17BD0]  }
0x15a: {  	v39 =	vld [tilespmem:s1+$0x17BE0]  }
0x15b: {  	v40 =	vld [tilespmem:s1+$0x17BF0]  }
0x15c: {  	v0 =	vld [tilespmem:s1+$0x19B80]  }
0x15d: {  	v1 =	vld [tilespmem:s1+$0x19B90]  }
0x15e: {  	v2 =	vld [tilespmem:s1+$0x19BA0]  }
0x15f: {  	v5 =	vld [tilespmem:s1+$0x19BB0]  }
0x160: {  	v9 =	vld [tilespmem:s1+$0x19BC0]  }
0x161: {  	v10 =	vld [tilespmem:s1+$0x19BD0]  }
0x162: {  	v11 =	vld [tilespmem:s1+$0x19BE0]  }
0x163: {  	v12 =	vld [tilespmem:s1+$0x19BF0]  }
0x164: {  	v47 =	vld [tilespmem:s1+$0x17C00]  }
0x165: {  	v45 =	vld [tilespmem:s1+$0x17C10]  }
0x166: {  	v46 =	vld [tilespmem:s1+$0x17C20]  }
0x167: {  	v41 =	vld [tilespmem:s1+$0x17C30]  }
0x168: {  	v42 =	vld [tilespmem:s1+$0x17C40]  }
0x169: {  	v36 =	vld [tilespmem:s1+$0x17C50]  }
0x16a: {  	v37 =	vld [tilespmem:s1+$0x17C60]  }
0x16b: {  	v33 =	vld [tilespmem:s1+$0x17C70]  }
0x16c: {  	v13 =	vld [tilespmem:s1+$0x19C00]  }
0x16d: {  	v14 =	vld [tilespmem:s1+$0x19C10]  }
0x16e: {  	v15 =	vld [tilespmem:s1+$0x19C20]  }
0x16f: {  	v16 =	vld [tilespmem:s1+$0x19C30]  }
0x170: {  	v21 =	vld [tilespmem:s1+$0x19C40]  }
0x171: {  	v22 =	vld [tilespmem:s1+$0x19C50]  }
0x172: {  	v24 =	vld [tilespmem:s1+$0x19C60]  }
0x173: {  	v25 =	vld [tilespmem:s1+$0x19C70]  }
0x174: {  	v34 =	vld [tilespmem:s1+$0x17C80]  }
0x175: {  	v32 =	vld [tilespmem:s1+$0x17C90]  }
0x176: {  	v26 =	vld [tilespmem:s1+$0x17CA0]  }
0x177: {  	v27 =	vld [tilespmem:s1+$0x17CB0]  }
0x178: {  	v23 =	vld [tilespmem:s1+$0x17CC0]  }
0x179: {  	v19 =	vld [tilespmem:s1+$0x17CD0]  }
0x17a: {  	v20 =	vld [tilespmem:s1+$0x17CE0]  }
0x17b: {  	v18 =	vld [tilespmem:s1+$0x17CF0]  }
0x17c: {  	v28 =	vld [tilespmem:s1+$0x19C80]  }
0x17d: {  	v29 =	vld [tilespmem:s1+$0x19C90]  }
0x17e: {  	v30 =	vld [tilespmem:s1+$0x19CA0]  }
0x17f: {  	v8 =	vld [tilespmem:s1+$0x19CB0]  }
0x180: {  	v50 =	vld [tilespmem:s1+$0x19CC0]  }
0x181: {  	v51 =	vld [tilespmem:s1+$0x19CD0]  }
0x182: {  	v52 =	vld [tilespmem:s1+$0x19CE0]  }
0x183: {  	v53 =	vld [tilespmem:s1+$0x19CF0]  }
0x184: {  	v17 =	vld [tilespmem:s1+$0x17D00]  }
0x185: {  	v31 =	vld [tilespmem:s1+$0x17D10]  }
0x186: {  	v3 =	vld [tilespmem:s1+$0x17D20]  }
0x187: {  	v4 =	vld [tilespmem:s1+$0x17D40]  }
0x188: {  	v6 =	vld [tilespmem:s1+$0x17D60]  }
0x189: {  	v7 =	vld [tilespmem:s1+$0x17D70]  }
0x18a: {  	v54 =	vld [tilespmem:s1+$0x19D00]  }
0x18b: {  	v55 =	vld [tilespmem:s1+$0x19D10]  }
0x18c: {  	v56 =	vld [tilespmem:s1+$0x19D20];
	v0 =	vmul.f32 v0, v48;
	v1 =	vmul.f32 v1, v49  }
0x18d: {  	v57 =	vld [tilespmem:s1+$0x19D30]  }
0x18e: {  	v58 =	vmul.f32 v2, v43;
	v2 =	vld [tilespmem:s1+$0x17D30];
	v0 =	vadd.f32 v1, v0  }
0x18f: {  	v59 =	vmul.f32 v5, v44;
	v5 =	vld [tilespmem:s1+$0x17D50];
	v60 =	vmul.f32 v9, v35  }
0x190: {  	v62 =	vmul.f32 v13, v47;
	v13 =	vmul.f32 v11, v39;
	v11 =	vld [tilespmem:s1+$0x17D90];
	v0 =	vadd.f32 v58, v0  }
0x191: {  	v61 =	vmul.f32 v10, v38;
	v63 =	vmul.f32 v14, v45;
	v10 =	vld [tilespmem:s1+$0x17DB0]  }
0x192: {  	v14 =	vmul.f32 v15, v46;
	v15 =	vmul.f32 v12, v40;
	v12 =	vld [tilespmem:s1+$0x17DC0];
	v0 =	vadd.f32 v59, v0  }
0x193: {  	v9 =	vadd.f32 v63, v62;
	v1 =	vld [tilespmem:s1+$0x19D50]  }
0x194: {  	v58 =	vld [tilespmem:s1+$0x19D40];
	v0 =	vadd.f32 v60, v0  }
0x195: {  	v16 =	vmul.f32 v16, v41;
	v9 =	vadd.f32 v14, v9;
	v14 =	vld [tilespmem:s1+$0x17DF0]  }
0x196: {  	v59 =	vld [tilespmem:s1+$0x19D60];
	v0 =	vadd.f32 v61, v0  }
0x197: {  	v63 =	vmul.f32 v21, v42;
	v9 =	vadd.f32 v16, v9;
	v16 =	vld [tilespmem:s1+$0x17DA0]  }
0x198: {  	v60 =	vld [tilespmem:s1+$0x19D70];
	v0 =	vadd.f32 v13, v0  }
0x199: {  	v21 =	vadd.f32 v63, v9;
	v63 =	vmul.f32 v28, v34;
	v9 =	vld [tilespmem:s1+$0x17DE0];
	v28 =	vmul.f32 v25, v33  }
0x19a: {  	v25 =	vmul.f32 v52, v20;
	v52 =	vld [tilespmem:s1+$0x19DF0];
	v61 =	vmul.f32 v22, v36;
	v0 =	vadd.f32 v15, v0  }
0x19b: {  	v62 =	vmul.f32 v24, v37;
	v24 =	vmul.f32 v29, v32;
	v13 =	vld [tilespmem:s1+$0x17DD0]  }
0x19c: {  	v15 =	vld [tilespmem:s1+$0x17D80];
	(xrf2) =	vadd.scan.msk.f32 $0xffff, v0;
	v0 =	vadd.f32 v61, v21  }
0x19d: {  	v29 =	vmul.f32 v30, v26;
	v21 =	vadd.f32 v24, v63;
	v61 =	vld [tilespmem:s1+$0x19D80]  }
0x19e: {  	v63 =	vld [tilespmem:s1+$0x19DA0];
	v0 =	vadd.f32 v62, v0  }
0x19f: {  	v30 =	vmul.f32 v8, v27;
	v24 =	vld [tilespmem:s1+$0x19DC0];
	v21 =	vadd.f32 v29, v21  }
0x1a0: {  	v62 =	vld [tilespmem:s1+$0x19D90];
	v0 =	vadd.f32 v28, v0  }
0x1a1: {  	v8 =	vadd.f32 v30, v21;
	v28 =	vmul.f32 v50, v23;
	v50 =	vld [tilespmem:s1+$0x19DB0]  }
0x1a2: {  	[tilespmem:$0x1FF50] =	vst v3;
	v56 =	vmul.f32 v56, v3;
	v30 =	vmul.f32 v51, v19;
	v51 =	vld [tilespmem:s1+$0x19DD0];
	(xrf2) =	vadd.scan.msk.f32 $0xffff, v0  }
0x1a3: {  	[tilespmem:$0x1FF70] =	vst v4;
	v3 =	vmul.f32 v57, v2;
	v1 =	vmul.f32 v1, v5;
	v21 =	vld [tilespmem:s1+$0x17E00];
	v0 =	vadd.f32 v28, v8  }
0x1a4: {  	[tilespmem:$0x1FF60] =	vst v2;
	v2 =	vmul.f32 v58, v4;
	v4 =	vmov v5;
	v5 =	vmul.f32 v61, v15;
	v61 =	vld [tilespmem:s1+$0x19E30]  }
0x1a5: {  	v8 =	vld [tilespmem:s1+$0x19DE0];
	v0 =	vadd.f32 v30, v0  }
0x1a6: {  	v28 =	vmul.f32 v54, v17;
	v54 =	vmul.f32 v55, v31;
	v30 =	vld [tilespmem:s1+$0x17E40];
	v29, _, _ =	vpop (xrf2)  }
0x1a7: {  	v55 =	vmul.f32 v53, v18;
	v25 =	vadd.f32 v25, v0;
	v0 =	vld [tilespmem:s1+$0x17E30];
	v22 =	vmul.f32 $1.442695020e+00, v29  }
0x1a8: {  	v29 =	vadd.f32 v54, v28;
	v28 =	vld [tilespmem:s1+$0x17E20]  }
0x1a9: {  	v25 =	vadd.f32 v55, v25;
	v55 =	vld [tilespmem:s1+$0x19E00];
	v22 =	vbroadcast v22, $0xF  }
0x1aa: {  	[tilespmem:$0x1FF40] =	vst v31;
	v31 =	vadd.f32 v56, v29;
	v29 =	vld [tilespmem:s1+$0x17E50]  }
0x1ab: {  	v56 =	vld [tilespmem:s1+$0x19E10];
	(erf) = vpow2.f32 v22  }
0x1ac: {  	v22 =	vld [tilespmem:s1+$0x17E10];
	v57, _, _ =	vpop (xrf2);
	(xrf2) =	vadd.scan.msk.f32 $0xffff, v25  }
0x1ad: {  	v53 =	vadd.f32 v3, v31;
	v31 =	vld [tilespmem:s1+$0x17E60]  }
0x1ae: {  	[tilespmem:$0x1FF80] =	vst v6;
	v3 =	vmul.f32 v59, v6;
	v6 =	vmul.f32 v62, v11;
	v62 =	vld [tilespmem:s1+$0x19E50]  }
0x1af: {  	v25 =	vld [tilespmem:s1+$0x17E70];
	v54 =	vmul.f32 $1.442695020e+00, v57  }
0x1b0: {  	v53 =	vadd.f32 v2, v53;
	v58 =	vadd.f32 v6, v5;
	v5 =	vmul.f32 v63, v16;
	v63 =	vld [tilespmem:s1+$0x19E60]  }
0x1b1: {  	v2 =	vld [tilespmem:s1+$0x19E80];
	v54 =	vbroadcast v54, $0xF  }
0x1b2: {  	v60 =	vmul.f32 v60, v7;
	v24 =	vmul.f32 v24, v12;
	v1 =	vadd.f32 v1, v53;
	v53 =	vld [tilespmem:s1+$0x19E40]  }
0x1b3: {  	v50 =	vmul.f32 v50, v10;
	v6 =	vadd.f32 v5, v58;
	v58 =	vld [tilespmem:s1+$0x19E70];
	(erf) = vpow2.f32 v54  }
0x1b4: {  	v5 =	vmul.f32 v55, v21;
	v54 =	vld [tilespmem:s1+$0x19E20];
	v1 =	vadd.f32 v3, v1;
	v3 =	vmul.f32 v51, v13;
	v57 =	vpop (erf)  }
0x1b5: {  	v51 =	vld [tilespmem:s1+$0x19EB0];
	v48 =	vmul.f32 v57, v48;
	v49 =	vmul.f32 v57, v49  }
0x1b6: {  	[tilespmem:$0x1FF90] =	vst v7;
	v43 =	vmul.f32 v57, v43;
	v59 =	vmul.f32 v57, v38;
	v38 =	vld [tilespmem:s1+$0x17E90];
	v7, _, _ =	vpop (xrf2)  }
0x1b7: {  	v1 =	vadd.f32 v60, v1;
	[tilespmem:s1+$0x17B90] =	vst v49;
	v49 =	vmul.f32 v57, v35;
	v35 =	vld [tilespmem:s1+$0x17E80];
	v60 =	vmul.f32 $1.442695020e+00, v7  }
0x1b8: {  	[tilespmem:s1+$0x17B80] =	vst v48;
	v48 =	vadd.f32 v50, v6;
	v50 =	vmul.f32 v57, v39;
	v39 =	vld [tilespmem:s1+$0x17EA0];
	v6 =	vmul.f32 v56, v22  }
0x1b9: {  	v44 =	vmul.f32 v57, v44;
	[tilespmem:s1+$0x1BB80] =	vst v57;
	(xrf2) =	vadd.scan.msk.f32 $0xffff, v1;
	v57 =	vmul.f32 v57, v40;
	v40 =	vld [tilespmem:s1+$0x17EB0]  }
0x1ba: {  	[tilespmem:s1+$0x17BA0] =	vst v43;
	v43 =	vld [tilespmem:s1+$0x17EC0];
	v1 =	vbroadcast v60, $0xF;
	v60 =	vadd.f32 v6, v5;
	v5 =	vmul.f32 v54, v28  }
0x1bb: {  	[tilespmem:s1+$0x17BB0] =	vst v44;
	v56 =	vmul.f32 v8, v9;
	v44 =	vld [tilespmem:s1+$0x17ED0];
	v24 =	vadd.f32 v24, v48;
	v6 =	vmul.f32 v52, v14  }
0x1bc: {  	v8 =	vld [tilespmem:s1+$0x19E90];
	[tilespmem:s1+$0x17BC0] =	vst v49;
	v49 =	vpop (erf);
	(erf) = vpow2.f32 v1;
	v48 =	vadd.f32 v5, v60;
	v5 =	vmul.f32 v62, v29  }
0x1bd: {  	[tilespmem:s1+$0x17BD0] =	vst v59;
	v7 =	vadd.f32 v3, v24;
	v24 =	vld [tilespmem:s1+$0x19ED0];
	v59 =	vmul.f32 v49, v47;
	v45 =	vmul.f32 v49, v45  }
0x1be: {  	v62 =	vld [tilespmem:s1+$0x19F00];
	v46 =	vmul.f32 v49, v46;
	v55 =	vmul.f32 v49, v41  }
0x1bf: {  	v47 =	vld [tilespmem:s1+$0x17EE0];
	v42 =	vmul.f32 v49, v42;
	v36 =	vmul.f32 v49, v36  }
0x1c0: {  	v41 =	vld [tilespmem:s1+$0x17EF0];
	v37 =	vmul.f32 v49, v37;
	v2 =	vmul.f32 v2, v35  }
0x1c1: {  	v52 =	vmul.f32 v8, v38;
	[tilespmem:s1+$0x1BC00] =	vst v49;
	v49 =	vmul.f32 v49, v33;
	v33 =	vld [tilespmem:s1+$0x17F00]  }
0x1c2: {  	[tilespmem:s1+$0x17C00] =	vst v59;
	v59 =	vld [tilespmem:s1+$0x19EA0]  }
0x1c3: {  	v1 =	vadd.f32 v56, v7;
	v7 =	vmul.f32 v61, v0;
	v2 =	vadd.f32 v52, v2;
	v52 =	vld [tilespmem:s1+$0x19EF0]  }
0x1c4: {  	[tilespmem:s1+$0x17C30] =	vst v55;
	v55 =	vld [tilespmem:s1+$0x19F30]  }
0x1c5: {  	[tilespmem:s1+$0x17BF0] =	vst v57;
	v57 =	vmul.f32 v53, v30;
	v1 =	vadd.f32 v6, v1;
	v56 =	vadd.f32 v7, v48;
	v6 =	vld [tilespmem:s1+$0x19EC0];
	v60, _, _ =	vpop (xrf2)  }
0x1c6: {  	[tilespmem:s1+$0x17C50] =	vst v36;
	v36 =	vld [tilespmem:s1+$0x19F60];
	v61 =	vmul.f32 $1.442695020e+00, v60  }
0x1c7: {  	v8 =	vmul.f32 v63, v31;
	[tilespmem:s1+$0x17C10] =	vst v45;
	v48 =	vld [tilespmem:s1+$0x19F20];
	(xrf2) =	vadd.scan.msk.f32 $0xffff, v1;
	v45 =	vadd.f32 v57, v56  }
0x1c8: {  	v56 =	vld [tilespmem:s1+$0x19EE0];
	v60 =	vmul.f32 v58, v25;
	v1 =	vbroadcast v61, $0xF  }
0x1c9: {  	[tilespmem:s1+$0x17BE0] =	vst v50;
	v7 =	vadd.f32 v5, v45;
	v50 =	vmul.f32 v59, v39;
	v58 =	vmul.f32 v52, v41;
	v52 =	vld [tilespmem:s1+$0x19F70]  }
0x1ca: {  	v61 =	vmul.f32 v51, v40;
	v53 =	vpop (erf);
	v5 =	vmul.f32 v6, v43;
	v6 =	vld [tilespmem:s1+$0x19F10]  }
0x1cb: {  	[tilespmem:s1+$0x17C20] =	vst v46;
	(erf) = vpow2.f32 v1;
	v57 =	vmul.f32 v53, v34;
	v59 =	vadd.f32 v8, v7;
	v34 =	vld [tilespmem:s1+$0x17F10]  }
0x1cc: {  	[tilespmem:s1+$0x17C40] =	vst v42;
	v2 =	vadd.f32 v50, v2;
	v7 =	vmul.f32 v53, v26;
	v26 =	vld [tilespmem:s1+$0x17F20];
	v23 =	vmul.f32 v53, v23  }
0x1cd: {  	[tilespmem:s1+$0x17C70] =	vst v49;
	v49 =	vmul.f32 v53, v19;
	v19 =	vld [tilespmem:s1+$0x17F30];
	v54 =	vmul.f32 v56, v47  }
0x1ce: {  	[tilespmem:s1+$0x17C60] =	vst v37;
	v56 =	vmul.f32 v62, v33;
	v62 =	vld [tilespmem:$0x1FF40];
	v63 =	vadd.f32 v60, v59;
	v2 =	vadd.f32 v61, v2  }
0x1cf: {  	v42 =	vmul.f32 v24, v44;
	[tilespmem:s1+$0x17CC0] =	vst v23;
	v23 =	vld [tilespmem:s1+$0x17F40]  }
0x1d0: {  	v32 =	vmul.f32 v53, v32;
	[tilespmem:s1+$0x17C80] =	vst v57;
	v57 =	vld [tilespmem:s1+$0x19F40];
	(xrf2) =	vadd.scan.msk.f32 $0xffff, v63;
	v8 =	vadd.f32 v5, v2  }
0x1d1: {  	v27 =	vmul.f32 v53, v27;
	[tilespmem:s1+$0x1BC80] =	vst v53;
	v59 =	vld [tilespmem:s1+$0x19F50];
	v37 =	vmul.f32 v6, v34;
	v50, _, _ =	vpop (xrf2)  }
0x1d2: {  	[tilespmem:s1+$0x17C90] =	vst v32;
	v24 =	vmul.f32 v48, v26;
	v48 =	vld [tilespmem:$0x1FF60];
	v1 =	vadd.f32 v42, v8;
	v51 =	vmul.f32 $1.442695020e+00, v50  }
0x1d3: {  	v20 =	vmul.f32 v53, v20;
	v18 =	vmul.f32 v53, v18;
	[tilespmem:s1+$0x17CA0] =	vst v7;
	v42 =	vld [tilespmem:s1+$0x17F50]  }
0x1d4: {  	[tilespmem:s1+$0x17CB0] =	vst v27;
	v37 =	vadd.f32 v37, v56;
	v50 =	vld [tilespmem:$0x1FF70];
	v1 =	vadd.f32 v54, v1;
	v27 =	vbroadcast v51, $0xF  }
0x1d5: {  	[tilespmem:s1+$0x17CD0] =	vst v49;
	v61 =	vmul.f32 v55, v19;
	v2 =	vmul.f32 v57, v23;
	v57 =	vld [tilespmem:$0x1FF80]  }
0x1d6: {  	[tilespmem:s1+$0x17CE0] =	vst v20;
	v32 =	vpop (erf);
	v60 =	vadd.f32 v24, v37;
	v24 =	vld [tilespmem:s1+$0x17F60];
	v1 =	vadd.f32 v58, v1;
	(erf) = vpow2.f32 v27  }
0x1d7: {  	[tilespmem:s1+$0x17CF0] =	vst v18;
	v37 =	vld [tilespmem:$0x1FF50];
	v17 =	vmul.f32 v32, v17;
	v63 =	vmul.f32 v32, v62  }
0x1d8: {  	[tilespmem:s1+$0x1BD00] =	vst v32;
	v18 =	vadd.f32 v61, v60;
	v54 =	vmul.f32 v59, v42;
	v59 =	vld [tilespmem:$0x1FF90];
	(xrf2) =	vadd.scan.msk.f32 $0xffff, v1  }
0x1d9: {  	v49 =	vmul.f32 v32, v48;
	[tilespmem:s1+$0x17D00] =	vst v17;
	v1 =	vld [tilespmem:s1+$0x17F70]  }
0x1da: {  	v4 =	vmul.f32 v32, v4;
	[tilespmem:s1+$0x17D10] =	vst v63;
	v2 =	vadd.f32 v2, v18;
	v46, _, _ =	vpop (xrf2)  }
0x1db: {  	v51 =	vmul.f32 v32, v50;
	[tilespmem:s1+$0x17D30] =	vst v49;
	v53 =	vmul.f32 $1.442695020e+00, v46  }
0x1dc: {  	v58 =	vmul.f32 v32, v57;
	[tilespmem:s1+$0x17D50] =	vst v4;
	v56 =	vmul.f32 v36, v24;
	v2 =	vadd.f32 v54, v2  }
0x1dd: {  	v45 =	vmul.f32 v32, v37;
	[tilespmem:s1+$0x17D40] =	vst v51;
	v55 =	vbroadcast v53, $0xF  }
0x1de: {  	[tilespmem:s1+$0x17D60] =	vst v58;
	v3 =	vmul.f32 v32, v59;
	v2 =	vadd.f32 v56, v2;
	v61 =	vmul.f32 v52, v1  }
0x1df: {  	[tilespmem:s1+$0x17D20] =	vst v45;
	v60 =	vpop (erf);
	(erf) = vpow2.f32 v55  }
0x1e0: {  	[tilespmem:s1+$0x17D70] =	vst v3;
	v2 =	vadd.f32 v61, v2;
	v62 =	vmul.f32 v60, v15  }
0x1e1: {  	v63 =	vmul.f32 v60, v11;
	[tilespmem:s1+$0x1BD80] =	vst v60  }
0x1e2: {  	v8 =	vmul.f32 v60, v16;
	v11, _, _ =	vpop (xrf2);
	(xrf2) =	vadd.scan.msk.f32 $0xffff, v2;
	[tilespmem:s1+$0x17D80] =	vst v62  }
0x1e3: {  	v15 =	vmul.f32 v60, v10;
	[tilespmem:s1+$0x17D90] =	vst v63  }
0x1e4: {  	v16 =	vmul.f32 v60, v12;
	[tilespmem:s1+$0x17DA0] =	vst v8;
	v3 =	vmul.f32 $1.442695020e+00, v11  }
0x1e5: {  	v17 =	vmul.f32 v60, v13;
	[tilespmem:s1+$0x17DB0] =	vst v15  }
0x1e6: {  	v18 =	vmul.f32 v60, v9;
	[tilespmem:s1+$0x17DC0] =	vst v16;
	v3 =	vbroadcast v3, $0xF  }
0x1e7: {  	v4 =	vmul.f32 v60, v14;
	[tilespmem:s1+$0x17DD0] =	vst v17  }
0x1e8: {  	[tilespmem:s1+$0x17DE0] =	vst v18;
	v20 =	vpop (erf);
	(erf) = vpow2.f32 v3  }
0x1e9: {  	[tilespmem:s1+$0x17DF0] =	vst v4;
	v21 =	vmul.f32 v20, v21  }
0x1ea: {  	v22 =	vmul.f32 v20, v22;
	[tilespmem:s1+$0x1BE00] =	vst v20  }
0x1eb: {  	v27 =	vmul.f32 v20, v28;
	[tilespmem:s1+$0x17E00] =	vst v21  }
0x1ec: {  	v0 =	vmul.f32 v20, v0;
	v28 =	vmul.f32 v20, v30;
	[tilespmem:s1+$0x17E10] =	vst v22;
	v30, _, _ =	vpop (xrf2)  }
0x1ed: {  	[tilespmem:s1+$0x17E20] =	vst v27;
	v3 =	vmul.f32 $1.442695020e+00, v30  }
0x1ee: {  	v32 =	vmul.f32 v20, v29;
	[tilespmem:s1+$0x17E30] =	vst v0  }
0x1ef: {  	v36 =	vmul.f32 v20, v31;
	[tilespmem:s1+$0x17E40] =	vst v28;
	v37 =	vbroadcast v3, $0xF  }
0x1f0: {  	v45 =	vmul.f32 v20, v25;
	[tilespmem:s1+$0x17E50] =	vst v32  }
0x1f1: {  	[tilespmem:s1+$0x17E60] =	vst v36;
	v46 =	vpop (erf);
	(erf) = vpow2.f32 v37  }
0x1f2: {  	[tilespmem:s1+$0x17E70] =	vst v45;
	v48 =	vmul.f32 v46, v35  }
0x1f3: {  	v49 =	vmul.f32 v46, v38;
	[tilespmem:s1+$0x1BE80] =	vst v46  }
0x1f4: {  	v50 =	vmul.f32 v46, v39;
	[tilespmem:s1+$0x17E80] =	vst v48  }
0x1f5: {  	v51 =	vmul.f32 v46, v40;
	[tilespmem:s1+$0x17E90] =	vst v49  }
0x1f6: {  	v52 =	vmul.f32 v46, v43;
	[tilespmem:s1+$0x17EA0] =	vst v50  }
0x1f7: {  	v53 =	vmul.f32 v46, v44;
	[tilespmem:s1+$0x17EB0] =	vst v51  }
0x1f8: {  	v54 =	vmul.f32 v46, v47;
	[tilespmem:s1+$0x17EC0] =	vst v52  }
0x1f9: {  	v55 =	vmul.f32 v46, v41;
	[tilespmem:s1+$0x17ED0] =	vst v53  }
0x1fa: {  	[tilespmem:s1+$0x17EE0] =	vst v54;
	v56 =	vpop (erf)  }
0x1fb: {  	[tilespmem:s1+$0x17EF0] =	vst v55;
	v57 =	vmul.f32 v56, v33  }
0x1fc: {  	[tilespmem:s1+$0x1BF00] =	vst v56;
	v58 =	vmul.f32 v56, v34  }
0x1fd: {  	v59 =	vmul.f32 v56, v26;
	[tilespmem:s1+$0x17F00] =	vst v57  }
0x1fe: {  	v60 =	vmul.f32 v56, v19;
	[tilespmem:s1+$0x17F10] =	vst v58  }
0x1ff: {  	p1 =	slt.u32 s19, $0x18;
	v61 =	vmul.f32 v56, v23;
	[tilespmem:s1+$0x17F20] =	vst v59  }
.Ltmp3:
0x200: {  	v62 =	vmul.f32 v56, v42;
	[tilespmem:s1+$0x17F30] =	vst v60;
	(pc) =	sbr.rel @p1 .LBB2_9-.Ltmp3, $4  }
0x201: {  	v63 =	vmul.f32 v56, v24;
	[tilespmem:s1+$0x17F40] =	vst v61  }
0x202: {  	v1 =	vmul.f32 v56, v1;
	[tilespmem:s1+$0x17F50] =	vst v62  }
0x203: {  	[tilespmem:s1+$0x17F60] =	vst v63  }
0x204: {  	s19 =	sadd.s32 $0x8, s19;
	[tilespmem:s1+$0x17F70] =	vst v1  }
0x205: {  	s3 =	sadd.s32 $0x1, s3  }
0x206: {  	p1 =	sne.s32 s3, $0x9C  }
.Ltmp4:
0x207: {  	_ = 	snop;
	(pc) =	sbr.rel @p1 .LBB2_6-.Ltmp4, $4  }
0x208: {  	_ = 	snop  }
0x209: {  	[spmem:s4] =	stream.indirect.scatter.add.f32 [tilespmem:s0], [sflag:$0x6], $0x80, s16, s20, $0xb8;
	[tilespmem:$0x1CB80] =	vst v63  }
0x20a: {  	s1 =	simm.s32 $0x1BB80  }
0x20b: {  	[spmem:s5] =	stream.indirect.scatter.add.f32 [tilespmem:s1], [sflag:$0x6], $0x10, s16, s20, $0xb8;
	[tilespmem:$0x1CB80] =	vst v63  }
0x20c: {  	_ =	swait.ge [sflag:s31], $0x1000  }
0x20d: {  	[sflag:s31] =	ssyncset.done $0x0  }
0x20e: {  	[sflag:s31] =	ssyncadd.s32 $0xFFFFF000  }
0x20f: {  	_ =	swait.ge [sflag:s31], $0x1000  }
0x210: {  	[sflag:s31] =	ssyncset.done $0x0  }
0x211: {  	s1 =	simm.s32 $0x2;
	[sflag:s31] =	ssyncadd.s32 $0xFFFFF000  }
0x212: {  	_ =	swait.ge [sflag:s1], $0x20  }
0x213: {  	[sflag:s1] =	ssyncset.done $0x0  }
0x214: {  	[sflag:s1] =	ssyncadd.s32 $0xFFFFFFE0  }
0x215: {  	_ =	swait.ge [sflag:s1], $0x20  }
0x216: {  	[sflag:s1] =	ssyncset.done $0x0  }
0x217: {  	s30 =	simm.s32 $0x6;
	[sflag:s1] =	ssyncadd.s32 $0xFFFFFFE0  }
0x218: {  	_ =	swait.ge [sflag:s30], $0x1000  }
.Ltmp5:
0x219: {  	[sflag:s30] =	ssyncset.done $0x0;
	(pc) =	sbr.rel @p0 .LBB2_14-.Ltmp5, $4  }
0x21a: {  	[sflag:s30] =	ssyncadd.s32 $0xFFFFF000  }
0x21b: {  	_ =	swait.ge [sflag:s30], $0x200  }
0x21c: {  	[sflag:s30] =	ssyncset.done $0x0  }
0x21d: {  	s3 =	simm.s32 $0x0;
	[sflag:s30] =	ssyncadd.s32 $0xFFFFFE00  }
.LBB2_12:
0x21e: {  	s1 =	sshll.u32 s3, $0x7  }
0x21f: {  	v48 =	vld [tilespmem:s1+$0x16B80]  }
0x220: {  	v49 =	vld [tilespmem:s1+$0x16B90]  }
0x221: {  	v43 =	vld [tilespmem:s1+$0x16BA0]  }
0x222: {  	v44 =	vld [tilespmem:s1+$0x16BB0]  }
0x223: {  	v35 =	vld [tilespmem:s1+$0x16BC0]  }
0x224: {  	v38 =	vld [tilespmem:s1+$0x16BD0]  }
0x225: {  	v39 =	vld [tilespmem:s1+$0x16BE0]  }
0x226: {  	v40 =	vld [tilespmem:s1+$0x16BF0]  }
0x227: {  	v0 =	vld [tilespmem:s1+$0x18B80]  }
0x228: {  	v1 =	vld [tilespmem:s1+$0x18B90]  }
0x229: {  	v2 =	vld [tilespmem:s1+$0x18BA0]  }
0x22a: {  	v5 =	vld [tilespmem:s1+$0x18BB0]  }
0x22b: {  	v9 =	vld [tilespmem:s1+$0x18BC0]  }
0x22c: {  	v10 =	vld [tilespmem:s1+$0x18BD0]  }
0x22d: {  	v11 =	vld [tilespmem:s1+$0x18BE0]  }
0x22e: {  	v12 =	vld [tilespmem:s1+$0x18BF0]  }
0x22f: {  	v47 =	vld [tilespmem:s1+$0x16C00]  }
0x230: {  	v45 =	vld [tilespmem:s1+$0x16C10]  }
0x231: {  	v46 =	vld [tilespmem:s1+$0x16C20]  }
0x232: {  	v41 =	vld [tilespmem:s1+$0x16C30]  }
0x233: {  	v42 =	vld [tilespmem:s1+$0x16C40]  }
0x234: {  	v36 =	vld [tilespmem:s1+$0x16C50]  }
0x235: {  	v37 =	vld [tilespmem:s1+$0x16C60]  }
0x236: {  	v33 =	vld [tilespmem:s1+$0x16C70]  }
0x237: {  	v13 =	vld [tilespmem:s1+$0x18C00]  }
0x238: {  	v14 =	vld [tilespmem:s1+$0x18C10]  }
0x239: {  	v15 =	vld [tilespmem:s1+$0x18C20]  }
0x23a: {  	v16 =	vld [tilespmem:s1+$0x18C30]  }
0x23b: {  	v21 =	vld [tilespmem:s1+$0x18C40]  }
0x23c: {  	v22 =	vld [tilespmem:s1+$0x18C50]  }
0x23d: {  	v24 =	vld [tilespmem:s1+$0x18C60]  }
0x23e: {  	v25 =	vld [tilespmem:s1+$0x18C70]  }
0x23f: {  	v34 =	vld [tilespmem:s1+$0x16C80]  }
0x240: {  	v32 =	vld [tilespmem:s1+$0x16C90]  }
0x241: {  	v26 =	vld [tilespmem:s1+$0x16CA0]  }
0x242: {  	v27 =	vld [tilespmem:s1+$0x16CB0]  }
0x243: {  	v23 =	vld [tilespmem:s1+$0x16CC0]  }
0x244: {  	v19 =	vld [tilespmem:s1+$0x16CD0]  }
0x245: {  	v20 =	vld [tilespmem:s1+$0x16CE0]  }
0x246: {  	v18 =	vld [tilespmem:s1+$0x16CF0]  }
0x247: {  	v28 =	vld [tilespmem:s1+$0x18C80]  }
0x248: {  	v29 =	vld [tilespmem:s1+$0x18C90]  }
0x249: {  	v30 =	vld [tilespmem:s1+$0x18CA0]  }
0x24a: {  	v8 =	vld [tilespmem:s1+$0x18CB0]  }
0x24b: {  	v50 =	vld [tilespmem:s1+$0x18CC0]  }
0x24c: {  	v51 =	vld [tilespmem:s1+$0x18CD0]  }
0x24d: {  	v52 =	vld [tilespmem:s1+$0x18CE0]  }
0x24e: {  	v53 =	vld [tilespmem:s1+$0x18CF0]  }
0x24f: {  	v17 =	vld [tilespmem:s1+$0x16D00]  }
0x250: {  	v31 =	vld [tilespmem:s1+$0x16D10]  }
0x251: {  	v3 =	vld [tilespmem:s1+$0x16D20]  }
0x252: {  	v4 =	vld [tilespmem:s1+$0x16D40]  }
0x253: {  	v6 =	vld [tilespmem:s1+$0x16D60]  }
0x254: {  	v7 =	vld [tilespmem:s1+$0x16D70]  }
0x255: {  	v54 =	vld [tilespmem:s1+$0x18D00]  }
0x256: {  	v55 =	vld [tilespmem:s1+$0x18D10]  }
0x257: {  	v56 =	vld [tilespmem:s1+$0x18D20];
	v0 =	vmul.f32 v0, v48;
	v1 =	vmul.f32 v1, v49  }
0x258: {  	v57 =	vld [tilespmem:s1+$0x18D30]  }
0x259: {  	v58 =	vmul.f32 v2, v43;
	v2 =	vld [tilespmem:s1+$0x16D30];
	v0 =	vadd.f32 v1, v0  }
0x25a: {  	v59 =	vmul.f32 v5, v44;
	v5 =	vld [tilespmem:s1+$0x16D50];
	v60 =	vmul.f32 v9, v35  }
0x25b: {  	v62 =	vmul.f32 v13, v47;
	v13 =	vmul.f32 v11, v39;
	v11 =	vld [tilespmem:s1+$0x16D90];
	v0 =	vadd.f32 v58, v0  }
0x25c: {  	v61 =	vmul.f32 v10, v38;
	v63 =	vmul.f32 v14, v45;
	v10 =	vld [tilespmem:s1+$0x16DB0]  }
0x25d: {  	v14 =	vmul.f32 v15, v46;
	v15 =	vmul.f32 v12, v40;
	v12 =	vld [tilespmem:s1+$0x16DC0];
	v0 =	vadd.f32 v59, v0  }
0x25e: {  	v9 =	vadd.f32 v63, v62;
	v1 =	vld [tilespmem:s1+$0x18D50]  }
0x25f: {  	v58 =	vld [tilespmem:s1+$0x18D40];
	v0 =	vadd.f32 v60, v0  }
0x260: {  	v16 =	vmul.f32 v16, v41;
	v9 =	vadd.f32 v14, v9;
	v14 =	vld [tilespmem:s1+$0x16DF0]  }
0x261: {  	v59 =	vld [tilespmem:s1+$0x18D60];
	v0 =	vadd.f32 v61, v0  }
0x262: {  	v63 =	vmul.f32 v21, v42;
	v9 =	vadd.f32 v16, v9;
	v16 =	vld [tilespmem:s1+$0x16DA0]  }
0x263: {  	v60 =	vld [tilespmem:s1+$0x18D70];
	v0 =	vadd.f32 v13, v0  }
0x264: {  	v21 =	vadd.f32 v63, v9;
	v63 =	vmul.f32 v28, v34;
	v9 =	vld [tilespmem:s1+$0x16DE0];
	v28 =	vmul.f32 v25, v33  }
0x265: {  	v25 =	vmul.f32 v52, v20;
	v52 =	vld [tilespmem:s1+$0x18DF0];
	v61 =	vmul.f32 v22, v36;
	v0 =	vadd.f32 v15, v0  }
0x266: {  	v62 =	vmul.f32 v24, v37;
	v24 =	vmul.f32 v29, v32;
	v13 =	vld [tilespmem:s1+$0x16DD0]  }
0x267: {  	v15 =	vld [tilespmem:s1+$0x16D80];
	(xrf2) =	vadd.scan.msk.f32 $0xffff, v0;
	v0 =	vadd.f32 v61, v21  }
0x268: {  	v29 =	vmul.f32 v30, v26;
	v21 =	vadd.f32 v24, v63;
	v61 =	vld [tilespmem:s1+$0x18D80]  }
0x269: {  	v63 =	vld [tilespmem:s1+$0x18DA0];
	v0 =	vadd.f32 v62, v0  }
0x26a: {  	v30 =	vmul.f32 v8, v27;
	v24 =	vld [tilespmem:s1+$0x18DC0];
	v21 =	vadd.f32 v29, v21  }
0x26b: {  	v62 =	vld [tilespmem:s1+$0x18D90];
	v0 =	vadd.f32 v28, v0  }
0x26c: {  	v8 =	vadd.f32 v30, v21;
	v28 =	vmul.f32 v50, v23;
	v50 =	vld [tilespmem:s1+$0x18DB0]  }
0x26d: {  	[tilespmem:$0x1FEF0] =	vst v3;
	v56 =	vmul.f32 v56, v3;
	v30 =	vmul.f32 v51, v19;
	v51 =	vld [tilespmem:s1+$0x18DD0];
	(xrf2) =	vadd.scan.msk.f32 $0xffff, v0  }
0x26e: {  	[tilespmem:$0x1FF10] =	vst v4;
	v3 =	vmul.f32 v57, v2;
	v1 =	vmul.f32 v1, v5;
	v21 =	vld [tilespmem:s1+$0x16E00];
	v0 =	vadd.f32 v28, v8  }
0x26f: {  	[tilespmem:$0x1FF00] =	vst v2;
	v2 =	vmul.f32 v58, v4;
	v4 =	vmov v5;
	v5 =	vmul.f32 v61, v15;
	v61 =	vld [tilespmem:s1+$0x18E30]  }
0x270: {  	v8 =	vld [tilespmem:s1+$0x18DE0];
	v0 =	vadd.f32 v30, v0  }
0x271: {  	v28 =	vmul.f32 v54, v17;
	v54 =	vmul.f32 v55, v31;
	v30 =	vld [tilespmem:s1+$0x16E40];
	v29, _, _ =	vpop (xrf2)  }
0x272: {  	v55 =	vmul.f32 v53, v18;
	v25 =	vadd.f32 v25, v0;
	v0 =	vld [tilespmem:s1+$0x16E30];
	v22 =	vmul.f32 $1.442695020e+00, v29  }
0x273: {  	v29 =	vadd.f32 v54, v28;
	v28 =	vld [tilespmem:s1+$0x16E20]  }
0x274: {  	v25 =	vadd.f32 v55, v25;
	v55 =	vld [tilespmem:s1+$0x18E00];
	v22 =	vbroadcast v22, $0xF  }
0x275: {  	[tilespmem:$0x1FEE0] =	vst v31;
	v31 =	vadd.f32 v56, v29;
	v29 =	vld [tilespmem:s1+$0x16E50]  }
0x276: {  	v56 =	vld [tilespmem:s1+$0x18E10];
	(erf) = vpow2.f32 v22  }
0x277: {  	v22 =	vld [tilespmem:s1+$0x16E10];
	v57, _, _ =	vpop (xrf2);
	(xrf2) =	vadd.scan.msk.f32 $0xffff, v25  }
0x278: {  	v53 =	vadd.f32 v3, v31;
	v31 =	vld [tilespmem:s1+$0x16E60]  }
0x279: {  	[tilespmem:$0x1FF20] =	vst v6;
	v3 =	vmul.f32 v59, v6;
	v6 =	vmul.f32 v62, v11;
	v62 =	vld [tilespmem:s1+$0x18E50]  }
0x27a: {  	v25 =	vld [tilespmem:s1+$0x16E70];
	v54 =	vmul.f32 $1.442695020e+00, v57  }
0x27b: {  	v53 =	vadd.f32 v2, v53;
	v58 =	vadd.f32 v6, v5;
	v5 =	vmul.f32 v63, v16;
	v63 =	vld [tilespmem:s1+$0x18E60]  }
0x27c: {  	v2 =	vld [tilespmem:s1+$0x18E80];
	v54 =	vbroadcast v54, $0xF  }
0x27d: {  	v60 =	vmul.f32 v60, v7;
	v24 =	vmul.f32 v24, v12;
	v1 =	vadd.f32 v1, v53;
	v53 =	vld [tilespmem:s1+$0x18E40]  }
0x27e: {  	v50 =	vmul.f32 v50, v10;
	v6 =	vadd.f32 v5, v58;
	v58 =	vld [tilespmem:s1+$0x18E70];
	(erf) = vpow2.f32 v54  }
0x27f: {  	v5 =	vmul.f32 v55, v21;
	v54 =	vld [tilespmem:s1+$0x18E20];
	v1 =	vadd.f32 v3, v1;
	v3 =	vmul.f32 v51, v13;
	v57 =	vpop (erf)  }
0x280: {  	v51 =	vld [tilespmem:s1+$0x18EB0];
	v48 =	vmul.f32 v57, v48;
	v49 =	vmul.f32 v57, v49  }
0x281: {  	[tilespmem:$0x1FF30] =	vst v7;
	v43 =	vmul.f32 v57, v43;
	v59 =	vmul.f32 v57, v38;
	v38 =	vld [tilespmem:s1+$0x16E90];
	v7, _, _ =	vpop (xrf2)  }
0x282: {  	v1 =	vadd.f32 v60, v1;
	[tilespmem:s1+$0x16B90] =	vst v49;
	v49 =	vmul.f32 v57, v35;
	v35 =	vld [tilespmem:s1+$0x16E80];
	v60 =	vmul.f32 $1.442695020e+00, v7  }
0x283: {  	[tilespmem:s1+$0x16B80] =	vst v48;
	v48 =	vadd.f32 v50, v6;
	v50 =	vmul.f32 v57, v39;
	v39 =	vld [tilespmem:s1+$0x16EA0];
	v6 =	vmul.f32 v56, v22  }
0x284: {  	v44 =	vmul.f32 v57, v44;
	[tilespmem:s1+$0x1AB80] =	vst v57;
	(xrf2) =	vadd.scan.msk.f32 $0xffff, v1;
	v57 =	vmul.f32 v57, v40;
	v40 =	vld [tilespmem:s1+$0x16EB0]  }
0x285: {  	[tilespmem:s1+$0x16BA0] =	vst v43;
	v43 =	vld [tilespmem:s1+$0x16EC0];
	v1 =	vbroadcast v60, $0xF;
	v60 =	vadd.f32 v6, v5;
	v5 =	vmul.f32 v54, v28  }
0x286: {  	[tilespmem:s1+$0x16BB0] =	vst v44;
	v56 =	vmul.f32 v8, v9;
	v44 =	vld [tilespmem:s1+$0x16ED0];
	v24 =	vadd.f32 v24, v48;
	v6 =	vmul.f32 v52, v14  }
0x287: {  	v8 =	vld [tilespmem:s1+$0x18E90];
	[tilespmem:s1+$0x16BC0] =	vst v49;
	v49 =	vpop (erf);
	(erf) = vpow2.f32 v1;
	v48 =	vadd.f32 v5, v60;
	v5 =	vmul.f32 v62, v29  }
0x288: {  	[tilespmem:s1+$0x16BD0] =	vst v59;
	v7 =	vadd.f32 v3, v24;
	v24 =	vld [tilespmem:s1+$0x18ED0];
	v59 =	vmul.f32 v49, v47;
	v45 =	vmul.f32 v49, v45  }
0x289: {  	v62 =	vld [tilespmem:s1+$0x18F00];
	v46 =	vmul.f32 v49, v46;
	v55 =	vmul.f32 v49, v41  }
0x28a: {  	v47 =	vld [tilespmem:s1+$0x16EE0];
	v42 =	vmul.f32 v49, v42;
	v36 =	vmul.f32 v49, v36  }
0x28b: {  	v41 =	vld [tilespmem:s1+$0x16EF0];
	v37 =	vmul.f32 v49, v37;
	v2 =	vmul.f32 v2, v35  }
0x28c: {  	v52 =	vmul.f32 v8, v38;
	[tilespmem:s1+$0x1AC00] =	vst v49;
	v49 =	vmul.f32 v49, v33;
	v33 =	vld [tilespmem:s1+$0x16F00]  }
0x28d: {  	[tilespmem:s1+$0x16C00] =	vst v59;
	v59 =	vld [tilespmem:s1+$0x18EA0]  }
0x28e: {  	v1 =	vadd.f32 v56, v7;
	v7 =	vmul.f32 v61, v0;
	v2 =	vadd.f32 v52, v2;
	v52 =	vld [tilespmem:s1+$0x18EF0]  }
0x28f: {  	[tilespmem:s1+$0x16C30] =	vst v55;
	v55 =	vld [tilespmem:s1+$0x18F30]  }
0x290: {  	[tilespmem:s1+$0x16BF0] =	vst v57;
	v57 =	vmul.f32 v53, v30;
	v1 =	vadd.f32 v6, v1;
	v56 =	vadd.f32 v7, v48;
	v6 =	vld [tilespmem:s1+$0x18EC0];
	v60, _, _ =	vpop (xrf2)  }
0x291: {  	[tilespmem:s1+$0x16C50] =	vst v36;
	v36 =	vld [tilespmem:s1+$0x18F60];
	v61 =	vmul.f32 $1.442695020e+00, v60  }
0x292: {  	v8 =	vmul.f32 v63, v31;
	[tilespmem:s1+$0x16C10] =	vst v45;
	v48 =	vld [tilespmem:s1+$0x18F20];
	(xrf2) =	vadd.scan.msk.f32 $0xffff, v1;
	v45 =	vadd.f32 v57, v56  }
0x293: {  	v56 =	vld [tilespmem:s1+$0x18EE0];
	v60 =	vmul.f32 v58, v25;
	v1 =	vbroadcast v61, $0xF  }
0x294: {  	[tilespmem:s1+$0x16BE0] =	vst v50;
	v7 =	vadd.f32 v5, v45;
	v50 =	vmul.f32 v59, v39;
	v58 =	vmul.f32 v52, v41;
	v52 =	vld [tilespmem:s1+$0x18F70]  }
0x295: {  	v61 =	vmul.f32 v51, v40;
	v53 =	vpop (erf);
	v5 =	vmul.f32 v6, v43;
	v6 =	vld [tilespmem:s1+$0x18F10]  }
0x296: {  	[tilespmem:s1+$0x16C20] =	vst v46;
	(erf) = vpow2.f32 v1;
	v57 =	vmul.f32 v53, v34;
	v59 =	vadd.f32 v8, v7;
	v34 =	vld [tilespmem:s1+$0x16F10]  }
0x297: {  	[tilespmem:s1+$0x16C40] =	vst v42;
	v2 =	vadd.f32 v50, v2;
	v7 =	vmul.f32 v53, v26;
	v26 =	vld [tilespmem:s1+$0x16F20];
	v23 =	vmul.f32 v53, v23  }
0x298: {  	[tilespmem:s1+$0x16C70] =	vst v49;
	v49 =	vmul.f32 v53, v19;
	v19 =	vld [tilespmem:s1+$0x16F30];
	v54 =	vmul.f32 v56, v47  }
0x299: {  	[tilespmem:s1+$0x16C60] =	vst v37;
	v56 =	vmul.f32 v62, v33;
	v62 =	vld [tilespmem:$0x1FEE0];
	v63 =	vadd.f32 v60, v59;
	v2 =	vadd.f32 v61, v2  }
0x29a: {  	v42 =	vmul.f32 v24, v44;
	[tilespmem:s1+$0x16CC0] =	vst v23;
	v23 =	vld [tilespmem:s1+$0x16F40]  }
0x29b: {  	v32 =	vmul.f32 v53, v32;
	[tilespmem:s1+$0x16C80] =	vst v57;
	v57 =	vld [tilespmem:s1+$0x18F40];
	(xrf2) =	vadd.scan.msk.f32 $0xffff, v63;
	v8 =	vadd.f32 v5, v2  }
0x29c: {  	v27 =	vmul.f32 v53, v27;
	[tilespmem:s1+$0x1AC80] =	vst v53;
	v59 =	vld [tilespmem:s1+$0x18F50];
	v37 =	vmul.f32 v6, v34;
	v50, _, _ =	vpop (xrf2)  }
0x29d: {  	[tilespmem:s1+$0x16C90] =	vst v32;
	v24 =	vmul.f32 v48, v26;
	v48 =	vld [tilespmem:$0x1FF00];
	v1 =	vadd.f32 v42, v8;
	v51 =	vmul.f32 $1.442695020e+00, v50  }
0x29e: {  	v20 =	vmul.f32 v53, v20;
	v18 =	vmul.f32 v53, v18;
	[tilespmem:s1+$0x16CA0] =	vst v7;
	v42 =	vld [tilespmem:s1+$0x16F50]  }
0x29f: {  	[tilespmem:s1+$0x16CB0] =	vst v27;
	v37 =	vadd.f32 v37, v56;
	v50 =	vld [tilespmem:$0x1FF10];
	v1 =	vadd.f32 v54, v1;
	v27 =	vbroadcast v51, $0xF  }
0x2a0: {  	[tilespmem:s1+$0x16CD0] =	vst v49;
	v61 =	vmul.f32 v55, v19;
	v2 =	vmul.f32 v57, v23;
	v57 =	vld [tilespmem:$0x1FF20]  }
0x2a1: {  	[tilespmem:s1+$0x16CE0] =	vst v20;
	v32 =	vpop (erf);
	v60 =	vadd.f32 v24, v37;
	v24 =	vld [tilespmem:s1+$0x16F60];
	v1 =	vadd.f32 v58, v1;
	(erf) = vpow2.f32 v27  }
0x2a2: {  	[tilespmem:s1+$0x16CF0] =	vst v18;
	v37 =	vld [tilespmem:$0x1FEF0];
	v17 =	vmul.f32 v32, v17;
	v63 =	vmul.f32 v32, v62  }
0x2a3: {  	[tilespmem:s1+$0x1AD00] =	vst v32;
	v18 =	vadd.f32 v61, v60;
	v54 =	vmul.f32 v59, v42;
	v59 =	vld [tilespmem:$0x1FF30];
	(xrf2) =	vadd.scan.msk.f32 $0xffff, v1  }
0x2a4: {  	v49 =	vmul.f32 v32, v48;
	[tilespmem:s1+$0x16D00] =	vst v17;
	v1 =	vld [tilespmem:s1+$0x16F70]  }
0x2a5: {  	v4 =	vmul.f32 v32, v4;
	[tilespmem:s1+$0x16D10] =	vst v63;
	v2 =	vadd.f32 v2, v18;
	v46, _, _ =	vpop (xrf2)  }
0x2a6: {  	v51 =	vmul.f32 v32, v50;
	[tilespmem:s1+$0x16D30] =	vst v49;
	v53 =	vmul.f32 $1.442695020e+00, v46  }
0x2a7: {  	v58 =	vmul.f32 v32, v57;
	[tilespmem:s1+$0x16D50] =	vst v4;
	v56 =	vmul.f32 v36, v24;
	v2 =	vadd.f32 v54, v2  }
0x2a8: {  	v45 =	vmul.f32 v32, v37;
	[tilespmem:s1+$0x16D40] =	vst v51;
	v55 =	vbroadcast v53, $0xF  }
0x2a9: {  	[tilespmem:s1+$0x16D60] =	vst v58;
	v3 =	vmul.f32 v32, v59;
	v2 =	vadd.f32 v56, v2;
	v61 =	vmul.f32 v52, v1  }
0x2aa: {  	[tilespmem:s1+$0x16D20] =	vst v45;
	v60 =	vpop (erf);
	(erf) = vpow2.f32 v55  }
0x2ab: {  	[tilespmem:s1+$0x16D70] =	vst v3;
	v2 =	vadd.f32 v61, v2;
	v62 =	vmul.f32 v60, v15  }
0x2ac: {  	v63 =	vmul.f32 v60, v11;
	[tilespmem:s1+$0x1AD80] =	vst v60  }
0x2ad: {  	v8 =	vmul.f32 v60, v16;
	v11, _, _ =	vpop (xrf2);
	(xrf2) =	vadd.scan.msk.f32 $0xffff, v2;
	[tilespmem:s1+$0x16D80] =	vst v62  }
0x2ae: {  	v15 =	vmul.f32 v60, v10;
	[tilespmem:s1+$0x16D90] =	vst v63  }
0x2af: {  	v16 =	vmul.f32 v60, v12;
	[tilespmem:s1+$0x16DA0] =	vst v8;
	v3 =	vmul.f32 $1.442695020e+00, v11  }
0x2b0: {  	v17 =	vmul.f32 v60, v13;
	[tilespmem:s1+$0x16DB0] =	vst v15  }
0x2b1: {  	v18 =	vmul.f32 v60, v9;
	[tilespmem:s1+$0x16DC0] =	vst v16;
	v3 =	vbroadcast v3, $0xF  }
0x2b2: {  	v4 =	vmul.f32 v60, v14;
	[tilespmem:s1+$0x16DD0] =	vst v17  }
0x2b3: {  	[tilespmem:s1+$0x16DE0] =	vst v18;
	v20 =	vpop (erf);
	(erf) = vpow2.f32 v3  }
0x2b4: {  	[tilespmem:s1+$0x16DF0] =	vst v4;
	v21 =	vmul.f32 v20, v21  }
0x2b5: {  	v22 =	vmul.f32 v20, v22;
	[tilespmem:s1+$0x1AE00] =	vst v20  }
0x2b6: {  	v27 =	vmul.f32 v20, v28;
	[tilespmem:s1+$0x16E00] =	vst v21  }
0x2b7: {  	v0 =	vmul.f32 v20, v0;
	v28 =	vmul.f32 v20, v30;
	[tilespmem:s1+$0x16E10] =	vst v22;
	v30, _, _ =	vpop (xrf2)  }
0x2b8: {  	[tilespmem:s1+$0x16E20] =	vst v27;
	v3 =	vmul.f32 $1.442695020e+00, v30  }
0x2b9: {  	v32 =	vmul.f32 v20, v29;
	[tilespmem:s1+$0x16E30] =	vst v0  }
0x2ba: {  	v36 =	vmul.f32 v20, v31;
	[tilespmem:s1+$0x16E40] =	vst v28;
	v37 =	vbroadcast v3, $0xF  }
0x2bb: {  	v45 =	vmul.f32 v20, v25;
	[tilespmem:s1+$0x16E50] =	vst v32  }
0x2bc: {  	[tilespmem:s1+$0x16E60] =	vst v36;
	v46 =	vpop (erf);
	(erf) = vpow2.f32 v37  }
0x2bd: {  	[tilespmem:s1+$0x16E70] =	vst v45;
	v48 =	vmul.f32 v46, v35  }
0x2be: {  	v49 =	vmul.f32 v46, v38;
	[tilespmem:s1+$0x1AE80] =	vst v46  }
0x2bf: {  	v50 =	vmul.f32 v46, v39;
	[tilespmem:s1+$0x16E80] =	vst v48  }
0x2c0: {  	v51 =	vmul.f32 v46, v40;
	[tilespmem:s1+$0x16E90] =	vst v49  }
0x2c1: {  	v52 =	vmul.f32 v46, v43;
	[tilespmem:s1+$0x16EA0] =	vst v50  }
0x2c2: {  	v53 =	vmul.f32 v46, v44;
	[tilespmem:s1+$0x16EB0] =	vst v51  }
0x2c3: {  	v54 =	vmul.f32 v46, v47;
	[tilespmem:s1+$0x16EC0] =	vst v52  }
0x2c4: {  	v55 =	vmul.f32 v46, v41;
	[tilespmem:s1+$0x16ED0] =	vst v53  }
0x2c5: {  	[tilespmem:s1+$0x16EE0] =	vst v54;
	v56 =	vpop (erf)  }
0x2c6: {  	[tilespmem:s1+$0x16EF0] =	vst v55;
	v57 =	vmul.f32 v56, v33  }
0x2c7: {  	[tilespmem:s1+$0x1AF00] =	vst v56;
	v58 =	vmul.f32 v56, v34  }
0x2c8: {  	v59 =	vmul.f32 v56, v26;
	[tilespmem:s1+$0x16F00] =	vst v57  }
0x2c9: {  	v60 =	vmul.f32 v56, v19;
	[tilespmem:s1+$0x16F10] =	vst v58  }
0x2ca: {  	p1 =	slt.u32 s3, $0x18;
	v61 =	vmul.f32 v56, v23;
	[tilespmem:s1+$0x16F20] =	vst v59  }
.Ltmp6:
0x2cb: {  	v62 =	vmul.f32 v56, v42;
	[tilespmem:s1+$0x16F30] =	vst v60;
	(pc) =	sbr.rel @p1 .LBB2_12-.Ltmp6, $4  }
0x2cc: {  	v63 =	vmul.f32 v56, v24;
	[tilespmem:s1+$0x16F40] =	vst v61  }
0x2cd: {  	v1 =	vmul.f32 v56, v1;
	[tilespmem:s1+$0x16F50] =	vst v62  }
0x2ce: {  	[tilespmem:s1+$0x16F60] =	vst v63  }
0x2cf: {  	s3 =	sadd.s32 $0x8, s3;
	[tilespmem:s1+$0x16F70] =	vst v1  }
0x2d0: {  	v0 =	vld [tilespmem:$0x16880]  }
0x2d1: {  	v1 =	vld [tilespmem:$0x16890];
	_ =	sdelay $0x3  }
0x2d2: {  	[tilespmem:$0x16A00] =	vst v0  }
0x2d3: {  	[tilespmem:$0x16A10] =	vst v1  }
0x2d4: {  	[spmem:s4] =	stream.indirect.scatter.add.f32 [tilespmem:s22], [sflag:$0x5], $0x80, s10, s20, $0xb8;
	[tilespmem:$0x1CB80] =	vst v63  }
0x2d5: {  	_ = 	snop  }
0x2d6: {  	[spmem:s5] =	stream.indirect.scatter.add.f32 [tilespmem:s24], [sflag:$0x5], $0x10, s10, s20, $0xb8;
	[tilespmem:$0x1CB80] =	vst v63  }
0x2d7: {  	_ =	swait.ge [sflag:s11], $0x1000  }
0x2d8: {  	[sflag:s11] =	ssyncset.done $0x0  }
0x2d9: {  	[sflag:s11] =	ssyncadd.s32 $0xFFFFF000  }
0x2da: {  	_ =	swait.ge [sflag:s11], $0x200  }
0x2db: {  	[sflag:s11] =	ssyncset.done $0x0  }
0x2dc: {  	[sflag:s11] =	ssyncadd.s32 $0xFFFFFE00  }
.LBB2_14:
0x2dd: {  	[bflag:$0x0] =	sbarrier.arrive $0xFFFF  }
0x2de: {  	v4 =	vlaneseq.u32;
	s2 =	rddreg [dreg:$0xc]  }
0x2df: {  	v0 =	vor.u32 s2, v4;
	s1 =	sadd.s32 $0xFFFFFFF0, s2  }
0x2e0: {  	v1 =	vor.u32 s1, v4;
	[tilespmem:$0x16B10] =	vst v0  }
0x2e1: {  	[tilespmem:$0x16B00] =	vst v1  }
0x2e2: {  	[tilespmem:s22], [sflag:$0x7] =	stream.indirect.gather [spmem:s4], $0x80, s21, s20, $0xb8;
	[tilespmem:$0x1CB80] =	vst v63  }
0x2e3: {  	_ =	swait.ge [sflag:s23], $0x1000  }
0x2e4: {  	[sflag:s23] =	ssyncset.done $0x0  }
0x2e5: {  	[sflag:s23] =	ssyncadd.s32 $0xFFFFF000  }
0x2e6: {  	[tilespmem:s24], [sflag:$0x7] =	stream.indirect.gather [spmem:s5], $0x10, s21, s20, $0xb8;
	[tilespmem:$0x1CB80] =	vst v63  }
0x2e7: {  	_ =	swait.ge [sflag:s23], $0x200  }
0x2e8: {  	[sflag:s23] =	ssyncset.done $0x0  }
0x2e9: {  	s14 =	sadd.s32 $0x0, s18;
	[sflag:s23] =	ssyncadd.s32 $0xFFFFFE00  }
0x2ea: {  	[hbm4b:s14+s6] =	stream.linear.scatter [tilespmem:s22], [sflag:$0x7], $0x1000, $0x38;
	[tilespmem:$0x1CB80] =	vst v63  }
0x2eb: {  	_ =	swait.ge [sflag:s23], $0x1000  }
0x2ec: {  	[sflag:s23] =	ssyncset.done $0x0  }
0x2ed: {  	s19 =	sadd.s32 $0x0, s17;
	[sflag:s23] =	ssyncadd.s32 $0xFFFFF000  }
0x2ee: {  	[hbm4b:s19+s6] =	stream.linear.scatter [tilespmem:s24], [sflag:$0x7], $0x1000, $0x38;
	[tilespmem:$0x1CB80] =	vst v63  }
0x2ef: {  	s3 =	simm.s32 $0x400;
	s30 =	sadd.s32 $0x20, s2;
	_ =	swait.ge [sflag:s23], $0x1000  }
0x2f0: {  	s1 =	simm.s32 $0x200;
	v2 =	vor.u32 s30, v4;
	s19 =	sadd.s32 $0x20, s30;
	[sflag:s23] =	ssyncset.done $0x0  }
.LBB2_15:
0x2f1: {  	v0 =	vor.u32 s19, v4;
	p1 =	sne.s32 s3, $0x2600;
	s2 =	sadd.s32 $0xFFFFFFF0, s30;
	[sflag:s23] =	ssyncadd.s32 $0xFFFFF000  }
0x2f2: {  	s30 =	smov.u32 s19;
	v1 =	vor.u32 s2, v4;
	[tilespmem:$0x16B10] =	vst v2;
	v2 =	vmov v0;
	s2 =	smov.u32 s3;
	s3 =	sadd.s32 $0x200, s3  }
0x2f3: {  	[tilespmem:$0x16B00] =	vst v1  }
0x2f4: {  	[tilespmem:s22], [sflag:$0x7] =	stream.indirect.gather [spmem:s4], $0x80, s21, s20, $0xb8;
	[tilespmem:$0x1CB80] =	vst v63  }
0x2f5: {  	_ =	swait.ge [sflag:s23], $0x1000  }
0x2f6: {  	[sflag:s23] =	ssyncset.done $0x0  }
0x2f7: {  	[sflag:s23] =	ssyncadd.s32 $0xFFFFF000  }
0x2f8: {  	[tilespmem:s24], [sflag:$0x7] =	stream.indirect.gather [spmem:s5], $0x10, s21, s20, $0xb8;
	[tilespmem:$0x1CB80] =	vst v63  }
0x2f9: {  	_ =	swait.ge [sflag:s23], $0x200  }
0x2fa: {  	[sflag:s23] =	ssyncset.done $0x0  }
0x2fb: {  	s14 =	sadd.s32 s1, s18;
	[sflag:s23] =	ssyncadd.s32 $0xFFFFFE00  }
0x2fc: {  	[hbm4b:s14+s6] =	stream.linear.scatter [tilespmem:s22], [sflag:$0x7], $0x1000, $0x38;
	[tilespmem:$0x1CB80] =	vst v63  }
0x2fd: {  	_ =	swait.ge [sflag:s23], $0x1000  }
.Ltmp7:
0x2fe: {  	[sflag:s23] =	ssyncset.done $0x0;
	(pc) =	sbr.rel @p1 .LBB2_15-.Ltmp7, $4  }
0x2ff: {  	s14 =	sadd.s32 s1, s17;
	s1 =	smov.u32 s2;
	[sflag:s23] =	ssyncadd.s32 $0xFFFFF000  }
0x300: {  	[hbm4b:s14+s6] =	stream.linear.scatter [tilespmem:s24], [sflag:$0x7], $0x1000, $0x38;
	[tilespmem:$0x1CB80] =	vst v63  }
0x301: {  	_ =	swait.ge [sflag:s23], $0x1000  }
0x302: {  	s19 =	sadd.s32 $0x20, s19;
	[sflag:s23] =	ssyncset.done $0x0  }
0x303: {  	s2 =	sadd.s32 $0xFFFFFFF0, s30;
	[sflag:s23] =	ssyncadd.s32 $0xFFFFF000  }
0x304: {  	v0 =	vor.u32 s2, v4;
	[tilespmem:$0x16B10] =	vst v2  }
0x305: {  	[tilespmem:$0x16B00] =	vst v0  }
0x306: {  	[tilespmem:s22], [sflag:$0x7] =	stream.indirect.gather [spmem:s4], $0x80, s21, s20, $0xb8;
	[tilespmem:$0x1CB80] =	vst v63  }
0x307: {  	_ =	swait.ge [sflag:s23], $0x1000  }
0x308: {  	[sflag:s23] =	ssyncset.done $0x0  }
0x309: {  	[sflag:s23] =	ssyncadd.s32 $0xFFFFF000  }
0x30a: {  	[tilespmem:s24], [sflag:$0x7] =	stream.indirect.gather [spmem:s5], $0x10, s21, s20, $0xb8;
	[tilespmem:$0x1CB80] =	vst v63  }
0x30b: {  	_ =	swait.ge [sflag:s23], $0x200  }
0x30c: {  	[sflag:s23] =	ssyncset.done $0x0  }
0x30d: {  	s3 =	sadd.s32 s1, s18;
	[sflag:s23] =	ssyncadd.s32 $0xFFFFFE00  }
0x30e: {  	[hbm4b:s3+s6] =	stream.linear.scatter [tilespmem:s22], [sflag:$0x7], $0x1000, $0x38;
	[tilespmem:$0x1CB80] =	vst v63  }
0x30f: {  	_ =	swait.ge [sflag:s23], $0x1000  }
0x310: {  	[sflag:s23] =	ssyncset.done $0x0  }
0x311: {  	s14 =	sadd.s32 s1, s17;
	[sflag:s23] =	ssyncadd.s32 $0xFFFFF000  }
0x312: {  	[hbm4b:s14+s6] =	stream.linear.scatter [tilespmem:s24], [sflag:$0x7], $0x1000, $0x38;
	[tilespmem:$0x1CB80] =	vst v63  }
0x313: {  	_ =	swait.ge [sflag:s23], $0x1000  }
0x314: {  	s19 =	rddreg [dreg:$0xd]  }
0x315: {  	s30 =	rddreg [dreg:$0xb];
	s2 =	sadd.s32 $0x1, s19  }
0x316: {  	p1 =	sne.s32 s2, s30  }
.Ltmp8:
0x317: {  	_ = 	snop;
	(pc) =	sbr.rel @p1 .LBB2_1-.Ltmp8, $4  }
0x318: {  	_ = 	snop  }
0x319: {  	[sflag:s23] =	ssyncset.done $0x0  }
0x31a: {  	[sflag:s23] =	ssyncadd.s32 $0xFFFFF000  }
0x31b: {  	v0 =	vimm.f32 $0.0e+00;
	s14 =	rddreg [dreg:$0x0]  }
0x31c: {  	_ =	sfence.sel $0x180000  }
0x31d: {  	[bflag:$0x0] =	sbarrier.arrive $0xFFFF  }
0x31e: {  	_ =	strace $0x90000047  }
0x31f: {  	s0 =	stileid.u32;
	[bflag:$0x2] =	sbarrier.arrive $0xFFFF  }
0x320: {  	p0 =	sne.s32 s0, $0x0;
	s0 =	rddreg [dreg:$0x5]  }
0x321: {  	s0 =	sadd.s32 @!p0 $0x100000, s0  }
0x322: {  	[sflag:s0] =	ssyncadd.tile.s32 @!p0 $0x1;
	_ =	shalt  }
.Lfunc_end2:
_tile_overlayer_lowered:
.L_overlay_start_2:
0x323: {  	(tag) =	ssettag $0x2  }
0x324: {  	s0 =	rddreg [dreg:$0x0];
	s2 =	stileid.u32  }
0x325: {  	s1 =	rddreg [dreg:$0x1];
	p0 =	sne.s32 s2, $0x0  }
0x326: {  	s3 =	rddreg [dreg:$0x2];
	[bflag:$0x3] =	sbarrier.arrive $0xFFFF;
	s2 =	simm.s32 @!p0 $0x1C07  }
0x327: {  	[timem:s3], [sflag:s2] =	dma.local @!p0 [hbm:s0], s1  }
0x328: {  	s0 =	simm.s32 @!p0 $0x7  }
0x329: {  	_ =	swait.ge @!p0 [sflag:s0], s1  }
0x32a: {  	s1 =	ssub.s32 @!p0 $0x0, s1;
	[sflag:s0] =	ssyncset.done @!p0 $0x0  }
0x32b: {  	[sflag:s0] =	ssyncadd.s32 @!p0 s1  }
0x32c: {  	[bflag:$0x3] =	sbarrier.arrive $0xFFFF  }
0x32d: {  	_ =	shalt  }

</sc_bundles>
